<compile_context>
chip_gen: v7x
topology: tpu7x:2x2x1
jax: 0.10.2.dev20260603
libtpu: 0.0.44.dev20260713+nightly
codegen_flags: <defaults>
</compile_context>

<pallas_src>
import functools

import jax
import jax.numpy as jnp
from jax import lax
from jax.experimental import pallas as pl
from jax.experimental.pallas import tpu as pltpu
from jax.experimental.pallas import tpu_sc as plsc

NN = 10000
NP = 10240
NE = 160000
EP = 163840
EB = 2048
NEB = EP // EB
NG = 100
BN_EPS = 1e-5

K = 128
NC, NS = 2, 16
NW = NC * NS
EPW = EP // NW
GCH = EPW // K
EPS_SC = EP // NS
SCH = EPS_SC // K
HALF = NP // 2
SROWS = HALF + 128
GARB = HALF
PADIDX = NN + 8

NTB = 10
NB = NP // NTB
CW = 128

@functools.lru_cache(maxsize=None)
def _get_mesh():
    return plsc.VectorSubcoreMesh(
        core_axis_name="c", subcore_axis_name="s",
        num_cores=NC, num_subcores=NS)


@functools.lru_cache(maxsize=None)
def _make_gather(F):
    @functools.partial(
        pl.kernel,
        out_type=[jax.ShapeDtypeStruct((EP, F), jnp.float32),
                  jax.ShapeDtypeStruct((EP, F), jnp.float32)],
        mesh=_get_mesh(),
        scratch_types=[pltpu.VMEM((K,), jnp.int32),
                       pltpu.VMEM((K, F), jnp.float32),
                       pltpu.VMEM((K,), jnp.int32),
                       pltpu.VMEM((K, F), jnp.float32),
                       pltpu.SemaphoreType.DMA,
                       pltpu.SemaphoreType.DMA],
    )
    def gather(p_hbm, q_hbm, dst_hbm, src_hbm, tp_hbm, tq_hbm,
               idx_d, rows_d, idx_s, rows_s, sem_d, sem_s):
        wid = lax.axis_index("s") * NC + lax.axis_index("c")
        base = wid * EPW

        def body(j, carry):
            off = base + j * K
            pltpu.sync_copy(dst_hbm.at[pl.ds(off, K)], idx_d)
            pltpu.async_copy(p_hbm.at[idx_d], rows_d, sem_d).wait()
            pltpu.sync_copy(rows_d, tp_hbm.at[pl.ds(off, K)])
            pltpu.sync_copy(src_hbm.at[pl.ds(off, K)], idx_s)
            pltpu.async_copy(q_hbm.at[idx_s], rows_s, sem_s).wait()
            pltpu.sync_copy(rows_s, tq_hbm.at[pl.ds(off, K)])
            return carry

        lax.fori_loop(0, GCH, body, 0)

    return gather


def _segsum(z, dstp, with_counts):
    s = jax.ops.segment_sum(z, dstp, num_segments=NP)
    c = None
    if with_counts:
        c = jax.ops.segment_sum(jnp.ones((EP,), jnp.float32), dstp,
                                num_segments=NP)
    return s, c


def _node_proj_first_body(x_ref, wp_ref, wq_ref, p_ref, q_ref):
    xn = x_ref[...]
    p_ref[...] = jnp.dot(xn, wp_ref[...], preferred_element_type=jnp.float32)
    q_ref[...] = jnp.dot(xn, wq_ref[...], preferred_element_type=jnp.float32)


def _node_proj_body(s_ref, cnt_ref, wp_ref, wq_ref, p_ref, q_ref):
    xn = jnp.maximum(s_ref[...] / jnp.maximum(cnt_ref[...], 1.0), 0.0)
    p_ref[...] = jnp.dot(xn, wp_ref[...], preferred_element_type=jnp.float32)
    q_ref[...] = jnp.dot(xn, wq_ref[...], preferred_element_type=jnp.float32)


def _node_proj_first(xp, wp, wq):
    F = wp.shape[1]
    return pl.pallas_call(
        _node_proj_first_body,
        out_shape=[jax.ShapeDtypeStruct((NP, F), jnp.float32),
                   jax.ShapeDtypeStruct((NP, F), jnp.float32)],
    )(xp, wp, wq)


def _node_proj(s, cnt, wp, wq):
    F = wp.shape[1]
    return pl.pallas_call(
        _node_proj_body,
        out_shape=[jax.ShapeDtypeStruct((NP, F), jnp.float32),
                   jax.ShapeDtypeStruct((NP, F), jnp.float32)],
    )(s, cnt, wp, wq)


def _pass0_body(tp_ref, tq_ref, acc_ref):
    i = pl.program_id(0)
    t = tp_ref[...] + tq_ref[...]

    @pl.when(i == 0)
    def _():
        acc_ref[...] = jnp.zeros_like(acc_ref)

    acc_ref[0:1, :] += jnp.sum(t, axis=0, keepdims=True)
    acc_ref[1:2, :] += jnp.sum(t * t, axis=0, keepdims=True)


def _pass0(tp, tq):
    F = tp.shape[1]
    return pl.pallas_call(
        _pass0_body,
        grid=(NEB,),
        in_specs=[pl.BlockSpec((EB, F), lambda i: (i, 0)),
                  pl.BlockSpec((EB, F), lambda i: (i, 0))],
        out_specs=pl.BlockSpec((8, F), lambda i: (0, 0)),
        out_shape=jax.ShapeDtypeStruct((8, F), jnp.float32),
    )(tp, tq)


def _mask_rows(z, i):
    rowid = lax.broadcasted_iota(jnp.int32, z.shape, 0) + i * EB
    return jnp.where(rowid < NE, z, 0.0)


def _passmm_two_body(tp_ref, tq_ref, ac_ref, w_ref, u_ref, acc_ref):
    i = pl.program_id(0)
    t = tp_ref[...] + tq_ref[...]
    z = jnp.maximum(t * ac_ref[0:1, :] + ac_ref[1:2, :], 0.0)
    z = _mask_rows(z, i)
    u = jnp.dot(z, w_ref[...], preferred_element_type=jnp.float32)
    u_ref[...] = u

    @pl.when(i == 0)
    def _():
        acc_ref[...] = jnp.zeros_like(acc_ref)

    acc_ref[0:1, :] += jnp.sum(u, axis=0, keepdims=True)
    acc_ref[1:2, :] += jnp.sum(u * u, axis=0, keepdims=True)


def _passmm_one_body(t_ref, ac_ref, w_ref, u_ref, acc_ref):
    i = pl.program_id(0)
    z = jnp.maximum(t_ref[...] * ac_ref[0:1, :] + ac_ref[1:2, :], 0.0)
    z = _mask_rows(z, i)
    u = jnp.dot(z, w_ref[...], preferred_element_type=jnp.float32)
    u_ref[...] = u

    @pl.when(i == 0)
    def _():
        acc_ref[...] = jnp.zeros_like(acc_ref)

    acc_ref[0:1, :] += jnp.sum(u, axis=0, keepdims=True)
    acc_ref[1:2, :] += jnp.sum(u * u, axis=0, keepdims=True)


def _pass_two(tp, tq, ac, w):
    F = tp.shape[1]
    Fo = w.shape[1]
    return pl.pallas_call(
        _passmm_two_body,
        grid=(NEB,),
        in_specs=[pl.BlockSpec((EB, F), lambda i: (i, 0)),
                  pl.BlockSpec((EB, F), lambda i: (i, 0)),
                  pl.BlockSpec((8, F), lambda i: (0, 0)),
                  pl.BlockSpec((F, Fo), lambda i: (0, 0))],
        out_specs=[pl.BlockSpec((EB, Fo), lambda i: (i, 0)),
                   pl.BlockSpec((8, Fo), lambda i: (0, 0))],
        out_shape=[jax.ShapeDtypeStruct((EP, Fo), jnp.float32),
                   jax.ShapeDtypeStruct((8, Fo), jnp.float32)],
    )(tp, tq, ac, w)


def _pass_one(t, ac, w):
    F = t.shape[1]
    Fo = w.shape[1]
    return pl.pallas_call(
        _passmm_one_body,
        grid=(NEB,),
        in_specs=[pl.BlockSpec((EB, F), lambda i: (i, 0)),
                  pl.BlockSpec((8, F), lambda i: (0, 0)),
                  pl.BlockSpec((F, Fo), lambda i: (0, 0))],
        out_specs=[pl.BlockSpec((EB, Fo), lambda i: (i, 0)),
                   pl.BlockSpec((8, Fo), lambda i: (0, 0))],
        out_shape=[jax.ShapeDtypeStruct((EP, Fo), jnp.float32),
                   jax.ShapeDtypeStruct((8, Fo), jnp.float32)],
    )(t, ac, w)


def _pass3_body(t_ref, ac_ref, z_ref):
    i = pl.program_id(0)
    z = jnp.maximum(t_ref[...] * ac_ref[0:1, :] + ac_ref[1:2, :], 0.0)
    z_ref[...] = _mask_rows(z, i)


def _pass3(t, ac):
    F = t.shape[1]
    return pl.pallas_call(
        _pass3_body,
        grid=(NEB,),
        in_specs=[pl.BlockSpec((EB, F), lambda i: (i, 0)),
                  pl.BlockSpec((8, F), lambda i: (0, 0))],
        out_specs=pl.BlockSpec((EB, F), lambda i: (i, 0)),
        out_shape=jax.ShapeDtypeStruct((EP, F), jnp.float32),
    )(t, ac)


def _tail_body(s_ref, cnt_ref, b_ref, w1_ref, b1_ref, w2_ref, b2_ref,
               o_ref, pool_ref):
    i = pl.program_id(0)

    @pl.when(i == 0)
    def _():
        pool_ref[...] = jnp.full_like(pool_ref, -1.0)
        o_ref[...] = jnp.zeros_like(o_ref)

    h = jnp.maximum(s_ref[...] / jnp.maximum(cnt_ref[...], 1.0), 0.0)
    bt = b_ref[0, 0, :]
    lo = b_ref[0, 0, 0]
    hi = b_ref[0, 0, NB - 1]

    def gbody(g, carry):
        m = jnp.max(jnp.where(bt[:, None] == g, h, -1.0), axis=0)
        cur = pool_ref[pl.ds(g, 1), :]
        pool_ref[pl.ds(g, 1), :] = jnp.maximum(cur, m[None, :])
        return carry

    lax.fori_loop(lo, hi + 1, gbody, 0)

    @pl.when(i == NTB - 1)
    def _():
        pooled = jnp.maximum(pool_ref[...], 0.0)
        h1 = jnp.maximum(
            jnp.dot(pooled, w1_ref[...], preferred_element_type=jnp.float32)
            + b1_ref[...], 0.0)
        o_ref[...] = (jnp.dot(h1, w2_ref[...],
                              preferred_element_type=jnp.float32)
                      + b2_ref[...])


def _tail(s3, cnt, batch3, w1, b1, w2, b2):
    return pl.pallas_call(
        _tail_body,
        grid=(NTB,),
        in_specs=[pl.BlockSpec((NB, 256), lambda i: (i, 0)),
                  pl.BlockSpec((NB, 1), lambda i: (i, 0)),
                  pl.BlockSpec((1, 1, NB), lambda i: (i, 0, 0)),
                  pl.BlockSpec((256, 256), lambda i: (0, 0)),
                  pl.BlockSpec((1, 256), lambda i: (0, 0)),
                  pl.BlockSpec((256, 2), lambda i: (0, 0)),
                  pl.BlockSpec((1, 2), lambda i: (0, 0))],
        out_specs=pl.BlockSpec((128, 2), lambda i: (0, 0)),
        out_shape=jax.ShapeDtypeStruct((128, 2), jnp.float32),
        scratch_shapes=[pltpu.VMEM((128, 256), jnp.float32)],
    )(s3, cnt, batch3, w1, b1, w2, b2)


def _affine(sums, gamma, beta):
    mu = sums[0] / NE
    var = sums[1] / NE - mu * mu
    a = gamma / jnp.sqrt(var + BN_EPS)
    c = beta - mu * a
    pad = jnp.zeros((6, a.shape[0]), jnp.float32)
    return jnp.concatenate([a[None, :], c[None, :], pad], axis=0)


def _gather_call(F, pn, qn, dstp, srcp):
    return _make_gather(F)(pn, qn, dstp, srcp)


def _conv(pn, qn, dstp, srcp, layers, with_counts):
    F0 = pn.shape[1]
    tp, tq = _gather_call(F0, pn, qn, dstp, srcp)
    s0 = _pass0(tp, tq)
    ac1 = _affine(s0, layers[0]["gamma"], layers[0]["beta"])
    u2, s1 = _pass_two(tp, tq, ac1, layers[1]["W"])
    ac2 = _affine(s1, layers[1]["gamma"], layers[1]["beta"])
    u3, s2 = _pass_one(u2, ac2, layers[2]["W"])
    ac3 = _affine(s2, layers[2]["gamma"], layers[2]["beta"])
    z = _pass3(u3, ac3)
    s_out, c_out = _segsum(z, dstp, with_counts)
    if with_counts:
        return s_out, c_out[:, None]
    return s_out, None


def _split_w(w):
    F = w.shape[0] // 2
    return w[:F] - w[F:], w[F:]


def kernel(x, edge_index, batch, params):
    dst = edge_index[1]
    src = edge_index[0]
    pad_i = jnp.full((EP - NE,), PADIDX, jnp.int32)
    dstp = jnp.concatenate([dst, pad_i])
    srcp = jnp.concatenate([src, pad_i])
    xp = jnp.pad(x, ((0, NP - NN), (0, 0)))
    batchp = jnp.concatenate([batch, jnp.full((NP - NN,), 127, jnp.int32)])
    batch3 = batchp.reshape(NTB, 1, NB)

    w1 = params["conv1"][0]["W"]
    wp1 = jnp.pad(w1[:4] - w1[4:], ((0, 0), (0, 64)))
    wq1 = jnp.pad(w1[4:], ((0, 0), (0, 64)))
    lay1 = [{"W": None,
             "gamma": jnp.pad(params["conv1"][0]["gamma"], (0, 64)),
             "beta": jnp.pad(params["conv1"][0]["beta"], (0, 64))}]
    for p in params["conv1"][1:]:
        lay1.append({"W": jnp.pad(p["W"], ((0, 64), (0, 64))),
                     "gamma": jnp.pad(p["gamma"], (0, 64)),
                     "beta": jnp.pad(p["beta"], (0, 64))})
    p1, q1 = _node_proj_first(xp, wp1, wq1)
    s1, cnt = _conv(p1, q1, dstp, srcp, lay1, True)

    w2 = params["conv2"][0]["W"]
    wp2 = jnp.pad(w2[:64] - w2[64:], ((0, 64), (0, 0)))
    wq2 = jnp.pad(w2[64:], ((0, 64), (0, 0)))
    p2, q2 = _node_proj(s1, cnt, wp2, wq2)
    s2, _ = _conv(p2, q2, dstp, srcp, params["conv2"], False)

    wp3, wq3 = _split_w(params["conv3"][0]["W"])
    p3, q3 = _node_proj(s2, cnt, wp3, wq3)
    s3, _ = _conv(p3, q3, dstp, srcp, params["conv3"], False)

    out = _tail(s3, cnt, batch3,
                params["fc1_W"], params["fc1_b"][None, :],
                params["out_W"], params["out_b"][None, :])
    return out[:NG]

# --- scband reference (transcript-rebuilt; emitter-appended) ---
"""Pipeline reference for scband-teacher-gnn-13237089206559 (READ-ONLY COPY).

The authoritative reference and input builder live on the scoring server;
editing this copy changes nothing except your own understanding.
"""

import jax, jax.numpy as jnp
import numpy as np

N_NODES = 10000
N_EDGES = 160000
N_GRAPHS = 100
EPS = 1e-5

def _make_mlp(key, sizes):
    params = []
    for i, (fi, fo) in enumerate(sizes):
        k1, _ = jax.random.split(jax.random.fold_in(key, i))
        W = jax.random.normal(k1, (fi, fo), dtype=jnp.float32) * (1.0 / np.sqrt(fi))
        b = jnp.zeros((fo,), dtype=jnp.float32)
        g = jnp.ones((fo,), dtype=jnp.float32)
        be = jnp.zeros((fo,), dtype=jnp.float32)
        params.append({"W": W, "b": b, "gamma": g, "beta": be})
    return params

def _mlp_apply(h, layers):
    for p in layers:
        h = h @ p["W"] + p["b"]
        mu = jnp.mean(h, axis=0)
        var = jnp.var(h, axis=0)
        h = p["gamma"] * (h - mu) / jnp.sqrt(var + EPS) + p["beta"]
        h = jax.nn.relu(h)
    return h

def _edge_conv(x, edge_index, layers):
    src = edge_index[0]
    dst = edge_index[1]
    xi = x[dst]
    xj = x[src]
    h = jnp.concatenate([xi, xj - xi], axis=1)
    h = _mlp_apply(h, layers)
    s = jax.ops.segment_sum(h, dst, num_segments=N_NODES)
    cnt = jax.ops.segment_sum(jnp.ones((dst.shape[0],), jnp.float32), dst, num_segments=N_NODES)
    return s / jnp.clip(cnt, 1.0)[:, None]

def _forward(x, edge_index, batch, params):
    h = jax.nn.relu(_edge_conv(x, edge_index, params["conv1"]))
    h = jax.nn.relu(_edge_conv(h, edge_index, params["conv2"]))
    h = jax.nn.relu(_edge_conv(h, edge_index, params["conv3"]))
    pooled = jax.ops.segment_max(h, batch, num_segments=N_GRAPHS)
    pooled = jnp.where(jnp.isfinite(pooled), pooled, 0.0)
    h = jax.nn.relu(pooled @ params["fc1_W"] + params["fc1_b"])
    # dropout is identity in eval/reference mode
    return h @ params["out_W"] + params["out_b"]

def setup_inputs(seed: int = 0):
    key = jax.random.key(seed)
    kx, ke, kb, kp = jax.random.split(key, 4)
    x = jax.random.normal(kx, (N_NODES, 4), dtype=jnp.float32)
    edge_index = jax.random.randint(ke, (2, N_EDGES), 0, N_NODES, dtype=jnp.int32)
    batch = jnp.sort(jax.random.randint(kb, (N_NODES,), 0, N_GRAPHS, dtype=jnp.int32))
    params = {
        "conv1": _make_mlp(jax.random.fold_in(kp, 1), [(8, 64), (64, 64), (64, 64)]),
        "conv2": _make_mlp(jax.random.fold_in(kp, 2), [(128, 128), (128, 128), (128, 128)]),
        "conv3": _make_mlp(jax.random.fold_in(kp, 3), [(256, 256), (256, 256), (256, 256)]),
    }
    kf = jax.random.fold_in(kp, 4)
    k1, k2 = jax.random.split(kf)
    params["fc1_W"] = jax.random.normal(k1, (256, 256), dtype=jnp.float32) / 16.0
    params["fc1_b"] = jnp.zeros((256,), dtype=jnp.float32)
    params["out_W"] = jax.random.normal(k2, (256, 2), dtype=jnp.float32) / 16.0
    params["out_b"] = jnp.zeros((2,), dtype=jnp.float32)
    return {"x": x, "edge_index": edge_index, "batch": batch, "params": params}

def reference(x, edge_index, batch, params):
    return _forward(x, edge_index, batch, params)

if __name__ == "__main__":
    import jax
    _d = setup_inputs()
    print(jax.jit(kernel)(*tuple(_d.values())))

</pallas_src>

<mosaic_0001>
#map = affine_map<(d0, d1) -> (0, 0)>
#map1 = affine_map<(d0, d1) -> (0)>
module attributes {stable_mosaic.version = 14 : i64} {
  func.func @gather(%arg0: i32, %arg1: i32, %arg2: memref<10240x128xf32, #tpu.memory_space<hbm>>, %arg3: memref<10240x128xf32, #tpu.memory_space<hbm>>, %arg4: memref<163840xi32, #tpu.memory_space<hbm>>, %arg5: memref<163840xi32, #tpu.memory_space<hbm>>, %arg6: memref<163840x128xf32, #tpu.memory_space<hbm>>, %arg7: memref<163840x128xf32, #tpu.memory_space<hbm>>, %arg8: memref<128xi32, #tpu.memory_space<vmem>>, %arg9: memref<128x128xf32, #tpu.memory_space<vmem>>, %arg10: memref<128xi32, #tpu.memory_space<vmem>>, %arg11: memref<128x128xf32, #tpu.memory_space<vmem>>, %arg12: memref<!tpu.dma_semaphore, #tpu.memory_space<semaphore_mem>>, %arg13: memref<!tpu.dma_semaphore, #tpu.memory_space<semaphore_mem>>) attributes {dimension_semantics = [#tpu.dimension_semantics<core_parallel>, #tpu.dimension_semantics<subcore_parallel>], iteration_bounds = array<i64: 2, 16>, scalar_prefetch = 0 : i64, scratch_operands = 6 : i64, tpu.core_type = #tpu.core_type<sc_vector_subcore>, window_params = [{transform_indices = #map}, {transform_indices = #map}, {transform_indices = #map1}, {transform_indices = #map1}, {transform_indices = #map}, {transform_indices = #map}]} {
    %mul3A = arith.constant 2 : i32
    %mul3A_0 = arith.muli %arg1, %mul3A : i32
    %add3A = arith.addi %mul3A_0, %arg0 : i32
    %mul3A_1 = arith.constant 5120 : i32
    %mul3A_2 = arith.muli %add3A, %mul3A_1 : i32
    %scan3A = arith.constant 0 : i32
    %scan3A_3 = arith.constant 0 : i32
    %scan3A_4 = arith.constant 40 : i32
    %scan3A_5 = arith.addi %scan3A_3, %scan3A_4 : i32
    %scan3A_6 = arith.constant 1 : i32
    scf.for %scan3A_8 = %scan3A_3 to %scan3A_5 step %scan3A_6  : i32 {
      %mul3A_9 = arith.constant 128 : i32
      %mul3A_10 = arith.muli %scan3A_8, %mul3A_9 : i32
      %add3A_11 = arith.addi %mul3A_2, %mul3A_10 : i32
      "tpu.region"() ({
        %run_scoped3A = tpu.sem_alloc : memref<!tpu.dma_semaphore, #tpu.memory_space<semaphore_mem>>
        %dma_start3A_22 = tpu.memref_slice %arg4[%add3A_11] : memref<163840xi32, #tpu.memory_space<hbm>> -> memref<128xi32, #tpu.memory_space<hbm>>
        %dma_start3A_23 = tpu.memref_slice %arg4[%add3A_11] : memref<163840xi32, #tpu.memory_space<hbm>> -> memref<128xi32, #tpu.memory_space<hbm>>
        tpu.enqueue_dma source(%dma_start3A_23 : memref<128xi32, #tpu.memory_space<hbm>>) target(%arg8 : memref<128xi32, #tpu.memory_space<vmem>>) target_semaphore(%run_scoped3A : memref<!tpu.dma_semaphore, #tpu.memory_space<semaphore_mem>>)
        %dma_wait3A_24 = tpu.memref_slice %arg4[%add3A_11] : memref<163840xi32, #tpu.memory_space<hbm>> -> memref<128xi32, #tpu.memory_space<hbm>>
        %dma_wait3A_25 = tpu.memref_slice %arg4[%add3A_11] : memref<163840xi32, #tpu.memory_space<hbm>> -> memref<128xi32, #tpu.memory_space<hbm>>
        tpu.wait_dma2 semaphore(%run_scoped3A : memref<!tpu.dma_semaphore, #tpu.memory_space<semaphore_mem>>) src(%dma_wait3A_25 : memref<128xi32, #tpu.memory_space<hbm>>) dst(%arg8 : memref<128xi32, #tpu.memory_space<vmem>>)
        tpu.yield
      }) : () -> ()
      %dma_start3A = arith.constant 0 : i32
      %dma_start3A_12 = arith.constant 0 : i32
      %dma_start3A_13 = tpu.memref_slice %arg2[%dma_start3A, %dma_start3A_12] : memref<10240x128xf32, #tpu.memory_space<hbm>> -> memref<10240x128xf32, #tpu.memory_space<hbm>>
      tpu.enqueue_indirect_dma source(%dma_start3A_13 : memref<10240x128xf32, #tpu.memory_space<hbm>>) target(%arg9 : memref<128x128xf32, #tpu.memory_space<vmem>>) offsets(%arg8 : memref<128xi32, #tpu.memory_space<vmem>>) semaphore(%arg12 : memref<!tpu.dma_semaphore, #tpu.memory_space<semaphore_mem>>)
      %dma_wait3A = arith.constant 0 : i32
      %dma_wait3A_14 = arith.constant 0 : i32
      %dma_wait3A_15 = tpu.memref_slice %arg2[%dma_wait3A, %dma_wait3A_14] : memref<10240x128xf32, #tpu.memory_space<hbm>> -> memref<10240x128xf32, #tpu.memory_space<hbm>>
      tpu.wait_indirect_dma semaphore(%arg12 : memref<!tpu.dma_semaphore, #tpu.memory_space<semaphore_mem>>) src(%dma_wait3A_15 : memref<10240x128xf32, #tpu.memory_space<hbm>>) dst(%arg9 : memref<128x128xf32, #tpu.memory_space<vmem>>)
      "tpu.region"() ({
        %run_scoped3A = tpu.sem_alloc : memref<!tpu.dma_semaphore, #tpu.memory_space<semaphore_mem>>
        %dma_start3A_22 = arith.constant 0 : i32
        %dma_start3A_23 = tpu.memref_slice %arg6[%add3A_11, %dma_start3A_22] : memref<163840x128xf32, #tpu.memory_space<hbm>> -> memref<128x128xf32, #tpu.memory_space<hbm>>
        %dma_start3A_24 = arith.constant 0 : i32
        %dma_start3A_25 = tpu.memref_slice %arg6[%add3A_11, %dma_start3A_24] : memref<163840x128xf32, #tpu.memory_space<hbm>> -> memref<128x128xf32, #tpu.memory_space<hbm>>
        tpu.enqueue_dma source(%arg9 : memref<128x128xf32, #tpu.memory_space<vmem>>) target(%dma_start3A_25 : memref<128x128xf32, #tpu.memory_space<hbm>>) target_semaphore(%run_scoped3A : memref<!tpu.dma_semaphore, #tpu.memory_space<semaphore_mem>>)
        %dma_wait3A_26 = arith.constant 0 : i32
        %dma_wait3A_27 = tpu.memref_slice %arg6[%add3A_11, %dma_wait3A_26] : memref<163840x128xf32, #tpu.memory_space<hbm>> -> memref<128x128xf32, #tpu.memory_space<hbm>>
        %dma_wait3A_28 = arith.constant 0 : i32
        %dma_wait3A_29 = tpu.memref_slice %arg6[%add3A_11, %dma_wait3A_28] : memref<163840x128xf32, #tpu.memory_space<hbm>> -> memref<128x128xf32, #tpu.memory_space<hbm>>
        tpu.wait_dma2 semaphore(%run_scoped3A : memref<!tpu.dma_semaphore, #tpu.memory_space<semaphore_mem>>) src(%arg9 : memref<128x128xf32, #tpu.memory_space<vmem>>) dst(%dma_wait3A_29 : memref<128x128xf32, #tpu.memory_space<hbm>>)
        tpu.yield
      }) : () -> ()
      "tpu.region"() ({
        %run_scoped3A = tpu.sem_alloc : memref<!tpu.dma_semaphore, #tpu.memory_space<semaphore_mem>>
        %dma_start3A_22 = tpu.memref_slice %arg5[%add3A_11] : memref<163840xi32, #tpu.memory_space<hbm>> -> memref<128xi32, #tpu.memory_space<hbm>>
        %dma_start3A_23 = tpu.memref_slice %arg5[%add3A_11] : memref<163840xi32, #tpu.memory_space<hbm>> -> memref<128xi32, #tpu.memory_space<hbm>>
        tpu.enqueue_dma source(%dma_start3A_23 : memref<128xi32, #tpu.memory_space<hbm>>) target(%arg10 : memref<128xi32, #tpu.memory_space<vmem>>) target_semaphore(%run_scoped3A : memref<!tpu.dma_semaphore, #tpu.memory_space<semaphore_mem>>)
        %dma_wait3A_24 = tpu.memref_slice %arg5[%add3A_11] : memref<163840xi32, #tpu.memory_space<hbm>> -> memref<128xi32, #tpu.memory_space<hbm>>
        %dma_wait3A_25 = tpu.memref_slice %arg5[%add3A_11] : memref<163840xi32, #tpu.memory_space<hbm>> -> memref<128xi32, #tpu.memory_space<hbm>>
        tpu.wait_dma2 semaphore(%run_scoped3A : memref<!tpu.dma_semaphore, #tpu.memory_space<semaphore_mem>>) src(%dma_wait3A_25 : memref<128xi32, #tpu.memory_space<hbm>>) dst(%arg10 : memref<128xi32, #tpu.memory_space<vmem>>)
        tpu.yield
      }) : () -> ()
      %dma_start3A_16 = arith.constant 0 : i32
      %dma_start3A_17 = arith.constant 0 : i32
      %dma_start3A_18 = tpu.memref_slice %arg3[%dma_start3A_16, %dma_start3A_17] : memref<10240x128xf32, #tpu.memory_space<hbm>> -> memref<10240x128xf32, #tpu.memory_space<hbm>>
      tpu.enqueue_indirect_dma source(%dma_start3A_18 : memref<10240x128xf32, #tpu.memory_space<hbm>>) target(%arg11 : memref<128x128xf32, #tpu.memory_space<vmem>>) offsets(%arg10 : memref<128xi32, #tpu.memory_space<vmem>>) semaphore(%arg13 : memref<!tpu.dma_semaphore, #tpu.memory_space<semaphore_mem>>)
      %dma_wait3A_19 = arith.constant 0 : i32
      %dma_wait3A_20 = arith.constant 0 : i32
      %dma_wait3A_21 = tpu.memref_slice %arg3[%dma_wait3A_19, %dma_wait3A_20] : memref<10240x128xf32, #tpu.memory_space<hbm>> -> memref<10240x128xf32, #tpu.memory_space<hbm>>
      tpu.wait_indirect_dma semaphore(%arg13 : memref<!tpu.dma_semaphore, #tpu.memory_space<semaphore_mem>>) src(%dma_wait3A_21 : memref<10240x128xf32, #tpu.memory_space<hbm>>) dst(%arg11 : memref<128x128xf32, #tpu.memory_space<vmem>>)
      "tpu.region"() ({
        %run_scoped3A = tpu.sem_alloc : memref<!tpu.dma_semaphore, #tpu.memory_space<semaphore_mem>>
        %dma_start3A_22 = arith.constant 0 : i32
        %dma_start3A_23 = tpu.memref_slice %arg7[%add3A_11, %dma_start3A_22] : memref<163840x128xf32, #tpu.memory_space<hbm>> -> memref<128x128xf32, #tpu.memory_space<hbm>>
        %dma_start3A_24 = arith.constant 0 : i32
        %dma_start3A_25 = tpu.memref_slice %arg7[%add3A_11, %dma_start3A_24] : memref<163840x128xf32, #tpu.memory_space<hbm>> -> memref<128x128xf32, #tpu.memory_space<hbm>>
        tpu.enqueue_dma source(%arg11 : memref<128x128xf32, #tpu.memory_space<vmem>>) target(%dma_start3A_25 : memref<128x128xf32, #tpu.memory_space<hbm>>) target_semaphore(%run_scoped3A : memref<!tpu.dma_semaphore, #tpu.memory_space<semaphore_mem>>)
        %dma_wait3A_26 = arith.constant 0 : i32
        %dma_wait3A_27 = tpu.memref_slice %arg7[%add3A_11, %dma_wait3A_26] : memref<163840x128xf32, #tpu.memory_space<hbm>> -> memref<128x128xf32, #tpu.memory_space<hbm>>
        %dma_wait3A_28 = arith.constant 0 : i32
        %dma_wait3A_29 = tpu.memref_slice %arg7[%add3A_11, %dma_wait3A_28] : memref<163840x128xf32, #tpu.memory_space<hbm>> -> memref<128x128xf32, #tpu.memory_space<hbm>>
        tpu.wait_dma2 semaphore(%run_scoped3A : memref<!tpu.dma_semaphore, #tpu.memory_space<semaphore_mem>>) src(%arg11 : memref<128x128xf32, #tpu.memory_space<vmem>>) dst(%dma_wait3A_29 : memref<128x128xf32, #tpu.memory_space<hbm>>)
        tpu.yield
      }) : () -> ()
    }
    %scan3A_7 = arith.constant 40 : i32
    return
  }
}

#map = affine_map<(d0, d1) -> (0, 0)>
#map1 = affine_map<(d0, d1) -> (0)>
module attributes {stable_mosaic.version = 14 : i64} {
  func.func @gather(%arg0: i32, %arg1: i32, %arg2: memref<10240x128xf32, #tpu.memory_space<hbm>>, %arg3: memref<10240x128xf32, #tpu.memory_space<hbm>>, %arg4: memref<163840xi32, #tpu.memory_space<hbm>>, %arg5: memref<163840xi32, #tpu.memory_space<hbm>>, %arg6: memref<163840x128xf32, #tpu.memory_space<hbm>>, %arg7: memref<163840x128xf32, #tpu.memory_space<hbm>>, %arg8: memref<128xi32, #tpu.memory_space<vmem>>, %arg9: memref<128x128xf32, #tpu.memory_space<vmem>>, %arg10: memref<128xi32, #tpu.memory_space<vmem>>, %arg11: memref<128x128xf32, #tpu.memory_space<vmem>>, %arg12: memref<!tpu.dma_semaphore, #tpu.memory_space<semaphore_mem>>, %arg13: memref<!tpu.dma_semaphore, #tpu.memory_space<semaphore_mem>>) attributes {dimension_semantics = [#tpu.dimension_semantics<core_parallel>, #tpu.dimension_semantics<subcore_parallel>], iteration_bounds = array<i64: 2, 16>, scalar_prefetch = 0 : i64, scratch_operands = 6 : i64, tpu.core_type = #tpu.core_type<sc_vector_subcore>, window_params = [{transform_indices = #map}, {transform_indices = #map}, {transform_indices = #map1}, {transform_indices = #map1}, {transform_indices = #map}, {transform_indices = #map}]} {
    %mul3A = arith.constant 2 : i32
    %mul3A_0 = arith.muli %arg1, %mul3A : i32
    %add3A = arith.addi %mul3A_0, %arg0 : i32
    %mul3A_1 = arith.constant 5120 : i32
    %mul3A_2 = arith.muli %add3A, %mul3A_1 : i32
    %scan3A = arith.constant 0 : i32
    %scan3A_3 = arith.constant 0 : i32
    %scan3A_4 = arith.constant 40 : i32
    %scan3A_5 = arith.addi %scan3A_3, %scan3A_4 : i32
    %scan3A_6 = arith.constant 1 : i32
    scf.for %scan3A_8 = %scan3A_3 to %scan3A_5 step %scan3A_6  : i32 {
      %mul3A_9 = arith.constant 128 : i32
      %mul3A_10 = arith.muli %scan3A_8, %mul3A_9 : i32
      %add3A_11 = arith.addi %mul3A_2, %mul3A_10 : i32
      "tpu.region"() ({
        %run_scoped3A = tpu.sem_alloc : memref<!tpu.dma_semaphore, #tpu.memory_space<semaphore_mem>>
        %dma_start3A_22 = tpu.memref_slice %arg4[%add3A_11] : memref<163840xi32, #tpu.memory_space<hbm>> -> memref<128xi32, #tpu.memory_space<hbm>>
        %dma_start3A_23 = tpu.memref_slice %arg4[%add3A_11] : memref<163840xi32, #tpu.memory_space<hbm>> -> memref<128xi32, #tpu.memory_space<hbm>>
        tpu.enqueue_dma source(%dma_start3A_23 : memref<128xi32, #tpu.memory_space<hbm>>) target(%arg8 : memref<128xi32, #tpu.memory_space<vmem>>) target_semaphore(%run_scoped3A : memref<!tpu.dma_semaphore, #tpu.memory_space<semaphore_mem>>)
        %dma_wait3A_24 = tpu.memref_slice %arg4[%add3A_11] : memref<163840xi32, #tpu.memory_space<hbm>> -> memref<128xi32, #tpu.memory_space<hbm>>
        %dma_wait3A_25 = tpu.memref_slice %arg4[%add3A_11] : memref<163840xi32, #tpu.memory_space<hbm>> -> memref<128xi32, #tpu.memory_space<hbm>>
        tpu.wait_dma2 semaphore(%run_scoped3A : memref<!tpu.dma_semaphore, #tpu.memory_space<semaphore_mem>>) src(%dma_wait3A_25 : memref<128xi32, #tpu.memory_space<hbm>>) dst(%arg8 : memref<128xi32, #tpu.memory_space<vmem>>)
        tpu.yield
      }) : () -> ()
      %dma_start3A = arith.constant 0 : i32
      %dma_start3A_12 = arith.constant 0 : i32
      %dma_start3A_13 = tpu.memref_slice %arg2[%dma_start3A, %dma_start3A_12] : memref<10240x128xf32, #tpu.memory_space<hbm>> -> memref<10240x128xf32, #tpu.memory_space<hbm>>
      tpu.enqueue_indirect_dma source(%dma_start3A_13 : memref<10240x128xf32, #tpu.memory_space<hbm>>) target(%arg9 : memref<128x128xf32, #tpu.memory_space<vmem>>) offsets(%arg8 : memref<128xi32, #tpu.memory_space<vmem>>) semaphore(%arg12 : memref<!tpu.dma_semaphore, #tpu.memory_space<semaphore_mem>>)
      %dma_wait3A = arith.constant 0 : i32
      %dma_wait3A_14 = arith.constant 0 : i32
      %dma_wait3A_15 = tpu.memref_slice %arg2[%dma_wait3A, %dma_wait3A_14] : memref<10240x128xf32, #tpu.memory_space<hbm>> -> memref<10240x128xf32, #tpu.memory_space<hbm>>
      tpu.wait_indirect_dma semaphore(%arg12 : memref<!tpu.dma_semaphore, #tpu.memory_space<semaphore_mem>>) src(%dma_wait3A_15 : memref<10240x128xf32, #tpu.memory_space<hbm>>) dst(%arg9 : memref<128x128xf32, #tpu.memory_space<vmem>>)
      "tpu.region"() ({
        %run_scoped3A = tpu.sem_alloc : memref<!tpu.dma_semaphore, #tpu.memory_space<semaphore_mem>>
        %dma_start3A_22 = arith.constant 0 : i32
        %dma_start3A_23 = tpu.memref_slice %arg6[%add3A_11, %dma_start3A_22] : memref<163840x128xf32, #tpu.memory_space<hbm>> -> memref<128x128xf32, #tpu.memory_space<hbm>>
        %dma_start3A_24 = arith.constant 0 : i32
        %dma_start3A_25 = tpu.memref_slice %arg6[%add3A_11, %dma_start3A_24] : memref<163840x128xf32, #tpu.memory_space<hbm>> -> memref<128x128xf32, #tpu.memory_space<hbm>>
        tpu.enqueue_dma source(%arg9 : memref<128x128xf32, #tpu.memory_space<vmem>>) target(%dma_start3A_25 : memref<128x128xf32, #tpu.memory_space<hbm>>) target_semaphore(%run_scoped3A : memref<!tpu.dma_semaphore, #tpu.memory_space<semaphore_mem>>)
        %dma_wait3A_26 = arith.constant 0 : i32
        %dma_wait3A_27 = tpu.memref_slice %arg6[%add3A_11, %dma_wait3A_26] : memref<163840x128xf32, #tpu.memory_space<hbm>> -> memref<128x128xf32, #tpu.memory_space<hbm>>
        %dma_wait3A_28 = arith.constant 0 : i32
        %dma_wait3A_29 = tpu.memref_slice %arg6[%add3A_11, %dma_wait3A_28] : memref<163840x128xf32, #tpu.memory_space<hbm>> -> memref<128x128xf32, #tpu.memory_space<hbm>>
        tpu.wait_dma2 semaphore(%run_scoped3A : memref<!tpu.dma_semaphore, #tpu.memory_space<semaphore_mem>>) src(%arg9 : memref<128x128xf32, #tpu.memory_space<vmem>>) dst(%dma_wait3A_29 : memref<128x128xf32, #tpu.memory_space<hbm>>)
        tpu.yield
      }) : () -> ()
      "tpu.region"() ({
        %run_scoped3A = tpu.sem_alloc : memref<!tpu.dma_semaphore, #tpu.memory_space<semaphore_mem>>
        %dma_start3A_22 = tpu.memref_slice %arg5[%add3A_11] : memref<163840xi32, #tpu.memory_space<hbm>> -> memref<128xi32, #tpu.memory_space<hbm>>
        %dma_start3A_23 = tpu.memref_slice %arg5[%add3A_11] : memref<163840xi32, #tpu.memory_space<hbm>> -> memref<128xi32, #tpu.memory_space<hbm>>
        tpu.enqueue_dma source(%dma_start3A_23 : memref<128xi32, #tpu.memory_space<hbm>>) target(%arg10 : memref<128xi32, #tpu.memory_space<vmem>>) target_semaphore(%run_scoped3A : memref<!tpu.dma_semaphore, #tpu.memory_space<semaphore_mem>>)
        %dma_wait3A_24 = tpu.memref_slice %arg5[%add3A_11] : memref<163840xi32, #tpu.memory_space<hbm>> -> memref<128xi32, #tpu.memory_space<hbm>>
        %dma_wait3A_25 = tpu.memref_slice %arg5[%add3A_11] : memref<163840xi32, #tpu.memory_space<hbm>> -> memref<128xi32, #tpu.memory_space<hbm>>
        tpu.wait_dma2 semaphore(%run_scoped3A : memref<!tpu.dma_semaphore, #tpu.memory_space<semaphore_mem>>) src(%dma_wait3A_25 : memref<128xi32, #tpu.memory_space<hbm>>) dst(%arg10 : memref<128xi32, #tpu.memory_space<vmem>>)
        tpu.yield
      }) : () -> ()
      %dma_start3A_16 = arith.constant 0 : i32
      %dma_start3A_17 = arith.constant 0 : i32
      %dma_start3A_18 = tpu.memref_slice %arg3[%dma_start3A_16, %dma_start3A_17] : memref<10240x128xf32, #tpu.memory_space<hbm>> -> memref<10240x128xf32, #tpu.memory_space<hbm>>
      tpu.enqueue_indirect_dma source(%dma_start3A_18 : memref<10240x128xf32, #tpu.memory_space<hbm>>) target(%arg11 : memref<128x128xf32, #tpu.memory_space<vmem>>) offsets(%arg10 : memref<128xi32, #tpu.memory_space<vmem>>) semaphore(%arg13 : memref<!tpu.dma_semaphore, #tpu.memory_space<semaphore_mem>>)
      %dma_wait3A_19 = arith.constant 0 : i32
      %dma_wait3A_20 = arith.constant 0 : i32
      %dma_wait3A_21 = tpu.memref_slice %arg3[%dma_wait3A_19, %dma_wait3A_20] : memref<10240x128xf32, #tpu.memory_space<hbm>> -> memref<10240x128xf32, #tpu.memory_space<hbm>>
      tpu.wait_indirect_dma semaphore(%arg13 : memref<!tpu.dma_semaphore, #tpu.memory_space<semaphore_mem>>) src(%dma_wait3A_21 : memref<10240x128xf32, #tpu.memory_space<hbm>>) dst(%arg11 : memref<128x128xf32, #tpu.memory_space<vmem>>)
      "tpu.region"() ({
        %run_scoped3A = tpu.sem_alloc : memref<!tpu.dma_semaphore, #tpu.memory_space<semaphore_mem>>
        %dma_start3A_22 = arith.constant 0 : i32
        %dma_start3A_23 = tpu.memref_slice %arg7[%add3A_11, %dma_start3A_22] : memref<163840x128xf32, #tpu.memory_space<hbm>> -> memref<128x128xf32, #tpu.memory_space<hbm>>
        %dma_start3A_24 = arith.constant 0 : i32
        %dma_start3A_25 = tpu.memref_slice %arg7[%add3A_11, %dma_start3A_24] : memref<163840x128xf32, #tpu.memory_space<hbm>> -> memref<128x128xf32, #tpu.memory_space<hbm>>
        tpu.enqueue_dma source(%arg11 : memref<128x128xf32, #tpu.memory_space<vmem>>) target(%dma_start3A_25 : memref<128x128xf32, #tpu.memory_space<hbm>>) target_semaphore(%run_scoped3A : memref<!tpu.dma_semaphore, #tpu.memory_space<semaphore_mem>>)
        %dma_wait3A_26 = arith.constant 0 : i32
        %dma_wait3A_27 = tpu.memref_slice %arg7[%add3A_11, %dma_wait3A_26] : memref<163840x128xf32, #tpu.memory_space<hbm>> -> memref<128x128xf32, #tpu.memory_space<hbm>>
        %dma_wait3A_28 = arith.constant 0 : i32
        %dma_wait3A_29 = tpu.memref_slice %arg7[%add3A_11, %dma_wait3A_28] : memref<163840x128xf32, #tpu.memory_space<hbm>> -> memref<128x128xf32, #tpu.memory_space<hbm>>
        tpu.wait_dma2 semaphore(%run_scoped3A : memref<!tpu.dma_semaphore, #tpu.memory_space<semaphore_mem>>) src(%arg11 : memref<128x128xf32, #tpu.memory_space<vmem>>) dst(%dma_wait3A_29 : memref<128x128xf32, #tpu.memory_space<hbm>>)
        tpu.yield
      }) : () -> ()
    }
    %scan3A_7 = arith.constant 40 : i32
    return
  }
}

#map = affine_map<(d0, d1) -> (0, 0)>
#map1 = affine_map<(d0, d1) -> (0)>
module attributes {stable_mosaic.version = 14 : i64} {
  func.func @gather(%arg0: i32, %arg1: i32, %arg2: memref<10240x256xf32, #tpu.memory_space<hbm>>, %arg3: memref<10240x256xf32, #tpu.memory_space<hbm>>, %arg4: memref<163840xi32, #tpu.memory_space<hbm>>, %arg5: memref<163840xi32, #tpu.memory_space<hbm>>, %arg6: memref<163840x256xf32, #tpu.memory_space<hbm>>, %arg7: memref<163840x256xf32, #tpu.memory_space<hbm>>, %arg8: memref<128xi32, #tpu.memory_space<vmem>>, %arg9: memref<128x256xf32, #tpu.memory_space<vmem>>, %arg10: memref<128xi32, #tpu.memory_space<vmem>>, %arg11: memref<128x256xf32, #tpu.memory_space<vmem>>, %arg12: memref<!tpu.dma_semaphore, #tpu.memory_space<semaphore_mem>>, %arg13: memref<!tpu.dma_semaphore, #tpu.memory_space<semaphore_mem>>) attributes {dimension_semantics = [#tpu.dimension_semantics<core_parallel>, #tpu.dimension_semantics<subcore_parallel>], iteration_bounds = array<i64: 2, 16>, scalar_prefetch = 0 : i64, scratch_operands = 6 : i64, tpu.core_type = #tpu.core_type<sc_vector_subcore>, window_params = [{transform_indices = #map}, {transform_indices = #map}, {transform_indices = #map1}, {transform_indices = #map1}, {transform_indices = #map}, {transform_indices = #map}]} {
    %mul3A = arith.constant 2 : i32
    %mul3A_0 = arith.muli %arg1, %mul3A : i32
    %add3A = arith.addi %mul3A_0, %arg0 : i32
    %mul3A_1 = arith.constant 5120 : i32
    %mul3A_2 = arith.muli %add3A, %mul3A_1 : i32
    %scan3A = arith.constant 0 : i32
    %scan3A_3 = arith.constant 0 : i32
    %scan3A_4 = arith.constant 40 : i32
    %scan3A_5 = arith.addi %scan3A_3, %scan3A_4 : i32
    %scan3A_6 = arith.constant 1 : i32
    scf.for %scan3A_8 = %scan3A_3 to %scan3A_5 step %scan3A_6  : i32 {
      %mul3A_9 = arith.constant 128 : i32
      %mul3A_10 = arith.muli %scan3A_8, %mul3A_9 : i32
      %add3A_11 = arith.addi %mul3A_2, %mul3A_10 : i32
      "tpu.region"() ({
        %run_scoped3A = tpu.sem_alloc : memref<!tpu.dma_semaphore, #tpu.memory_space<semaphore_mem>>
        %dma_start3A_22 = tpu.memref_slice %arg4[%add3A_11] : memref<163840xi32, #tpu.memory_space<hbm>> -> memref<128xi32, #tpu.memory_space<hbm>>
        %dma_start3A_23 = tpu.memref_slice %arg4[%add3A_11] : memref<163840xi32, #tpu.memory_space<hbm>> -> memref<128xi32, #tpu.memory_space<hbm>>
        tpu.enqueue_dma source(%dma_start3A_23 : memref<128xi32, #tpu.memory_space<hbm>>) target(%arg8 : memref<128xi32, #tpu.memory_space<vmem>>) target_semaphore(%run_scoped3A : memref<!tpu.dma_semaphore, #tpu.memory_space<semaphore_mem>>)
        %dma_wait3A_24 = tpu.memref_slice %arg4[%add3A_11] : memref<163840xi32, #tpu.memory_space<hbm>> -> memref<128xi32, #tpu.memory_space<hbm>>
        %dma_wait3A_25 = tpu.memref_slice %arg4[%add3A_11] : memref<163840xi32, #tpu.memory_space<hbm>> -> memref<128xi32, #tpu.memory_space<hbm>>
        tpu.wait_dma2 semaphore(%run_scoped3A : memref<!tpu.dma_semaphore, #tpu.memory_space<semaphore_mem>>) src(%dma_wait3A_25 : memref<128xi32, #tpu.memory_space<hbm>>) dst(%arg8 : memref<128xi32, #tpu.memory_space<vmem>>)
        tpu.yield
      }) : () -> ()
      %dma_start3A = arith.constant 0 : i32
      %dma_start3A_12 = arith.constant 0 : i32
      %dma_start3A_13 = tpu.memref_slice %arg2[%dma_start3A, %dma_start3A_12] : memref<10240x256xf32, #tpu.memory_space<hbm>> -> memref<10240x256xf32, #tpu.memory_space<hbm>>
      tpu.enqueue_indirect_dma source(%dma_start3A_13 : memref<10240x256xf32, #tpu.memory_space<hbm>>) target(%arg9 : memref<128x256xf32, #tpu.memory_space<vmem>>) offsets(%arg8 : memref<128xi32, #tpu.memory_space<vmem>>) semaphore(%arg12 : memref<!tpu.dma_semaphore, #tpu.memory_space<semaphore_mem>>)
      %dma_wait3A = arith.constant 0 : i32
      %dma_wait3A_14 = arith.constant 0 : i32
      %dma_wait3A_15 = tpu.memref_slice %arg2[%dma_wait3A, %dma_wait3A_14] : memref<10240x256xf32, #tpu.memory_space<hbm>> -> memref<10240x256xf32, #tpu.memory_space<hbm>>
      tpu.wait_indirect_dma semaphore(%arg12 : memref<!tpu.dma_semaphore, #tpu.memory_space<semaphore_mem>>) src(%dma_wait3A_15 : memref<10240x256xf32, #tpu.memory_space<hbm>>) dst(%arg9 : memref<128x256xf32, #tpu.memory_space<vmem>>)
      "tpu.region"() ({
        %run_scoped3A = tpu.sem_alloc : memref<!tpu.dma_semaphore, #tpu.memory_space<semaphore_mem>>
        %dma_start3A_22 = arith.constant 0 : i32
        %dma_start3A_23 = tpu.memref_slice %arg6[%add3A_11, %dma_start3A_22] : memref<163840x256xf32, #tpu.memory_space<hbm>> -> memref<128x256xf32, #tpu.memory_space<hbm>>
        %dma_start3A_24 = arith.constant 0 : i32
        %dma_start3A_25 = tpu.memref_slice %arg6[%add3A_11, %dma_start3A_24] : memref<163840x256xf32, #tpu.memory_space<hbm>> -> memref<128x256xf32, #tpu.memory_space<hbm>>
        tpu.enqueue_dma source(%arg9 : memref<128x256xf32, #tpu.memory_space<vmem>>) target(%dma_start3A_25 : memref<128x256xf32, #tpu.memory_space<hbm>>) target_semaphore(%run_scoped3A : memref<!tpu.dma_semaphore, #tpu.memory_space<semaphore_mem>>)
        %dma_wait3A_26 = arith.constant 0 : i32
        %dma_wait3A_27 = tpu.memref_slice %arg6[%add3A_11, %dma_wait3A_26] : memref<163840x256xf32, #tpu.memory_space<hbm>> -> memref<128x256xf32, #tpu.memory_space<hbm>>
        %dma_wait3A_28 = arith.constant 0 : i32
        %dma_wait3A_29 = tpu.memref_slice %arg6[%add3A_11, %dma_wait3A_28] : memref<163840x256xf32, #tpu.memory_space<hbm>> -> memref<128x256xf32, #tpu.memory_space<hbm>>
        tpu.wait_dma2 semaphore(%run_scoped3A : memref<!tpu.dma_semaphore, #tpu.memory_space<semaphore_mem>>) src(%arg9 : memref<128x256xf32, #tpu.memory_space<vmem>>) dst(%dma_wait3A_29 : memref<128x256xf32, #tpu.memory_space<hbm>>)
        tpu.yield
      }) : () -> ()
      "tpu.region"() ({
        %run_scoped3A = tpu.sem_alloc : memref<!tpu.dma_semaphore, #tpu.memory_space<semaphore_mem>>
        %dma_start3A_22 = tpu.memref_slice %arg5[%add3A_11] : memref<163840xi32, #tpu.memory_space<hbm>> -> memref<128xi32, #tpu.memory_space<hbm>>
        %dma_start3A_23 = tpu.memref_slice %arg5[%add3A_11] : memref<163840xi32, #tpu.memory_space<hbm>> -> memref<128xi32, #tpu.memory_space<hbm>>
        tpu.enqueue_dma source(%dma_start3A_23 : memref<128xi32, #tpu.memory_space<hbm>>) target(%arg10 : memref<128xi32, #tpu.memory_space<vmem>>) target_semaphore(%run_scoped3A : memref<!tpu.dma_semaphore, #tpu.memory_space<semaphore_mem>>)
        %dma_wait3A_24 = tpu.memref_slice %arg5[%add3A_11] : memref<163840xi32, #tpu.memory_space<hbm>> -> memref<128xi32, #tpu.memory_space<hbm>>
        %dma_wait3A_25 = tpu.memref_slice %arg5[%add3A_11] : memref<163840xi32, #tpu.memory_space<hbm>> -> memref<128xi32, #tpu.memory_space<hbm>>
        tpu.wait_dma2 semaphore(%run_scoped3A : memref<!tpu.dma_semaphore, #tpu.memory_space<semaphore_mem>>) src(%dma_wait3A_25 : memref<128xi32, #tpu.memory_space<hbm>>) dst(%arg10 : memref<128xi32, #tpu.memory_space<vmem>>)
        tpu.yield
      }) : () -> ()
      %dma_start3A_16 = arith.constant 0 : i32
      %dma_start3A_17 = arith.constant 0 : i32
      %dma_start3A_18 = tpu.memref_slice %arg3[%dma_start3A_16, %dma_start3A_17] : memref<10240x256xf32, #tpu.memory_space<hbm>> -> memref<10240x256xf32, #tpu.memory_space<hbm>>
      tpu.enqueue_indirect_dma source(%dma_start3A_18 : memref<10240x256xf32, #tpu.memory_space<hbm>>) target(%arg11 : memref<128x256xf32, #tpu.memory_space<vmem>>) offsets(%arg10 : memref<128xi32, #tpu.memory_space<vmem>>) semaphore(%arg13 : memref<!tpu.dma_semaphore, #tpu.memory_space<semaphore_mem>>)
      %dma_wait3A_19 = arith.constant 0 : i32
      %dma_wait3A_20 = arith.constant 0 : i32
      %dma_wait3A_21 = tpu.memref_slice %arg3[%dma_wait3A_19, %dma_wait3A_20] : memref<10240x256xf32, #tpu.memory_space<hbm>> -> memref<10240x256xf32, #tpu.memory_space<hbm>>
      tpu.wait_indirect_dma semaphore(%arg13 : memref<!tpu.dma_semaphore, #tpu.memory_space<semaphore_mem>>) src(%dma_wait3A_21 : memref<10240x256xf32, #tpu.memory_space<hbm>>) dst(%arg11 : memref<128x256xf32, #tpu.memory_space<vmem>>)
      "tpu.region"() ({
        %run_scoped3A = tpu.sem_alloc : memref<!tpu.dma_semaphore, #tpu.memory_space<semaphore_mem>>
        %dma_start3A_22 = arith.constant 0 : i32
        %dma_start3A_23 = tpu.memref_slice %arg7[%add3A_11, %dma_start3A_22] : memref<163840x256xf32, #tpu.memory_space<hbm>> -> memref<128x256xf32, #tpu.memory_space<hbm>>
        %dma_start3A_24 = arith.constant 0 : i32
        %dma_start3A_25 = tpu.memref_slice %arg7[%add3A_11, %dma_start3A_24] : memref<163840x256xf32, #tpu.memory_space<hbm>> -> memref<128x256xf32, #tpu.memory_space<hbm>>
        tpu.enqueue_dma source(%arg11 : memref<128x256xf32, #tpu.memory_space<vmem>>) target(%dma_start3A_25 : memref<128x256xf32, #tpu.memory_space<hbm>>) target_semaphore(%run_scoped3A : memref<!tpu.dma_semaphore, #tpu.memory_space<semaphore_mem>>)
        %dma_wait3A_26 = arith.constant 0 : i32
        %dma_wait3A_27 = tpu.memref_slice %arg7[%add3A_11, %dma_wait3A_26] : memref<163840x256xf32, #tpu.memory_space<hbm>> -> memref<128x256xf32, #tpu.memory_space<hbm>>
        %dma_wait3A_28 = arith.constant 0 : i32
        %dma_wait3A_29 = tpu.memref_slice %arg7[%add3A_11, %dma_wait3A_28] : memref<163840x256xf32, #tpu.memory_space<hbm>> -> memref<128x256xf32, #tpu.memory_space<hbm>>
        tpu.wait_dma2 semaphore(%run_scoped3A : memref<!tpu.dma_semaphore, #tpu.memory_space<semaphore_mem>>) src(%arg11 : memref<128x256xf32, #tpu.memory_space<vmem>>) dst(%dma_wait3A_29 : memref<128x256xf32, #tpu.memory_space<hbm>>)
        tpu.yield
      }) : () -> ()
    }
    %scan3A_7 = arith.constant 40 : i32
    return
  }
}

module attributes {stable_mosaic.version = 14 : i64} {
  func.func @_node_proj_first_body(%arg0: memref<10240x4xf32, #tpu.memory_space<vmem>>, %arg1: memref<4x128xf32, #tpu.memory_space<vmem>>, %arg2: memref<4x128xf32, #tpu.memory_space<vmem>>, %arg3: memref<10240x128xf32, #tpu.memory_space<vmem>>, %arg4: memref<10240x128xf32, #tpu.memory_space<vmem>>) attributes {dimension_semantics = [], scalar_prefetch = 0 : i64, scratch_operands = 0 : i64, tpu.core_type = #tpu.core_type<tc>} {
    %get3A = arith.constant 0 : index
    %get3A_0 = arith.constant 0 : index
    %get3A_1 = vector.load %arg0[%get3A, %get3A_0] : memref<10240x4xf32, #tpu.memory_space<vmem>>, vector<10240x4xf32>
    %get3A_2 = arith.constant 0 : index
    %get3A_3 = arith.constant 0 : index
    %get3A_4 = vector.load %arg1[%get3A_2, %get3A_3] : memref<4x128xf32, #tpu.memory_space<vmem>>, vector<4x128xf32>
    %dot_general3A = arith.constant dense<0.000000e+00> : vector<10240x128xf32>
    %dot_general3A_5 = tpu.matmul %get3A_1, %get3A_4, %dot_general3A {dimension_numbers = #tpu.dot_dimension_numbers<[1], [0], [0], [1], [0, 0, 1, 1], [], []>, transpose_lhs_hint = false} : vector<10240x4xf32>, vector<4x128xf32>, vector<10240x128xf32> -> vector<10240x128xf32>
    %swap3A = arith.constant 0 : index
    %swap3A_6 = arith.constant 0 : index
    %swap3A_7 = vector.load %arg3[%swap3A, %swap3A_6] : memref<10240x128xf32, #tpu.memory_space<vmem>>, vector<10240x128xf32>
    tpu.vector_store %arg3[%swap3A, %swap3A_6], %dot_general3A_5 {strides = array<i32>} : memref<10240x128xf32, #tpu.memory_space<vmem>>, vector<10240x128xf32>,
    %get3A_8 = arith.constant 0 : index
    %get3A_9 = arith.constant 0 : index
    %get3A_10 = vector.load %arg2[%get3A_8, %get3A_9] : memref<4x128xf32, #tpu.memory_space<vmem>>, vector<4x128xf32>
    %dot_general3A_11 = arith.constant dense<0.000000e+00> : vector<10240x128xf32>
    %dot_general3A_12 = tpu.matmul %get3A_1, %get3A_10, %dot_general3A_11 {dimension_numbers = #tpu.dot_dimension_numbers<[1], [0], [0], [1], [0, 0, 1, 1], [], []>, transpose_lhs_hint = false} : vector<10240x4xf32>, vector<4x128xf32>, vector<10240x128xf32> -> vector<10240x128xf32>
    %swap3A_13 = arith.constant 0 : index
    %swap3A_14 = arith.constant 0 : index
    %swap3A_15 = vector.load %arg4[%swap3A_13, %swap3A_14] : memref<10240x128xf32, #tpu.memory_space<vmem>>, vector<10240x128xf32>
    tpu.vector_store %arg4[%swap3A_13, %swap3A_14], %dot_general3A_12 {strides = array<i32>} : memref<10240x128xf32, #tpu.memory_space<vmem>>, vector<10240x128xf32>,
    return
  }
}

module attributes {stable_mosaic.version = 14 : i64} {
  func.func @_pass0_body(%arg0: i32, %arg1: memref<2048x128xf32, #tpu.memory_space<vmem>>, %arg2: memref<2048x128xf32, #tpu.memory_space<vmem>>, %arg3: memref<8x128xf32, #tpu.memory_space<vmem>>) attributes {dimension_semantics = [#tpu.dimension_semantics<arbitrary>], iteration_bounds = array<i64: 80>, scalar_prefetch = 0 : i64, scratch_operands = 0 : i64, tpu.core_type = #tpu.core_type<tc>, window_params = [{transform_indices = @transform_0, window_bounds = array<i64: 2048, 128>}, {transform_indices = @transform_1, window_bounds = array<i64: 2048, 128>}, {pipeline_mode = #tpu.pipeline_mode<synchronous>, transform_indices = @transform_2, window_bounds = array<i64: 8, 128>}]} {
    %get3A = arith.constant 0 : index
    %get3A_0 = arith.constant 0 : index
    %get3A_1 = vector.load %arg1[%get3A, %get3A_0] : memref<2048x128xf32, #tpu.memory_space<vmem>>, vector<2048x128xf32>
    %get3A_2 = arith.constant 0 : index
    %get3A_3 = arith.constant 0 : index
    %get3A_4 = vector.load %arg2[%get3A_2, %get3A_3] : memref<2048x128xf32, #tpu.memory_space<vmem>>, vector<2048x128xf32>
    %add3A = arith.addf %get3A_1, %get3A_4 : vector<2048x128xf32>
    %eq3A = arith.constant 0 : i32
    %eq3A_5 = arith.cmpi eq, %arg0, %eq3A : i32
    %convert_element_type3A = arith.extui %eq3A_5 : i1 to i32
    %cond3A = arith.constant 0 : i32
    %cond3A_6 = arith.cmpi ne, %convert_element_type3A, %cond3A : i32
    scf.if %cond3A_6 {
      %broadcast_in_dim3A_24 = arith.constant 0.000000e+00 : f32
      %broadcast_in_dim3A_25 = vector.broadcast %broadcast_in_dim3A_24 : f32 to vector<8x128xf32>
      %swap3A_26 = arith.constant 0 : index
      %swap3A_27 = arith.constant 0 : index
      %swap3A_28 = vector.load %arg3[%swap3A_26, %swap3A_27] : memref<8x128xf32, #tpu.memory_space<vmem>>, vector<8x128xf32>
      tpu.vector_store %arg3[%swap3A_26, %swap3A_27], %broadcast_in_dim3A_25 {strides = array<i32>} : memref<8x128xf32, #tpu.memory_space<vmem>>, vector<8x128xf32>,
    } else {
    }
    %get3A_7 = arith.constant 0 : index
    %get3A_8 = arith.constant 0 : index
    %get3A_9 = vector.load %arg3[%get3A_7, %get3A_8] : memref<8x128xf32, #tpu.memory_space<vmem>>, vector<1x128xf32>
    %reduce_sum3A = arith.constant dense<0.000000e+00> : vector<128xf32>
    %reduce_sum3A_10 = vector.multi_reduction <add>, %add3A, %reduce_sum3A [0] : vector<2048x128xf32> to vector<128xf32>
    %broadcast_in_dim3A = vector.shape_cast %reduce_sum3A_10 : vector<128xf32> to vector<1x128xf32>
    %add3A_11 = arith.addf %get3A_9, %broadcast_in_dim3A : vector<1x128xf32>
    %swap3A = arith.constant 0 : index
    %swap3A_12 = arith.constant 0 : index
    %swap3A_13 = vector.load %arg3[%swap3A, %swap3A_12] : memref<8x128xf32, #tpu.memory_space<vmem>>, vector<1x128xf32>
    tpu.vector_store %arg3[%swap3A, %swap3A_12], %add3A_11 {strides = array<i32>} : memref<8x128xf32, #tpu.memory_space<vmem>>, vector<1x128xf32>,
    %get3A_14 = arith.constant 1 : index
    %get3A_15 = arith.constant 0 : index
    %get3A_16 = vector.load %arg3[%get3A_14, %get3A_15] : memref<8x128xf32, #tpu.memory_space<vmem>>, vector<1x128xf32>
    %mul3A = arith.mulf %add3A, %add3A : vector<2048x128xf32>
    %reduce_sum3A_17 = arith.constant dense<0.000000e+00> : vector<128xf32>
    %reduce_sum3A_18 = vector.multi_reduction <add>, %mul3A, %reduce_sum3A_17 [0] : vector<2048x128xf32> to vector<128xf32>
    %broadcast_in_dim3A_19 = vector.shape_cast %reduce_sum3A_18 : vector<128xf32> to vector<1x128xf32>
    %add3A_20 = arith.addf %get3A_16, %broadcast_in_dim3A_19 : vector<1x128xf32>
    %swap3A_21 = arith.constant 1 : index
    %swap3A_22 = arith.constant 0 : index
    %swap3A_23 = vector.load %arg3[%swap3A_21, %swap3A_22] : memref<8x128xf32, #tpu.memory_space<vmem>>, vector<1x128xf32>
    tpu.vector_store %arg3[%swap3A_21, %swap3A_22], %add3A_20 {strides = array<i32>} : memref<8x128xf32, #tpu.memory_space<vmem>>, vector<1x128xf32>,
    return
  }
  func.func @transform_0(%arg0: i32) -> (i32, i32) {
    %c0_i32 = arith.constant 0 : i32
    %c0_i32_0 = arith.constant 0 : i32
    return %arg0, %c0_i32 : i32, i32
  }
  func.func @transform_1(%arg0: i32) -> (i32, i32) {
    %c0_i32 = arith.constant 0 : i32
    %c0_i32_0 = arith.constant 0 : i32
    return %arg0, %c0_i32 : i32, i32
  }
  func.func @transform_2(%arg0: i32) -> (i32, i32) {
    %c0_i32 = arith.constant 0 : i32
    %c0_i32_0 = arith.constant 0 : i32
    %c0_i32_1 = arith.constant 0 : i32
    return %c0_i32, %c0_i32_0 : i32, i32
  }
}

module attributes {stable_mosaic.version = 14 : i64} {
  func.func @_passmm_two_body(%arg0: i32, %arg1: memref<2048x128xf32, #tpu.memory_space<vmem>>, %arg2: memref<2048x128xf32, #tpu.memory_space<vmem>>, %arg3: memref<8x128xf32, #tpu.memory_space<vmem>>, %arg4: memref<128x128xf32, #tpu.memory_space<vmem>>, %arg5: memref<2048x128xf32, #tpu.memory_space<vmem>>, %arg6: memref<8x128xf32, #tpu.memory_space<vmem>>) attributes {dimension_semantics = [#tpu.dimension_semantics<arbitrary>], iteration_bounds = array<i64: 80>, scalar_prefetch = 0 : i64, scratch_operands = 0 : i64, tpu.core_type = #tpu.core_type<tc>, window_params = [{transform_indices = @transform_0, window_bounds = array<i64: 2048, 128>}, {transform_indices = @transform_1, window_bounds = array<i64: 2048, 128>}, {pipeline_mode = #tpu.pipeline_mode<synchronous>, transform_indices = @transform_2, window_bounds = array<i64: 8, 128>}, {pipeline_mode = #tpu.pipeline_mode<synchronous>, transform_indices = @transform_3, window_bounds = array<i64: 128, 128>}, {transform_indices = @transform_4, window_bounds = array<i64: 2048, 128>}, {pipeline_mode = #tpu.pipeline_mode<synchronous>, transform_indices = @transform_5, window_bounds = array<i64: 8, 128>}]} {
    %get3A = arith.constant 0 : index
    %get3A_0 = arith.constant 0 : index
    %get3A_1 = vector.load %arg1[%get3A, %get3A_0] : memref<2048x128xf32, #tpu.memory_space<vmem>>, vector<2048x128xf32>
    %get3A_2 = arith.constant 0 : index
    %get3A_3 = arith.constant 0 : index
    %get3A_4 = vector.load %arg2[%get3A_2, %get3A_3] : memref<2048x128xf32, #tpu.memory_space<vmem>>, vector<2048x128xf32>
    %add3A = arith.addf %get3A_1, %get3A_4 : vector<2048x128xf32>
    %get3A_5 = arith.constant 0 : index
    %get3A_6 = arith.constant 0 : index
    %get3A_7 = vector.load %arg3[%get3A_5, %get3A_6] : memref<8x128xf32, #tpu.memory_space<vmem>>, vector<1x128xf32>
    %mul3A = vector.broadcast %get3A_7 : vector<1x128xf32> to vector<2048x128xf32>
    %mul3A_8 = arith.mulf %add3A, %mul3A : vector<2048x128xf32>
    %get3A_9 = arith.constant 1 : index
    %get3A_10 = arith.constant 0 : index
    %get3A_11 = vector.load %arg3[%get3A_9, %get3A_10] : memref<8x128xf32, #tpu.memory_space<vmem>>, vector<1x128xf32>
    %add3A_12 = vector.broadcast %get3A_11 : vector<1x128xf32> to vector<2048x128xf32>
    %add3A_13 = arith.addf %mul3A_8, %add3A_12 : vector<2048x128xf32>
    %max3A = arith.constant 0.000000e+00 : f32
    %max3A_14 = vector.broadcast %max3A : f32 to vector<2048x128xf32>
    %max3A_15 = arith.maximumf %add3A_13, %max3A_14 : vector<2048x128xf32>
    %iota3A = tpu.iota {dimensions = array<i32: 0>} : vector<2048x128xi32>
    %mul3A_16 = arith.constant 2048 : i32
    %mul3A_17 = arith.muli %arg0, %mul3A_16 : i32
    %add3A_18 = vector.broadcast %mul3A_17 : i32 to vector<2048x128xi32>
    %add3A_19 = arith.addi %iota3A, %add3A_18 : vector<2048x128xi32>
    %lt3A = arith.constant 160000 : i32
    %lt3A_20 = vector.broadcast %lt3A : i32 to vector<2048x128xi32>
    %lt3A_21 = arith.cmpi slt, %add3A_19, %lt3A_20 : vector<2048x128xi32>
    %jit3A = arith.constant 0.000000e+00 : f32
    %broadcast_in_dim3A = vector.broadcast %jit3A : f32 to vector<2048x128xf32>
    %select_n3A = arith.select %lt3A_21, %max3A_15, %broadcast_in_dim3A : vector<2048x128xi1>, vector<2048x128xf32>
    %get3A_22 = arith.constant 0 : index
    %get3A_23 = arith.constant 0 : index
    %get3A_24 = vector.load %arg4[%get3A_22, %get3A_23] : memref<128x128xf32, #tpu.memory_space<vmem>>, vector<128x128xf32>
    %dot_general3A = arith.constant dense<0.000000e+00> : vector<2048x128xf32>
    %dot_general3A_25 = tpu.matmul %select_n3A, %get3A_24, %dot_general3A {dimension_numbers = #tpu.dot_dimension_numbers<[1], [0], [0], [1], [0, 0, 1, 1], [], []>, transpose_lhs_hint = false} : vector<2048x128xf32>, vector<128x128xf32>, vector<2048x128xf32> -> vector<2048x128xf32>
    %swap3A = arith.constant 0 : index
    %swap3A_26 = arith.constant 0 : index
    %swap3A_27 = vector.load %arg5[%swap3A, %swap3A_26] : memref<2048x128xf32, #tpu.memory_space<vmem>>, vector<2048x128xf32>
    tpu.vector_store %arg5[%swap3A, %swap3A_26], %dot_general3A_25 {strides = array<i32>} : memref<2048x128xf32, #tpu.memory_space<vmem>>, vector<2048x128xf32>,
    %eq3A = arith.constant 0 : i32
    %eq3A_28 = arith.cmpi eq, %arg0, %eq3A : i32
    %convert_element_type3A = arith.extui %eq3A_28 : i1 to i32
    %cond3A = arith.constant 0 : i32
    %cond3A_29 = arith.cmpi ne, %convert_element_type3A, %cond3A : i32
    scf.if %cond3A_29 {
      %broadcast_in_dim3A_50 = arith.constant 0.000000e+00 : f32
      %broadcast_in_dim3A_51 = vector.broadcast %broadcast_in_dim3A_50 : f32 to vector<8x128xf32>
      %swap3A_52 = arith.constant 0 : index
      %swap3A_53 = arith.constant 0 : index
      %swap3A_54 = vector.load %arg6[%swap3A_52, %swap3A_53] : memref<8x128xf32, #tpu.memory_space<vmem>>, vector<8x128xf32>
      tpu.vector_store %arg6[%swap3A_52, %swap3A_53], %broadcast_in_dim3A_51 {strides = array<i32>} : memref<8x128xf32, #tpu.memory_space<vmem>>, vector<8x128xf32>,
    } else {
    }
    %get3A_30 = arith.constant 0 : index
    %get3A_31 = arith.constant 0 : index
    %get3A_32 = vector.load %arg6[%get3A_30, %get3A_31] : memref<8x128xf32, #tpu.memory_space<vmem>>, vector<1x128xf32>
    %reduce_sum3A = arith.constant dense<0.000000e+00> : vector<128xf32>
    %reduce_sum3A_33 = vector.multi_reduction <add>, %dot_general3A_25, %reduce_sum3A [0] : vector<2048x128xf32> to vector<128xf32>
    %broadcast_in_dim3A_34 = vector.shape_cast %reduce_sum3A_33 : vector<128xf32> to vector<1x128xf32>
    %add3A_35 = arith.addf %get3A_32, %broadcast_in_dim3A_34 : vector<1x128xf32>
    %swap3A_36 = arith.constant 0 : index
    %swap3A_37 = arith.constant 0 : index
    %swap3A_38 = vector.load %arg6[%swap3A_36, %swap3A_37] : memref<8x128xf32, #tpu.memory_space<vmem>>, vector<1x128xf32>
    tpu.vector_store %arg6[%swap3A_36, %swap3A_37], %add3A_35 {strides = array<i32>} : memref<8x128xf32, #tpu.memory_space<vmem>>, vector<1x128xf32>,
    %get3A_39 = arith.constant 1 : index
    %get3A_40 = arith.constant 0 : index
    %get3A_41 = vector.load %arg6[%get3A_39, %get3A_40] : memref<8x128xf32, #tpu.memory_space<vmem>>, vector<1x128xf32>
    %mul3A_42 = arith.mulf %dot_general3A_25, %dot_general3A_25 : vector<2048x128xf32>
    %reduce_sum3A_43 = arith.constant dense<0.000000e+00> : vector<128xf32>
    %reduce_sum3A_44 = vector.multi_reduction <add>, %mul3A_42, %reduce_sum3A_43 [0] : vector<2048x128xf32> to vector<128xf32>
    %broadcast_in_dim3A_45 = vector.shape_cast %reduce_sum3A_44 : vector<128xf32> to vector<1x128xf32>
    %add3A_46 = arith.addf %get3A_41, %broadcast_in_dim3A_45 : vector<1x128xf32>
    %swap3A_47 = arith.constant 1 : index
    %swap3A_48 = arith.constant 0 : index
    %swap3A_49 = vector.load %arg6[%swap3A_47, %swap3A_48] : memref<8x128xf32, #tpu.memory_space<vmem>>, vector<1x128xf32>
    tpu.vector_store %arg6[%swap3A_47, %swap3A_48], %add3A_46 {strides = array<i32>} : memref<8x128xf32, #tpu.memory_space<vmem>>, vector<1x128xf32>,
    return
  }
  func.func @transform_0(%arg0: i32) -> (i32, i32) {
    %c0_i32 = arith.constant 0 : i32
    %c0_i32_0 = arith.constant 0 : i32
    return %arg0, %c0_i32 : i32, i32
  }
  func.func @transform_1(%arg0: i32) -> (i32, i32) {
    %c0_i32 = arith.constant 0 : i32
    %c0_i32_0 = arith.constant 0 : i32
    return %arg0, %c0_i32 : i32, i32
  }
  func.func @transform_2(%arg0: i32) -> (i32, i32) {
    %c0_i32 = arith.constant 0 : i32
    %c0_i32_0 = arith.constant 0 : i32
    %c0_i32_1 = arith.constant 0 : i32
    return %c0_i32, %c0_i32_0 : i32, i32
  }
  func.func @transform_3(%arg0: i32) -> (i32, i32) {
    %c0_i32 = arith.constant 0 : i32
    %c0_i32_0 = arith.constant 0 : i32
    %c0_i32_1 = arith.constant 0 : i32
    return %c0_i32, %c0_i32_0 : i32, i32
  }
  func.func @transform_4(%arg0: i32) -> (i32, i32) {
    %c0_i32 = arith.constant 0 : i32
    %c0_i32_0 = arith.constant 0 : i32
    return %arg0, %c0_i32 : i32, i32
  }
  func.func @transform_5(%arg0: i32) -> (i32, i32) {
    %c0_i32 = arith.constant 0 : i32
    %c0_i32_0 = arith.constant 0 : i32
    %c0_i32_1 = arith.constant 0 : i32
    return %c0_i32, %c0_i32_0 : i32, i32
  }
}

module attributes {stable_mosaic.version = 14 : i64} {
  func.func @_passmm_one_body(%arg0: i32, %arg1: memref<2048x128xf32, #tpu.memory_space<vmem>>, %arg2: memref<8x128xf32, #tpu.memory_space<vmem>>, %arg3: memref<128x128xf32, #tpu.memory_space<vmem>>, %arg4: memref<2048x128xf32, #tpu.memory_space<vmem>>, %arg5: memref<8x128xf32, #tpu.memory_space<vmem>>) attributes {dimension_semantics = [#tpu.dimension_semantics<arbitrary>], iteration_bounds = array<i64: 80>, scalar_prefetch = 0 : i64, scratch_operands = 0 : i64, tpu.core_type = #tpu.core_type<tc>, window_params = [{transform_indices = @transform_0, window_bounds = array<i64: 2048, 128>}, {pipeline_mode = #tpu.pipeline_mode<synchronous>, transform_indices = @transform_1, window_bounds = array<i64: 8, 128>}, {pipeline_mode = #tpu.pipeline_mode<synchronous>, transform_indices = @transform_2, window_bounds = array<i64: 128, 128>}, {transform_indices = @transform_3, window_bounds = array<i64: 2048, 128>}, {pipeline_mode = #tpu.pipeline_mode<synchronous>, transform_indices = @transform_4, window_bounds = array<i64: 8, 128>}]} {
    %get3A = arith.constant 0 : index
    %get3A_0 = arith.constant 0 : index
    %get3A_1 = vector.load %arg1[%get3A, %get3A_0] : memref<2048x128xf32, #tpu.memory_space<vmem>>, vector<2048x128xf32>
    %get3A_2 = arith.constant 0 : index
    %get3A_3 = arith.constant 0 : index
    %get3A_4 = vector.load %arg2[%get3A_2, %get3A_3] : memref<8x128xf32, #tpu.memory_space<vmem>>, vector<1x128xf32>
    %mul3A = vector.broadcast %get3A_4 : vector<1x128xf32> to vector<2048x128xf32>
    %mul3A_5 = arith.mulf %get3A_1, %mul3A : vector<2048x128xf32>
    %get3A_6 = arith.constant 1 : index
    %get3A_7 = arith.constant 0 : index
    %get3A_8 = vector.load %arg2[%get3A_6, %get3A_7] : memref<8x128xf32, #tpu.memory_space<vmem>>, vector<1x128xf32>
    %add3A = vector.broadcast %get3A_8 : vector<1x128xf32> to vector<2048x128xf32>
    %add3A_9 = arith.addf %mul3A_5, %add3A : vector<2048x128xf32>
    %max3A = arith.constant 0.000000e+00 : f32
    %max3A_10 = vector.broadcast %max3A : f32 to vector<2048x128xf32>
    %max3A_11 = arith.maximumf %add3A_9, %max3A_10 : vector<2048x128xf32>
    %iota3A = tpu.iota {dimensions = array<i32: 0>} : vector<2048x128xi32>
    %mul3A_12 = arith.constant 2048 : i32
    %mul3A_13 = arith.muli %arg0, %mul3A_12 : i32
    %add3A_14 = vector.broadcast %mul3A_13 : i32 to vector<2048x128xi32>
    %add3A_15 = arith.addi %iota3A, %add3A_14 : vector<2048x128xi32>
    %lt3A = arith.constant 160000 : i32
    %lt3A_16 = vector.broadcast %lt3A : i32 to vector<2048x128xi32>
    %lt3A_17 = arith.cmpi slt, %add3A_15, %lt3A_16 : vector<2048x128xi32>
    %jit3A = arith.constant 0.000000e+00 : f32
    %broadcast_in_dim3A = vector.broadcast %jit3A : f32 to vector<2048x128xf32>
    %select_n3A = arith.select %lt3A_17, %max3A_11, %broadcast_in_dim3A : vector<2048x128xi1>, vector<2048x128xf32>
    %get3A_18 = arith.constant 0 : index
    %get3A_19 = arith.constant 0 : index
    %get3A_20 = vector.load %arg3[%get3A_18, %get3A_19] : memref<128x128xf32, #tpu.memory_space<vmem>>, vector<128x128xf32>
    %dot_general3A = arith.constant dense<0.000000e+00> : vector<2048x128xf32>
    %dot_general3A_21 = tpu.matmul %select_n3A, %get3A_20, %dot_general3A {dimension_numbers = #tpu.dot_dimension_numbers<[1], [0], [0], [1], [0, 0, 1, 1], [], []>, transpose_lhs_hint = false} : vector<2048x128xf32>, vector<128x128xf32>, vector<2048x128xf32> -> vector<2048x128xf32>
    %swap3A = arith.constant 0 : index
    %swap3A_22 = arith.constant 0 : index
    %swap3A_23 = vector.load %arg4[%swap3A, %swap3A_22] : memref<2048x128xf32, #tpu.memory_space<vmem>>, vector<2048x128xf32>
    tpu.vector_store %arg4[%swap3A, %swap3A_22], %dot_general3A_21 {strides = array<i32>} : memref<2048x128xf32, #tpu.memory_space<vmem>>, vector<2048x128xf32>,
    %eq3A = arith.constant 0 : i32
    %eq3A_24 = arith.cmpi eq, %arg0, %eq3A : i32
    %convert_element_type3A = arith.extui %eq3A_24 : i1 to i32
    %cond3A = arith.constant 0 : i32
    %cond3A_25 = arith.cmpi ne, %convert_element_type3A, %cond3A : i32
    scf.if %cond3A_25 {
      %broadcast_in_dim3A_46 = arith.constant 0.000000e+00 : f32
      %broadcast_in_dim3A_47 = vector.broadcast %broadcast_in_dim3A_46 : f32 to vector<8x128xf32>
      %swap3A_48 = arith.constant 0 : index
      %swap3A_49 = arith.constant 0 : index
      %swap3A_50 = vector.load %arg5[%swap3A_48, %swap3A_49] : memref<8x128xf32, #tpu.memory_space<vmem>>, vector<8x128xf32>
      tpu.vector_store %arg5[%swap3A_48, %swap3A_49], %broadcast_in_dim3A_47 {strides = array<i32>} : memref<8x128xf32, #tpu.memory_space<vmem>>, vector<8x128xf32>,
    } else {
    }
    %get3A_26 = arith.constant 0 : index
    %get3A_27 = arith.constant 0 : index
    %get3A_28 = vector.load %arg5[%get3A_26, %get3A_27] : memref<8x128xf32, #tpu.memory_space<vmem>>, vector<1x128xf32>
    %reduce_sum3A = arith.constant dense<0.000000e+00> : vector<128xf32>
    %reduce_sum3A_29 = vector.multi_reduction <add>, %dot_general3A_21, %reduce_sum3A [0] : vector<2048x128xf32> to vector<128xf32>
    %broadcast_in_dim3A_30 = vector.shape_cast %reduce_sum3A_29 : vector<128xf32> to vector<1x128xf32>
    %add3A_31 = arith.addf %get3A_28, %broadcast_in_dim3A_30 : vector<1x128xf32>
    %swap3A_32 = arith.constant 0 : index
    %swap3A_33 = arith.constant 0 : index
    %swap3A_34 = vector.load %arg5[%swap3A_32, %swap3A_33] : memref<8x128xf32, #tpu.memory_space<vmem>>, vector<1x128xf32>
    tpu.vector_store %arg5[%swap3A_32, %swap3A_33], %add3A_31 {strides = array<i32>} : memref<8x128xf32, #tpu.memory_space<vmem>>, vector<1x128xf32>,
    %get3A_35 = arith.constant 1 : index
    %get3A_36 = arith.constant 0 : index
    %get3A_37 = vector.load %arg5[%get3A_35, %get3A_36] : memref<8x128xf32, #tpu.memory_space<vmem>>, vector<1x128xf32>
    %mul3A_38 = arith.mulf %dot_general3A_21, %dot_general3A_21 : vector<2048x128xf32>
    %reduce_sum3A_39 = arith.constant dense<0.000000e+00> : vector<128xf32>
    %reduce_sum3A_40 = vector.multi_reduction <add>, %mul3A_38, %reduce_sum3A_39 [0] : vector<2048x128xf32> to vector<128xf32>
    %broadcast_in_dim3A_41 = vector.shape_cast %reduce_sum3A_40 : vector<128xf32> to vector<1x128xf32>
    %add3A_42 = arith.addf %get3A_37, %broadcast_in_dim3A_41 : vector<1x128xf32>
    %swap3A_43 = arith.constant 1 : index
    %swap3A_44 = arith.constant 0 : index
    %swap3A_45 = vector.load %arg5[%swap3A_43, %swap3A_44] : memref<8x128xf32, #tpu.memory_space<vmem>>, vector<1x128xf32>
    tpu.vector_store %arg5[%swap3A_43, %swap3A_44], %add3A_42 {strides = array<i32>} : memref<8x128xf32, #tpu.memory_space<vmem>>, vector<1x128xf32>,
    return
  }
  func.func @transform_0(%arg0: i32) -> (i32, i32) {
    %c0_i32 = arith.constant 0 : i32
    %c0_i32_0 = arith.constant 0 : i32
    return %arg0, %c0_i32 : i32, i32
  }
  func.func @transform_1(%arg0: i32) -> (i32, i32) {
    %c0_i32 = arith.constant 0 : i32
    %c0_i32_0 = arith.constant 0 : i32
    %c0_i32_1 = arith.constant 0 : i32
    return %c0_i32, %c0_i32_0 : i32, i32
  }
  func.func @transform_2(%arg0: i32) -> (i32, i32) {
    %c0_i32 = arith.constant 0 : i32
    %c0_i32_0 = arith.constant 0 : i32
    %c0_i32_1 = arith.constant 0 : i32
    return %c0_i32, %c0_i32_0 : i32, i32
  }
  func.func @transform_3(%arg0: i32) -> (i32, i32) {
    %c0_i32 = arith.constant 0 : i32
    %c0_i32_0 = arith.constant 0 : i32
    return %arg0, %c0_i32 : i32, i32
  }
  func.func @transform_4(%arg0: i32) -> (i32, i32) {
    %c0_i32 = arith.constant 0 : i32
    %c0_i32_0 = arith.constant 0 : i32
    %c0_i32_1 = arith.constant 0 : i32
    return %c0_i32, %c0_i32_0 : i32, i32
  }
}

module attributes {stable_mosaic.version = 14 : i64} {
  func.func @_pass3_body(%arg0: i32, %arg1: memref<2048x128xf32, #tpu.memory_space<vmem>>, %arg2: memref<8x128xf32, #tpu.memory_space<vmem>>, %arg3: memref<2048x128xf32, #tpu.memory_space<vmem>>) attributes {dimension_semantics = [#tpu.dimension_semantics<arbitrary>], iteration_bounds = array<i64: 80>, scalar_prefetch = 0 : i64, scratch_operands = 0 : i64, tpu.core_type = #tpu.core_type<tc>, window_params = [{transform_indices = @transform_0, window_bounds = array<i64: 2048, 128>}, {pipeline_mode = #tpu.pipeline_mode<synchronous>, transform_indices = @transform_1, window_bounds = array<i64: 8, 128>}, {transform_indices = @transform_2, window_bounds = array<i64: 2048, 128>}]} {
    %get3A = arith.constant 0 : index
    %get3A_0 = arith.constant 0 : index
    %get3A_1 = vector.load %arg1[%get3A, %get3A_0] : memref<2048x128xf32, #tpu.memory_space<vmem>>, vector<2048x128xf32>
    %get3A_2 = arith.constant 0 : index
    %get3A_3 = arith.constant 0 : index
    %get3A_4 = vector.load %arg2[%get3A_2, %get3A_3] : memref<8x128xf32, #tpu.memory_space<vmem>>, vector<1x128xf32>
    %mul3A = vector.broadcast %get3A_4 : vector<1x128xf32> to vector<2048x128xf32>
    %mul3A_5 = arith.mulf %get3A_1, %mul3A : vector<2048x128xf32>
    %get3A_6 = arith.constant 1 : index
    %get3A_7 = arith.constant 0 : index
    %get3A_8 = vector.load %arg2[%get3A_6, %get3A_7] : memref<8x128xf32, #tpu.memory_space<vmem>>, vector<1x128xf32>
    %add3A = vector.broadcast %get3A_8 : vector<1x128xf32> to vector<2048x128xf32>
    %add3A_9 = arith.addf %mul3A_5, %add3A : vector<2048x128xf32>
    %max3A = arith.constant 0.000000e+00 : f32
    %max3A_10 = vector.broadcast %max3A : f32 to vector<2048x128xf32>
    %max3A_11 = arith.maximumf %add3A_9, %max3A_10 : vector<2048x128xf32>
    %iota3A = tpu.iota {dimensions = array<i32: 0>} : vector<2048x128xi32>
    %mul3A_12 = arith.constant 2048 : i32
    %mul3A_13 = arith.muli %arg0, %mul3A_12 : i32
    %add3A_14 = vector.broadcast %mul3A_13 : i32 to vector<2048x128xi32>
    %add3A_15 = arith.addi %iota3A, %add3A_14 : vector<2048x128xi32>
    %lt3A = arith.constant 160000 : i32
    %lt3A_16 = vector.broadcast %lt3A : i32 to vector<2048x128xi32>
    %lt3A_17 = arith.cmpi slt, %add3A_15, %lt3A_16 : vector<2048x128xi32>
    %jit3A = arith.constant 0.000000e+00 : f32
    %broadcast_in_dim3A = vector.broadcast %jit3A : f32 to vector<2048x128xf32>
    %select_n3A = arith.select %lt3A_17, %max3A_11, %broadcast_in_dim3A : vector<2048x128xi1>, vector<2048x128xf32>
    %swap3A = arith.constant 0 : index
    %swap3A_18 = arith.constant 0 : index
    %swap3A_19 = vector.load %arg3[%swap3A, %swap3A_18] : memref<2048x128xf32, #tpu.memory_space<vmem>>, vector<2048x128xf32>
    tpu.vector_store %arg3[%swap3A, %swap3A_18], %select_n3A {strides = array<i32>} : memref<2048x128xf32, #tpu.memory_space<vmem>>, vector<2048x128xf32>,
    return
  }
  func.func @transform_0(%arg0: i32) -> (i32, i32) {
    %c0_i32 = arith.constant 0 : i32
    %c0_i32_0 = arith.constant 0 : i32
    return %arg0, %c0_i32 : i32, i32
  }
  func.func @transform_1(%arg0: i32) -> (i32, i32) {
    %c0_i32 = arith.constant 0 : i32
    %c0_i32_0 = arith.constant 0 : i32
    %c0_i32_1 = arith.constant 0 : i32
    return %c0_i32, %c0_i32_0 : i32, i32
  }
  func.func @transform_2(%arg0: i32) -> (i32, i32) {
    %c0_i32 = arith.constant 0 : i32
    %c0_i32_0 = arith.constant 0 : i32
    return %arg0, %c0_i32 : i32, i32
  }
}

module attributes {stable_mosaic.version = 14 : i64} {
  func.func @_node_proj_body(%arg0: memref<10240x128xf32, #tpu.memory_space<vmem>>, %arg1: memref<10240x1xf32, #tpu.memory_space<vmem>>, %arg2: memref<128x128xf32, #tpu.memory_space<vmem>>, %arg3: memref<128x128xf32, #tpu.memory_space<vmem>>, %arg4: memref<10240x128xf32, #tpu.memory_space<vmem>>, %arg5: memref<10240x128xf32, #tpu.memory_space<vmem>>) attributes {dimension_semantics = [], scalar_prefetch = 0 : i64, scratch_operands = 0 : i64, tpu.core_type = #tpu.core_type<tc>} {
    %get3A = arith.constant 0 : index
    %get3A_0 = arith.constant 0 : index
    %get3A_1 = vector.load %arg0[%get3A, %get3A_0] : memref<10240x128xf32, #tpu.memory_space<vmem>>, vector<10240x128xf32>
    %get3A_2 = arith.constant 0 : index
    %get3A_3 = arith.constant 0 : index
    %get3A_4 = vector.load %arg1[%get3A_2, %get3A_3] : memref<10240x1xf32, #tpu.memory_space<vmem>>, vector<10240x1xf32>
    %max3A = arith.constant 1.000000e+00 : f32
    %max3A_5 = vector.broadcast %max3A : f32 to vector<10240x1xf32>
    %max3A_6 = arith.maximumf %get3A_4, %max3A_5 : vector<10240x1xf32>
    %div3A = vector.broadcast %max3A_6 : vector<10240x1xf32> to vector<10240x128xf32>
    %div3A_7 = arith.divf %get3A_1, %div3A : vector<10240x128xf32>
    %max3A_8 = arith.constant 0.000000e+00 : f32
    %max3A_9 = vector.broadcast %max3A_8 : f32 to vector<10240x128xf32>
    %max3A_10 = arith.maximumf %div3A_7, %max3A_9 : vector<10240x128xf32>
    %get3A_11 = arith.constant 0 : index
    %get3A_12 = arith.constant 0 : index
    %get3A_13 = vector.load %arg2[%get3A_11, %get3A_12] : memref<128x128xf32, #tpu.memory_space<vmem>>, vector<128x128xf32>
    %dot_general3A = arith.constant dense<0.000000e+00> : vector<10240x128xf32>
    %dot_general3A_14 = tpu.matmul %max3A_10, %get3A_13, %dot_general3A {dimension_numbers = #tpu.dot_dimension_numbers<[1], [0], [0], [1], [0, 0, 1, 1], [], []>, transpose_lhs_hint = false} : vector<10240x128xf32>, vector<128x128xf32>, vector<10240x128xf32> -> vector<10240x128xf32>
    %swap3A = arith.constant 0 : index
    %swap3A_15 = arith.constant 0 : index
    %swap3A_16 = vector.load %arg4[%swap3A, %swap3A_15] : memref<10240x128xf32, #tpu.memory_space<vmem>>, vector<10240x128xf32>
    tpu.vector_store %arg4[%swap3A, %swap3A_15], %dot_general3A_14 {strides = array<i32>} : memref<10240x128xf32, #tpu.memory_space<vmem>>, vector<10240x128xf32>,
    %get3A_17 = arith.constant 0 : index
    %get3A_18 = arith.constant 0 : index
    %get3A_19 = vector.load %arg3[%get3A_17, %get3A_18] : memref<128x128xf32, #tpu.memory_space<vmem>>, vector<128x128xf32>
    %dot_general3A_20 = arith.constant dense<0.000000e+00> : vector<10240x128xf32>
    %dot_general3A_21 = tpu.matmul %max3A_10, %get3A_19, %dot_general3A_20 {dimension_numbers = #tpu.dot_dimension_numbers<[1], [0], [0], [1], [0, 0, 1, 1], [], []>, transpose_lhs_hint = false} : vector<10240x128xf32>, vector<128x128xf32>, vector<10240x128xf32> -> vector<10240x128xf32>
    %swap3A_22 = arith.constant 0 : index
    %swap3A_23 = arith.constant 0 : index
    %swap3A_24 = vector.load %arg5[%swap3A_22, %swap3A_23] : memref<10240x128xf32, #tpu.memory_space<vmem>>, vector<10240x128xf32>
    tpu.vector_store %arg5[%swap3A_22, %swap3A_23], %dot_general3A_21 {strides = array<i32>} : memref<10240x128xf32, #tpu.memory_space<vmem>>, vector<10240x128xf32>,
    return
  }
}

module attributes {stable_mosaic.version = 14 : i64} {
  func.func @_node_proj_body(%arg0: memref<10240x128xf32, #tpu.memory_space<vmem>>, %arg1: memref<10240x1xf32, #tpu.memory_space<vmem>>, %arg2: memref<128x256xf32, #tpu.memory_space<vmem>>, %arg3: memref<128x256xf32, #tpu.memory_space<vmem>>, %arg4: memref<10240x256xf32, #tpu.memory_space<vmem>>, %arg5: memref<10240x256xf32, #tpu.memory_space<vmem>>) attributes {dimension_semantics = [], scalar_prefetch = 0 : i64, scratch_operands = 0 : i64, tpu.core_type = #tpu.core_type<tc>} {
    %get3A = arith.constant 0 : index
    %get3A_0 = arith.constant 0 : index
    %get3A_1 = vector.load %arg0[%get3A, %get3A_0] : memref<10240x128xf32, #tpu.memory_space<vmem>>, vector<10240x128xf32>
    %get3A_2 = arith.constant 0 : index
    %get3A_3 = arith.constant 0 : index
    %get3A_4 = vector.load %arg1[%get3A_2, %get3A_3] : memref<10240x1xf32, #tpu.memory_space<vmem>>, vector<10240x1xf32>
    %max3A = arith.constant 1.000000e+00 : f32
    %max3A_5 = vector.broadcast %max3A : f32 to vector<10240x1xf32>
    %max3A_6 = arith.maximumf %get3A_4, %max3A_5 : vector<10240x1xf32>
    %div3A = vector.broadcast %max3A_6 : vector<10240x1xf32> to vector<10240x128xf32>
    %div3A_7 = arith.divf %get3A_1, %div3A : vector<10240x128xf32>
    %max3A_8 = arith.constant 0.000000e+00 : f32
    %max3A_9 = vector.broadcast %max3A_8 : f32 to vector<10240x128xf32>
    %max3A_10 = arith.maximumf %div3A_7, %max3A_9 : vector<10240x128xf32>
    %get3A_11 = arith.constant 0 : index
    %get3A_12 = arith.constant 0 : index
    %get3A_13 = vector.load %arg2[%get3A_11, %get3A_12] : memref<128x256xf32, #tpu.memory_space<vmem>>, vector<128x256xf32>
    %dot_general3A = arith.constant dense<0.000000e+00> : vector<10240x256xf32>
    %dot_general3A_14 = tpu.matmul %max3A_10, %get3A_13, %dot_general3A {dimension_numbers = #tpu.dot_dimension_numbers<[1], [0], [0], [1], [0, 0, 1, 1], [], []>, transpose_lhs_hint = false} : vector<10240x128xf32>, vector<128x256xf32>, vector<10240x256xf32> -> vector<10240x256xf32>
    %swap3A = arith.constant 0 : index
    %swap3A_15 = arith.constant 0 : index
    %swap3A_16 = vector.load %arg4[%swap3A, %swap3A_15] : memref<10240x256xf32, #tpu.memory_space<vmem>>, vector<10240x256xf32>
    tpu.vector_store %arg4[%swap3A, %swap3A_15], %dot_general3A_14 {strides = array<i32>} : memref<10240x256xf32, #tpu.memory_space<vmem>>, vector<10240x256xf32>,
    %get3A_17 = arith.constant 0 : index
    %get3A_18 = arith.constant 0 : index
    %get3A_19 = vector.load %arg3[%get3A_17, %get3A_18] : memref<128x256xf32, #tpu.memory_space<vmem>>, vector<128x256xf32>
    %dot_general3A_20 = arith.constant dense<0.000000e+00> : vector<10240x256xf32>
    %dot_general3A_21 = tpu.matmul %max3A_10, %get3A_19, %dot_general3A_20 {dimension_numbers = #tpu.dot_dimension_numbers<[1], [0], [0], [1], [0, 0, 1, 1], [], []>, transpose_lhs_hint = false} : vector<10240x128xf32>, vector<128x256xf32>, vector<10240x256xf32> -> vector<10240x256xf32>
    %swap3A_22 = arith.constant 0 : index
    %swap3A_23 = arith.constant 0 : index
    %swap3A_24 = vector.load %arg5[%swap3A_22, %swap3A_23] : memref<10240x256xf32, #tpu.memory_space<vmem>>, vector<10240x256xf32>
    tpu.vector_store %arg5[%swap3A_22, %swap3A_23], %dot_general3A_21 {strides = array<i32>} : memref<10240x256xf32, #tpu.memory_space<vmem>>, vector<10240x256xf32>,
    return
  }
}

module attributes {stable_mosaic.version = 14 : i64} {
  func.func @_pass0_body(%arg0: i32, %arg1: memref<2048x256xf32, #tpu.memory_space<vmem>>, %arg2: memref<2048x256xf32, #tpu.memory_space<vmem>>, %arg3: memref<8x256xf32, #tpu.memory_space<vmem>>) attributes {dimension_semantics = [#tpu.dimension_semantics<arbitrary>], iteration_bounds = array<i64: 80>, scalar_prefetch = 0 : i64, scratch_operands = 0 : i64, tpu.core_type = #tpu.core_type<tc>, window_params = [{transform_indices = @transform_0, window_bounds = array<i64: 2048, 256>}, {transform_indices = @transform_1, window_bounds = array<i64: 2048, 256>}, {pipeline_mode = #tpu.pipeline_mode<synchronous>, transform_indices = @transform_2, window_bounds = array<i64: 8, 256>}]} {
    %get3A = arith.constant 0 : index
    %get3A_0 = arith.constant 0 : index
    %get3A_1 = vector.load %arg1[%get3A, %get3A_0] : memref<2048x256xf32, #tpu.memory_space<vmem>>, vector<2048x256xf32>
    %get3A_2 = arith.constant 0 : index
    %get3A_3 = arith.constant 0 : index
    %get3A_4 = vector.load %arg2[%get3A_2, %get3A_3] : memref<2048x256xf32, #tpu.memory_space<vmem>>, vector<2048x256xf32>
    %add3A = arith.addf %get3A_1, %get3A_4 : vector<2048x256xf32>
    %eq3A = arith.constant 0 : i32
    %eq3A_5 = arith.cmpi eq, %arg0, %eq3A : i32
    %convert_element_type3A = arith.extui %eq3A_5 : i1 to i32
    %cond3A = arith.constant 0 : i32
    %cond3A_6 = arith.cmpi ne, %convert_element_type3A, %cond3A : i32
    scf.if %cond3A_6 {
      %broadcast_in_dim3A_24 = arith.constant 0.000000e+00 : f32
      %broadcast_in_dim3A_25 = vector.broadcast %broadcast_in_dim3A_24 : f32 to vector<8x256xf32>
      %swap3A_26 = arith.constant 0 : index
      %swap3A_27 = arith.constant 0 : index
      %swap3A_28 = vector.load %arg3[%swap3A_26, %swap3A_27] : memref<8x256xf32, #tpu.memory_space<vmem>>, vector<8x256xf32>
      tpu.vector_store %arg3[%swap3A_26, %swap3A_27], %broadcast_in_dim3A_25 {strides = array<i32>} : memref<8x256xf32, #tpu.memory_space<vmem>>, vector<8x256xf32>,
    } else {
    }
    %get3A_7 = arith.constant 0 : index
    %get3A_8 = arith.constant 0 : index
    %get3A_9 = vector.load %arg3[%get3A_7, %get3A_8] : memref<8x256xf32, #tpu.memory_space<vmem>>, vector<1x256xf32>
    %reduce_sum3A = arith.constant dense<0.000000e+00> : vector<256xf32>
    %reduce_sum3A_10 = vector.multi_reduction <add>, %add3A, %reduce_sum3A [0] : vector<2048x256xf32> to vector<256xf32>
    %broadcast_in_dim3A = vector.shape_cast %reduce_sum3A_10 : vector<256xf32> to vector<1x256xf32>
    %add3A_11 = arith.addf %get3A_9, %broadcast_in_dim3A : vector<1x256xf32>
    %swap3A = arith.constant 0 : index
    %swap3A_12 = arith.constant 0 : index
    %swap3A_13 = vector.load %arg3[%swap3A, %swap3A_12] : memref<8x256xf32, #tpu.memory_space<vmem>>, vector<1x256xf32>
    tpu.vector_store %arg3[%swap3A, %swap3A_12], %add3A_11 {strides = array<i32>} : memref<8x256xf32, #tpu.memory_space<vmem>>, vector<1x256xf32>,
    %get3A_14 = arith.constant 1 : index
    %get3A_15 = arith.constant 0 : index
    %get3A_16 = vector.load %arg3[%get3A_14, %get3A_15] : memref<8x256xf32, #tpu.memory_space<vmem>>, vector<1x256xf32>
    %mul3A = arith.mulf %add3A, %add3A : vector<2048x256xf32>
    %reduce_sum3A_17 = arith.constant dense<0.000000e+00> : vector<256xf32>
    %reduce_sum3A_18 = vector.multi_reduction <add>, %mul3A, %reduce_sum3A_17 [0] : vector<2048x256xf32> to vector<256xf32>
    %broadcast_in_dim3A_19 = vector.shape_cast %reduce_sum3A_18 : vector<256xf32> to vector<1x256xf32>
    %add3A_20 = arith.addf %get3A_16, %broadcast_in_dim3A_19 : vector<1x256xf32>
    %swap3A_21 = arith.constant 1 : index
    %swap3A_22 = arith.constant 0 : index
    %swap3A_23 = vector.load %arg3[%swap3A_21, %swap3A_22] : memref<8x256xf32, #tpu.memory_space<vmem>>, vector<1x256xf32>
    tpu.vector_store %arg3[%swap3A_21, %swap3A_22], %add3A_20 {strides = array<i32>} : memref<8x256xf32, #tpu.memory_space<vmem>>, vector<1x256xf32>,
    return
  }
  func.func @transform_0(%arg0: i32) -> (i32, i32) {
    %c0_i32 = arith.constant 0 : i32
    %c0_i32_0 = arith.constant 0 : i32
    return %arg0, %c0_i32 : i32, i32
  }
  func.func @transform_1(%arg0: i32) -> (i32, i32) {
    %c0_i32 = arith.constant 0 : i32
    %c0_i32_0 = arith.constant 0 : i32
    return %arg0, %c0_i32 : i32, i32
  }
  func.func @transform_2(%arg0: i32) -> (i32, i32) {
    %c0_i32 = arith.constant 0 : i32
    %c0_i32_0 = arith.constant 0 : i32
    %c0_i32_1 = arith.constant 0 : i32
    return %c0_i32, %c0_i32_0 : i32, i32
  }
}

module attributes {stable_mosaic.version = 14 : i64} {
  func.func @_passmm_two_body(%arg0: i32, %arg1: memref<2048x256xf32, #tpu.memory_space<vmem>>, %arg2: memref<2048x256xf32, #tpu.memory_space<vmem>>, %arg3: memref<8x256xf32, #tpu.memory_space<vmem>>, %arg4: memref<256x256xf32, #tpu.memory_space<vmem>>, %arg5: memref<2048x256xf32, #tpu.memory_space<vmem>>, %arg6: memref<8x256xf32, #tpu.memory_space<vmem>>) attributes {dimension_semantics = [#tpu.dimension_semantics<arbitrary>], iteration_bounds = array<i64: 80>, scalar_prefetch = 0 : i64, scratch_operands = 0 : i64, tpu.core_type = #tpu.core_type<tc>, window_params = [{transform_indices = @transform_0, window_bounds = array<i64: 2048, 256>}, {transform_indices = @transform_1, window_bounds = array<i64: 2048, 256>}, {pipeline_mode = #tpu.pipeline_mode<synchronous>, transform_indices = @transform_2, window_bounds = array<i64: 8, 256>}, {pipeline_mode = #tpu.pipeline_mode<synchronous>, transform_indices = @transform_3, window_bounds = array<i64: 256, 256>}, {transform_indices = @transform_4, window_bounds = array<i64: 2048, 256>}, {pipeline_mode = #tpu.pipeline_mode<synchronous>, transform_indices = @transform_5, window_bounds = array<i64: 8, 256>}]} {
    %get3A = arith.constant 0 : index
    %get3A_0 = arith.constant 0 : index
    %get3A_1 = vector.load %arg1[%get3A, %get3A_0] : memref<2048x256xf32, #tpu.memory_space<vmem>>, vector<2048x256xf32>
    %get3A_2 = arith.constant 0 : index
    %get3A_3 = arith.constant 0 : index
    %get3A_4 = vector.load %arg2[%get3A_2, %get3A_3] : memref<2048x256xf32, #tpu.memory_space<vmem>>, vector<2048x256xf32>
    %add3A = arith.addf %get3A_1, %get3A_4 : vector<2048x256xf32>
    %get3A_5 = arith.constant 0 : index
    %get3A_6 = arith.constant 0 : index
    %get3A_7 = vector.load %arg3[%get3A_5, %get3A_6] : memref<8x256xf32, #tpu.memory_space<vmem>>, vector<1x256xf32>
    %mul3A = vector.broadcast %get3A_7 : vector<1x256xf32> to vector<2048x256xf32>
    %mul3A_8 = arith.mulf %add3A, %mul3A : vector<2048x256xf32>
    %get3A_9 = arith.constant 1 : index
    %get3A_10 = arith.constant 0 : index
    %get3A_11 = vector.load %arg3[%get3A_9, %get3A_10] : memref<8x256xf32, #tpu.memory_space<vmem>>, vector<1x256xf32>
    %add3A_12 = vector.broadcast %get3A_11 : vector<1x256xf32> to vector<2048x256xf32>
    %add3A_13 = arith.addf %mul3A_8, %add3A_12 : vector<2048x256xf32>
    %max3A = arith.constant 0.000000e+00 : f32
    %max3A_14 = vector.broadcast %max3A : f32 to vector<2048x256xf32>
    %max3A_15 = arith.maximumf %add3A_13, %max3A_14 : vector<2048x256xf32>
    %iota3A = tpu.iota {dimensions = array<i32: 0>} : vector<2048x256xi32>
    %mul3A_16 = arith.constant 2048 : i32
    %mul3A_17 = arith.muli %arg0, %mul3A_16 : i32
    %add3A_18 = vector.broadcast %mul3A_17 : i32 to vector<2048x256xi32>
    %add3A_19 = arith.addi %iota3A, %add3A_18 : vector<2048x256xi32>
    %lt3A = arith.constant 160000 : i32
    %lt3A_20 = vector.broadcast %lt3A : i32 to vector<2048x256xi32>
    %lt3A_21 = arith.cmpi slt, %add3A_19, %lt3A_20 : vector<2048x256xi32>
    %jit3A = arith.constant 0.000000e+00 : f32
    %broadcast_in_dim3A = vector.broadcast %jit3A : f32 to vector<2048x256xf32>
    %select_n3A = arith.select %lt3A_21, %max3A_15, %broadcast_in_dim3A : vector<2048x256xi1>, vector<2048x256xf32>
    %get3A_22 = arith.constant 0 : index
    %get3A_23 = arith.constant 0 : index
    %get3A_24 = vector.load %arg4[%get3A_22, %get3A_23] : memref<256x256xf32, #tpu.memory_space<vmem>>, vector<256x256xf32>
    %dot_general3A = arith.constant dense<0.000000e+00> : vector<2048x256xf32>
    %dot_general3A_25 = tpu.matmul %select_n3A, %get3A_24, %dot_general3A {dimension_numbers = #tpu.dot_dimension_numbers<[1], [0], [0], [1], [0, 0, 1, 1], [], []>, transpose_lhs_hint = false} : vector<2048x256xf32>, vector<256x256xf32>, vector<2048x256xf32> -> vector<2048x256xf32>
    %swap3A = arith.constant 0 : index
    %swap3A_26 = arith.constant 0 : index
    %swap3A_27 = vector.load %arg5[%swap3A, %swap3A_26] : memref<2048x256xf32, #tpu.memory_space<vmem>>, vector<2048x256xf32>
    tpu.vector_store %arg5[%swap3A, %swap3A_26], %dot_general3A_25 {strides = array<i32>} : memref<2048x256xf32, #tpu.memory_space<vmem>>, vector<2048x256xf32>,
    %eq3A = arith.constant 0 : i32
    %eq3A_28 = arith.cmpi eq, %arg0, %eq3A : i32
    %convert_element_type3A = arith.extui %eq3A_28 : i1 to i32
    %cond3A = arith.constant 0 : i32
    %cond3A_29 = arith.cmpi ne, %convert_element_type3A, %cond3A : i32
    scf.if %cond3A_29 {
      %broadcast_in_dim3A_50 = arith.constant 0.000000e+00 : f32
      %broadcast_in_dim3A_51 = vector.broadcast %broadcast_in_dim3A_50 : f32 to vector<8x256xf32>
      %swap3A_52 = arith.constant 0 : index
      %swap3A_53 = arith.constant 0 : index
      %swap3A_54 = vector.load %arg6[%swap3A_52, %swap3A_53] : memref<8x256xf32, #tpu.memory_space<vmem>>, vector<8x256xf32>
      tpu.vector_store %arg6[%swap3A_52, %swap3A_53], %broadcast_in_dim3A_51 {strides = array<i32>} : memref<8x256xf32, #tpu.memory_space<vmem>>, vector<8x256xf32>,
    } else {
    }
    %get3A_30 = arith.constant 0 : index
    %get3A_31 = arith.constant 0 : index
    %get3A_32 = vector.load %arg6[%get3A_30, %get3A_31] : memref<8x256xf32, #tpu.memory_space<vmem>>, vector<1x256xf32>
    %reduce_sum3A = arith.constant dense<0.000000e+00> : vector<256xf32>
    %reduce_sum3A_33 = vector.multi_reduction <add>, %dot_general3A_25, %reduce_sum3A [0] : vector<2048x256xf32> to vector<256xf32>
    %broadcast_in_dim3A_34 = vector.shape_cast %reduce_sum3A_33 : vector<256xf32> to vector<1x256xf32>
    %add3A_35 = arith.addf %get3A_32, %broadcast_in_dim3A_34 : vector<1x256xf32>
    %swap3A_36 = arith.constant 0 : index
    %swap3A_37 = arith.constant 0 : index
    %swap3A_38 = vector.load %arg6[%swap3A_36, %swap3A_37] : memref<8x256xf32, #tpu.memory_space<vmem>>, vector<1x256xf32>
    tpu.vector_store %arg6[%swap3A_36, %swap3A_37], %add3A_35 {strides = array<i32>} : memref<8x256xf32, #tpu.memory_space<vmem>>, vector<1x256xf32>,
    %get3A_39 = arith.constant 1 : index
    %get3A_40 = arith.constant 0 : index
    %get3A_41 = vector.load %arg6[%get3A_39, %get3A_40] : memref<8x256xf32, #tpu.memory_space<vmem>>, vector<1x256xf32>
    %mul3A_42 = arith.mulf %dot_general3A_25, %dot_general3A_25 : vector<2048x256xf32>
    %reduce_sum3A_43 = arith.constant dense<0.000000e+00> : vector<256xf32>
    %reduce_sum3A_44 = vector.multi_reduction <add>, %mul3A_42, %reduce_sum3A_43 [0] : vector<2048x256xf32> to vector<256xf32>
    %broadcast_in_dim3A_45 = vector.shape_cast %reduce_sum3A_44 : vector<256xf32> to vector<1x256xf32>
    %add3A_46 = arith.addf %get3A_41, %broadcast_in_dim3A_45 : vector<1x256xf32>
    %swap3A_47 = arith.constant 1 : index
    %swap3A_48 = arith.constant 0 : index
    %swap3A_49 = vector.load %arg6[%swap3A_47, %swap3A_48] : memref<8x256xf32, #tpu.memory_space<vmem>>, vector<1x256xf32>
    tpu.vector_store %arg6[%swap3A_47, %swap3A_48], %add3A_46 {strides = array<i32>} : memref<8x256xf32, #tpu.memory_space<vmem>>, vector<1x256xf32>,
    return
  }
  func.func @transform_0(%arg0: i32) -> (i32, i32) {
    %c0_i32 = arith.constant 0 : i32
    %c0_i32_0 = arith.constant 0 : i32
    return %arg0, %c0_i32 : i32, i32
  }
  func.func @transform_1(%arg0: i32) -> (i32, i32) {
    %c0_i32 = arith.constant 0 : i32
    %c0_i32_0 = arith.constant 0 : i32
    return %arg0, %c0_i32 : i32, i32
  }
  func.func @transform_2(%arg0: i32) -> (i32, i32) {
    %c0_i32 = arith.constant 0 : i32
    %c0_i32_0 = arith.constant 0 : i32
    %c0_i32_1 = arith.constant 0 : i32
    return %c0_i32, %c0_i32_0 : i32, i32
  }
  func.func @transform_3(%arg0: i32) -> (i32, i32) {
    %c0_i32 = arith.constant 0 : i32
    %c0_i32_0 = arith.constant 0 : i32
    %c0_i32_1 = arith.constant 0 : i32
    return %c0_i32, %c0_i32_0 : i32, i32
  }
  func.func @transform_4(%arg0: i32) -> (i32, i32) {
    %c0_i32 = arith.constant 0 : i32
    %c0_i32_0 = arith.constant 0 : i32
    return %arg0, %c0_i32 : i32, i32
  }
  func.func @transform_5(%arg0: i32) -> (i32, i32) {
    %c0_i32 = arith.constant 0 : i32
    %c0_i32_0 = arith.constant 0 : i32
    %c0_i32_1 = arith.constant 0 : i32
    return %c0_i32, %c0_i32_0 : i32, i32
  }
}

module attributes {stable_mosaic.version = 14 : i64} {
  func.func @_passmm_one_body(%arg0: i32, %arg1: memref<2048x256xf32, #tpu.memory_space<vmem>>, %arg2: memref<8x256xf32, #tpu.memory_space<vmem>>, %arg3: memref<256x256xf32, #tpu.memory_space<vmem>>, %arg4: memref<2048x256xf32, #tpu.memory_space<vmem>>, %arg5: memref<8x256xf32, #tpu.memory_space<vmem>>) attributes {dimension_semantics = [#tpu.dimension_semantics<arbitrary>], iteration_bounds = array<i64: 80>, scalar_prefetch = 0 : i64, scratch_operands = 0 : i64, tpu.core_type = #tpu.core_type<tc>, window_params = [{transform_indices = @transform_0, window_bounds = array<i64: 2048, 256>}, {pipeline_mode = #tpu.pipeline_mode<synchronous>, transform_indices = @transform_1, window_bounds = array<i64: 8, 256>}, {pipeline_mode = #tpu.pipeline_mode<synchronous>, transform_indices = @transform_2, window_bounds = array<i64: 256, 256>}, {transform_indices = @transform_3, window_bounds = array<i64: 2048, 256>}, {pipeline_mode = #tpu.pipeline_mode<synchronous>, transform_indices = @transform_4, window_bounds = array<i64: 8, 256>}]} {
    %get3A = arith.constant 0 : index
    %get3A_0 = arith.constant 0 : index
    %get3A_1 = vector.load %arg1[%get3A, %get3A_0] : memref<2048x256xf32, #tpu.memory_space<vmem>>, vector<2048x256xf32>
    %get3A_2 = arith.constant 0 : index
    %get3A_3 = arith.constant 0 : index
    %get3A_4 = vector.load %arg2[%get3A_2, %get3A_3] : memref<8x256xf32, #tpu.memory_space<vmem>>, vector<1x256xf32>
    %mul3A = vector.broadcast %get3A_4 : vector<1x256xf32> to vector<2048x256xf32>
    %mul3A_5 = arith.mulf %get3A_1, %mul3A : vector<2048x256xf32>
    %get3A_6 = arith.constant 1 : index
    %get3A_7 = arith.constant 0 : index
    %get3A_8 = vector.load %arg2[%get3A_6, %get3A_7] : memref<8x256xf32, #tpu.memory_space<vmem>>, vector<1x256xf32>
    %add3A = vector.broadcast %get3A_8 : vector<1x256xf32> to vector<2048x256xf32>
    %add3A_9 = arith.addf %mul3A_5, %add3A : vector<2048x256xf32>
    %max3A = arith.constant 0.000000e+00 : f32
    %max3A_10 = vector.broadcast %max3A : f32 to vector<2048x256xf32>
    %max3A_11 = arith.maximumf %add3A_9, %max3A_10 : vector<2048x256xf32>
    %iota3A = tpu.iota {dimensions = array<i32: 0>} : vector<2048x256xi32>
    %mul3A_12 = arith.constant 2048 : i32
    %mul3A_13 = arith.muli %arg0, %mul3A_12 : i32
    %add3A_14 = vector.broadcast %mul3A_13 : i32 to vector<2048x256xi32>
    %add3A_15 = arith.addi %iota3A, %add3A_14 : vector<2048x256xi32>
    %lt3A = arith.constant 160000 : i32
    %lt3A_16 = vector.broadcast %lt3A : i32 to vector<2048x256xi32>
    %lt3A_17 = arith.cmpi slt, %add3A_15, %lt3A_16 : vector<2048x256xi32>
    %jit3A = arith.constant 0.000000e+00 : f32
    %broadcast_in_dim3A = vector.broadcast %jit3A : f32 to vector<2048x256xf32>
    %select_n3A = arith.select %lt3A_17, %max3A_11, %broadcast_in_dim3A : vector<2048x256xi1>, vector<2048x256xf32>
    %get3A_18 = arith.constant 0 : index
    %get3A_19 = arith.constant 0 : index
    %get3A_20 = vector.load %arg3[%get3A_18, %get3A_19] : memref<256x256xf32, #tpu.memory_space<vmem>>, vector<256x256xf32>
    %dot_general3A = arith.constant dense<0.000000e+00> : vector<2048x256xf32>
    %dot_general3A_21 = tpu.matmul %select_n3A, %get3A_20, %dot_general3A {dimension_numbers = #tpu.dot_dimension_numbers<[1], [0], [0], [1], [0, 0, 1, 1], [], []>, transpose_lhs_hint = false} : vector<2048x256xf32>, vector<256x256xf32>, vector<2048x256xf32> -> vector<2048x256xf32>
    %swap3A = arith.constant 0 : index
    %swap3A_22 = arith.constant 0 : index
    %swap3A_23 = vector.load %arg4[%swap3A, %swap3A_22] : memref<2048x256xf32, #tpu.memory_space<vmem>>, vector<2048x256xf32>
    tpu.vector_store %arg4[%swap3A, %swap3A_22], %dot_general3A_21 {strides = array<i32>} : memref<2048x256xf32, #tpu.memory_space<vmem>>, vector<2048x256xf32>,
    %eq3A = arith.constant 0 : i32
    %eq3A_24 = arith.cmpi eq, %arg0, %eq3A : i32
    %convert_element_type3A = arith.extui %eq3A_24 : i1 to i32
    %cond3A = arith.constant 0 : i32
    %cond3A_25 = arith.cmpi ne, %convert_element_type3A, %cond3A : i32
    scf.if %cond3A_25 {
      %broadcast_in_dim3A_46 = arith.constant 0.000000e+00 : f32
      %broadcast_in_dim3A_47 = vector.broadcast %broadcast_in_dim3A_46 : f32 to vector<8x256xf32>
      %swap3A_48 = arith.constant 0 : index
      %swap3A_49 = arith.constant 0 : index
      %swap3A_50 = vector.load %arg5[%swap3A_48, %swap3A_49] : memref<8x256xf32, #tpu.memory_space<vmem>>, vector<8x256xf32>
      tpu.vector_store %arg5[%swap3A_48, %swap3A_49], %broadcast_in_dim3A_47 {strides = array<i32>} : memref<8x256xf32, #tpu.memory_space<vmem>>, vector<8x256xf32>,
    } else {
    }
    %get3A_26 = arith.constant 0 : index
    %get3A_27 = arith.constant 0 : index
    %get3A_28 = vector.load %arg5[%get3A_26, %get3A_27] : memref<8x256xf32, #tpu.memory_space<vmem>>, vector<1x256xf32>
    %reduce_sum3A = arith.constant dense<0.000000e+00> : vector<256xf32>
    %reduce_sum3A_29 = vector.multi_reduction <add>, %dot_general3A_21, %reduce_sum3A [0] : vector<2048x256xf32> to vector<256xf32>
    %broadcast_in_dim3A_30 = vector.shape_cast %reduce_sum3A_29 : vector<256xf32> to vector<1x256xf32>
    %add3A_31 = arith.addf %get3A_28, %broadcast_in_dim3A_30 : vector<1x256xf32>
    %swap3A_32 = arith.constant 0 : index
    %swap3A_33 = arith.constant 0 : index
    %swap3A_34 = vector.load %arg5[%swap3A_32, %swap3A_33] : memref<8x256xf32, #tpu.memory_space<vmem>>, vector<1x256xf32>
    tpu.vector_store %arg5[%swap3A_32, %swap3A_33], %add3A_31 {strides = array<i32>} : memref<8x256xf32, #tpu.memory_space<vmem>>, vector<1x256xf32>,
    %get3A_35 = arith.constant 1 : index
    %get3A_36 = arith.constant 0 : index
    %get3A_37 = vector.load %arg5[%get3A_35, %get3A_36] : memref<8x256xf32, #tpu.memory_space<vmem>>, vector<1x256xf32>
    %mul3A_38 = arith.mulf %dot_general3A_21, %dot_general3A_21 : vector<2048x256xf32>
    %reduce_sum3A_39 = arith.constant dense<0.000000e+00> : vector<256xf32>
    %reduce_sum3A_40 = vector.multi_reduction <add>, %mul3A_38, %reduce_sum3A_39 [0] : vector<2048x256xf32> to vector<256xf32>
    %broadcast_in_dim3A_41 = vector.shape_cast %reduce_sum3A_40 : vector<256xf32> to vector<1x256xf32>
    %add3A_42 = arith.addf %get3A_37, %broadcast_in_dim3A_41 : vector<1x256xf32>
    %swap3A_43 = arith.constant 1 : index
    %swap3A_44 = arith.constant 0 : index
    %swap3A_45 = vector.load %arg5[%swap3A_43, %swap3A_44] : memref<8x256xf32, #tpu.memory_space<vmem>>, vector<1x256xf32>
    tpu.vector_store %arg5[%swap3A_43, %swap3A_44], %add3A_42 {strides = array<i32>} : memref<8x256xf32, #tpu.memory_space<vmem>>, vector<1x256xf32>,
    return
  }
  func.func @transform_0(%arg0: i32) -> (i32, i32) {
    %c0_i32 = arith.constant 0 : i32
    %c0_i32_0 = arith.constant 0 : i32
    return %arg0, %c0_i32 : i32, i32
  }
  func.func @transform_1(%arg0: i32) -> (i32, i32) {
    %c0_i32 = arith.constant 0 : i32
    %c0_i32_0 = arith.constant 0 : i32
    %c0_i32_1 = arith.constant 0 : i32
    return %c0_i32, %c0_i32_0 : i32, i32
  }
  func.func @transform_2(%arg0: i32) -> (i32, i32) {
    %c0_i32 = arith.constant 0 : i32
    %c0_i32_0 = arith.constant 0 : i32
    %c0_i32_1 = arith.constant 0 : i32
    return %c0_i32, %c0_i32_0 : i32, i32
  }
  func.func @transform_3(%arg0: i32) -> (i32, i32) {
    %c0_i32 = arith.constant 0 : i32
    %c0_i32_0 = arith.constant 0 : i32
    return %arg0, %c0_i32 : i32, i32
  }
  func.func @transform_4(%arg0: i32) -> (i32, i32) {
    %c0_i32 = arith.constant 0 : i32
    %c0_i32_0 = arith.constant 0 : i32
    %c0_i32_1 = arith.constant 0 : i32
    return %c0_i32, %c0_i32_0 : i32, i32
  }
}

module attributes {stable_mosaic.version = 14 : i64} {
  func.func @_pass3_body(%arg0: i32, %arg1: memref<2048x256xf32, #tpu.memory_space<vmem>>, %arg2: memref<8x256xf32, #tpu.memory_space<vmem>>, %arg3: memref<2048x256xf32, #tpu.memory_space<vmem>>) attributes {dimension_semantics = [#tpu.dimension_semantics<arbitrary>], iteration_bounds = array<i64: 80>, scalar_prefetch = 0 : i64, scratch_operands = 0 : i64, tpu.core_type = #tpu.core_type<tc>, window_params = [{transform_indices = @transform_0, window_bounds = array<i64: 2048, 256>}, {pipeline_mode = #tpu.pipeline_mode<synchronous>, transform_indices = @transform_1, window_bounds = array<i64: 8, 256>}, {transform_indices = @transform_2, window_bounds = array<i64: 2048, 256>}]} {
    %get3A = arith.constant 0 : index
    %get3A_0 = arith.constant 0 : index
    %get3A_1 = vector.load %arg1[%get3A, %get3A_0] : memref<2048x256xf32, #tpu.memory_space<vmem>>, vector<2048x256xf32>
    %get3A_2 = arith.constant 0 : index
    %get3A_3 = arith.constant 0 : index
    %get3A_4 = vector.load %arg2[%get3A_2, %get3A_3] : memref<8x256xf32, #tpu.memory_space<vmem>>, vector<1x256xf32>
    %mul3A = vector.broadcast %get3A_4 : vector<1x256xf32> to vector<2048x256xf32>
    %mul3A_5 = arith.mulf %get3A_1, %mul3A : vector<2048x256xf32>
    %get3A_6 = arith.constant 1 : index
    %get3A_7 = arith.constant 0 : index
    %get3A_8 = vector.load %arg2[%get3A_6, %get3A_7] : memref<8x256xf32, #tpu.memory_space<vmem>>, vector<1x256xf32>
    %add3A = vector.broadcast %get3A_8 : vector<1x256xf32> to vector<2048x256xf32>
    %add3A_9 = arith.addf %mul3A_5, %add3A : vector<2048x256xf32>
    %max3A = arith.constant 0.000000e+00 : f32
    %max3A_10 = vector.broadcast %max3A : f32 to vector<2048x256xf32>
    %max3A_11 = arith.maximumf %add3A_9, %max3A_10 : vector<2048x256xf32>
    %iota3A = tpu.iota {dimensions = array<i32: 0>} : vector<2048x256xi32>
    %mul3A_12 = arith.constant 2048 : i32
    %mul3A_13 = arith.muli %arg0, %mul3A_12 : i32
    %add3A_14 = vector.broadcast %mul3A_13 : i32 to vector<2048x256xi32>
    %add3A_15 = arith.addi %iota3A, %add3A_14 : vector<2048x256xi32>
    %lt3A = arith.constant 160000 : i32
    %lt3A_16 = vector.broadcast %lt3A : i32 to vector<2048x256xi32>
    %lt3A_17 = arith.cmpi slt, %add3A_15, %lt3A_16 : vector<2048x256xi32>
    %jit3A = arith.constant 0.000000e+00 : f32
    %broadcast_in_dim3A = vector.broadcast %jit3A : f32 to vector<2048x256xf32>
    %select_n3A = arith.select %lt3A_17, %max3A_11, %broadcast_in_dim3A : vector<2048x256xi1>, vector<2048x256xf32>
    %swap3A = arith.constant 0 : index
    %swap3A_18 = arith.constant 0 : index
    %swap3A_19 = vector.load %arg3[%swap3A, %swap3A_18] : memref<2048x256xf32, #tpu.memory_space<vmem>>, vector<2048x256xf32>
    tpu.vector_store %arg3[%swap3A, %swap3A_18], %select_n3A {strides = array<i32>} : memref<2048x256xf32, #tpu.memory_space<vmem>>, vector<2048x256xf32>,
    return
  }
  func.func @transform_0(%arg0: i32) -> (i32, i32) {
    %c0_i32 = arith.constant 0 : i32
    %c0_i32_0 = arith.constant 0 : i32
    return %arg0, %c0_i32 : i32, i32
  }
  func.func @transform_1(%arg0: i32) -> (i32, i32) {
    %c0_i32 = arith.constant 0 : i32
    %c0_i32_0 = arith.constant 0 : i32
    %c0_i32_1 = arith.constant 0 : i32
    return %c0_i32, %c0_i32_0 : i32, i32
  }
  func.func @transform_2(%arg0: i32) -> (i32, i32) {
    %c0_i32 = arith.constant 0 : i32
    %c0_i32_0 = arith.constant 0 : i32
    return %arg0, %c0_i32 : i32, i32
  }
}

module attributes {stable_mosaic.version = 14 : i64} {
  func.func @_tail_body(%arg0: i32, %arg1: memref<1024x256xf32, #tpu.memory_space<vmem>>, %arg2: memref<1024x1xf32, #tpu.memory_space<vmem>>, %arg3: memref<1x1x1024xi32, #tpu.memory_space<vmem>>, %arg4: memref<256x256xf32, #tpu.memory_space<vmem>>, %arg5: memref<1x256xf32, #tpu.memory_space<vmem>>, %arg6: memref<256x2xf32, #tpu.memory_space<vmem>>, %arg7: memref<1x2xf32, #tpu.memory_space<vmem>>, %arg8: memref<128x2xf32, #tpu.memory_space<vmem>>, %arg9: memref<128x256xf32, #tpu.memory_space<vmem>>) attributes {dimension_semantics = [#tpu.dimension_semantics<arbitrary>], iteration_bounds = array<i64: 10>, scalar_prefetch = 0 : i64, scratch_operands = 1 : i64, tpu.core_type = #tpu.core_type<tc>, window_params = [{transform_indices = @transform_0, window_bounds = array<i64: 1024, 256>}, {transform_indices = @transform_1, window_bounds = array<i64: 1024, 1>}, {transform_indices = @transform_2, window_bounds = array<i64: 1, 1, 1024>}, {pipeline_mode = #tpu.pipeline_mode<synchronous>, transform_indices = @transform_3, window_bounds = array<i64: 256, 256>}, {pipeline_mode = #tpu.pipeline_mode<synchronous>, transform_indices = @transform_4, window_bounds = array<i64: 1, 256>}, {pipeline_mode = #tpu.pipeline_mode<synchronous>, transform_indices = @transform_5, window_bounds = array<i64: 256, 2>}, {pipeline_mode = #tpu.pipeline_mode<synchronous>, transform_indices = @transform_6, window_bounds = array<i64: 1, 2>}, {pipeline_mode = #tpu.pipeline_mode<synchronous>, transform_indices = @transform_7, window_bounds = array<i64: 128, 2>}]} {
    %eq3A = arith.constant 0 : i32
    %eq3A_0 = arith.cmpi eq, %arg0, %eq3A : i32
    %convert_element_type3A = arith.extui %eq3A_0 : i1 to i32
    %cond3A = arith.constant 0 : i32
    %cond3A_1 = arith.cmpi ne, %convert_element_type3A, %cond3A : i32
    scf.if %cond3A_1 {
      %broadcast_in_dim3A = arith.constant -1.000000e+00 : f32
      %broadcast_in_dim3A_42 = vector.broadcast %broadcast_in_dim3A : f32 to vector<128x256xf32>
      %swap3A = arith.constant 0 : index
      %swap3A_43 = arith.constant 0 : index
      %swap3A_44 = vector.load %arg9[%swap3A, %swap3A_43] : memref<128x256xf32, #tpu.memory_space<vmem>>, vector<128x256xf32>
      tpu.vector_store %arg9[%swap3A, %swap3A_43], %broadcast_in_dim3A_42 {strides = array<i32>} : memref<128x256xf32, #tpu.memory_space<vmem>>, vector<128x256xf32>,
      %broadcast_in_dim3A_45 = arith.constant 0.000000e+00 : f32
      %broadcast_in_dim3A_46 = vector.broadcast %broadcast_in_dim3A_45 : f32 to vector<128x2xf32>
      %swap3A_47 = arith.constant 0 : index
      %swap3A_48 = arith.constant 0 : index
      %swap3A_49 = vector.load %arg8[%swap3A_47, %swap3A_48] : memref<128x2xf32, #tpu.memory_space<vmem>>, vector<128x2xf32>
      tpu.vector_store %arg8[%swap3A_47, %swap3A_48], %broadcast_in_dim3A_46 {strides = array<i32>} : memref<128x2xf32, #tpu.memory_space<vmem>>, vector<128x2xf32>,
    } else {
    }
    %get3A = arith.constant 0 : index
    %get3A_2 = arith.constant 0 : index
    %get3A_3 = vector.load %arg1[%get3A, %get3A_2] : memref<1024x256xf32, #tpu.memory_space<vmem>>, vector<1024x256xf32>
    %get3A_4 = arith.constant 0 : index
    %get3A_5 = arith.constant 0 : index
    %get3A_6 = vector.load %arg2[%get3A_4, %get3A_5] : memref<1024x1xf32, #tpu.memory_space<vmem>>, vector<1024x1xf32>
    %max3A = arith.constant 1.000000e+00 : f32
    %max3A_7 = vector.broadcast %max3A : f32 to vector<1024x1xf32>
    %max3A_8 = arith.maximumf %get3A_6, %max3A_7 : vector<1024x1xf32>
    %div3A = vector.broadcast %max3A_8 : vector<1024x1xf32> to vector<1024x256xf32>
    %div3A_9 = arith.divf %get3A_3, %div3A : vector<1024x256xf32>
    %max3A_10 = arith.constant 0.000000e+00 : f32
    %max3A_11 = vector.broadcast %max3A_10 : f32 to vector<1024x256xf32>
    %max3A_12 = arith.maximumf %div3A_9, %max3A_11 : vector<1024x256xf32>
    %get3A_13 = arith.constant 0 : index
    %get3A_14 = arith.constant 0 : index
    %get3A_15 = arith.constant 0 : index
    %get3A_16 = vector.load %arg3[%get3A_13, %get3A_14, %get3A_15] : memref<1x1x1024xi32, #tpu.memory_space<vmem>>, vector<1x1x1024xi32>
    %get3A_17 = vector.shape_cast %get3A_16 : vector<1x1x1024xi32> to vector<1024xi32>
    %get3A_18 = arith.constant 0 : index
    %get3A_19 = arith.constant 0 : index
    %get3A_20 = arith.constant 0 : index
    %get3A_21 = vector.load %arg3[%get3A_18, %get3A_19, %get3A_20] : memref<1x1x1024xi32, #tpu.memory_space<vmem>>, vector<1x1x1xi32>
    %get3A_22 = vector.extract %get3A_21[0, 0, 0] : i32 from vector<1x1x1xi32>
    %get3A_23 = arith.constant 0 : index
    %get3A_24 = arith.constant 0 : index
    %get3A_25 = arith.constant 1023 : index
    %get3A_26 = vector.load %arg3[%get3A_23, %get3A_24, %get3A_25] : memref<1x1x1024xi32, #tpu.memory_space<vmem>>, vector<1x1x1xi32>
    %get3A_27 = vector.extract %get3A_26[0, 0, 0] : i32 from vector<1x1x1xi32>
    %add3A = arith.constant 1 : i32
    %add3A_28 = arith.addi %get3A_27, %add3A : i32
    %while3A = arith.constant 0 : i32
    %while3A_29 = arith.subi %add3A_28, %get3A_22 : i32
    %while3A_30 = arith.addi %get3A_22, %while3A_29 : i32
    %while3A_31 = arith.constant 1 : i32
    %while3A_32 = arith.divsi %while3A_29, %while3A_31 : i32
    %while3A_33 = arith.muli %while3A_32, %while3A_31 : i32
    %while3A_34 = arith.addi %get3A_22, %while3A_33 : i32
    %while3A_35 = arith.constant 1 : i32
    scf.for %while3A_42 = %get3A_22 to %while3A_34 step %while3A_35  : i32 {
      %broadcast_in_dim3A = vector.shape_cast %get3A_17 : vector<1024xi32> to vector<1024x1xi32>
      %eq3A_43 = vector.broadcast %while3A_42 : i32 to vector<1024x1xi32>
      %eq3A_44 = arith.cmpi eq, %broadcast_in_dim3A, %eq3A_43 : vector<1024x1xi32>
      %jit3A = arith.constant -1.000000e+00 : f32
      %broadcast_in_dim3A_45 = vector.shape_cast %eq3A_44 : vector<1024x1xi1> to vector<1024x1xi1>
      %broadcast_in_dim3A_46 = vector.broadcast %broadcast_in_dim3A_45 : vector<1024x1xi1> to vector<1024x256xi1>
      %broadcast_in_dim3A_47 = vector.broadcast %jit3A : f32 to vector<1024x256xf32>
      %select_n3A = arith.select %broadcast_in_dim3A_46, %max3A_12, %broadcast_in_dim3A_47 : vector<1024x256xi1>, vector<1024x256xf32>
      %reduce_max3A = arith.constant dense<0xFF800000> : vector<256xf32>
      %reduce_max3A_48 = vector.multi_reduction <maximumf>, %select_n3A, %reduce_max3A [0] : vector<1024x256xf32> to vector<256xf32>
      %get3A_49 = arith.index_cast %while3A_42 : i32 to index
      %get3A_50 = arith.constant 0 : index
      %get3A_51 = vector.load %arg9[%get3A_49, %get3A_50] : memref<128x256xf32, #tpu.memory_space<vmem>>, vector<1x256xf32>
      %broadcast_in_dim3A_52 = vector.shape_cast %reduce_max3A_48 : vector<256xf32> to vector<1x256xf32>
      %max3A_53 = arith.maximumf %get3A_51, %broadcast_in_dim3A_52 : vector<1x256xf32>
      %swap3A = arith.index_cast %while3A_42 : i32 to index
      %swap3A_54 = arith.constant 0 : index
      %swap3A_55 = vector.load %arg9[%swap3A, %swap3A_54] : memref<128x256xf32, #tpu.memory_space<vmem>>, vector<1x256xf32>
      tpu.vector_store %arg9[%swap3A, %swap3A_54], %max3A_53 {strides = array<i32>} : memref<128x256xf32, #tpu.memory_space<vmem>>, vector<1x256xf32>,
    }
    %while3A_36 = arith.constant 1 : i32
    scf.for %while3A_42 = %while3A_34 to %while3A_30 step %while3A_36  : i32 {
      %broadcast_in_dim3A = vector.shape_cast %get3A_17 : vector<1024xi32> to vector<1024x1xi32>
      %eq3A_43 = vector.broadcast %while3A_42 : i32 to vector<1024x1xi32>
      %eq3A_44 = arith.cmpi eq, %broadcast_in_dim3A, %eq3A_43 : vector<1024x1xi32>
      %jit3A = arith.constant -1.000000e+00 : f32
      %broadcast_in_dim3A_45 = vector.shape_cast %eq3A_44 : vector<1024x1xi1> to vector<1024x1xi1>
      %broadcast_in_dim3A_46 = vector.broadcast %broadcast_in_dim3A_45 : vector<1024x1xi1> to vector<1024x256xi1>
      %broadcast_in_dim3A_47 = vector.broadcast %jit3A : f32 to vector<1024x256xf32>
      %select_n3A = arith.select %broadcast_in_dim3A_46, %max3A_12, %broadcast_in_dim3A_47 : vector<1024x256xi1>, vector<1024x256xf32>
      %reduce_max3A = arith.constant dense<0xFF800000> : vector<256xf32>
      %reduce_max3A_48 = vector.multi_reduction <maximumf>, %select_n3A, %reduce_max3A [0] : vector<1024x256xf32> to vector<256xf32>
      %get3A_49 = arith.index_cast %while3A_42 : i32 to index
      %get3A_50 = arith.constant 0 : index
      %get3A_51 = vector.load %arg9[%get3A_49, %get3A_50] : memref<128x256xf32, #tpu.memory_space<vmem>>, vector<1x256xf32>
      %broadcast_in_dim3A_52 = vector.shape_cast %reduce_max3A_48 : vector<256xf32> to vector<1x256xf32>
      %max3A_53 = arith.maximumf %get3A_51, %broadcast_in_dim3A_52 : vector<1x256xf32>
      %swap3A = arith.index_cast %while3A_42 : i32 to index
      %swap3A_54 = arith.constant 0 : index
      %swap3A_55 = vector.load %arg9[%swap3A, %swap3A_54] : memref<128x256xf32, #tpu.memory_space<vmem>>, vector<1x256xf32>
      tpu.vector_store %arg9[%swap3A, %swap3A_54], %max3A_53 {strides = array<i32>} : memref<128x256xf32, #tpu.memory_space<vmem>>, vector<1x256xf32>,
    }
    %eq3A_37 = arith.constant 9 : i32
    %eq3A_38 = arith.cmpi eq, %arg0, %eq3A_37 : i32
    %convert_element_type3A_39 = arith.extui %eq3A_38 : i1 to i32
    %cond3A_40 = arith.constant 0 : i32
    %cond3A_41 = arith.cmpi ne, %convert_element_type3A_39, %cond3A_40 : i32
    scf.if %cond3A_41 {
      %get3A_42 = arith.constant 0 : index
      %get3A_43 = arith.constant 0 : index
      %get3A_44 = vector.load %arg9[%get3A_42, %get3A_43] : memref<128x256xf32, #tpu.memory_space<vmem>>, vector<128x256xf32>
      %max3A_45 = arith.constant 0.000000e+00 : f32
      %max3A_46 = vector.broadcast %max3A_45 : f32 to vector<128x256xf32>
      %max3A_47 = arith.maximumf %get3A_44, %max3A_46 : vector<128x256xf32>
      %get3A_48 = arith.constant 0 : index
      %get3A_49 = arith.constant 0 : index
      %get3A_50 = vector.load %arg4[%get3A_48, %get3A_49] : memref<256x256xf32, #tpu.memory_space<vmem>>, vector<256x256xf32>
      %dot_general3A = arith.constant dense<0.000000e+00> : vector<128x256xf32>
      %dot_general3A_51 = tpu.matmul %max3A_47, %get3A_50, %dot_general3A {dimension_numbers = #tpu.dot_dimension_numbers<[1], [0], [0], [1], [0, 0, 1, 1], [], []>, transpose_lhs_hint = false} : vector<128x256xf32>, vector<256x256xf32>, vector<128x256xf32> -> vector<128x256xf32>
      %get3A_52 = arith.constant 0 : index
      %get3A_53 = arith.constant 0 : index
      %get3A_54 = vector.load %arg5[%get3A_52, %get3A_53] : memref<1x256xf32, #tpu.memory_space<vmem>>, vector<1x256xf32>
      %add3A_55 = vector.broadcast %get3A_54 : vector<1x256xf32> to vector<128x256xf32>
      %add3A_56 = arith.addf %dot_general3A_51, %add3A_55 : vector<128x256xf32>
      %max3A_57 = arith.constant 0.000000e+00 : f32
      %max3A_58 = vector.broadcast %max3A_57 : f32 to vector<128x256xf32>
      %max3A_59 = arith.maximumf %add3A_56, %max3A_58 : vector<128x256xf32>
      %get3A_60 = arith.constant 0 : index
      %get3A_61 = arith.constant 0 : index
      %get3A_62 = vector.load %arg6[%get3A_60, %get3A_61] : memref<256x2xf32, #tpu.memory_space<vmem>>, vector<256x2xf32>
      %dot_general3A_63 = arith.constant dense<0.000000e+00> : vector<128x2xf32>
      %dot_general3A_64 = tpu.matmul %max3A_59, %get3A_62, %dot_general3A_63 {dimension_numbers = #tpu.dot_dimension_numbers<[1], [0], [0], [1], [0, 0, 1, 1], [], []>, transpose_lhs_hint = false} : vector<128x256xf32>, vector<256x2xf32>, vector<128x2xf32> -> vector<128x2xf32>
      %get3A_65 = arith.constant 0 : index
      %get3A_66 = arith.constant 0 : index
      %get3A_67 = vector.load %arg7[%get3A_65, %get3A_66] : memref<1x2xf32, #tpu.memory_space<vmem>>, vector<1x2xf32>
      %add3A_68 = vector.broadcast %get3A_67 : vector<1x2xf32> to vector<128x2xf32>
      %add3A_69 = arith.addf %dot_general3A_64, %add3A_68 : vector<128x2xf32>
      %swap3A = arith.constant 0 : index
      %swap3A_70 = arith.constant 0 : index
      %swap3A_71 = vector.load %arg8[%swap3A, %swap3A_70] : memref<128x2xf32, #tpu.memory_space<vmem>>, vector<128x2xf32>
      tpu.vector_store %arg8[%swap3A, %swap3A_70], %add3A_69 {strides = array<i32>} : memref<128x2xf32, #tpu.memory_space<vmem>>, vector<128x2xf32>,
    } else {
    }
    return
  }
  func.func @transform_0(%arg0: i32) -> (i32, i32) {
    %c0_i32 = arith.constant 0 : i32
    %c0_i32_0 = arith.constant 0 : i32
    return %arg0, %c0_i32 : i32, i32
  }
  func.func @transform_1(%arg0: i32) -> (i32, i32) {
    %c0_i32 = arith.constant 0 : i32
    %c0_i32_0 = arith.constant 0 : i32
    return %arg0, %c0_i32 : i32, i32
  }
  func.func @transform_2(%arg0: i32) -> (i32, i32, i32) {
    %c0_i32 = arith.constant 0 : i32
    %c0_i32_0 = arith.constant 0 : i32
    %c0_i32_1 = arith.constant 0 : i32
    return %arg0, %c0_i32, %c0_i32_0 : i32, i32, i32
  }
  func.func @transform_3(%arg0: i32) -> (i32, i32) {
    %c0_i32 = arith.constant 0 : i32
    %c0_i32_0 = arith.constant 0 : i32
    %c0_i32_1 = arith.constant 0 : i32
    return %c0_i32, %c0_i32_0 : i32, i32
  }
  func.func @transform_4(%arg0: i32) -> (i32, i32) {
    %c0_i32 = arith.constant 0 : i32
    %c0_i32_0 = arith.constant 0 : i32
    %c0_i32_1 = arith.constant 0 : i32
    return %c0_i32, %c0_i32_0 : i32, i32
  }
  func.func @transform_5(%arg0: i32) -> (i32, i32) {
    %c0_i32 = arith.constant 0 : i32
    %c0_i32_0 = arith.constant 0 : i32
    %c0_i32_1 = arith.constant 0 : i32
    return %c0_i32, %c0_i32_0 : i32, i32
  }
  func.func @transform_6(%arg0: i32) -> (i32, i32) {
    %c0_i32 = arith.constant 0 : i32
    %c0_i32_0 = arith.constant 0 : i32
    %c0_i32_1 = arith.constant 0 : i32
    return %c0_i32, %c0_i32_0 : i32, i32
  }
  func.func @transform_7(%arg0: i32) -> (i32, i32) {
    %c0_i32 = arith.constant 0 : i32
    %c0_i32_0 = arith.constant 0 : i32
    %c0_i32_1 = arith.constant 0 : i32
    return %c0_i32, %c0_i32_0 : i32, i32
  }
}

</mosaic_0001>

<sc_bundles>
// kernel: kernel.21.cloned.1.call-start
scs
__scs_entry_jumppad:
0x0: {  	(pc) =	sbr.rel $0x88, $3  }
0x1: {  	(tag) =	ssettag $0x0;
	lr =	simm.s32 $0x1  }
0x2: {  	[smem:$0x3F7F] =	sst lr;
	_ =	strace $0xD0000000  }
0x3: {  	_ = 	snop  }
0x4: {  	_ = 	snop  }
0x5: {  	_ = 	snop  }
0x6: {  	_ = 	snop  }
0x7: {  	_ = 	snop  }
__scs_overlays_trampoline_lowered:
0x8: {  	[smem:$0x3F8E] =	sst s0  }
0x9: {  	[smem:$0x3F8F] =	sst s1  }
0xa: {  	[smem:$0x3F90] =	sst s2  }
0xb: {  	[smem:$0x3F91] =	sst s3  }
0xc: {  	[smem:$0x3F92] =	sst s4  }
0xd: {  	[smem:$0x3F93] =	sst s5  }
0xe: {  	[smem:$0x3F94] =	sst s6  }
0xf: {  	[smem:$0x3F95] =	sst s7  }
0x10: {  	[smem:$0x3F96] =	sst s8  }
0x11: {  	[smem:$0x3F97] =	sst s9;
	s0 =	simm.s32 @!p0 $0x0  }
0x12: {  	s1 =	sld [smem:$0x3F7D];
	s0 =	simm.s32 @p0 $0x1  }
0x13: {  	[smem:$0x3F98] =	sst s0;
	s0 =	simm.s32 @!p1 $0x0  }
0x14: {  	s2 =	sld [smem:$0x3F7C];
	s0 =	simm.s32 @p1 $0x1  }
0x15: {  	[smem:$0x3F99] =	sst s0;
	s0 =	simm.s32 @!p2 $0x0  }
0x16: {  	s3 =	sld [smem:$0x3FDB];
	s0 =	simm.s32 @p2 $0x1  }
0x17: {  	s4 =	simm.s32 $0x1BF5;
	[smem:$0x3F9B] =	sst s0  }
0x18: {  	s0 =	sld [smem:$0x3F7E];
	_ =	swait.ge [sflag:s4], $0x0  }
0x19: {  	s7 =	sld [smem:$0x3F7F]  }
0x1a: {  	s8 =	sadd.s32 $0xFFFFE003, lr  }
0x1b: {  	s9 =	sadd.s32 $0xFFFFFEF7, lr;
	s5 =	simm.s32 $0xFFFFFFFF;
	p2 =	slt.u32 s8, $0xFFFFF086  }
0x1c: {  	p1 =	slt.u32 s9, $0xF7A;
	s5 =	simm.s32 @!p2 $0x0  }
0x1d: {  	s5 =	simm.s32 @p1 $0x1;
	p0 =	seq.s32 s7, s2  }
0x1e: {  	s7 =	smul.u32 @!p0 $0xF7A, s2;
	p2 =	seq.s32 @!p0 s5, $0x0  }
0x1f: {  	s9 =	smul.u32 $0xF7A, s1;
	s8 =	simm.s32 @!p0 $0x1BF5;
	p2 =	por !p2, p0  }
0x20: {  	[sflag:s8] =	ssyncset.s32 @!p0 $0xFFFFF086;
	s6 =	sadd.s32 @!p0 s3, s7;
	s7 =	simm.s32 @!p0 $0x108  }
0x21: {  	s3 =	sadd.s32 s3, s9;
	s6 =	sadd.s32 @!p0 $0x88, s6;
	s7 =	simm.s32 @p2 $0x1082  }
0x22: {  	[simem:s7], [sflag:s8] =	dma.local @!p0 [hbm:s6], $0xF7A  }
0x23: {  	s9 =	sor.u32 $0xD0000000, s2;
	s6 =	simm.s32 $0x108;
	_ =	swait.ge @!p0 [sflag:s8], $0x0  }
0x24: {  	s3 =	sadd.s32 $0x88, s3;
	s6 =	simm.s32 @!p1 $0x1082;
	[sflag:s4] =	ssyncset.s32 $0xFFFFF086  }
0x25: {  	[simem:s6], [sflag:s4] =	dma.local [hbm:s3], $0xF7A  }
0x26: {  	[smem:$0x3F7F] =	sst s1;
	(tag) =	ssettag s2;
	_ =	strace s9  }
0x27: {  	s1 =	sld [smem:$0x3F8F]  }
0x28: {  	s2 =	sld [smem:$0x3F90]  }
0x29: {  	s4 =	sld [smem:$0x3F92]  }
0x2a: {  	p0 =	seq.s32 s5, $0x0;
	s5 =	sld [smem:$0x3F93]  }
0x2b: {  	s6 =	sld [smem:$0x3F94]  }
0x2c: {  	s7 =	sld [smem:$0x3F95]  }
0x2d: {  	s3 =	simm.s32 $0x108;
	s8 =	sld [smem:$0x3F96]  }
0x2e: {  	s3 =	simm.s32 @!p0 $0x1082;
	s9 =	sld [smem:$0x3F97]  }
0x2f: {  	lr =	sadd.s32 s0, s3;
	s0 =	sld [smem:$0x3F8E]  }
0x30: {  	s3 =	sld [smem:$0x3F91]  }
0x31: {  	[smem:$0x3F9A] =	sst s10  }
0x32: {  	s10 =	sld [smem:$0x3F98];
	_ =	sdelay $0x3  }
0x33: {  	p0 =	seq.s32 s10, $0x1;
	s10 =	sld [smem:$0x3F9A];
	_ =	sdelay $0x3  }
0x34: {  	[smem:$0x3F9A] =	sst s10  }
0x35: {  	s10 =	sld [smem:$0x3F99];
	_ =	sdelay $0x3  }
0x36: {  	p1 =	seq.s32 s10, $0x1;
	s10 =	sld [smem:$0x3F9A];
	_ =	sdelay $0x3  }
0x37: {  	[smem:$0x3F9A] =	sst s10  }
0x38: {  	s10 =	sld [smem:$0x3F9B]  }
0x39: {  	_ = 	snop;
	(pc) =	sbr.ind lr, $3  }
0x3a: {  	_ = 	snop  }
0x3b: {  	_ = 	snop  }
0x3c: {  	p2 =	seq.s32 s10, $0x1;
	s10 =	sld [smem:$0x3F9A]  }
0x3d: {  	_ =	shalt  }
0x3e: {  	_ =	shalt  }
0x3f: {  	_ =	shalt  }
0x40: {  	_ =	shalt  }
0x41: {  	_ =	shalt  }
0x42: {  	_ =	shalt  }
0x43: {  	_ =	shalt  }
0x44: {  	_ =	shalt  }
0x45: {  	_ =	shalt  }
0x46: {  	_ =	shalt  }
0x47: {  	_ =	shalt  }
0x48: {  	_ =	shalt  }
0x49: {  	_ =	shalt  }
0x4a: {  	_ =	shalt  }
0x4b: {  	_ =	shalt  }
0x4c: {  	_ =	shalt  }
0x4d: {  	_ =	shalt  }
0x4e: {  	_ =	shalt  }
0x4f: {  	_ =	shalt  }
0x50: {  	_ =	shalt  }
0x51: {  	_ =	shalt  }
0x52: {  	_ =	shalt  }
0x53: {  	_ =	shalt  }
0x54: {  	_ =	shalt  }
0x55: {  	_ =	shalt  }
0x56: {  	_ =	shalt  }
0x57: {  	_ =	shalt  }
0x58: {  	_ =	shalt  }
0x59: {  	_ =	shalt  }
0x5a: {  	_ =	shalt  }
0x5b: {  	_ =	shalt  }
0x5c: {  	_ =	shalt  }
0x5d: {  	_ =	shalt  }
0x5e: {  	_ =	shalt  }
0x5f: {  	_ =	shalt  }
0x60: {  	_ =	shalt  }
0x61: {  	_ =	shalt  }
0x62: {  	_ =	shalt  }
0x63: {  	_ =	shalt  }
0x64: {  	_ =	shalt  }
0x65: {  	_ =	shalt  }
0x66: {  	_ =	shalt  }
0x67: {  	_ =	shalt  }
0x68: {  	_ =	shalt  }
0x69: {  	_ =	shalt  }
0x6a: {  	_ =	shalt  }
0x6b: {  	_ =	shalt  }
0x6c: {  	_ =	shalt  }
0x6d: {  	_ =	shalt  }
0x6e: {  	_ =	shalt  }
0x6f: {  	_ =	shalt  }
0x70: {  	_ =	shalt  }
0x71: {  	_ =	shalt  }
0x72: {  	_ =	shalt  }
0x73: {  	_ =	shalt  }
0x74: {  	_ =	shalt  }
0x75: {  	_ =	shalt  }
0x76: {  	_ =	shalt  }
0x77: {  	_ =	shalt  }
0x78: {  	_ =	shalt  }
0x79: {  	_ =	shalt  }
0x7a: {  	_ =	shalt  }
0x7b: {  	_ =	shalt  }
0x7c: {  	_ =	shalt  }
0x7d: {  	_ =	shalt  }
0x7e: {  	_ =	shalt  }
0x7f: {  	_ =	shalt  }
0x80: {  	_ =	shalt  }
0x81: {  	_ =	shalt  }
0x82: {  	_ =	shalt  }
0x83: {  	_ =	shalt  }
0x84: {  	_ =	shalt  }
0x85: {  	_ =	shalt  }
0x86: {  	_ =	shalt  }
0x87: {  	_ =	shalt  }
.Lfunc_end0:
.L_simem_size_0:
called_computation.4_lowered:
.L_overlay_start_0:
0x88: {  	s2 =	sld [smem:$0x3FD9]  }
0x89: {  	s3 =	sld [smem:$0x3FFE];
	_ =	sdelay $0x1  }
0x8a: {  	s1 =	srdreg.scid  }
0x8b: {  	s0 =	sand.u32 $0x1, s1  }
0x8c: {  	s16 =	sshll.u32 s0, $0xA;
	s2 =	sadd.s32 s3, s2  }
0x8d: {  	s2 =	sadd.s32 s2, s16  }
0x8e: {  	[smem:$0x3FA6] =	sst s2  }
0x8f: {  	_ = 	snop  }
0x90: {  	(tm) =	ssettm $0x1  }
0x91: {  	s17 =	sld [smem:$0x3FFB];
	_ =	sdelay $0x3  }
0x92: {  	_ =	strace s17  }
0x93: {  	s2 =	sld [smem:$0x3FFC];
	_ =	sdelay $0x3  }
0x94: {  	_ =	strace s2  }
0x95: {  	s2 =	sld [smem:$0x3FFD];
	_ =	sdelay $0x3  }
0x96: {  	_ =	strace s2  }
0x97: {  	_ =	strace $0x8FFFFFFF  }
0x98: {  	s18 =	sld [smem:$0x3FDB];
	_ =	sdelay $0x1  }
0x99: {  	s19 =	simm.s32 $_scs_section_size  }
0x9a: {  	s4 =	simm.s32 $_size__tile_overlayer_lowered;
	s5 =	simm.s32 $_tile_overlayer_lowered  }
0x9b: {  	s22 =	simm.s32 $0x1BFF;
	s21 =	sshll.u32 s5, $0x1;
	s2 =	sadd.s32 s19, s18  }
0x9c: {  	s6 =	simm.s32 $0x0;
	s20 =	sshll.u32 s4, $0x1;
	s4 =	sadd.s32 s21, s2  }
0x9d: {  	[timem:s6], [sflag:s22] =	dma.local [hbm:s4], s20  }
0x9e: {  	_ =	swait.ge [sflag:s22], s20  }
0x9f: {  	s3 =	ssub.s32 $0x0, s20;
	[sflag:s22] =	ssyncset.done $0x0  }
0xa0: {  	[sflag:s22] =	ssyncadd.s32 s3;
	_ =	sdelay $0x1  }
0xa1: {  	s23 =	simm.s32 $0x1B8B  }
0xa2: {  	_ =	swait.ge [sflag:s23], $0x1  }
0xa3: {  	[sflag:s23] =	ssyncset.done $0x0  }
0xa4: {  	s25 =	simm.s32 $0x1B8E;
	s24 =	sld [smem:$0x3FFE];
	[sflag:s23] =	ssyncadd.s32 $0xFFFFFFFF  }
0xa5: {  	s26 =	simm.s32 $execute0_lowered;
	[smem:$0x3FD2] =	sst s25  }
0xa6: {  	s4 =	sshll.u32 s26, $0x1;
	_ =	strace $0x80000046;
	[dreg:$0x1] =	wrdreg $0xFFFFFFFF  }
0xa7: {  	s28 =	simm.s32 $_size_execute0_lowered;
	s2 =	sadd.s32 s2, s4;
	[dreg:$0x0] =	wrdreg $0x0  }
0xa8: {  	s4 =	sshll.u32 s28, $0x1;
	[dreg:$0x2] =	wrdreg s2  }
0xa9: {  	[dreg:$0x3] =	wrdreg s4  }
0xaa: {  	[dreg:$0x4] =	wrdreg $0xC0  }
0xab: {  	_ =	task [dreg:s6], $0x5FFFF  }
0xac: {  	[dreg:$0x1] =	wrdreg $0xFFFFFFFF  }
0xad: {  	[dreg:$0x0] =	wrdreg $0x60  }
0xae: {  	[dreg:$0x2] =	wrdreg s24  }
0xaf: {  	[dreg:$0x3] =	wrdreg $0x9  }
0xb0: {  	_ =	task.clear_ibuf [dreg:s6], $0x4FFFF;
	_ =	strace $0x90000046  }
0xb1: {  	s29 =	simm.s32 $0x9;
	_ =	strace $0x80000048  }
0xb2: {  	_ =	swait.ge [sflag:s29], $0x1  }
0xb3: {  	[sflag:s29] =	ssyncadd.s32 $0xFFFFFFFF  }
0xb4: {  	_ =	strace $0x90000048  }
0xb5: {  	_ =	sfence  }
0xb6: {  	s30 =	sld [smem:$0x0];
	_ =	sdelay $0x2  }
0xb7: {  	s31 =	sshll.u32 s1, $0xD;
	s1 =	sshrl.u32 s1, $0x2  }
0xb8: {  	s3 =	sand.u32 $0x4000, s31;
	s1 =	sadd.s32 s1, s30  }
0xb9: {  	s0 =	sor.u32 s3, s0;
	s1 =	sshll.u32 s1, $0x11  }
0xba: {  	s0 =	sor.u32 s1, s0  }
0xbb: {  	s0 =	sadd.s32 $0x8F2B, s0  }
0xbc: {  	[sflag:s0] =	ssyncadd.remote.s32 $0x1  }
0xbd: {  	_ =	sfence.sel $0xFFFF  }
0xbe: {  	[dreg:$0x0] =	wrdreg $0xFFFFFFFF;
	(pc) =	sbr.abs _section_cstart, $3  }
0xbf: {  	[dreg:$0x1] =	wrdreg $0xFFFFFFFF  }
0xc0: {  	_ =	task.clear_ibuf [dreg:s6], $0x2FFFF;
	_ =	strace $0x9FFFFFFF  }
0xc1: {  	(tm) =	ssettm $0x7FFFFFFF  }
tec
execute0_lowered:
.L_overlay_start_1:
0x0: {  	(tag) =	ssettag $0x1  }
0x1: {  	s5 =	rddreg [dreg:$0x0]  }
0x2: {  	s0 =	rddreg [dreg:$0x1];
	s2 =	simm.s32 $0x0;
	s3 =	srdreg.scid  }
0x3: {  	s1 =	stileid.u32;
	s12 =	simm.s32 $0x1;
	s13 =	simm.s32 $0x4080  }
0x4: {  	s14 =	simm.s32 $0x4100;
	s15 =	simm.s32 $0x2;
	s7 =	smul.u32 $0x2800, s1  }
0x5: {  	s16 =	simm.s32 $0x0;
	s6 =	sand.u32 $0x1, s3;
	s9 =	smul.u32 $0x28000, s1  }
0x6: {  	[smem:$0x7FF] =	sst s2;
	s3 =	sadd.s32 $0x11800, s5;
	s8 =	smul.u32 $0x1400, s6  }
0x7: {  	s4 =	sadd.s32 $0x39800, s5;
	s29 =	ssub.s32 $0x2, s6;
	s6 =	smul.u32 $0x14000, s6  }
0x8: {  	_ =	strace $0x80000047;
	s9 =	sadd.s32 s9, s5;
	s10 =	sshrl.u32 s29, $0x1  }
0x9: {  	s7 =	sadd.s32 s8, s7;
	s30 =	ssub.s32 s29, s10;
	s31 =	sadd.s32 s6, s9  }
0xa: {  	s10 =	simm.s32 $0x3;
	s7 =	sshrl.u32 s7, $0x3;
	s6 =	sadd.s32 $0x61800, s31  }
0xb: {  	s11 =	sadd.s32 s7, s5;
	s5 =	smax.u32 s30, $0x1;
	s7 =	sadd.s32 $0x2E1800, s31  }
0xc: {  	s8 =	sadd.s32 $0xC800, s11;
	s9 =	sadd.s32 $0x7800, s11;
	s11 =	simm.s32 $0x80  }
.LBB2_1:
0xd: {  	s17 =	sadd.s32 $0x0, s9  }
0xe: {  	[tilespmem:s2], [sflag:$0x3] =	stream.linear.gather [hbm4b:s17+s2], $0x80, $0x38;
	[tilespmem:$0x8100] =	vst v63  }
0xf: {  	_ =	swait.ge [sflag:s10], $0x80  }
0x10: {  	[sflag:s10] =	ssyncset.done $0x0  }
0x11: {  	[sflag:s10] =	ssyncadd.s32 $0xFFFFFF80  }
0x12: {  	[tilespmem:s11], [sflag:$0x1] =	stream.indirect.gather [hbm4b:s3+s11], $0x80, s2, s11, $0xb8;
	[tilespmem:$0x8100] =	vst v63  }
0x13: {  	_ =	swait.ge [sflag:s12], $0x4000  }
0x14: {  	[sflag:s12] =	ssyncset.done $0x0  }
0x15: {  	[sflag:s12] =	ssyncadd.s32 $0xFFFFC000  }
0x16: {  	[hbm4b:s6+s2] =	stream.linear.scatter [tilespmem:s11], [sflag:$0x3], $0x4000, $0x38;
	[tilespmem:$0x8100] =	vst v63  }
0x17: {  	_ =	swait.ge [sflag:s10], $0x4000  }
0x18: {  	[sflag:s10] =	ssyncset.done $0x0  }
0x19: {  	s31 =	sadd.s32 $0x0, s8;
	[sflag:s10] =	ssyncadd.s32 $0xFFFFC000  }
0x1a: {  	[tilespmem:s13], [sflag:$0x3] =	stream.linear.gather [hbm4b:s31+s2], $0x80, $0x38;
	[tilespmem:$0x8100] =	vst v63  }
0x1b: {  	_ =	swait.ge [sflag:s10], $0x80  }
0x1c: {  	[sflag:s10] =	ssyncset.done $0x0  }
0x1d: {  	[sflag:s10] =	ssyncadd.s32 $0xFFFFFF80  }
0x1e: {  	[tilespmem:s14], [sflag:$0x2] =	stream.indirect.gather [hbm4b:s4+s11], $0x80, s13, s11, $0xb8;
	[tilespmem:$0x8100] =	vst v63  }
0x1f: {  	_ =	swait.ge [sflag:s15], $0x4000  }
0x20: {  	[sflag:s15] =	ssyncset.done $0x0  }
0x21: {  	[sflag:s15] =	ssyncadd.s32 $0xFFFFC000  }
0x22: {  	[hbm4b:s7+s2] =	stream.linear.scatter [tilespmem:s14], [sflag:$0x3], $0x4000, $0x38;
	[tilespmem:$0x8100] =	vst v63  }
0x23: {  	s18 =	simm.s32 $0x10;
	s20 =	simm.s32 $0x20;
	_ =	swait.ge [sflag:s10], $0x4000  }
0x24: {  	s19 =	sadd.s32 $0x800, s6;
	s17 =	sadd.s32 $0x800, s7;
	[sflag:s10] =	ssyncset.done $0x0  }
.LBB2_2:
0x25: {  	s21 =	sadd.s32 s18, s9  }
0x26: {  	[sflag:s10] =	ssyncadd.s32 $0xFFFFC000;
	s22 =	smov.u32 s20;
	s23 =	sadd.s32 $0x10, s20  }
0x27: {  	[tilespmem:s2], [sflag:$0x3] =	stream.linear.gather [hbm4b:s21+s2], $0x80, $0x38;
	[tilespmem:$0x8100] =	vst v63  }
0x28: {  	p0 =	sne.s32 s20, $0x270;
	_ =	swait.ge [sflag:s10], $0x80  }
0x29: {  	[sflag:s10] =	ssyncset.done $0x0  }
0x2a: {  	[sflag:s10] =	ssyncadd.s32 $0xFFFFFF80  }
0x2b: {  	[tilespmem:s11], [sflag:$0x1] =	stream.indirect.gather [hbm4b:s3+s11], $0x80, s2, s11, $0xb8;
	[tilespmem:$0x8100] =	vst v63  }
0x2c: {  	_ =	swait.ge [sflag:s12], $0x4000  }
0x2d: {  	[sflag:s12] =	ssyncset.done $0x0  }
0x2e: {  	[sflag:s12] =	ssyncadd.s32 $0xFFFFC000  }
0x2f: {  	[hbm4b:s19+s2] =	stream.linear.scatter [tilespmem:s11], [sflag:$0x3], $0x4000, $0x38;
	[tilespmem:$0x8100] =	vst v63  }
0x30: {  	_ =	swait.ge [sflag:s10], $0x4000  }
0x31: {  	[sflag:s10] =	ssyncset.done $0x0  }
0x32: {  	s20 =	sadd.s32 s18, s8;
	s18 =	smov.u32 s22;
	[sflag:s10] =	ssyncadd.s32 $0xFFFFC000  }
0x33: {  	[tilespmem:s13], [sflag:$0x3] =	stream.linear.gather [hbm4b:s20+s2], $0x80, $0x38;
	[tilespmem:$0x8100] =	vst v63  }
0x34: {  	_ =	swait.ge [sflag:s10], $0x80  }
0x35: {  	[sflag:s10] =	ssyncset.done $0x0  }
0x36: {  	[sflag:s10] =	ssyncadd.s32 $0xFFFFFF80  }
0x37: {  	[tilespmem:s14], [sflag:$0x2] =	stream.indirect.gather [hbm4b:s4+s11], $0x80, s13, s11, $0xb8;
	[tilespmem:$0x8100] =	vst v63  }
0x38: {  	_ =	swait.ge [sflag:s15], $0x4000  }
.Ltmp0:
0x39: {  	[sflag:s15] =	ssyncset.done $0x0;
	(pc) =	sbr.rel @p0 .LBB2_2-.Ltmp0, $4  }
0x3a: {  	[sflag:s15] =	ssyncadd.s32 $0xFFFFC000  }
0x3b: {  	[hbm4b:s17+s2] =	stream.linear.scatter [tilespmem:s14], [sflag:$0x3], $0x4000, $0x38;
	[tilespmem:$0x8100] =	vst v63  }
0x3c: {  	s19 =	sadd.s32 $0x800, s19;
	_ =	swait.ge [sflag:s10], $0x4000  }
0x3d: {  	s20 =	smov.u32 s23;
	s17 =	sadd.s32 $0x800, s17;
	[sflag:s10] =	ssyncset.done $0x0  }
0x3e: {  	s20 =	sadd.s32 s18, s9;
	[sflag:s10] =	ssyncadd.s32 $0xFFFFC000  }
0x3f: {  	[tilespmem:s2], [sflag:$0x3] =	stream.linear.gather [hbm4b:s20+s2], $0x80, $0x38;
	[tilespmem:$0x8100] =	vst v63  }
0x40: {  	_ =	swait.ge [sflag:s10], $0x80  }
0x41: {  	[sflag:s10] =	ssyncset.done $0x0  }
0x42: {  	[sflag:s10] =	ssyncadd.s32 $0xFFFFFF80  }
0x43: {  	[tilespmem:s11], [sflag:$0x1] =	stream.indirect.gather [hbm4b:s3+s11], $0x80, s2, s11, $0xb8;
	[tilespmem:$0x8100] =	vst v63  }
0x44: {  	_ =	swait.ge [sflag:s12], $0x4000  }
0x45: {  	[sflag:s12] =	ssyncset.done $0x0  }
0x46: {  	[sflag:s12] =	ssyncadd.s32 $0xFFFFC000  }
0x47: {  	[hbm4b:s19+s2] =	stream.linear.scatter [tilespmem:s11], [sflag:$0x3], $0x4000, $0x38;
	[tilespmem:$0x8100] =	vst v63  }
0x48: {  	_ =	swait.ge [sflag:s10], $0x4000  }
0x49: {  	[sflag:s10] =	ssyncset.done $0x0  }
0x4a: {  	s31 =	sadd.s32 s18, s8;
	[sflag:s10] =	ssyncadd.s32 $0xFFFFC000  }
0x4b: {  	[tilespmem:s13], [sflag:$0x3] =	stream.linear.gather [hbm4b:s31+s2], $0x80, $0x38;
	[tilespmem:$0x8100] =	vst v63  }
0x4c: {  	_ =	swait.ge [sflag:s10], $0x80  }
0x4d: {  	[sflag:s10] =	ssyncset.done $0x0  }
0x4e: {  	[sflag:s10] =	ssyncadd.s32 $0xFFFFFF80  }
0x4f: {  	[tilespmem:s14], [sflag:$0x2] =	stream.indirect.gather [hbm4b:s4+s11], $0x80, s13, s11, $0xb8;
	[tilespmem:$0x8100] =	vst v63  }
0x50: {  	s16 =	sadd.s32 $0x1, s16;
	_ =	swait.ge [sflag:s15], $0x4000  }
0x51: {  	p0 =	sne.s32 s16, s5;
	[sflag:s15] =	ssyncset.done $0x0  }
.Ltmp1:
0x52: {  	[sflag:s15] =	ssyncadd.s32 $0xFFFFC000;
	(pc) =	sbr.rel @p0 .LBB2_1-.Ltmp1, $4  }
0x53: {  	[hbm4b:s17+s2] =	stream.linear.scatter [tilespmem:s14], [sflag:$0x3], $0x4000, $0x38;
	[tilespmem:$0x8100] =	vst v63  }
0x54: {  	_ =	swait.ge [sflag:s10], $0x4000  }
0x55: {  	[sflag:s10] =	ssyncset.done $0x0  }
0x56: {  	[sflag:s10] =	ssyncadd.s32 $0xFFFFC000  }
0x57: {  	_ =	sfence.sel $0x180000  }
0x58: {  	[bflag:$0x0] =	sbarrier.arrive $0xFFFF  }
0x59: {  	p0 =	sne.s32 s1, $0x0;
	_ =	strace $0x90000047  }
0x5a: {  	s0 =	sadd.s32 @!p0 $0x100000, s0;
	[bflag:$0x2] =	sbarrier.arrive $0xFFFF  }
0x5b: {  	[sflag:s0] =	ssyncadd.tile.s32 @!p0 $0x1;
	_ =	shalt  }
.Lfunc_end2:
_tile_overlayer_lowered:
.L_overlay_start_2:
0x5c: {  	(tag) =	ssettag $0x2  }
0x5d: {  	s0 =	rddreg [dreg:$0x0];
	s2 =	stileid.u32  }
0x5e: {  	s1 =	rddreg [dreg:$0x1];
	p0 =	sne.s32 s2, $0x0  }
0x5f: {  	s3 =	rddreg [dreg:$0x2];
	[bflag:$0x3] =	sbarrier.arrive $0xFFFF;
	s2 =	simm.s32 @!p0 $0x1C03  }
0x60: {  	[timem:s3], [sflag:s2] =	dma.local @!p0 [hbm:s0], s1  }
0x61: {  	s0 =	simm.s32 @!p0 $0x3  }
0x62: {  	_ =	swait.ge @!p0 [sflag:s0], s1  }
0x63: {  	s1 =	ssub.s32 @!p0 $0x0, s1;
	[sflag:s0] =	ssyncset.done @!p0 $0x0  }
0x64: {  	[sflag:s0] =	ssyncadd.s32 @!p0 s1  }
0x65: {  	[bflag:$0x3] =	sbarrier.arrive $0xFFFF  }
0x66: {  	_ =	shalt  }

// kernel: kernel.24.cloned.1.call-start
scs
__scs_entry_jumppad:
0x0: {  	(pc) =	sbr.rel $0x88, $3  }
0x1: {  	(tag) =	ssettag $0x0;
	lr =	simm.s32 $0x1  }
0x2: {  	[smem:$0x3F7F] =	sst lr;
	_ =	strace $0xD0000000  }
0x3: {  	_ = 	snop  }
0x4: {  	_ = 	snop  }
0x5: {  	_ = 	snop  }
0x6: {  	_ = 	snop  }
0x7: {  	_ = 	snop  }
__scs_overlays_trampoline_lowered:
0x8: {  	[smem:$0x3F8E] =	sst s0  }
0x9: {  	[smem:$0x3F8F] =	sst s1  }
0xa: {  	[smem:$0x3F90] =	sst s2  }
0xb: {  	[smem:$0x3F91] =	sst s3  }
0xc: {  	[smem:$0x3F92] =	sst s4  }
0xd: {  	[smem:$0x3F93] =	sst s5  }
0xe: {  	[smem:$0x3F94] =	sst s6  }
0xf: {  	[smem:$0x3F95] =	sst s7  }
0x10: {  	[smem:$0x3F96] =	sst s8  }
0x11: {  	[smem:$0x3F97] =	sst s9;
	s0 =	simm.s32 @!p0 $0x0  }
0x12: {  	s1 =	sld [smem:$0x3F7D];
	s0 =	simm.s32 @p0 $0x1  }
0x13: {  	[smem:$0x3F98] =	sst s0;
	s0 =	simm.s32 @!p1 $0x0  }
0x14: {  	s2 =	sld [smem:$0x3F7C];
	s0 =	simm.s32 @p1 $0x1  }
0x15: {  	[smem:$0x3F99] =	sst s0;
	s0 =	simm.s32 @!p2 $0x0  }
0x16: {  	s3 =	sld [smem:$0x3FDB];
	s0 =	simm.s32 @p2 $0x1  }
0x17: {  	s4 =	simm.s32 $0x1BF5;
	[smem:$0x3F9B] =	sst s0  }
0x18: {  	s0 =	sld [smem:$0x3F7E];
	_ =	swait.ge [sflag:s4], $0x0  }
0x19: {  	s7 =	sld [smem:$0x3F7F]  }
0x1a: {  	s8 =	sadd.s32 $0xFFFFE003, lr  }
0x1b: {  	s9 =	sadd.s32 $0xFFFFFEF7, lr;
	s5 =	simm.s32 $0xFFFFFFFF;
	p2 =	slt.u32 s8, $0xFFFFF086  }
0x1c: {  	p1 =	slt.u32 s9, $0xF7A;
	s5 =	simm.s32 @!p2 $0x0  }
0x1d: {  	s5 =	simm.s32 @p1 $0x1;
	p0 =	seq.s32 s7, s2  }
0x1e: {  	s7 =	smul.u32 @!p0 $0xF7A, s2;
	p2 =	seq.s32 @!p0 s5, $0x0  }
0x1f: {  	s9 =	smul.u32 $0xF7A, s1;
	s8 =	simm.s32 @!p0 $0x1BF5;
	p2 =	por !p2, p0  }
0x20: {  	[sflag:s8] =	ssyncset.s32 @!p0 $0xFFFFF086;
	s6 =	sadd.s32 @!p0 s3, s7;
	s7 =	simm.s32 @!p0 $0x108  }
0x21: {  	s3 =	sadd.s32 s3, s9;
	s6 =	sadd.s32 @!p0 $0x88, s6;
	s7 =	simm.s32 @p2 $0x1082  }
0x22: {  	[simem:s7], [sflag:s8] =	dma.local @!p0 [hbm:s6], $0xF7A  }
0x23: {  	s9 =	sor.u32 $0xD0000000, s2;
	s6 =	simm.s32 $0x108;
	_ =	swait.ge @!p0 [sflag:s8], $0x0  }
0x24: {  	s3 =	sadd.s32 $0x88, s3;
	s6 =	simm.s32 @!p1 $0x1082;
	[sflag:s4] =	ssyncset.s32 $0xFFFFF086  }
0x25: {  	[simem:s6], [sflag:s4] =	dma.local [hbm:s3], $0xF7A  }
0x26: {  	[smem:$0x3F7F] =	sst s1;
	(tag) =	ssettag s2;
	_ =	strace s9  }
0x27: {  	s1 =	sld [smem:$0x3F8F]  }
0x28: {  	s2 =	sld [smem:$0x3F90]  }
0x29: {  	s4 =	sld [smem:$0x3F92]  }
0x2a: {  	p0 =	seq.s32 s5, $0x0;
	s5 =	sld [smem:$0x3F93]  }
0x2b: {  	s6 =	sld [smem:$0x3F94]  }
0x2c: {  	s7 =	sld [smem:$0x3F95]  }
0x2d: {  	s3 =	simm.s32 $0x108;
	s8 =	sld [smem:$0x3F96]  }
0x2e: {  	s3 =	simm.s32 @!p0 $0x1082;
	s9 =	sld [smem:$0x3F97]  }
0x2f: {  	lr =	sadd.s32 s0, s3;
	s0 =	sld [smem:$0x3F8E]  }
0x30: {  	s3 =	sld [smem:$0x3F91]  }
0x31: {  	[smem:$0x3F9A] =	sst s10  }
0x32: {  	s10 =	sld [smem:$0x3F98];
	_ =	sdelay $0x3  }
0x33: {  	p0 =	seq.s32 s10, $0x1;
	s10 =	sld [smem:$0x3F9A];
	_ =	sdelay $0x3  }
0x34: {  	[smem:$0x3F9A] =	sst s10  }
0x35: {  	s10 =	sld [smem:$0x3F99];
	_ =	sdelay $0x3  }
0x36: {  	p1 =	seq.s32 s10, $0x1;
	s10 =	sld [smem:$0x3F9A];
	_ =	sdelay $0x3  }
0x37: {  	[smem:$0x3F9A] =	sst s10  }
0x38: {  	s10 =	sld [smem:$0x3F9B]  }
0x39: {  	_ = 	snop;
	(pc) =	sbr.ind lr, $3  }
0x3a: {  	_ = 	snop  }
0x3b: {  	_ = 	snop  }
0x3c: {  	p2 =	seq.s32 s10, $0x1;
	s10 =	sld [smem:$0x3F9A]  }
0x3d: {  	_ =	shalt  }
0x3e: {  	_ =	shalt  }
0x3f: {  	_ =	shalt  }
0x40: {  	_ =	shalt  }
0x41: {  	_ =	shalt  }
0x42: {  	_ =	shalt  }
0x43: {  	_ =	shalt  }
0x44: {  	_ =	shalt  }
0x45: {  	_ =	shalt  }
0x46: {  	_ =	shalt  }
0x47: {  	_ =	shalt  }
0x48: {  	_ =	shalt  }
0x49: {  	_ =	shalt  }
0x4a: {  	_ =	shalt  }
0x4b: {  	_ =	shalt  }
0x4c: {  	_ =	shalt  }
0x4d: {  	_ =	shalt  }
0x4e: {  	_ =	shalt  }
0x4f: {  	_ =	shalt  }
0x50: {  	_ =	shalt  }
0x51: {  	_ =	shalt  }
0x52: {  	_ =	shalt  }
0x53: {  	_ =	shalt  }
0x54: {  	_ =	shalt  }
0x55: {  	_ =	shalt  }
0x56: {  	_ =	shalt  }
0x57: {  	_ =	shalt  }
0x58: {  	_ =	shalt  }
0x59: {  	_ =	shalt  }
0x5a: {  	_ =	shalt  }
0x5b: {  	_ =	shalt  }
0x5c: {  	_ =	shalt  }
0x5d: {  	_ =	shalt  }
0x5e: {  	_ =	shalt  }
0x5f: {  	_ =	shalt  }
0x60: {  	_ =	shalt  }
0x61: {  	_ =	shalt  }
0x62: {  	_ =	shalt  }
0x63: {  	_ =	shalt  }
0x64: {  	_ =	shalt  }
0x65: {  	_ =	shalt  }
0x66: {  	_ =	shalt  }
0x67: {  	_ =	shalt  }
0x68: {  	_ =	shalt  }
0x69: {  	_ =	shalt  }
0x6a: {  	_ =	shalt  }
0x6b: {  	_ =	shalt  }
0x6c: {  	_ =	shalt  }
0x6d: {  	_ =	shalt  }
0x6e: {  	_ =	shalt  }
0x6f: {  	_ =	shalt  }
0x70: {  	_ =	shalt  }
0x71: {  	_ =	shalt  }
0x72: {  	_ =	shalt  }
0x73: {  	_ =	shalt  }
0x74: {  	_ =	shalt  }
0x75: {  	_ =	shalt  }
0x76: {  	_ =	shalt  }
0x77: {  	_ =	shalt  }
0x78: {  	_ =	shalt  }
0x79: {  	_ =	shalt  }
0x7a: {  	_ =	shalt  }
0x7b: {  	_ =	shalt  }
0x7c: {  	_ =	shalt  }
0x7d: {  	_ =	shalt  }
0x7e: {  	_ =	shalt  }
0x7f: {  	_ =	shalt  }
0x80: {  	_ =	shalt  }
0x81: {  	_ =	shalt  }
0x82: {  	_ =	shalt  }
0x83: {  	_ =	shalt  }
0x84: {  	_ =	shalt  }
0x85: {  	_ =	shalt  }
0x86: {  	_ =	shalt  }
0x87: {  	_ =	shalt  }
.Lfunc_end0:
.L_simem_size_0:
called_computation.5_lowered:
.L_overlay_start_0:
0x88: {  	s2 =	sld [smem:$0x3FD9]  }
0x89: {  	s3 =	sld [smem:$0x3FFE];
	_ =	sdelay $0x1  }
0x8a: {  	s1 =	srdreg.scid  }
0x8b: {  	s0 =	sand.u32 $0x1, s1  }
0x8c: {  	s16 =	sshll.u32 s0, $0xA;
	s2 =	sadd.s32 s3, s2  }
0x8d: {  	s2 =	sadd.s32 s2, s16  }
0x8e: {  	[smem:$0x3FA6] =	sst s2  }
0x8f: {  	_ = 	snop  }
0x90: {  	(tm) =	ssettm $0x1  }
0x91: {  	s17 =	sld [smem:$0x3FFB];
	_ =	sdelay $0x3  }
0x92: {  	_ =	strace s17  }
0x93: {  	s2 =	sld [smem:$0x3FFC];
	_ =	sdelay $0x3  }
0x94: {  	_ =	strace s2  }
0x95: {  	s2 =	sld [smem:$0x3FFD];
	_ =	sdelay $0x3  }
0x96: {  	_ =	strace s2  }
0x97: {  	_ =	strace $0x8FFFFFFF  }
0x98: {  	s18 =	sld [smem:$0x3FDB];
	_ =	sdelay $0x1  }
0x99: {  	s19 =	simm.s32 $_scs_section_size  }
0x9a: {  	s4 =	simm.s32 $_size__tile_overlayer_lowered;
	s5 =	simm.s32 $_tile_overlayer_lowered  }
0x9b: {  	s22 =	simm.s32 $0x1BFF;
	s21 =	sshll.u32 s5, $0x1;
	s2 =	sadd.s32 s19, s18  }
0x9c: {  	s6 =	simm.s32 $0x0;
	s20 =	sshll.u32 s4, $0x1;
	s4 =	sadd.s32 s21, s2  }
0x9d: {  	[timem:s6], [sflag:s22] =	dma.local [hbm:s4], s20  }
0x9e: {  	_ =	swait.ge [sflag:s22], s20  }
0x9f: {  	s3 =	ssub.s32 $0x0, s20;
	[sflag:s22] =	ssyncset.done $0x0  }
0xa0: {  	[sflag:s22] =	ssyncadd.s32 s3;
	_ =	sdelay $0x1  }
0xa1: {  	s23 =	simm.s32 $0x1B8B  }
0xa2: {  	_ =	swait.ge [sflag:s23], $0x1  }
0xa3: {  	[sflag:s23] =	ssyncset.done $0x0  }
0xa4: {  	s25 =	simm.s32 $0x1B8E;
	s24 =	sld [smem:$0x3FFE];
	[sflag:s23] =	ssyncadd.s32 $0xFFFFFFFF  }
0xa5: {  	s26 =	simm.s32 $execute0_lowered;
	[smem:$0x3FD2] =	sst s25  }
0xa6: {  	s4 =	sshll.u32 s26, $0x1;
	_ =	strace $0x80000052;
	[dreg:$0x1] =	wrdreg $0xFFFFFFFF  }
0xa7: {  	s28 =	simm.s32 $_size_execute0_lowered;
	s2 =	sadd.s32 s2, s4;
	[dreg:$0x0] =	wrdreg $0x0  }
0xa8: {  	s4 =	sshll.u32 s28, $0x1;
	[dreg:$0x2] =	wrdreg s2  }
0xa9: {  	[dreg:$0x3] =	wrdreg s4  }
0xaa: {  	[dreg:$0x4] =	wrdreg $0xC0  }
0xab: {  	_ =	task [dreg:s6], $0x5FFFF  }
0xac: {  	[dreg:$0x1] =	wrdreg $0xFFFFFFFF  }
0xad: {  	[dreg:$0x0] =	wrdreg $0x60  }
0xae: {  	[dreg:$0x2] =	wrdreg s24  }
0xaf: {  	[dreg:$0x3] =	wrdreg $0x9  }
0xb0: {  	_ =	task.clear_ibuf [dreg:s6], $0x4FFFF;
	_ =	strace $0x90000052  }
0xb1: {  	s29 =	simm.s32 $0x9;
	_ =	strace $0x80000054  }
0xb2: {  	_ =	swait.ge [sflag:s29], $0x1  }
0xb3: {  	[sflag:s29] =	ssyncadd.s32 $0xFFFFFFFF  }
0xb4: {  	_ =	strace $0x90000054  }
0xb5: {  	_ =	sfence  }
0xb6: {  	s30 =	sld [smem:$0x0];
	_ =	sdelay $0x2  }
0xb7: {  	s31 =	sshll.u32 s1, $0xD;
	s1 =	sshrl.u32 s1, $0x2  }
0xb8: {  	s3 =	sand.u32 $0x4000, s31;
	s1 =	sadd.s32 s1, s30  }
0xb9: {  	s0 =	sor.u32 s3, s0;
	s1 =	sshll.u32 s1, $0x11  }
0xba: {  	s0 =	sor.u32 s1, s0  }
0xbb: {  	s0 =	sadd.s32 $0x8F2B, s0  }
0xbc: {  	[sflag:s0] =	ssyncadd.remote.s32 $0x1  }
0xbd: {  	_ =	sfence.sel $0xFFFF  }
0xbe: {  	[dreg:$0x0] =	wrdreg $0xFFFFFFFF;
	(pc) =	sbr.abs _section_cstart, $3  }
0xbf: {  	[dreg:$0x1] =	wrdreg $0xFFFFFFFF  }
0xc0: {  	_ =	task.clear_ibuf [dreg:s6], $0x2FFFF;
	_ =	strace $0x9FFFFFFF  }
0xc1: {  	(tm) =	ssettm $0x7FFFFFFF  }
tec
execute0_lowered:
.L_overlay_start_1:
0x0: {  	(tag) =	ssettag $0x1  }
0x1: {  	s5 =	rddreg [dreg:$0x0]  }
0x2: {  	s0 =	rddreg [dreg:$0x1];
	s2 =	simm.s32 $0x0;
	s3 =	srdreg.scid  }
0x3: {  	s1 =	stileid.u32;
	s12 =	simm.s32 $0x1;
	s13 =	simm.s32 $0x4080  }
0x4: {  	s14 =	simm.s32 $0x4100;
	s15 =	simm.s32 $0x2;
	s7 =	smul.u32 $0x2800, s1  }
0x5: {  	s16 =	simm.s32 $0x0;
	s6 =	sand.u32 $0x1, s3;
	s9 =	smul.u32 $0x28000, s1  }
0x6: {  	[smem:$0x7FF] =	sst s2;
	s3 =	sadd.s32 $0x11800, s5;
	s8 =	smul.u32 $0x1400, s6  }
0x7: {  	s4 =	sadd.s32 $0x61800, s5;
	s29 =	ssub.s32 $0x2, s6;
	s6 =	smul.u32 $0x14000, s6  }
0x8: {  	_ =	strace $0x80000053;
	s9 =	sadd.s32 s9, s5;
	s10 =	sshrl.u32 s29, $0x1  }
0x9: {  	s7 =	sadd.s32 s8, s7;
	s30 =	ssub.s32 s29, s10;
	s31 =	sadd.s32 s6, s9  }
0xa: {  	s10 =	simm.s32 $0x3;
	s7 =	sshrl.u32 s7, $0x3;
	s6 =	sadd.s32 $0x89800, s31  }
0xb: {  	s11 =	sadd.s32 s7, s5;
	s5 =	smax.u32 s30, $0x1;
	s7 =	sadd.s32 $0x56B800, s31  }
0xc: {  	s8 =	sadd.s32 $0xC800, s11;
	s9 =	sadd.s32 $0x7800, s11;
	s11 =	simm.s32 $0x80  }
.LBB2_1:
0xd: {  	s17 =	sadd.s32 $0x0, s9  }
0xe: {  	[tilespmem:s2], [sflag:$0x3] =	stream.linear.gather [hbm4b:s17+s2], $0x80, $0x38;
	[tilespmem:$0x8100] =	vst v63  }
0xf: {  	_ =	swait.ge [sflag:s10], $0x80  }
0x10: {  	[sflag:s10] =	ssyncset.done $0x0  }
0x11: {  	[sflag:s10] =	ssyncadd.s32 $0xFFFFFF80  }
0x12: {  	[tilespmem:s11], [sflag:$0x1] =	stream.indirect.gather [hbm4b:s3+s11], $0x80, s2, s11, $0xb8;
	[tilespmem:$0x8100] =	vst v63  }
0x13: {  	_ =	swait.ge [sflag:s12], $0x4000  }
0x14: {  	[sflag:s12] =	ssyncset.done $0x0  }
0x15: {  	[sflag:s12] =	ssyncadd.s32 $0xFFFFC000  }
0x16: {  	[hbm4b:s6+s2] =	stream.linear.scatter [tilespmem:s11], [sflag:$0x3], $0x4000, $0x38;
	[tilespmem:$0x8100] =	vst v63  }
0x17: {  	_ =	swait.ge [sflag:s10], $0x4000  }
0x18: {  	[sflag:s10] =	ssyncset.done $0x0  }
0x19: {  	s31 =	sadd.s32 $0x0, s8;
	[sflag:s10] =	ssyncadd.s32 $0xFFFFC000  }
0x1a: {  	[tilespmem:s13], [sflag:$0x3] =	stream.linear.gather [hbm4b:s31+s2], $0x80, $0x38;
	[tilespmem:$0x8100] =	vst v63  }
0x1b: {  	_ =	swait.ge [sflag:s10], $0x80  }
0x1c: {  	[sflag:s10] =	ssyncset.done $0x0  }
0x1d: {  	[sflag:s10] =	ssyncadd.s32 $0xFFFFFF80  }
0x1e: {  	[tilespmem:s14], [sflag:$0x2] =	stream.indirect.gather [hbm4b:s4+s11], $0x80, s13, s11, $0xb8;
	[tilespmem:$0x8100] =	vst v63  }
0x1f: {  	_ =	swait.ge [sflag:s15], $0x4000  }
0x20: {  	[sflag:s15] =	ssyncset.done $0x0  }
0x21: {  	[sflag:s15] =	ssyncadd.s32 $0xFFFFC000  }
0x22: {  	[hbm4b:s7+s2] =	stream.linear.scatter [tilespmem:s14], [sflag:$0x3], $0x4000, $0x38;
	[tilespmem:$0x8100] =	vst v63  }
0x23: {  	s18 =	simm.s32 $0x10;
	s20 =	simm.s32 $0x20;
	_ =	swait.ge [sflag:s10], $0x4000  }
0x24: {  	s19 =	sadd.s32 $0x800, s6;
	s17 =	sadd.s32 $0x800, s7;
	[sflag:s10] =	ssyncset.done $0x0  }
.LBB2_2:
0x25: {  	s21 =	sadd.s32 s18, s9  }
0x26: {  	[sflag:s10] =	ssyncadd.s32 $0xFFFFC000;
	s22 =	smov.u32 s20;
	s23 =	sadd.s32 $0x10, s20  }
0x27: {  	[tilespmem:s2], [sflag:$0x3] =	stream.linear.gather [hbm4b:s21+s2], $0x80, $0x38;
	[tilespmem:$0x8100] =	vst v63  }
0x28: {  	p0 =	sne.s32 s20, $0x270;
	_ =	swait.ge [sflag:s10], $0x80  }
0x29: {  	[sflag:s10] =	ssyncset.done $0x0  }
0x2a: {  	[sflag:s10] =	ssyncadd.s32 $0xFFFFFF80  }
0x2b: {  	[tilespmem:s11], [sflag:$0x1] =	stream.indirect.gather [hbm4b:s3+s11], $0x80, s2, s11, $0xb8;
	[tilespmem:$0x8100] =	vst v63  }
0x2c: {  	_ =	swait.ge [sflag:s12], $0x4000  }
0x2d: {  	[sflag:s12] =	ssyncset.done $0x0  }
0x2e: {  	[sflag:s12] =	ssyncadd.s32 $0xFFFFC000  }
0x2f: {  	[hbm4b:s19+s2] =	stream.linear.scatter [tilespmem:s11], [sflag:$0x3], $0x4000, $0x38;
	[tilespmem:$0x8100] =	vst v63  }
0x30: {  	_ =	swait.ge [sflag:s10], $0x4000  }
0x31: {  	[sflag:s10] =	ssyncset.done $0x0  }
0x32: {  	s20 =	sadd.s32 s18, s8;
	s18 =	smov.u32 s22;
	[sflag:s10] =	ssyncadd.s32 $0xFFFFC000  }
0x33: {  	[tilespmem:s13], [sflag:$0x3] =	stream.linear.gather [hbm4b:s20+s2], $0x80, $0x38;
	[tilespmem:$0x8100] =	vst v63  }
0x34: {  	_ =	swait.ge [sflag:s10], $0x80  }
0x35: {  	[sflag:s10] =	ssyncset.done $0x0  }
0x36: {  	[sflag:s10] =	ssyncadd.s32 $0xFFFFFF80  }
0x37: {  	[tilespmem:s14], [sflag:$0x2] =	stream.indirect.gather [hbm4b:s4+s11], $0x80, s13, s11, $0xb8;
	[tilespmem:$0x8100] =	vst v63  }
0x38: {  	_ =	swait.ge [sflag:s15], $0x4000  }
.Ltmp0:
0x39: {  	[sflag:s15] =	ssyncset.done $0x0;
	(pc) =	sbr.rel @p0 .LBB2_2-.Ltmp0, $4  }
0x3a: {  	[sflag:s15] =	ssyncadd.s32 $0xFFFFC000  }
0x3b: {  	[hbm4b:s17+s2] =	stream.linear.scatter [tilespmem:s14], [sflag:$0x3], $0x4000, $0x38;
	[tilespmem:$0x8100] =	vst v63  }
0x3c: {  	s19 =	sadd.s32 $0x800, s19;
	_ =	swait.ge [sflag:s10], $0x4000  }
0x3d: {  	s20 =	smov.u32 s23;
	s17 =	sadd.s32 $0x800, s17;
	[sflag:s10] =	ssyncset.done $0x0  }
0x3e: {  	s20 =	sadd.s32 s18, s9;
	[sflag:s10] =	ssyncadd.s32 $0xFFFFC000  }
0x3f: {  	[tilespmem:s2], [sflag:$0x3] =	stream.linear.gather [hbm4b:s20+s2], $0x80, $0x38;
	[tilespmem:$0x8100] =	vst v63  }
0x40: {  	_ =	swait.ge [sflag:s10], $0x80  }
0x41: {  	[sflag:s10] =	ssyncset.done $0x0  }
0x42: {  	[sflag:s10] =	ssyncadd.s32 $0xFFFFFF80  }
0x43: {  	[tilespmem:s11], [sflag:$0x1] =	stream.indirect.gather [hbm4b:s3+s11], $0x80, s2, s11, $0xb8;
	[tilespmem:$0x8100] =	vst v63  }
0x44: {  	_ =	swait.ge [sflag:s12], $0x4000  }
0x45: {  	[sflag:s12] =	ssyncset.done $0x0  }
0x46: {  	[sflag:s12] =	ssyncadd.s32 $0xFFFFC000  }
0x47: {  	[hbm4b:s19+s2] =	stream.linear.scatter [tilespmem:s11], [sflag:$0x3], $0x4000, $0x38;
	[tilespmem:$0x8100] =	vst v63  }
0x48: {  	_ =	swait.ge [sflag:s10], $0x4000  }
0x49: {  	[sflag:s10] =	ssyncset.done $0x0  }
0x4a: {  	s31 =	sadd.s32 s18, s8;
	[sflag:s10] =	ssyncadd.s32 $0xFFFFC000  }
0x4b: {  	[tilespmem:s13], [sflag:$0x3] =	stream.linear.gather [hbm4b:s31+s2], $0x80, $0x38;
	[tilespmem:$0x8100] =	vst v63  }
0x4c: {  	_ =	swait.ge [sflag:s10], $0x80  }
0x4d: {  	[sflag:s10] =	ssyncset.done $0x0  }
0x4e: {  	[sflag:s10] =	ssyncadd.s32 $0xFFFFFF80  }
0x4f: {  	[tilespmem:s14], [sflag:$0x2] =	stream.indirect.gather [hbm4b:s4+s11], $0x80, s13, s11, $0xb8;
	[tilespmem:$0x8100] =	vst v63  }
0x50: {  	s16 =	sadd.s32 $0x1, s16;
	_ =	swait.ge [sflag:s15], $0x4000  }
0x51: {  	p0 =	sne.s32 s16, s5;
	[sflag:s15] =	ssyncset.done $0x0  }
.Ltmp1:
0x52: {  	[sflag:s15] =	ssyncadd.s32 $0xFFFFC000;
	(pc) =	sbr.rel @p0 .LBB2_1-.Ltmp1, $4  }
0x53: {  	[hbm4b:s17+s2] =	stream.linear.scatter [tilespmem:s14], [sflag:$0x3], $0x4000, $0x38;
	[tilespmem:$0x8100] =	vst v63  }
0x54: {  	_ =	swait.ge [sflag:s10], $0x4000  }
0x55: {  	[sflag:s10] =	ssyncset.done $0x0  }
0x56: {  	[sflag:s10] =	ssyncadd.s32 $0xFFFFC000  }
0x57: {  	_ =	sfence.sel $0x180000  }
0x58: {  	[bflag:$0x0] =	sbarrier.arrive $0xFFFF  }
0x59: {  	p0 =	sne.s32 s1, $0x0;
	_ =	strace $0x90000053  }
0x5a: {  	s0 =	sadd.s32 @!p0 $0x100000, s0;
	[bflag:$0x2] =	sbarrier.arrive $0xFFFF  }
0x5b: {  	[sflag:s0] =	ssyncadd.tile.s32 @!p0 $0x1;
	_ =	shalt  }
.Lfunc_end2:
_tile_overlayer_lowered:
.L_overlay_start_2:
0x5c: {  	(tag) =	ssettag $0x2  }
0x5d: {  	s0 =	rddreg [dreg:$0x0];
	s2 =	stileid.u32  }
0x5e: {  	s1 =	rddreg [dreg:$0x1];
	p0 =	sne.s32 s2, $0x0  }
0x5f: {  	s3 =	rddreg [dreg:$0x2];
	[bflag:$0x3] =	sbarrier.arrive $0xFFFF;
	s2 =	simm.s32 @!p0 $0x1C03  }
0x60: {  	[timem:s3], [sflag:s2] =	dma.local @!p0 [hbm:s0], s1  }
0x61: {  	s0 =	simm.s32 @!p0 $0x3  }
0x62: {  	_ =	swait.ge @!p0 [sflag:s0], s1  }
0x63: {  	s1 =	ssub.s32 @!p0 $0x0, s1;
	[sflag:s0] =	ssyncset.done @!p0 $0x0  }
0x64: {  	[sflag:s0] =	ssyncadd.s32 @!p0 s1  }
0x65: {  	[bflag:$0x3] =	sbarrier.arrive $0xFFFF  }
0x66: {  	_ =	shalt  }

// kernel: kernel.27.cloned.1.call-start
scs
__scs_entry_jumppad:
0x0: {  	(pc) =	sbr.rel $0x88, $3  }
0x1: {  	(tag) =	ssettag $0x0;
	lr =	simm.s32 $0x1  }
0x2: {  	[smem:$0x3F7F] =	sst lr;
	_ =	strace $0xD0000000  }
0x3: {  	_ = 	snop  }
0x4: {  	_ = 	snop  }
0x5: {  	_ = 	snop  }
0x6: {  	_ = 	snop  }
0x7: {  	_ = 	snop  }
__scs_overlays_trampoline_lowered:
0x8: {  	[smem:$0x3F8E] =	sst s0  }
0x9: {  	[smem:$0x3F8F] =	sst s1  }
0xa: {  	[smem:$0x3F90] =	sst s2  }
0xb: {  	[smem:$0x3F91] =	sst s3  }
0xc: {  	[smem:$0x3F92] =	sst s4  }
0xd: {  	[smem:$0x3F93] =	sst s5  }
0xe: {  	[smem:$0x3F94] =	sst s6  }
0xf: {  	[smem:$0x3F95] =	sst s7  }
0x10: {  	[smem:$0x3F96] =	sst s8  }
0x11: {  	[smem:$0x3F97] =	sst s9;
	s0 =	simm.s32 @!p0 $0x0  }
0x12: {  	s1 =	sld [smem:$0x3F7D];
	s0 =	simm.s32 @p0 $0x1  }
0x13: {  	[smem:$0x3F98] =	sst s0;
	s0 =	simm.s32 @!p1 $0x0  }
0x14: {  	s2 =	sld [smem:$0x3F7C];
	s0 =	simm.s32 @p1 $0x1  }
0x15: {  	[smem:$0x3F99] =	sst s0;
	s0 =	simm.s32 @!p2 $0x0  }
0x16: {  	s3 =	sld [smem:$0x3FDB];
	s0 =	simm.s32 @p2 $0x1  }
0x17: {  	s4 =	simm.s32 $0x1BF5;
	[smem:$0x3F9B] =	sst s0  }
0x18: {  	s0 =	sld [smem:$0x3F7E];
	_ =	swait.ge [sflag:s4], $0x0  }
0x19: {  	s7 =	sld [smem:$0x3F7F]  }
0x1a: {  	s8 =	sadd.s32 $0xFFFFE003, lr  }
0x1b: {  	s9 =	sadd.s32 $0xFFFFFEF7, lr;
	s5 =	simm.s32 $0xFFFFFFFF;
	p2 =	slt.u32 s8, $0xFFFFF086  }
0x1c: {  	p1 =	slt.u32 s9, $0xF7A;
	s5 =	simm.s32 @!p2 $0x0  }
0x1d: {  	s5 =	simm.s32 @p1 $0x1;
	p0 =	seq.s32 s7, s2  }
0x1e: {  	s7 =	smul.u32 @!p0 $0xF7A, s2;
	p2 =	seq.s32 @!p0 s5, $0x0  }
0x1f: {  	s9 =	smul.u32 $0xF7A, s1;
	s8 =	simm.s32 @!p0 $0x1BF5;
	p2 =	por !p2, p0  }
0x20: {  	[sflag:s8] =	ssyncset.s32 @!p0 $0xFFFFF086;
	s6 =	sadd.s32 @!p0 s3, s7;
	s7 =	simm.s32 @!p0 $0x108  }
0x21: {  	s3 =	sadd.s32 s3, s9;
	s6 =	sadd.s32 @!p0 $0x88, s6;
	s7 =	simm.s32 @p2 $0x1082  }
0x22: {  	[simem:s7], [sflag:s8] =	dma.local @!p0 [hbm:s6], $0xF7A  }
0x23: {  	s9 =	sor.u32 $0xD0000000, s2;
	s6 =	simm.s32 $0x108;
	_ =	swait.ge @!p0 [sflag:s8], $0x0  }
0x24: {  	s3 =	sadd.s32 $0x88, s3;
	s6 =	simm.s32 @!p1 $0x1082;
	[sflag:s4] =	ssyncset.s32 $0xFFFFF086  }
0x25: {  	[simem:s6], [sflag:s4] =	dma.local [hbm:s3], $0xF7A  }
0x26: {  	[smem:$0x3F7F] =	sst s1;
	(tag) =	ssettag s2;
	_ =	strace s9  }
0x27: {  	s1 =	sld [smem:$0x3F8F]  }
0x28: {  	s2 =	sld [smem:$0x3F90]  }
0x29: {  	s4 =	sld [smem:$0x3F92]  }
0x2a: {  	p0 =	seq.s32 s5, $0x0;
	s5 =	sld [smem:$0x3F93]  }
0x2b: {  	s6 =	sld [smem:$0x3F94]  }
0x2c: {  	s7 =	sld [smem:$0x3F95]  }
0x2d: {  	s3 =	simm.s32 $0x108;
	s8 =	sld [smem:$0x3F96]  }
0x2e: {  	s3 =	simm.s32 @!p0 $0x1082;
	s9 =	sld [smem:$0x3F97]  }
0x2f: {  	lr =	sadd.s32 s0, s3;
	s0 =	sld [smem:$0x3F8E]  }
0x30: {  	s3 =	sld [smem:$0x3F91]  }
0x31: {  	[smem:$0x3F9A] =	sst s10  }
0x32: {  	s10 =	sld [smem:$0x3F98];
	_ =	sdelay $0x3  }
0x33: {  	p0 =	seq.s32 s10, $0x1;
	s10 =	sld [smem:$0x3F9A];
	_ =	sdelay $0x3  }
0x34: {  	[smem:$0x3F9A] =	sst s10  }
0x35: {  	s10 =	sld [smem:$0x3F99];
	_ =	sdelay $0x3  }
0x36: {  	p1 =	seq.s32 s10, $0x1;
	s10 =	sld [smem:$0x3F9A];
	_ =	sdelay $0x3  }
0x37: {  	[smem:$0x3F9A] =	sst s10  }
0x38: {  	s10 =	sld [smem:$0x3F9B]  }
0x39: {  	_ = 	snop;
	(pc) =	sbr.ind lr, $3  }
0x3a: {  	_ = 	snop  }
0x3b: {  	_ = 	snop  }
0x3c: {  	p2 =	seq.s32 s10, $0x1;
	s10 =	sld [smem:$0x3F9A]  }
0x3d: {  	_ =	shalt  }
0x3e: {  	_ =	shalt  }
0x3f: {  	_ =	shalt  }
0x40: {  	_ =	shalt  }
0x41: {  	_ =	shalt  }
0x42: {  	_ =	shalt  }
0x43: {  	_ =	shalt  }
0x44: {  	_ =	shalt  }
0x45: {  	_ =	shalt  }
0x46: {  	_ =	shalt  }
0x47: {  	_ =	shalt  }
0x48: {  	_ =	shalt  }
0x49: {  	_ =	shalt  }
0x4a: {  	_ =	shalt  }
0x4b: {  	_ =	shalt  }
0x4c: {  	_ =	shalt  }
0x4d: {  	_ =	shalt  }
0x4e: {  	_ =	shalt  }
0x4f: {  	_ =	shalt  }
0x50: {  	_ =	shalt  }
0x51: {  	_ =	shalt  }
0x52: {  	_ =	shalt  }
0x53: {  	_ =	shalt  }
0x54: {  	_ =	shalt  }
0x55: {  	_ =	shalt  }
0x56: {  	_ =	shalt  }
0x57: {  	_ =	shalt  }
0x58: {  	_ =	shalt  }
0x59: {  	_ =	shalt  }
0x5a: {  	_ =	shalt  }
0x5b: {  	_ =	shalt  }
0x5c: {  	_ =	shalt  }
0x5d: {  	_ =	shalt  }
0x5e: {  	_ =	shalt  }
0x5f: {  	_ =	shalt  }
0x60: {  	_ =	shalt  }
0x61: {  	_ =	shalt  }
0x62: {  	_ =	shalt  }
0x63: {  	_ =	shalt  }
0x64: {  	_ =	shalt  }
0x65: {  	_ =	shalt  }
0x66: {  	_ =	shalt  }
0x67: {  	_ =	shalt  }
0x68: {  	_ =	shalt  }
0x69: {  	_ =	shalt  }
0x6a: {  	_ =	shalt  }
0x6b: {  	_ =	shalt  }
0x6c: {  	_ =	shalt  }
0x6d: {  	_ =	shalt  }
0x6e: {  	_ =	shalt  }
0x6f: {  	_ =	shalt  }
0x70: {  	_ =	shalt  }
0x71: {  	_ =	shalt  }
0x72: {  	_ =	shalt  }
0x73: {  	_ =	shalt  }
0x74: {  	_ =	shalt  }
0x75: {  	_ =	shalt  }
0x76: {  	_ =	shalt  }
0x77: {  	_ =	shalt  }
0x78: {  	_ =	shalt  }
0x79: {  	_ =	shalt  }
0x7a: {  	_ =	shalt  }
0x7b: {  	_ =	shalt  }
0x7c: {  	_ =	shalt  }
0x7d: {  	_ =	shalt  }
0x7e: {  	_ =	shalt  }
0x7f: {  	_ =	shalt  }
0x80: {  	_ =	shalt  }
0x81: {  	_ =	shalt  }
0x82: {  	_ =	shalt  }
0x83: {  	_ =	shalt  }
0x84: {  	_ =	shalt  }
0x85: {  	_ =	shalt  }
0x86: {  	_ =	shalt  }
0x87: {  	_ =	shalt  }
.Lfunc_end0:
.L_simem_size_0:
called_computation.6_lowered:
.L_overlay_start_0:
0x88: {  	s2 =	sld [smem:$0x3FD9]  }
0x89: {  	s3 =	sld [smem:$0x3FFE];
	_ =	sdelay $0x1  }
0x8a: {  	s1 =	srdreg.scid  }
0x8b: {  	s0 =	sand.u32 $0x1, s1  }
0x8c: {  	s16 =	sshll.u32 s0, $0xA;
	s2 =	sadd.s32 s3, s2  }
0x8d: {  	s2 =	sadd.s32 s2, s16  }
0x8e: {  	[smem:$0x3FA6] =	sst s2  }
0x8f: {  	_ = 	snop  }
0x90: {  	(tm) =	ssettm $0x1  }
0x91: {  	s17 =	sld [smem:$0x3FFB];
	_ =	sdelay $0x3  }
0x92: {  	_ =	strace s17  }
0x93: {  	s2 =	sld [smem:$0x3FFC];
	_ =	sdelay $0x3  }
0x94: {  	_ =	strace s2  }
0x95: {  	s2 =	sld [smem:$0x3FFD];
	_ =	sdelay $0x3  }
0x96: {  	_ =	strace s2  }
0x97: {  	_ =	strace $0x8FFFFFFF  }
0x98: {  	s18 =	sld [smem:$0x3FDB];
	_ =	sdelay $0x1  }
0x99: {  	s19 =	simm.s32 $_scs_section_size  }
0x9a: {  	s4 =	simm.s32 $_size__tile_overlayer_lowered;
	s5 =	simm.s32 $_tile_overlayer_lowered  }
0x9b: {  	s22 =	simm.s32 $0x1BFF;
	s21 =	sshll.u32 s5, $0x1;
	s2 =	sadd.s32 s19, s18  }
0x9c: {  	s6 =	simm.s32 $0x0;
	s20 =	sshll.u32 s4, $0x1;
	s4 =	sadd.s32 s21, s2  }
0x9d: {  	[timem:s6], [sflag:s22] =	dma.local [hbm:s4], s20  }
0x9e: {  	_ =	swait.ge [sflag:s22], s20  }
0x9f: {  	s3 =	ssub.s32 $0x0, s20;
	[sflag:s22] =	ssyncset.done $0x0  }
0xa0: {  	[sflag:s22] =	ssyncadd.s32 s3;
	_ =	sdelay $0x1  }
0xa1: {  	s23 =	simm.s32 $0x1B8B  }
0xa2: {  	_ =	swait.ge [sflag:s23], $0x1  }
0xa3: {  	[sflag:s23] =	ssyncset.done $0x0  }
0xa4: {  	s25 =	simm.s32 $0x1B8E;
	s24 =	sld [smem:$0x3FFE];
	[sflag:s23] =	ssyncadd.s32 $0xFFFFFFFF  }
0xa5: {  	s26 =	simm.s32 $execute0_lowered;
	[smem:$0x3FD2] =	sst s25  }
0xa6: {  	s4 =	sshll.u32 s26, $0x1;
	_ =	strace $0x80000058;
	[dreg:$0x1] =	wrdreg $0xFFFFFFFF  }
0xa7: {  	s28 =	simm.s32 $_size_execute0_lowered;
	s2 =	sadd.s32 s2, s4;
	[dreg:$0x0] =	wrdreg $0x0  }
0xa8: {  	s4 =	sshll.u32 s28, $0x1;
	[dreg:$0x2] =	wrdreg s2  }
0xa9: {  	[dreg:$0x3] =	wrdreg s4  }
0xaa: {  	[dreg:$0x4] =	wrdreg $0xC0  }
0xab: {  	_ =	task [dreg:s6], $0x5FFFF  }
0xac: {  	[dreg:$0x1] =	wrdreg $0xFFFFFFFF  }
0xad: {  	[dreg:$0x0] =	wrdreg $0x60  }
0xae: {  	[dreg:$0x2] =	wrdreg s24  }
0xaf: {  	[dreg:$0x3] =	wrdreg $0x9  }
0xb0: {  	_ =	task.clear_ibuf [dreg:s6], $0x4FFFF;
	_ =	strace $0x90000058  }
0xb1: {  	s29 =	simm.s32 $0x9;
	_ =	strace $0x8000005A  }
0xb2: {  	_ =	swait.ge [sflag:s29], $0x1  }
0xb3: {  	[sflag:s29] =	ssyncadd.s32 $0xFFFFFFFF  }
0xb4: {  	_ =	strace $0x9000005A  }
0xb5: {  	_ =	sfence  }
0xb6: {  	s30 =	sld [smem:$0x0];
	_ =	sdelay $0x2  }
0xb7: {  	s31 =	sshll.u32 s1, $0xD;
	s1 =	sshrl.u32 s1, $0x2  }
0xb8: {  	s3 =	sand.u32 $0x4000, s31;
	s1 =	sadd.s32 s1, s30  }
0xb9: {  	s0 =	sor.u32 s3, s0;
	s1 =	sshll.u32 s1, $0x11  }
0xba: {  	s0 =	sor.u32 s1, s0  }
0xbb: {  	s0 =	sadd.s32 $0x8F2B, s0  }
0xbc: {  	[sflag:s0] =	ssyncadd.remote.s32 $0x1  }
0xbd: {  	_ =	sfence.sel $0xFFFF  }
0xbe: {  	[dreg:$0x0] =	wrdreg $0xFFFFFFFF;
	(pc) =	sbr.abs _section_cstart, $3  }
0xbf: {  	[dreg:$0x1] =	wrdreg $0xFFFFFFFF  }
0xc0: {  	_ =	task.clear_ibuf [dreg:s6], $0x2FFFF;
	_ =	strace $0x9FFFFFFF  }
0xc1: {  	(tm) =	ssettm $0x7FFFFFFF  }
tec
execute0_lowered:
.L_overlay_start_1:
0x0: {  	(tag) =	ssettag $0x1  }
0x1: {  	s1 =	srdreg.scid;
	s0 =	stileid.u32  }
0x2: {  	s1 =	sand.u32 $0x1, s1;
	s2 =	smul.u32 $0x2800, s0  }
0x3: {  	s3 =	smul.u32 $0x1400, s1;
	_ =	sdelay $0x1  }
0x4: {  	s5 =	rddreg [dreg:$0x0];
	s3 =	sadd.s32 s3, s2;
	s2 =	simm.s32 $0x0  }
0x5: {  	s12 =	simm.s32 $0x880;
	[smem:$0x7FF] =	sst s2  }
0x6: {  	s13 =	simm.s32 $0x1080;
	_ =	strace $0x80000059;
	[dreg:$0x4] =	wrdreg s12  }
0x7: {  	s14 =	simm.s32 $0x1880;
	s15 =	simm.s32 $0x2080;
	[dreg:$0x5] =	wrdreg s13  }
0x8: {  	s7 =	simm.s32 $0x2880;
	s16 =	simm.s32 $0x3080;
	[dreg:$0x6] =	wrdreg s14  }
0x9: {  	s17 =	simm.s32 $0x3880;
	s19 =	simm.s32 $0x4080;
	[dreg:$0x7] =	wrdreg s15  }
0xa: {  	s20 =	simm.s32 $0x4880;
	s21 =	simm.s32 $0x5080;
	[dreg:$0x8] =	wrdreg s7  }
0xb: {  	s22 =	simm.s32 $0x5880;
	s24 =	simm.s32 $0x6080;
	[dreg:$0x9] =	wrdreg s16  }
0xc: {  	s25 =	simm.s32 $0x6880;
	s26 =	simm.s32 $0x7080;
	[dreg:$0xa] =	wrdreg s17  }
0xd: {  	s30 =	simm.s32 $0x7880;
	s31 =	simm.s32 $0x8080;
	[dreg:$0xb] =	wrdreg s19  }
0xe: {  	s9 =	simm.s32 $0x80;
	s10 =	simm.s32 $0x1;
	[dreg:$0xc] =	wrdreg s20  }
0xf: {  	s11 =	simm.s32 $0x8100;
	s28 =	simm.s32 $0x2;
	[dreg:$0xd] =	wrdreg s21  }
0x10: {  	s29 =	simm.s32 $0x0;
	s6 =	smul.u32 $0x50000, s0;
	[dreg:$0xe] =	wrdreg s22  }
0x11: {  	s18 =	ssub.s32 $0x2, s1;
	s1 =	smul.u32 $0x28000, s1;
	[dreg:$0xf] =	wrdreg s24  }
0x12: {  	s6 =	sadd.s32 s6, s5;
	s8 =	sshrl.u32 s18, $0x1;
	[dreg:$0x10] =	wrdreg s25  }
0x13: {  	s1 =	sadd.s32 s1, s6;
	s3 =	sshrl.u32 s3, $0x3;
	[dreg:$0x11] =	wrdreg s26  }
0x14: {  	s6 =	sadd.s32 $0x56B800, s1;
	s3 =	sadd.s32 s3, s5;
	[dreg:$0x12] =	wrdreg s30  }
0x15: {  	s7 =	ssub.s32 s18, s8;
	s8 =	simm.s32 $0x3;
	[dreg:$0x13] =	wrdreg s31  }
0x16: {  	s12 =	simm.s32 $0x8900;
	s13 =	simm.s32 $0x9100;
	s14 =	simm.s32 $0x9900  }
0x17: {  	s15 =	simm.s32 $0xA100;
	s16 =	simm.s32 $0xA900;
	s17 =	simm.s32 $0xB100  }
0x18: {  	s18 =	simm.s32 $0xB900;
	s19 =	simm.s32 $0xC100;
	s20 =	simm.s32 $0xC900  }
0x19: {  	s21 =	simm.s32 $0xD100;
	s22 =	simm.s32 $0xD900;
	s24 =	simm.s32 $0xE900  }
0x1a: {  	s25 =	simm.s32 $0xF100;
	s26 =	simm.s32 $0xF900;
	s4 =	sadd.s32 $0xC800, s3  }
0x1b: {  	v2 =	vlaneseq.u32;
	s3 =	sadd.s32 $0x7800, s3;
	s23 =	smax.u32 s7, $0x1;
	[dreg:$0x2] =	wrdreg s4  }
0x1c: {  	vm0 =	vmmov $0xffff;
	v1 =	vshrl.u32 v2, $0x3;
	s7 =	sadd.s32 $0xA6B800, s1;
	[dreg:$0x3] =	wrdreg s3;
	s3 =	sadd.s32 $0xB1800, s5  }
0x1d: {  	v0 =	vand.u32 $0x7, v2;
	v2 =	vor.u32 $0x8, v2;
	v1 =	vmul.u32 $0x8, v1;
	s4 =	sadd.s32 $0x61800, s5;
	[dreg:$0x14] =	wrdreg s23;
	s23 =	simm.s32 $0xE100  }
.LBB2_1:
0x1e: {  	s30 =	smov.u32 s7;
	s31 =	smov.u32 s6;
	s1 =	simm.s32 $0x0  }
.LBB2_2:
0x1f: {  	s0 =	rddreg [dreg:$0x3]  }
0x20: {  	s0 =	sadd.s32 s1, s0  }
0x21: {  	[tilespmem:s2], [sflag:$0x3] =	stream.linear.gather [hbm4b:s0+s2], $0x80, $0x38;
	[tilespmem:$0x10100] =	vst v63  }
0x22: {  	_ =	swait.ge [sflag:s8], $0x80  }
0x23: {  	[sflag:s8] =	ssyncset.done $0x0  }
0x24: {  	[sflag:s8] =	ssyncadd.s32 $0xFFFFFF80  }
0x25: {  	v3 =	vld [tilespmem:$0x0];
	_ =	sdelay $0x4  }
0x26: {  	v4 =	vshll.u32 v3, $0x1  }
0x27: {  	v3 =	vand.u32 $0x7, v3;
	v4 =	vand.u32 $0xFFFFFFF0, v4  }
0x28: {  	v3 =	vor.u32 v3, v4  }
0x29: {  	v4 =	vperm.xlane v3, v0;
	_ =	sdelay $0x1  }
0x2a: {  	v3 =	vperm.xlane v3, v2;
	v4 =	vadd.s32 v1, v4;
	_ =	sdelay $0x1  }
0x2b: {  	v3 =	vadd.s32 v1, v3;
	_ =	sdelay $0x2  }
0x2c: {  	[tilespmem:s9], [sflag:$0x1] =	stream.indirect_vreg.gather [hbm4b:s3+s2], $0x80, v4, vm0, $0xb8;
	[tilespmem:$0x10100] =	vst v63  }
0x2d: {  	s5 =	rddreg [dreg:$0x4]  }
0x2e: {  	[tilespmem:s5], [sflag:$0x1] =	stream.indirect_vreg.gather [hbm4b:s3+s2], $0x80, v3, vm0, $0xb8;
	[tilespmem:$0x10100] =	vst v63  }
0x2f: {  	v3 =	vld [tilespmem:$0x10];
	_ =	sdelay $0x4  }
0x30: {  	v49 =	vshll.u32 v3, $0x1  }
0x31: {  	v3 =	vand.u32 $0x7, v3;
	v4 =	vand.u32 $0xFFFFFFF0, v49  }
0x32: {  	v3 =	vor.u32 v3, v4  }
0x33: {  	v4 =	vperm.xlane v3, v0;
	_ =	sdelay $0x1  }
0x34: {  	v3 =	vperm.xlane v3, v2;
	v4 =	vadd.s32 v1, v4;
	_ =	sdelay $0x1  }
0x35: {  	v3 =	vadd.s32 v1, v3;
	_ =	sdelay $0x1  }
0x36: {  	s0 =	rddreg [dreg:$0x5]  }
0x37: {  	[tilespmem:s0], [sflag:$0x1] =	stream.indirect_vreg.gather [hbm4b:s3+s2], $0x80, v4, vm0, $0xb8;
	[tilespmem:$0x10100] =	vst v63  }
0x38: {  	s5 =	rddreg [dreg:$0x6]  }
0x39: {  	[tilespmem:s5], [sflag:$0x1] =	stream.indirect_vreg.gather [hbm4b:s3+s2], $0x80, v3, vm0, $0xb8;
	[tilespmem:$0x10100] =	vst v63  }
0x3a: {  	v3 =	vld [tilespmem:$0x20];
	_ =	sdelay $0x4  }
0x3b: {  	v50 =	vshll.u32 v3, $0x1  }
0x3c: {  	v3 =	vand.u32 $0x7, v3;
	v4 =	vand.u32 $0xFFFFFFF0, v50  }
0x3d: {  	v3 =	vor.u32 v3, v4  }
0x3e: {  	v4 =	vperm.xlane v3, v0;
	_ =	sdelay $0x1  }
0x3f: {  	v3 =	vperm.xlane v3, v2;
	v4 =	vadd.s32 v1, v4;
	_ =	sdelay $0x1  }
0x40: {  	v3 =	vadd.s32 v1, v3;
	_ =	sdelay $0x1  }
0x41: {  	s0 =	rddreg [dreg:$0x7]  }
0x42: {  	[tilespmem:s0], [sflag:$0x1] =	stream.indirect_vreg.gather [hbm4b:s3+s2], $0x80, v4, vm0, $0xb8;
	[tilespmem:$0x10100] =	vst v63  }
0x43: {  	s5 =	rddreg [dreg:$0x8]  }
0x44: {  	[tilespmem:s5], [sflag:$0x1] =	stream.indirect_vreg.gather [hbm4b:s3+s2], $0x80, v3, vm0, $0xb8;
	[tilespmem:$0x10100] =	vst v63  }
0x45: {  	v3 =	vld [tilespmem:$0x30];
	_ =	sdelay $0x4  }
0x46: {  	v51 =	vshll.u32 v3, $0x1  }
0x47: {  	v3 =	vand.u32 $0x7, v3;
	v4 =	vand.u32 $0xFFFFFFF0, v51  }
0x48: {  	v3 =	vor.u32 v3, v4  }
0x49: {  	v4 =	vperm.xlane v3, v0;
	_ =	sdelay $0x1  }
0x4a: {  	v3 =	vperm.xlane v3, v2;
	v4 =	vadd.s32 v1, v4;
	_ =	sdelay $0x1  }
0x4b: {  	v3 =	vadd.s32 v1, v3;
	_ =	sdelay $0x1  }
0x4c: {  	s0 =	rddreg [dreg:$0x9]  }
0x4d: {  	[tilespmem:s0], [sflag:$0x1] =	stream.indirect_vreg.gather [hbm4b:s3+s2], $0x80, v4, vm0, $0xb8;
	[tilespmem:$0x10100] =	vst v63  }
0x4e: {  	s5 =	rddreg [dreg:$0xa]  }
0x4f: {  	[tilespmem:s5], [sflag:$0x1] =	stream.indirect_vreg.gather [hbm4b:s3+s2], $0x80, v3, vm0, $0xb8;
	[tilespmem:$0x10100] =	vst v63  }
0x50: {  	v3 =	vld [tilespmem:$0x40];
	_ =	sdelay $0x4  }
0x51: {  	v52 =	vshll.u32 v3, $0x1  }
0x52: {  	v3 =	vand.u32 $0x7, v3;
	v4 =	vand.u32 $0xFFFFFFF0, v52  }
0x53: {  	v3 =	vor.u32 v3, v4  }
0x54: {  	v4 =	vperm.xlane v3, v0;
	_ =	sdelay $0x1  }
0x55: {  	v3 =	vperm.xlane v3, v2;
	v4 =	vadd.s32 v1, v4;
	_ =	sdelay $0x1  }
0x56: {  	v3 =	vadd.s32 v1, v3;
	_ =	sdelay $0x1  }
0x57: {  	s0 =	rddreg [dreg:$0xb]  }
0x58: {  	[tilespmem:s0], [sflag:$0x1] =	stream.indirect_vreg.gather [hbm4b:s3+s2], $0x80, v4, vm0, $0xb8;
	[tilespmem:$0x10100] =	vst v63  }
0x59: {  	s5 =	rddreg [dreg:$0xc]  }
0x5a: {  	[tilespmem:s5], [sflag:$0x1] =	stream.indirect_vreg.gather [hbm4b:s3+s2], $0x80, v3, vm0, $0xb8;
	[tilespmem:$0x10100] =	vst v63  }
0x5b: {  	v3 =	vld [tilespmem:$0x50];
	_ =	sdelay $0x4  }
0x5c: {  	v53 =	vshll.u32 v3, $0x1  }
0x5d: {  	v3 =	vand.u32 $0x7, v3;
	v4 =	vand.u32 $0xFFFFFFF0, v53  }
0x5e: {  	v3 =	vor.u32 v3, v4  }
0x5f: {  	v4 =	vperm.xlane v3, v0;
	_ =	sdelay $0x1  }
0x60: {  	v3 =	vperm.xlane v3, v2;
	v4 =	vadd.s32 v1, v4;
	_ =	sdelay $0x1  }
0x61: {  	v3 =	vadd.s32 v1, v3;
	_ =	sdelay $0x1  }
0x62: {  	s0 =	rddreg [dreg:$0xd]  }
0x63: {  	[tilespmem:s0], [sflag:$0x1] =	stream.indirect_vreg.gather [hbm4b:s3+s2], $0x80, v4, vm0, $0xb8;
	[tilespmem:$0x10100] =	vst v63  }
0x64: {  	s5 =	rddreg [dreg:$0xe]  }
0x65: {  	[tilespmem:s5], [sflag:$0x1] =	stream.indirect_vreg.gather [hbm4b:s3+s2], $0x80, v3, vm0, $0xb8;
	[tilespmem:$0x10100] =	vst v63  }
0x66: {  	v3 =	vld [tilespmem:$0x60];
	_ =	sdelay $0x4  }
0x67: {  	v54 =	vshll.u32 v3, $0x1  }
0x68: {  	v3 =	vand.u32 $0x7, v3;
	v4 =	vand.u32 $0xFFFFFFF0, v54  }
0x69: {  	v3 =	vor.u32 v3, v4  }
0x6a: {  	v4 =	vperm.xlane v3, v0;
	_ =	sdelay $0x1  }
0x6b: {  	v3 =	vperm.xlane v3, v2;
	v4 =	vadd.s32 v1, v4;
	_ =	sdelay $0x1  }
0x6c: {  	v3 =	vadd.s32 v1, v3;
	_ =	sdelay $0x1  }
0x6d: {  	s0 =	rddreg [dreg:$0xf]  }
0x6e: {  	[tilespmem:s0], [sflag:$0x1] =	stream.indirect_vreg.gather [hbm4b:s3+s2], $0x80, v4, vm0, $0xb8;
	[tilespmem:$0x10100] =	vst v63  }
0x6f: {  	s5 =	rddreg [dreg:$0x10]  }
0x70: {  	[tilespmem:s5], [sflag:$0x1] =	stream.indirect_vreg.gather [hbm4b:s3+s2], $0x80, v3, vm0, $0xb8;
	[tilespmem:$0x10100] =	vst v63  }
0x71: {  	v3 =	vld [tilespmem:$0x70];
	_ =	sdelay $0x4  }
0x72: {  	v55 =	vshll.u32 v3, $0x1  }
0x73: {  	v3 =	vand.u32 $0x7, v3;
	v4 =	vand.u32 $0xFFFFFFF0, v55  }
0x74: {  	v3 =	vor.u32 v3, v4  }
0x75: {  	v4 =	vperm.xlane v3, v0;
	_ =	sdelay $0x1  }
0x76: {  	v3 =	vperm.xlane v3, v2;
	v4 =	vadd.s32 v1, v4;
	_ =	sdelay $0x1  }
0x77: {  	v3 =	vadd.s32 v1, v3;
	_ =	sdelay $0x1  }
0x78: {  	s0 =	rddreg [dreg:$0x11]  }
0x79: {  	[tilespmem:s0], [sflag:$0x1] =	stream.indirect_vreg.gather [hbm4b:s3+s2], $0x80, v4, vm0, $0xb8;
	[tilespmem:$0x10100] =	vst v63  }
0x7a: {  	s5 =	rddreg [dreg:$0x12]  }
0x7b: {  	[tilespmem:s5], [sflag:$0x1] =	stream.indirect_vreg.gather [hbm4b:s3+s2], $0x80, v3, vm0, $0xb8;
	[tilespmem:$0x10100] =	vst v63  }
0x7c: {  	_ =	swait.ge [sflag:s10], $0x8000  }
0x7d: {  	[sflag:s10] =	ssyncset.done $0x0  }
0x7e: {  	[sflag:s10] =	ssyncadd.s32 $0xFFFF8000  }
0x7f: {  	[hbm4b:s31+s2] =	stream.linear.scatter [tilespmem:s9], [sflag:$0x3], $0x8000, $0x38;
	[tilespmem:$0x10100] =	vst v63  }
0x80: {  	_ =	swait.ge [sflag:s8], $0x8000  }
0x81: {  	s0 =	rddreg [dreg:$0x2];
	[sflag:s8] =	ssyncset.done $0x0  }
0x82: {  	s5 =	rddreg [dreg:$0x13];
	[sflag:s8] =	ssyncadd.s32 $0xFFFF8000;
	s0 =	sadd.s32 s1, s0  }
0x83: {  	[tilespmem:s5], [sflag:$0x3] =	stream.linear.gather [hbm4b:s0+s2], $0x80, $0x38;
	[tilespmem:$0x10100] =	vst v63  }
0x84: {  	_ =	swait.ge [sflag:s8], $0x80  }
0x85: {  	[sflag:s8] =	ssyncset.done $0x0  }
0x86: {  	[sflag:s8] =	ssyncadd.s32 $0xFFFFFF80  }
0x87: {  	v3 =	vld [tilespmem:$0x8080];
	_ =	sdelay $0x4  }
0x88: {  	v56 =	vshll.u32 v3, $0x1  }
0x89: {  	v3 =	vand.u32 $0x7, v3;
	v4 =	vand.u32 $0xFFFFFFF0, v56  }
0x8a: {  	v3 =	vor.u32 v3, v4  }
0x8b: {  	v4 =	vperm.xlane v3, v0;
	_ =	sdelay $0x1  }
0x8c: {  	v3 =	vperm.xlane v3, v2;
	v4 =	vadd.s32 v1, v4;
	_ =	sdelay $0x1  }
0x8d: {  	v3 =	vadd.s32 v1, v3;
	_ =	sdelay $0x2  }
0x8e: {  	[tilespmem:s11], [sflag:$0x2] =	stream.indirect_vreg.gather [hbm4b:s4+s2], $0x80, v4, vm0, $0xb8;
	[tilespmem:$0x10100] =	vst v63  }
0x8f: {  	_ = 	snop  }
0x90: {  	[tilespmem:s12], [sflag:$0x2] =	stream.indirect_vreg.gather [hbm4b:s4+s2], $0x80, v3, vm0, $0xb8;
	[tilespmem:$0x10100] =	vst v63  }
0x91: {  	v3 =	vld [tilespmem:$0x8090];
	_ =	sdelay $0x4  }
0x92: {  	v57 =	vshll.u32 v3, $0x1  }
0x93: {  	v3 =	vand.u32 $0x7, v3;
	v4 =	vand.u32 $0xFFFFFFF0, v57  }
0x94: {  	v3 =	vor.u32 v3, v4  }
0x95: {  	v4 =	vperm.xlane v3, v0;
	_ =	sdelay $0x1  }
0x96: {  	v3 =	vperm.xlane v3, v2;
	v4 =	vadd.s32 v1, v4;
	_ =	sdelay $0x1  }
0x97: {  	v3 =	vadd.s32 v1, v3;
	_ =	sdelay $0x2  }
0x98: {  	[tilespmem:s13], [sflag:$0x2] =	stream.indirect_vreg.gather [hbm4b:s4+s2], $0x80, v4, vm0, $0xb8;
	[tilespmem:$0x10100] =	vst v63  }
0x99: {  	_ = 	snop  }
0x9a: {  	[tilespmem:s14], [sflag:$0x2] =	stream.indirect_vreg.gather [hbm4b:s4+s2], $0x80, v3, vm0, $0xb8;
	[tilespmem:$0x10100] =	vst v63  }
0x9b: {  	v3 =	vld [tilespmem:$0x80A0];
	_ =	sdelay $0x4  }
0x9c: {  	v58 =	vshll.u32 v3, $0x1  }
0x9d: {  	v3 =	vand.u32 $0x7, v3;
	v4 =	vand.u32 $0xFFFFFFF0, v58  }
0x9e: {  	v3 =	vor.u32 v3, v4  }
0x9f: {  	v4 =	vperm.xlane v3, v0;
	_ =	sdelay $0x1  }
0xa0: {  	v3 =	vperm.xlane v3, v2;
	v4 =	vadd.s32 v1, v4;
	_ =	sdelay $0x1  }
0xa1: {  	v3 =	vadd.s32 v1, v3;
	_ =	sdelay $0x2  }
0xa2: {  	[tilespmem:s15], [sflag:$0x2] =	stream.indirect_vreg.gather [hbm4b:s4+s2], $0x80, v4, vm0, $0xb8;
	[tilespmem:$0x10100] =	vst v63  }
0xa3: {  	_ = 	snop  }
0xa4: {  	[tilespmem:s16], [sflag:$0x2] =	stream.indirect_vreg.gather [hbm4b:s4+s2], $0x80, v3, vm0, $0xb8;
	[tilespmem:$0x10100] =	vst v63  }
0xa5: {  	v3 =	vld [tilespmem:$0x80B0];
	_ =	sdelay $0x4  }
0xa6: {  	v59 =	vshll.u32 v3, $0x1  }
0xa7: {  	v3 =	vand.u32 $0x7, v3;
	v4 =	vand.u32 $0xFFFFFFF0, v59  }
0xa8: {  	v3 =	vor.u32 v3, v4  }
0xa9: {  	v4 =	vperm.xlane v3, v0;
	_ =	sdelay $0x1  }
0xaa: {  	v3 =	vperm.xlane v3, v2;
	v4 =	vadd.s32 v1, v4;
	_ =	sdelay $0x1  }
0xab: {  	v3 =	vadd.s32 v1, v3;
	_ =	sdelay $0x2  }
0xac: {  	[tilespmem:s17], [sflag:$0x2] =	stream.indirect_vreg.gather [hbm4b:s4+s2], $0x80, v4, vm0, $0xb8;
	[tilespmem:$0x10100] =	vst v63  }
0xad: {  	_ = 	snop  }
0xae: {  	[tilespmem:s18], [sflag:$0x2] =	stream.indirect_vreg.gather [hbm4b:s4+s2], $0x80, v3, vm0, $0xb8;
	[tilespmem:$0x10100] =	vst v63  }
0xaf: {  	v3 =	vld [tilespmem:$0x80C0];
	_ =	sdelay $0x4  }
0xb0: {  	v60 =	vshll.u32 v3, $0x1  }
0xb1: {  	v3 =	vand.u32 $0x7, v3;
	v4 =	vand.u32 $0xFFFFFFF0, v60  }
0xb2: {  	v3 =	vor.u32 v3, v4  }
0xb3: {  	v4 =	vperm.xlane v3, v0;
	_ =	sdelay $0x1  }
0xb4: {  	v3 =	vperm.xlane v3, v2;
	v4 =	vadd.s32 v1, v4;
	_ =	sdelay $0x1  }
0xb5: {  	v3 =	vadd.s32 v1, v3;
	_ =	sdelay $0x2  }
0xb6: {  	[tilespmem:s19], [sflag:$0x2] =	stream.indirect_vreg.gather [hbm4b:s4+s2], $0x80, v4, vm0, $0xb8;
	[tilespmem:$0x10100] =	vst v63  }
0xb7: {  	_ = 	snop  }
0xb8: {  	[tilespmem:s20], [sflag:$0x2] =	stream.indirect_vreg.gather [hbm4b:s4+s2], $0x80, v3, vm0, $0xb8;
	[tilespmem:$0x10100] =	vst v63  }
0xb9: {  	v3 =	vld [tilespmem:$0x80D0];
	_ =	sdelay $0x4  }
0xba: {  	v61 =	vshll.u32 v3, $0x1  }
0xbb: {  	v3 =	vand.u32 $0x7, v3;
	v4 =	vand.u32 $0xFFFFFFF0, v61  }
0xbc: {  	v3 =	vor.u32 v3, v4  }
0xbd: {  	v4 =	vperm.xlane v3, v0;
	_ =	sdelay $0x1  }
0xbe: {  	v3 =	vperm.xlane v3, v2;
	v4 =	vadd.s32 v1, v4;
	_ =	sdelay $0x1  }
0xbf: {  	v3 =	vadd.s32 v1, v3;
	_ =	sdelay $0x2  }
0xc0: {  	[tilespmem:s21], [sflag:$0x2] =	stream.indirect_vreg.gather [hbm4b:s4+s2], $0x80, v4, vm0, $0xb8;
	[tilespmem:$0x10100] =	vst v63  }
0xc1: {  	_ = 	snop  }
0xc2: {  	[tilespmem:s22], [sflag:$0x2] =	stream.indirect_vreg.gather [hbm4b:s4+s2], $0x80, v3, vm0, $0xb8;
	[tilespmem:$0x10100] =	vst v63  }
0xc3: {  	v3 =	vld [tilespmem:$0x80E0];
	_ =	sdelay $0x4  }
0xc4: {  	v62 =	vshll.u32 v3, $0x1  }
0xc5: {  	v3 =	vand.u32 $0x7, v3;
	v4 =	vand.u32 $0xFFFFFFF0, v62  }
0xc6: {  	v3 =	vor.u32 v3, v4  }
0xc7: {  	v4 =	vperm.xlane v3, v0;
	_ =	sdelay $0x1  }
0xc8: {  	v3 =	vperm.xlane v3, v2;
	v4 =	vadd.s32 v1, v4;
	_ =	sdelay $0x1  }
0xc9: {  	v3 =	vadd.s32 v1, v3;
	_ =	sdelay $0x2  }
0xca: {  	[tilespmem:s23], [sflag:$0x2] =	stream.indirect_vreg.gather [hbm4b:s4+s2], $0x80, v4, vm0, $0xb8;
	[tilespmem:$0x10100] =	vst v63  }
0xcb: {  	_ = 	snop  }
0xcc: {  	[tilespmem:s24], [sflag:$0x2] =	stream.indirect_vreg.gather [hbm4b:s4+s2], $0x80, v3, vm0, $0xb8;
	[tilespmem:$0x10100] =	vst v63  }
0xcd: {  	v3 =	vld [tilespmem:$0x80F0];
	_ =	sdelay $0x4  }
0xce: {  	v63 =	vshll.u32 v3, $0x1  }
0xcf: {  	v3 =	vand.u32 $0x7, v3;
	v4 =	vand.u32 $0xFFFFFFF0, v63  }
0xd0: {  	v3 =	vor.u32 v3, v4  }
0xd1: {  	v4 =	vperm.xlane v3, v0;
	_ =	sdelay $0x1  }
0xd2: {  	v3 =	vperm.xlane v3, v2;
	v4 =	vadd.s32 v1, v4;
	_ =	sdelay $0x1  }
0xd3: {  	v3 =	vadd.s32 v1, v3;
	_ =	sdelay $0x2  }
0xd4: {  	[tilespmem:s25], [sflag:$0x2] =	stream.indirect_vreg.gather [hbm4b:s4+s2], $0x80, v4, vm0, $0xb8;
	[tilespmem:$0x10100] =	vst v63  }
0xd5: {  	_ = 	snop  }
0xd6: {  	[tilespmem:s26], [sflag:$0x2] =	stream.indirect_vreg.gather [hbm4b:s4+s2], $0x80, v3, vm0, $0xb8;
	[tilespmem:$0x10100] =	vst v63  }
0xd7: {  	_ =	swait.ge [sflag:s28], $0x8000  }
0xd8: {  	p0 =	sne.s32 s1, $0x270;
	[sflag:s28] =	ssyncset.done $0x0  }
.Ltmp0:
0xd9: {  	[sflag:s28] =	ssyncadd.s32 $0xFFFF8000;
	(pc) =	sbr.rel @p0 .LBB2_2-.Ltmp0, $4  }
0xda: {  	[hbm4b:s30+s2] =	stream.linear.scatter [tilespmem:s11], [sflag:$0x3], $0x8000, $0x38;
	[tilespmem:$0x10100] =	vst v63  }
0xdb: {  	_ =	swait.ge [sflag:s8], $0x8000  }
0xdc: {  	s31 =	sadd.s32 $0x1000, s31;
	[sflag:s8] =	ssyncset.done $0x0  }
0xdd: {  	s1 =	sadd.s32 $0x10, s1;
	s30 =	sadd.s32 $0x1000, s30;
	[sflag:s8] =	ssyncadd.s32 $0xFFFF8000  }
0xde: {  	s29 =	sadd.s32 $0x1, s29;
	s0 =	rddreg [dreg:$0x14]  }
0xdf: {  	p0 =	sne.s32 s29, s0  }
.Ltmp1:
0xe0: {  	_ = 	snop;
	(pc) =	sbr.rel @p0 .LBB2_1-.Ltmp1, $1  }
0xe1: {  	_ =	sdelay $0x3  }
0xe2: {  	_ =	sfence.sel $0x180000  }
0xe3: {  	[bflag:$0x0] =	sbarrier.arrive $0xFFFF  }
0xe4: {  	_ =	strace $0x90000059  }
0xe5: {  	s0 =	stileid.u32;
	[bflag:$0x2] =	sbarrier.arrive $0xFFFF  }
0xe6: {  	p0 =	sne.s32 s0, $0x0;
	s0 =	rddreg [dreg:$0x1]  }
0xe7: {  	s0 =	sadd.s32 @!p0 $0x100000, s0  }
0xe8: {  	[sflag:s0] =	ssyncadd.tile.s32 @!p0 $0x1;
	_ =	shalt  }
.Lfunc_end2:
_tile_overlayer_lowered:
.L_overlay_start_2:
0xe9: {  	(tag) =	ssettag $0x2  }
0xea: {  	s0 =	rddreg [dreg:$0x0];
	s2 =	stileid.u32  }
0xeb: {  	s1 =	rddreg [dreg:$0x1];
	p0 =	sne.s32 s2, $0x0  }
0xec: {  	s3 =	rddreg [dreg:$0x2];
	[bflag:$0x3] =	sbarrier.arrive $0xFFFF;
	s2 =	simm.s32 @!p0 $0x1C03  }
0xed: {  	[timem:s3], [sflag:s2] =	dma.local @!p0 [hbm:s0], s1  }
0xee: {  	s0 =	simm.s32 @!p0 $0x3  }
0xef: {  	_ =	swait.ge @!p0 [sflag:s0], s1  }
0xf0: {  	s1 =	ssub.s32 @!p0 $0x0, s1;
	[sflag:s0] =	ssyncset.done @!p0 $0x0  }
0xf1: {  	[sflag:s0] =	ssyncadd.s32 @!p0 s1  }
0xf2: {  	[bflag:$0x3] =	sbarrier.arrive $0xFFFF  }
0xf3: {  	_ =	shalt  }

// kernel: scatter_offload_async_start.1
scs
__scs_entry_jumppad:
0x0: {  	(pc) =	sbr.rel $0x88, $3  }
0x1: {  	(tag) =	ssettag $0x0;
	lr =	simm.s32 $0x1  }
0x2: {  	[smem:$0x3F7F] =	sst lr;
	_ =	strace $0xD0000000  }
0x3: {  	_ = 	snop  }
0x4: {  	_ = 	snop  }
0x5: {  	_ = 	snop  }
0x6: {  	_ = 	snop  }
0x7: {  	_ = 	snop  }
__scs_overlays_trampoline_lowered:
0x8: {  	[smem:$0x3F8E] =	sst s0  }
0x9: {  	[smem:$0x3F8F] =	sst s1  }
0xa: {  	[smem:$0x3F90] =	sst s2  }
0xb: {  	[smem:$0x3F91] =	sst s3  }
0xc: {  	[smem:$0x3F92] =	sst s4  }
0xd: {  	[smem:$0x3F93] =	sst s5  }
0xe: {  	[smem:$0x3F94] =	sst s6  }
0xf: {  	[smem:$0x3F95] =	sst s7  }
0x10: {  	[smem:$0x3F96] =	sst s8  }
0x11: {  	[smem:$0x3F97] =	sst s9;
	s0 =	simm.s32 @!p0 $0x0  }
0x12: {  	s1 =	sld [smem:$0x3F7D];
	s0 =	simm.s32 @p0 $0x1  }
0x13: {  	[smem:$0x3F98] =	sst s0;
	s0 =	simm.s32 @!p1 $0x0  }
0x14: {  	s2 =	sld [smem:$0x3F7C];
	s0 =	simm.s32 @p1 $0x1  }
0x15: {  	[smem:$0x3F99] =	sst s0;
	s0 =	simm.s32 @!p2 $0x0  }
0x16: {  	s3 =	sld [smem:$0x3FDB];
	s0 =	simm.s32 @p2 $0x1  }
0x17: {  	s4 =	simm.s32 $0x1BF5;
	[smem:$0x3F9B] =	sst s0  }
0x18: {  	s0 =	sld [smem:$0x3F7E];
	_ =	swait.ge [sflag:s4], $0x0  }
0x19: {  	s7 =	sld [smem:$0x3F7F]  }
0x1a: {  	s8 =	sadd.s32 $0xFFFFE003, lr  }
0x1b: {  	s9 =	sadd.s32 $0xFFFFFEF7, lr;
	s5 =	simm.s32 $0xFFFFFFFF;
	p2 =	slt.u32 s8, $0xFFFFF086  }
0x1c: {  	p1 =	slt.u32 s9, $0xF7A;
	s5 =	simm.s32 @!p2 $0x0  }
0x1d: {  	s5 =	simm.s32 @p1 $0x1;
	p0 =	seq.s32 s7, s2  }
0x1e: {  	s7 =	smul.u32 @!p0 $0xF7A, s2;
	p2 =	seq.s32 @!p0 s5, $0x0  }
0x1f: {  	s9 =	smul.u32 $0xF7A, s1;
	s8 =	simm.s32 @!p0 $0x1BF5;
	p2 =	por !p2, p0  }
0x20: {  	[sflag:s8] =	ssyncset.s32 @!p0 $0xFFFFF086;
	s6 =	sadd.s32 @!p0 s3, s7;
	s7 =	simm.s32 @!p0 $0x108  }
0x21: {  	s3 =	sadd.s32 s3, s9;
	s6 =	sadd.s32 @!p0 $0x88, s6;
	s7 =	simm.s32 @p2 $0x1082  }
0x22: {  	[simem:s7], [sflag:s8] =	dma.local @!p0 [hbm:s6], $0xF7A  }
0x23: {  	s9 =	sor.u32 $0xD0000000, s2;
	s6 =	simm.s32 $0x108;
	_ =	swait.ge @!p0 [sflag:s8], $0x0  }
0x24: {  	s3 =	sadd.s32 $0x88, s3;
	s6 =	simm.s32 @!p1 $0x1082;
	[sflag:s4] =	ssyncset.s32 $0xFFFFF086  }
0x25: {  	[simem:s6], [sflag:s4] =	dma.local [hbm:s3], $0xF7A  }
0x26: {  	[smem:$0x3F7F] =	sst s1;
	(tag) =	ssettag s2;
	_ =	strace s9  }
0x27: {  	s1 =	sld [smem:$0x3F8F]  }
0x28: {  	s2 =	sld [smem:$0x3F90]  }
0x29: {  	s4 =	sld [smem:$0x3F92]  }
0x2a: {  	p0 =	seq.s32 s5, $0x0;
	s5 =	sld [smem:$0x3F93]  }
0x2b: {  	s6 =	sld [smem:$0x3F94]  }
0x2c: {  	s7 =	sld [smem:$0x3F95]  }
0x2d: {  	s3 =	simm.s32 $0x108;
	s8 =	sld [smem:$0x3F96]  }
0x2e: {  	s3 =	simm.s32 @!p0 $0x1082;
	s9 =	sld [smem:$0x3F97]  }
0x2f: {  	lr =	sadd.s32 s0, s3;
	s0 =	sld [smem:$0x3F8E]  }
0x30: {  	s3 =	sld [smem:$0x3F91]  }
0x31: {  	[smem:$0x3F9A] =	sst s10  }
0x32: {  	s10 =	sld [smem:$0x3F98];
	_ =	sdelay $0x3  }
0x33: {  	p0 =	seq.s32 s10, $0x1;
	s10 =	sld [smem:$0x3F9A];
	_ =	sdelay $0x3  }
0x34: {  	[smem:$0x3F9A] =	sst s10  }
0x35: {  	s10 =	sld [smem:$0x3F99];
	_ =	sdelay $0x3  }
0x36: {  	p1 =	seq.s32 s10, $0x1;
	s10 =	sld [smem:$0x3F9A];
	_ =	sdelay $0x3  }
0x37: {  	[smem:$0x3F9A] =	sst s10  }
0x38: {  	s10 =	sld [smem:$0x3F9B]  }
0x39: {  	_ = 	snop;
	(pc) =	sbr.ind lr, $3  }
0x3a: {  	_ = 	snop  }
0x3b: {  	_ = 	snop  }
0x3c: {  	p2 =	seq.s32 s10, $0x1;
	s10 =	sld [smem:$0x3F9A]  }
0x3d: {  	_ =	shalt  }
0x3e: {  	_ =	shalt  }
0x3f: {  	_ =	shalt  }
0x40: {  	_ =	shalt  }
0x41: {  	_ =	shalt  }
0x42: {  	_ =	shalt  }
0x43: {  	_ =	shalt  }
0x44: {  	_ =	shalt  }
0x45: {  	_ =	shalt  }
0x46: {  	_ =	shalt  }
0x47: {  	_ =	shalt  }
0x48: {  	_ =	shalt  }
0x49: {  	_ =	shalt  }
0x4a: {  	_ =	shalt  }
0x4b: {  	_ =	shalt  }
0x4c: {  	_ =	shalt  }
0x4d: {  	_ =	shalt  }
0x4e: {  	_ =	shalt  }
0x4f: {  	_ =	shalt  }
0x50: {  	_ =	shalt  }
0x51: {  	_ =	shalt  }
0x52: {  	_ =	shalt  }
0x53: {  	_ =	shalt  }
0x54: {  	_ =	shalt  }
0x55: {  	_ =	shalt  }
0x56: {  	_ =	shalt  }
0x57: {  	_ =	shalt  }
0x58: {  	_ =	shalt  }
0x59: {  	_ =	shalt  }
0x5a: {  	_ =	shalt  }
0x5b: {  	_ =	shalt  }
0x5c: {  	_ =	shalt  }
0x5d: {  	_ =	shalt  }
0x5e: {  	_ =	shalt  }
0x5f: {  	_ =	shalt  }
0x60: {  	_ =	shalt  }
0x61: {  	_ =	shalt  }
0x62: {  	_ =	shalt  }
0x63: {  	_ =	shalt  }
0x64: {  	_ =	shalt  }
0x65: {  	_ =	shalt  }
0x66: {  	_ =	shalt  }
0x67: {  	_ =	shalt  }
0x68: {  	_ =	shalt  }
0x69: {  	_ =	shalt  }
0x6a: {  	_ =	shalt  }
0x6b: {  	_ =	shalt  }
0x6c: {  	_ =	shalt  }
0x6d: {  	_ =	shalt  }
0x6e: {  	_ =	shalt  }
0x6f: {  	_ =	shalt  }
0x70: {  	_ =	shalt  }
0x71: {  	_ =	shalt  }
0x72: {  	_ =	shalt  }
0x73: {  	_ =	shalt  }
0x74: {  	_ =	shalt  }
0x75: {  	_ =	shalt  }
0x76: {  	_ =	shalt  }
0x77: {  	_ =	shalt  }
0x78: {  	_ =	shalt  }
0x79: {  	_ =	shalt  }
0x7a: {  	_ =	shalt  }
0x7b: {  	_ =	shalt  }
0x7c: {  	_ =	shalt  }
0x7d: {  	_ =	shalt  }
0x7e: {  	_ =	shalt  }
0x7f: {  	_ =	shalt  }
0x80: {  	_ =	shalt  }
0x81: {  	_ =	shalt  }
0x82: {  	_ =	shalt  }
0x83: {  	_ =	shalt  }
0x84: {  	_ =	shalt  }
0x85: {  	_ =	shalt  }
0x86: {  	_ =	shalt  }
0x87: {  	_ =	shalt  }
.Lfunc_end0:
.L_simem_size_0:
called_computation.1_lowered:
.L_overlay_start_0:
0x88: {  	s0 =	sld [smem:$0x3FD9]  }
0x89: {  	s1 =	sld [smem:$0x3FFE];
	_ =	sdelay $0x3  }
0x8a: {  	s0 =	sadd.s32 s1, s0  }
0x8b: {  	[smem:$0x3FA6] =	sst s0  }
0x8c: {  	_ = 	snop  }
0x8d: {  	(tm) =	ssettm $0x1  }
0x8e: {  	s15 =	sld [smem:$0x3FFB];
	_ =	sdelay $0x3  }
0x8f: {  	_ =	strace s15  }
0x90: {  	s0 =	sld [smem:$0x3FFC];
	_ =	sdelay $0x3  }
0x91: {  	_ =	strace s0  }
0x92: {  	s0 =	sld [smem:$0x3FFD];
	_ =	sdelay $0x3  }
0x93: {  	_ =	strace s0  }
0x94: {  	_ =	strace $0x8FFFFFFF  }
0x95: {  	s16 =	sld [smem:$0x3FDB];
	_ =	sdelay $0x1  }
0x96: {  	s17 =	simm.s32 $_scs_section_size  }
0x97: {  	s2 =	simm.s32 $_size__tile_overlayer_lowered;
	s3 =	simm.s32 $_tile_overlayer_lowered  }
0x98: {  	s20 =	simm.s32 $0x1BFF;
	s19 =	sshll.u32 s3, $0x1;
	s0 =	sadd.s32 s17, s16  }
0x99: {  	s4 =	simm.s32 $0x0;
	s18 =	sshll.u32 s2, $0x1;
	s2 =	sadd.s32 s19, s0  }
0x9a: {  	[timem:s4], [sflag:s20] =	dma.local [hbm:s2], s18  }
0x9b: {  	_ =	swait.ge [sflag:s20], s18  }
0x9c: {  	s1 =	ssub.s32 $0x0, s18;
	[sflag:s20] =	ssyncset.done $0x0  }
0x9d: {  	[sflag:s20] =	ssyncadd.s32 s1;
	_ =	sdelay $0x1  }
0x9e: {  	s21 =	simm.s32 $0x1B8B  }
0x9f: {  	_ =	swait.ge [sflag:s21], $0x1  }
0xa0: {  	[sflag:s21] =	ssyncset.done $0x0  }
0xa1: {  	s23 =	simm.s32 $0x1B8E;
	s22 =	sld [smem:$0x3FFE];
	[sflag:s21] =	ssyncadd.s32 $0xFFFFFFFF  }
0xa2: {  	s24 =	simm.s32 $execute0_lowered;
	[smem:$0x3FD2] =	sst s23  }
0xa3: {  	s2 =	sshll.u32 s24, $0x1;
	_ =	strace $0x80000049;
	[dreg:$0x1] =	wrdreg $0xFFFFFFFF  }
0xa4: {  	s25 =	simm.s32 $_size_execute0_lowered;
	s0 =	sadd.s32 s0, s2;
	[dreg:$0x0] =	wrdreg $0x0  }
0xa5: {  	s2 =	sshll.u32 s25, $0x1;
	[dreg:$0x2] =	wrdreg s0  }
0xa6: {  	[dreg:$0x3] =	wrdreg s2  }
0xa7: {  	[dreg:$0x4] =	wrdreg $0xC0  }
0xa8: {  	_ =	task [dreg:s4], $0x5FFFF  }
0xa9: {  	[dreg:$0x1] =	wrdreg $0xFFFFFFFF  }
0xaa: {  	[dreg:$0x0] =	wrdreg $0x60  }
0xab: {  	[dreg:$0x2] =	wrdreg s22  }
0xac: {  	[dreg:$0x3] =	wrdreg $0xB  }
0xad: {  	_ =	task.clear_ibuf [dreg:s4], $0x4FFFF;
	_ =	strace $0x90000049  }
0xae: {  	s26 =	simm.s32 $0xB;
	_ =	strace $0x8000004B  }
0xaf: {  	_ =	swait.ge [sflag:s26], $0x1  }
0xb0: {  	[sflag:s26] =	ssyncadd.s32 $0xFFFFFFFF  }
0xb1: {  	_ =	strace $0x9000004B  }
0xb2: {  	_ =	sfence  }
0xb3: {  	s28 =	sld [smem:$0x0];
	_ =	sdelay $0x1  }
0xb4: {  	s29 =	srdreg.scid  }
0xb5: {  	s30 =	sshll.u32 s29, $0xD;
	s31 =	sshrl.u32 s29, $0x2  }
0xb6: {  	s1 =	sand.u32 $0x1, s29;
	s2 =	sand.u32 $0x4000, s30;
	s0 =	sadd.s32 s31, s28  }
0xb7: {  	s1 =	sor.u32 s2, s1;
	s0 =	sshll.u32 s0, $0x11  }
0xb8: {  	s0 =	sor.u32 s0, s1  }
0xb9: {  	s0 =	sadd.s32 $0x8F2B, s0  }
0xba: {  	[sflag:s0] =	ssyncadd.remote.s32 $0x1  }
0xbb: {  	_ =	sfence.sel $0xFFFF  }
0xbc: {  	[dreg:$0x0] =	wrdreg $0xFFFFFFFF;
	(pc) =	sbr.abs _section_cstart, $3  }
0xbd: {  	[dreg:$0x1] =	wrdreg $0xFFFFFFFF  }
0xbe: {  	_ =	task.clear_ibuf [dreg:s4], $0x2FFFF;
	_ =	strace $0x9FFFFFFF  }
0xbf: {  	(tm) =	ssettm $0x7FFFFFFF  }
tec
execute0_lowered:
.L_overlay_start_1:
0x0: {  	(tag) =	ssettag $0x1  }
0x1: {  	s0 =	rddreg [dreg:$0x0];
	_ =	strace $0x8000004A;
	s1 =	simm.s32 $0x1  }
0x2: {  	v1 =	vimm.s32 $0xFFFFFFFF;
	[sflag:s1] =	ssyncpa.u1 $0x0  }
0x3: {  	s6 =	stileid.u32;
	s2 =	simm.s32 $0x4000;
	[tilespmem:$0x10] =	vst v1  }
0x4: {  	v0 =	vimm.f32 $0.0e+00;
	s29 =	simm.s32 $0x2;
	s7 =	simm.s32 $0x7;
	s8 =	simm.s32 $0x8;
	[tilespmem:$0x20] =	vst v1  }
0x5: {  	s30 =	simm.s32 $0x9;
	s16 =	simm.s32 $0x0;
	s17 =	simm.s32 $0xFFFFE000;
	[tilespmem:$0x30] =	vst v0  }
0x6: {  	s18 =	simm.s32 $0xF0;
	s19 =	simm.s32 $0xFFFFFFFF;
	s20 =	simm.s32 $0xFFFFC100;
	[tilespmem:$0x40] =	vst v0  }
0x7: {  	s21 =	simm.s32 $0xFFFFFFFE;
	s22 =	simm.s32 $0xF;
	s28 =	smin.u32 s6, $0x4;
	[tilespmem:$0x50] =	vst v0  }
0x8: {  	s26 =	simm.s32 $0x0;
	p0 =	slt.u32 s6, $0x4;
	[tilespmem:$0x60] =	vst v1;
	s1 =	sadd.s32 s6, s28  }
0x9: {  	s25 =	simm.s32 $0x0;
	[tilespmem:$0x70] =	vst v1;
	s2 =	simm.s32 @!p0 $0x2000;
	s3 =	sshll.u32 s1, $0xD  }
0xa: {  	s4 =	sadd.s32 $0x56B800, s0;
	s11 =	sshll.u32 s6, $0x1;
	[tilespmem:$0x80] =	vst v1;
	s2 =	sadd.s32 s2, s3  }
0xb: {  	s14 =	sshllo.u32 s6, $0x1;
	v1 =	vimm.s32 $0x0;
	[tilespmem:$0xB0] =	vst v0;
	s13 =	sor.u32 $0x81, s11;
	s5 =	smin.u32 s2, $0x28000  }
0xc: {  	s15 =	sor.u32 $0x80, s11;
	s1 =	sadd.s32 $0x511800, s0;
	[tilespmem:$0x90] =	vst v1;
	s2 =	ssub.s32 s5, s3  }
.Ltmp0:
0xd: {  	[tilespmem:$0xA0] =	vst v1;
	[sflag:s29] =	ssyncpa.u1 $0x0;
	p0 =	sgt.s32 s2, $0x0;
	(pc) =	sbr.rel .LBB2_1-.Ltmp0, $4  }
0xe: {  	s0 =	sadd.s32 $0x570800, s0;
	[sflag:s7] =	ssyncpa.u1 $0x0;
	s2 =	simm.s32 @!p0 $0x0  }
0xf: {  	[dreg:$0x2] =	wrdreg s0;
	[sflag:s8] =	ssyncpa.u1 $0x0;
	s9 =	sshrl.u32 s2, $0xD  }
0x10: {  	vm0 =	vmmov $0xffff;
	v2 =	vlaneseq.u32;
	s24 =	smov.u32 s3;
	[sflag:s30] =	ssyncpa.u1 $0x0;
	s31 =	sadd.s32 $0x1, s9  }
0x11: {  	vm1 =	vmxor vm1, vm1;
	vm2 =	vmmov $0x1;
	vm3 =	vcmask $0x3F3C;
	p0 =	por $0x0, $0x0;
	s12 =	sadd.s32 $0x2, s9;
	[dreg:$0x3] =	wrdreg s31  }
.LBB2_9:
0x12: {  	p1 =	slt.u32 s25, $0x3  }
0x13: {  	s0 =	simm.s32 @!p1 $0x2  }
0x14: {  	_ =	swait.ge @!p1 [sflag:s0], $0x2000  }
0x15: {  	[sflag:s0] =	ssyncset.done @!p1 $0x0  }
0x16: {  	[sflag:s0] =	ssyncadd.s32 @!p1 $0xFFFFE000;
	s0 =	simm.s32 @!p1 $0x9  }
0x17: {  	_ =	swait.ge @!p1 [sflag:s0], $0x10  }
0x18: {  	s2 =	sadd.s32 $0x2000, s24;
	[sflag:s0] =	ssyncset.done @!p1 $0x0  }
0x19: {  	[sflag:s0] =	ssyncadd.s32 @!p1 $0xFFFFFFF0;
	p1 =	slt.s32 s2, s5;
	s0 =	smov.u32 s3  }
0x1a: {  	s0 =	smov.u32 @p1 s2;
	p1 =	sne.s32 s25, s12  }
.Ltmp1:
0x1b: {  	_ = 	snop;
	(pc) =	sbr.rel @!p1 .LBB2_10-.Ltmp1, $4  }
0x1c: {  	s31 =	sadd.s32 $0x1, s25  }
0x1d: {  	s17 =	sadd.s32 $0x2000, s17;
	s18 =	sadd.s32 $0x2000, s18;
	s19 =	sadd.s32 $0x1, s19  }
0x1e: {  	s26 =	smov.u32 s24;
	p0 =	por !p0, !p0;
	s20 =	sadd.s32 $0x2000, s20  }
0x1f: {  	s21 =	sadd.s32 $0x1, s21;
	s25 =	smov.u32 s31;
	s24 =	smov.u32 s0  }
.LBB2_1:
0x20: {  	p1 =	sge.u32 s25, s9  }
0x21: {  	s0 =	smulhi.u32 @!p1 $0xAAAAAAAB, s25;
	_ =	sdelay $0x1  }
0x22: {  	s0 =	sshrl.u32 @!p1 s0, $0x1  }
0x23: {  	s0 =	smul.u32 @!p1 $0x3, s0;
	_ =	sdelay $0x1  }
0x24: {  	s0 =	ssub.s32 @!p1 s25, s0  }
0x25: {  	s2 =	sshrl.u32 @!p1 s24, $0x3;
	s0 =	sshll.u32 @!p1 s0, $0xD  }
0x26: {  	s6 =	sand.u32 @!p1 $0x7, s24;
	s2 =	sadd.s32 @!p1 s4, s2;
	s0 =	sor.u32 @!p1 $0x100, s0  }
0x27: {  	[tilespmem:s0], [sflag:$0x7] =	stream.linear.gather @!p1 [hbm4b:s2+s6], $0x2000, $0x38;
	[tilespmem:$0x12120] =	vst v63  }
0x28: {  	s2 =	sadd.s32 $0xFFFFFFFF, s25  }
0x29: {  	p1 =	sge.u32 s2, s9  }
.Ltmp2:
0x2a: {  	_ = 	snop;
	(pc) =	sbr.rel @p1 .LBB2_5-.Ltmp2, $1  }
0x2b: {  	_ =	sdelay $0x3  }
0x2c: {  	s0 =	smulhi.u32 $0xAAAAAAAB, s2;
	_ =	sdelay $0x1  }
0x2d: {  	s0 =	sshrl.u32 s0, $0x1  }
0x2e: {  	s0 =	smul.u32 $0x3, s0;
	_ =	sdelay $0x1  }
0x2f: {  	s0 =	ssub.s32 s2, s0  }
0x30: {  	_ =	swait.ge [sflag:s7], $0x2000;
	s0 =	sshll.u32 s0, $0xD  }
0x31: {  	[sflag:s7] =	ssyncset.done $0x0;
	s0 =	sor.u32 $0x100, s0  }
0x32: {  	[sflag:s7] =	ssyncadd.s32 $0xFFFFE000;
	(ifvalue) =	ssetifvalue $0xFFFFFFFF;
	v3 =	vld.msk [tilespmem:s0+$0x0 ss:$0x1], $0xffff;
	_ =	sdelay $0x2  }
0x33: {  	s29 =	smulhi.u32 $0xAAAAAAAB, s19;
	p1 =	sne.s32 s25, $0x1  }
0x34: {  	v4 =	vimm.s32 @!p1 $0x0  }
0x35: {  	s0 =	sshrl.u32 s29, $0x1;
	v4 =	vperm.xlane @!p1 v3, v4  }
0x36: {  	s6 =	sshll.u32 s25, $0x4;
	s0 =	smul.u32 $0xFFFE8000, s0;
	vm4 =	vlt.u32 v3, $0x2800  }
0x37: {  	s6 =	sand.u32 $0x10, s6;
	v3 =	vnsel vm4, $0xFFFFFFFE, v3;
	vm4 =	vlt.u32 @!p1 v4, $0x2800  }
0x38: {  	s0 =	sshra.s32 s0, $0x2;
	[tilespmem:s6+$0x60] =	vst v3;
	v3 =	vnsel @!p1 vm4, $0xFFFFFFFE, v4  }
0x39: {  	s28 =	sadd.s32 s0, s18;
	[tilespmem:$0x80] =	vst @!p1 v3  }
0x3a: {  	v3 =	vld.msk [tilespmem:s28+$0x0 ss:$0x1], $0xffff;
	_ =	sdelay $0x4  }
0x3b: {  	(xrf1) =	vunique.msk.u32 $0xffff, v3;
	_ =	sdelay $0xd  }
0x3c: {  	v4 =	vimm.s32 $0xFFFFFFFF;
	v5, _, _ =	vpop (xrf1)  }
0x3d: {  	vm5 =	vne.s32 v3, v4;
	vm4 =	veq.s32 v5, v2  }
0x3e: {  	vm6 =	vlt.u32 v3, $0x2800;
	vm4 =	vmand vm5, vm4  }
0x3f: {  	vm4 =	vmand vm6, vm4  }
0x40: {  	v4 =	vnsel vm4, $0xFFFFFFFF, v3;
	_ =	sdelay $0x2  }
0x41: {  	s30 =	sand.u32 $0x2000, s17  }
0x42: {  	s31 =	sshll.u32 s2, $0xD;
	s0 =	sor.u32 $0x80F0, s30;
	(ifvalue) =	ssetifvalue $0xFFFFFFFF  }
0x43: {  	v3 =	vperm.xlane v3, v1;
	[tilespmem:s0], [sflag:$0x8] =	stream.indirect_vreg.gather [hbm4b:s1+s16], $0x1, v4, vm0, $0x4038;
	v4 =	vnsel vm6, $0xFFFFFFFE, v4;
	[tilespmem:$0x12120] =	vst v63  }
0x44: {  	s23 =	simm.s32 $0x0;
	s2 =	sand.u32 $0x2000, s31;
	s6 =	sadd.s32 $0xFFFFFFF0, s28;
	[tilespmem:s28+$0x0] =	vst v4  }
.LBB2_3:
0x45: {  	v4 =	vld.msk [tilespmem:s6+$0x0 ss:$0x1], $0xffff;
	s23 =	sadd.s32 $0x10, s23;
	v5 =	vmov v3;
	s28 =	smov.u32 s6  }
0x46: {  	p1 =	slt.u32 s23, $0x1FF0;
	_ =	sdelay $0x4  }
0x47: {  	v3 =	vperm.xlane v4, v1;
	(xrf1) =	vunique.msk.u32 $0xffff, v4;
	_ =	sdelay $0xd  }
0x48: {  	v6, _, _ =	vpop (xrf1)  }
0x49: {  	vm5 =	vne.s32 v4, v5;
	vm4 =	veq.s32 v6, v2  }
0x4a: {  	vm6 =	vlt.u32 v4, $0x2800;
	vm4 =	vmand vm5, vm4  }
0x4b: {  	vm4 =	vmand vm6, vm4  }
0x4c: {  	v4 =	vnsel vm4, $0xFFFFFFFF, v4  }
.Ltmp3:
0x4d: {  	v5 =	vnsel vm6, $0xFFFFFFFE, v4;
	(pc) =	sbr.rel @p1 .LBB2_3-.Ltmp3, $3  }
0x4e: {  	_ =	sdelay $0x1  }
0x4f: {  	s6 =	sadd.s32 $0xFFFFFFF0, s6;
	s0 =	sadd.s32 $0xFFFFFFF0, s0;
	(ifvalue) =	ssetifvalue $0xFFFFFFFF  }
0x50: {  	[tilespmem:s0], [sflag:$0x8] =	stream.indirect_vreg.gather [hbm4b:s1+s16], $0x1, v4, vm0, $0x4038;
	[tilespmem:s28+$0x0] =	vst v5  }
0x51: {  	s0 =	sshrl.u32 s26, $0x3;
	s6 =	rddreg [dreg:$0x2]  }
0x52: {  	s2 =	sadd.s32 $0xA100, s2;
	s0 =	sadd.s32 s6, s0  }
0x53: {  	[tilespmem:s2], [sflag:$0x8] =	stream.linear.gather [hbm:s0], $0x2000, $0x38;
	[tilespmem:$0x12120] =	vst v63  }
.LBB2_5:
0x54: {  	p1 =	slt.u32 s25, $0x2  }
0x55: {  	p2 =	sge.u32 @!p1 s25, s12  }
0x56: {  	p1 =	por p1, p2  }
.Ltmp4:
0x57: {  	_ = 	snop;
	(pc) =	sbr.rel @p1 .LBB2_9-.Ltmp4, $1  }
0x58: {  	_ =	sdelay $0x3  }
0x59: {  	s0 =	sadd.s32 $0xFFFFFFFE, s25  }
0x5a: {  	s2 =	smulhi.u32 $0xAAAAAAAB, s0;
	_ =	sdelay $0x1  }
0x5b: {  	s2 =	sshrl.u32 s2, $0x1  }
0x5c: {  	s2 =	smul.u32 $0x3, s2  }
0x5d: {  	_ =	swait.ge [sflag:s8], $0x4000  }
0x5e: {  	s6 =	rddreg [dreg:$0x3];
	s0 =	ssub.s32 s0, s2  }
0x5f: {  	[sflag:s8] =	ssyncset.done $0x0;
	p1 =	sne.s32 s25, s6;
	s0 =	sshll.u32 s0, $0xD  }
0x60: {  	[sflag:s8] =	ssyncadd.s32 $0xFFFFC000;
	s2 =	sadd.s32 @!p1 $0x20FF, s0  }
0x61: {  	[spmem:s13] =	stream.linear.scatter @!p1 [tilespmem:s2], [sflag:$0x1], $0x1, $0x38;
	[tilespmem:$0x12120] =	vst v63  }
0x62: {  	s2 =	simm.s32 @!p1 $0x1  }
0x63: {  	_ =	swait.ge @!p1 [sflag:s2], $0x1  }
0x64: {  	s6 =	sshll.u32 s25, $0x4;
	[sflag:s2] =	ssyncset.done @!p1 $0x0  }
0x65: {  	s26 =	sand.u32 $0x10, s6;
	[sflag:s2] =	ssyncadd.s32 @!p1 $0xFFFFFFFF  }
0x66: {  	s2 =	sxor.u32 $0x10, s26;
	v4 =	vld [tilespmem:s26+$0x10]  }
0x67: {  	v5 =	vld [tilespmem:s2+$0x60]  }
0x68: {  	v3 =	vld [tilespmem:$0x80];
	_ =	sdelay $0x2  }
0x69: {  	(v2sf) =	vpush v4, $0x0  }
0x6a: {  	(v2sf) =	vpush v5, $0x0  }
0x6b: {  	(v2sf) =	vpush v3, $0x0;
	_ =	sdelay $0xc  }
0x6c: {  	s10 =	spop (v2sf)  }
0x6d: {  	s23 =	spop (v2sf)  }
0x6e: {  	s29 =	spop (v2sf)  }
0x6f: {  	p2 =	seq.s32 s10, s23;
	p3 =	seq.s32 s29, s10  }
0x70: {  	p3 =	por p2, p3  }
0x71: {  	v4 =	vpsel p3, $0xFFFFFFFF, v4  }
0x72: {  	s23 =	sand.u32 $0x1, s25;
	[tilespmem:s26+$0x10] =	vst.msk $0x1, v4  }
0x73: {  	s30 =	sshll.u32 s23, $0xD;
	v4 =	vld [tilespmem:$0x30]  }
0x74: {  	v5 =	vld [tilespmem:s30+$0xA100]  }
0x75: {  	v6 =	vld [tilespmem:s26+$0x40];
	_ =	sdelay $0x3  }
0x76: {  	vm4 =	vmmov vm1;
	v5 =	vadd.f32 v5, v4  }
0x77: {  	vm5 =	vmmov vm2;
	vm4 =	vmmov @p2 vm2;
	s6 =	sshll.u32 s23, $0x4;
	v4 =	vadd.f32 v6, v4  }
0x78: {  	s28 =	sor.u32 $0x12100, s6;
	vm5 =	vmmov @p3 vm1;
	[tilespmem:s30+$0xA100] =	vst.msk vm4, v5  }
0x79: {  	[tilespmem:s28+$0x0] =	vst.msk vm5, v4  }
0x7a: {  	v4 =	vld [tilespmem:s30+$0x80F0];
	_ =	sdelay $0x3  }
0x7b: {  	v5 =	vimm.f32 $0.0e+00  }
0x7c: {  	v4 =	vshift.insert v4, v5, s22  }
0x7d: {  	s10 =	sor.u32 $0x40, s2  }
0x7e: {  	[tilespmem:s10+$0x0] =	vst.msk $0x1, v4  }
0x7f: {  	[tilespmem:s30+$0x80FF] =	vst.msk $0x1, v5  }
0x80: {  	v4 =	vld [tilespmem:s0+$0x20F0];
	_ =	sdelay $0x1  }
0x81: {  	s23 =	smulhi.u32 $0xAAAAAAAB, s21;
	_ =	sdelay $0x1  }
0x82: {  	s6 =	simm.s32 $0x1;
	s0 =	sshrl.u32 s23, $0x1  }
0x83: {  	s6 =	simm.s32 @!p0 $0x0;
	s0 =	smul.u32 $0xFFFE8000, s0;
	v4 =	vshift.insert v4, v1, s22  }
0x84: {  	s6 =	sshll.u32 s6, $0xD  }
0x85: {  	s31 =	sadd.s32 $0xA100, s6;
	s0 =	sshra.s32 s0, $0x2;
	[tilespmem:s2+$0x10] =	vst.msk $0x1, v4  }
0x86: {  	s10 =	sadd.s32 s0, s20;
	v6 =	vld [tilespmem:s31+$0x0]  }
0x87: {  	v7 =	vld [tilespmem:s10+$0x0];
	_ =	sdelay $0x3  }
0x88: {  	v5 =	vadd.f32 v6, v5  }
0x89: {  	vm4 =	vne.s32 v7, $0xFFFFFFFF  }
0x8a: {  	(xrf2) =	vadd.seg.scan.f32 vm4, v5;
	_ =	sdelay $0x3  }
0x8b: {  	s0 =	sadd.s32 $0x6100, s6;
	v5 =	vperm.xlane v4, v1  }
0x8c: {  	v6 =	vld [tilespmem:s0+$0x0]  }
0x8d: {  	vm5 =	veq.s32 v7, v3;
	vm6 =	veq.s32 v7, v5  }
0x8e: {  	vm7 =	vgt.u32 v7, $0xFFFFFFFD;
	vm6 =	vmor vm6, vm5  }
0x8f: {  	vm6 =	vmor vm6, vm7  }
0x90: {  	v9 =	vld [tilespmem:$0xA0];
	v7 =	vsel vm6, $0xFFFFFFFF, v7  }
0x91: {  	v10 =	vld [tilespmem:$0x90];
	v6 =	vsel vm5, $0x0, v6;
	v8, _, _ =	vpop (xrf2)  }
0x92: {  	v6 =	vadd.f32 v8, v6  }
0x93: {  	s2 =	sadd.s32 $0xE100, s6  }
0x94: {  	vm4 =	vmand vm4, vm3;
	[tilespmem:s2+$0x0] =	vst v6;
	(ifvalue) =	ssetifvalue $0xFFFFFFFF  }
0x95: {  	vm6 =	veq.s32 v9, $0x1;
	[hbm4b:s1+s16] =	stream.indirect_vreg.scatter [tilespmem:s2], [sflag:$0x2], $0x1, v7, vm0, $0x4038;
	v7 =	vsel vm4, $0x0, v8;
	[tilespmem:$0x12120] =	vst v63  }
0x96: {  	s23 =	simm.s32 $0x0;
	s6 =	sadd.s32 $0x10, s10;
	vm4 =	vmor vm6, vm5;
	v6 =	vsel vm5, v8, v10;
	v7 =	vshift.insert v7, v0, s22  }
.LBB2_7:
0x97: {  	v8 =	vld [tilespmem:s6+$0x0];
	s31 =	sadd.s32 $0x10, s31  }
0x98: {  	s0 =	sadd.s32 $0x10, s0;
	v9 =	vld [tilespmem:s31+$0x0]  }
0x99: {  	s23 =	sadd.s32 $0x10, s23;
	v10 =	vld [tilespmem:s0+$0x0]  }
0x9a: {  	p2 =	slt.u32 s23, $0x1FF0;
	_ =	sdelay $0x2  }
0x9b: {  	v7 =	vadd.f32 v9, v7  }
0x9c: {  	vm5 =	vne.s32 v8, $0xFFFFFFFF  }
0x9d: {  	vm6 =	vmand vm5, vm3;
	(xrf2) =	vadd.seg.scan.f32 vm5, v7;
	_ =	sdelay $0x5  }
0x9e: {  	vm7 =	veq.s32 v8, v5;
	vm5 =	veq.s32 v8, v3  }
0x9f: {  	vm8 =	vgt.u32 v8, $0xFFFFFFFD;
	vm4 =	vmor vm4, vm5;
	vm7 =	vmor vm7, vm5  }
0xa0: {  	vm7 =	vmor vm7, vm8  }
0xa1: {  	v8 =	vsel vm7, $0xFFFFFFFF, v8  }
.Ltmp5:
0xa2: {  	v7 =	vsel vm5, $0x0, v10;
	v9, _, _ =	vpop (xrf2);
	(pc) =	sbr.rel @p2 .LBB2_7-.Ltmp5, $4  }
0xa3: {  	v6 =	vsel vm5, v9, v6;
	v10 =	vadd.f32 v9, v7;
	v7 =	vsel vm6, $0x0, v9  }
0xa4: {  	s2 =	sadd.s32 $0x10, s2;
	v7 =	vshift.insert v7, v0, s22  }
0xa5: {  	s6 =	sadd.s32 $0x10, s6;
	[tilespmem:s2+$0x0] =	vst v10;
	(ifvalue) =	ssetifvalue $0xFFFFFFFF  }
0xa6: {  	[hbm4b:s1+s16] =	stream.indirect_vreg.scatter [tilespmem:s2], [sflag:$0x2], $0x1, v8, vm0, $0x4038;
	[tilespmem:$0x12120] =	vst v63  }
0xa7: {  	v3 =	vld [tilespmem:s30+$0x100F0];
	_ =	sdelay $0x4  }
0xa8: {  	v3 =	vshift.insert v3, v0, s22  }
0xa9: {  	s0 =	simm.s32 $0x30  }
0xaa: {  	[tilespmem:s0+$0x0] =	vst.msk $0x1, v3  }
0xab: {  	v3 =	vsel vm4, $0x1, v1;
	[tilespmem:$0x90] =	vst v6  }
0xac: {  	s0 =	sadd.s32 @!p1 $0x100FF, s30;
	[tilespmem:$0xA0] =	vst v3  }
0xad: {  	[spmem:s14] =	stream.linear.scatter @!p1 [tilespmem:s0], [sflag:$0x1], $0x1, $0x38;
	[tilespmem:$0x12120] =	vst v63  }
0xae: {  	s0 =	simm.s32 @!p1 $0x1  }
0xaf: {  	v3 =	vmctz.xlane @!p1 vm4;
	_ =	swait.ge @!p1 [sflag:s0], $0x1  }
0xb0: {  	(v2sf) =	vpush @!p1 v4, $0x0  }
0xb1: {  	(v2sf) =	vpush @!p1 v3, $0x0;
	_ =	sdelay $0xd  }
0xb2: {  	s2 =	spop @!p1 (v2sf)  }
0xb3: {  	s6 =	spop @!p1 (v2sf)  }
0xb4: {  	p2 =	sne.s32 @!p1 s29, s2;
	p3 =	slt.s32 @!p1 s6, $0xF  }
0xb5: {  	[sflag:s0] =	ssyncset.done @!p1 $0x0;
	p2 =	por p2, p1;
	p3 =	por !p3, p1  }
0xb6: {  	[sflag:s0] =	ssyncadd.s32 @!p1 $0xFFFFFFFF;
	v3 =	vimm.s32 @!p2 $0xFFFFFFFF;
	s6 =	simm.s32 @p3 $0xF  }
0xb7: {  	[tilespmem:$0x80] =	vst @!p2 v3;
	s2 =	sadd.s32 @!p1 $0x90, s6  }
0xb8: {  	[spmem:s11] =	stream.linear.scatter @!p1 [tilespmem:s2], [sflag:$0x1], $0x1, $0x38;
	[tilespmem:$0x12120] =	vst v63  }
0xb9: {  	_ =	swait.ge @!p1 [sflag:s0], $0x1  }
0xba: {  	[sflag:s0] =	ssyncset.done @!p1 $0x0  }
0xbb: {  	s2 =	simm.s32 @!p1 $0x80;
	[sflag:s0] =	ssyncadd.s32 @!p1 $0xFFFFFFFF  }
0xbc: {  	[spmem:s15] =	stream.linear.scatter @!p1 [tilespmem:s2], [sflag:$0x1], $0x1, $0x38;
	[tilespmem:$0x12120] =	vst v63  }
0xbd: {  	_ =	swait.ge @!p1 [sflag:s0], $0x1  }
0xbe: {  	[sflag:s0] =	ssyncset.done @!p1 $0x0  }
0xbf: {  	[sflag:s0] =	ssyncadd.s32 @!p1 $0xFFFFFFFF;
	(ifvalue) =	ssetifvalue $0xFFFFFFFF;
	v3 =	vld [tilespmem:s26+$0x10];
	_ =	sdelay $0x3  }
.Ltmp6:
0xc0: {  	_ = 	snop;
	(pc) =	sbr.rel .LBB2_9-.Ltmp6, $3  }
0xc1: {  	_ =	sdelay $0x1  }
0xc2: {  	(ifvalue) =	ssetifvalue $0xFFFFFFFF  }
0xc3: {  	[hbm4b:s1+s16] =	stream.indirect_vreg.scatter [tilespmem:s28], [sflag:$0x9], $0x1, v3, vm0, $0x4038;
	[tilespmem:$0x12120] =	vst v63  }
.LBB2_10:
0xc4: {  	_ =	sfence.sel $0x180000  }
0xc5: {  	s0 =	simm.s32 $0x7;
	[bflag:$0x0] =	sbarrier.arrive $0xFFFF  }
0xc6: {  	s26 =	simm.s32 $0x8;
	[sflag:s0] =	ssyncpa.u1 $0x1  }
0xc7: {  	s28 =	simm.s32 $0x9;
	[sflag:s26] =	ssyncpa.u1 $0x1  }
0xc8: {  	[sflag:s28] =	ssyncpa.u1 $0x1  }
0xc9: {  	_ =	sfence.stream.spmem  }
0xca: {  	s29 =	simm.s32 $0x3;
	[bflag:$0x0] =	sbarrier.arrive $0xFFFF  }
0xcb: {  	s30 =	simm.s32 $0x4;
	[sflag:s29] =	ssyncpa.u1 $0x1  }
0xcc: {  	s31 =	simm.s32 $0x3C;
	s2 =	stileid.u32;
	[sflag:s30] =	ssyncpa.u1 $0x1  }
0xcd: {  	p0 =	sne.s32 s2, $0x0;
	[sflag:s31] =	ssyncpa.u1 $0x1  }
0xce: {  	s0 =	simm.s32 @p0 $0x1;
	_ =	sfence @p0  }
0xcf: {  	[sflag:s0] =	ssyncpa.u1 @p0 $0x1;
	s0 =	simm.s32 @p0 $0x2  }
0xd0: {  	[sflag:s0] =	ssyncpa.u1 @p0 $0x1  }
0xd1: {  	_ =	strace @p0 $0x9000004A  }
0xd2: {  	[bflag:$0x2] =	sbarrier.arrive @p0 $0xFFFF  }
0xd3: {  	_ =	shalt @p0  }
.LBB2_11:
0xd4: {  	_ =	sfence.stream.spmem;
	s0 =	simm.s32 $0x5  }
0xd5: {  	s2 =	simm.s32 $0x80;
	s3 =	simm.s32 $0xC0;
	[sflag:s0] =	ssyncpa.u1 $0x0  }
0xd6: {  	[tilespmem:s3], [sflag:$0x5] =	stream.linear.gather [spmem:s2], $0x20, $0x38;
	[tilespmem:$0x12120] =	vst v63  }
0xd7: {  	s2 =	simm.s32 $0x0;
	s3 =	simm.s32 $0xE0  }
0xd8: {  	[tilespmem:s3], [sflag:$0x5] =	stream.linear.gather [spmem:s2], $0x20, $0x38;
	[tilespmem:$0x12120] =	vst v63  }
.Ltmp7:
0xd9: {  	_ = 	snop;
	(pc) =	sbr.rel .LBB2_12-.Ltmp7, $4  }
0xda: {  	_ =	swait.ge [sflag:s0], $0x40  }
0xdb: {  	[sflag:s0] =	ssyncset.done $0x0  }
0xdc: {  	s31 =	simm.s32 $0x6;
	[sflag:s0] =	ssyncadd.s32 $0xFFFFFFC0  }
0xdd: {  	s4 =	simm.s32 $0x0;
	[sflag:s31] =	ssyncpa.u1 $0x0  }
.LBB2_17:
0xde: {  	p0 =	sgt.u32 s0, $0x27FF  }
0xdf: {  	s5 =	sshrl.u32 @!p0 s0, $0x3  }
0xe0: {  	s0 =	sand.u32 @!p0 $0x7, s0;
	s6 =	simm.s32 @!p0 $0xB0;
	s5 =	sadd.s32 @!p0 s1, s5  }
0xe1: {  	[tilespmem:s6], [sflag:$0x6] =	stream.linear.gather @!p0 [hbm4b:s5+s0], $0x1, $0x38;
	[tilespmem:$0x12120] =	vst v63  }
0xe2: {  	s0 =	simm.s32 @!p0 $0x6  }
0xe3: {  	_ =	swait.ge @!p0 [sflag:s0], $0x1  }
0xe4: {  	[sflag:s0] =	ssyncset.done @!p0 $0x0  }
0xe5: {  	[sflag:s0] =	ssyncadd.s32 @!p0 $0xFFFFFFFF  }
0xe6: {  	v2 =	vmov @!p0 s4;
	v1 =	vld.msk @!p0 [tilespmem:$0xB0], $0x1;
	_ =	sdelay $0x3  }
0xe7: {  	s0 =	simm.s32 @!p0 $0xE0  }
0xe8: {  	[tilespmem:v2+s0+$0x0], v1 =	vst.idx.ret.add.f32.msk @!p0 $0x1, v1  }
0xe9: {  	[tilespmem:s2+$0xC0] =	vst.msk $0x1, v0  }
0xea: {  	v0 =	vld.msk [tilespmem:s4+$0xE0], $0x1;
	_ =	sdelay $0x4  }
0xeb: {  	[tilespmem:s2+$0xE0] =	vst.msk $0x1, v0;
	s2 =	sadd.s32 $0x1, s2  }
.LBB2_19:
0xec: {  	s4 =	sadd.s32 $0x1, s4  }
0xed: {  	p0 =	sne.s32 s4, $0x20  }
.Ltmp8:
0xee: {  	_ = 	snop;
	(pc) =	sbr.rel @!p0 .LBB2_20-.Ltmp8, $1  }
0xef: {  	_ =	sdelay $0x3  }
.LBB2_12:
0xf0: {  	v0 =	vld.msk [tilespmem:s4+$0xC0], $0x1;
	_ =	sdelay $0x4  }
0xf1: {  	(v2sf) =	vpush v0, $0x0;
	_ =	sdelay $0xe  }
0xf2: {  	s0 =	spop (v2sf)  }
0xf3: {  	p0 =	seq.s32 s0, $0xFFFFFFFF  }
.Ltmp9:
0xf4: {  	_ = 	snop;
	(pc) =	sbr.rel @p0 .LBB2_19-.Ltmp9, $1  }
0xf5: {  	_ =	sdelay $0x3  }
0xf6: {  	p0 =	slt.s32 s2, $0x1  }
.Ltmp10:
0xf7: {  	_ = 	snop;
	(pc) =	sbr.rel @p0 .LBB2_17-.Ltmp10, $1  }
0xf8: {  	_ =	sdelay $0x3  }
0xf9: {  	s5 =	simm.s32 $0xC0;
	p0 =	por $0x0, $0x0  }
0xfa: {  	v1 =	vld.msk @!p0 [tilespmem:s5+$0x0], $0x1;
	_ =	sdelay $0x4  }
0xfb: {  	(v2sf) =	vpush @!p0 v1, $0x0;
	_ =	sdelay $0xd  }
0xfc: {  	p2 =	sne.s32 s2, $0x1  }
.Ltmp11:
0xfd: {  	s6 =	spop @!p0 (v2sf);
	(pc) =	sbr.rel @!p2 .LBB2_16-.Ltmp11, $4  }
0xfe: {  	p1 =	seq.s32 @!p0 s0, s6  }
0xff: {  	s6 =	simm.s32 $0x0;
	p1 =	por !p1, p0  }
0x100: {  	s8 =	simm.s32 $0xFFFFFFFF;
	s6 =	simm.s32 @p1 $0xFFFFFFFF  }
0x101: {  	s7 =	simm.s32 $0x1;
	s6 =	smov.u32 @p0 s8  }
.LBB2_15:
0x102: {  	s8 =	smov.u32 s6;
	p0 =	sne.s32 s6, $0xFFFFFFFF  }
0x103: {  	s5 =	sadd.s32 $0x1, s5;
	s6 =	smov.u32 s7;
	s7 =	sadd.s32 $0x1, s7  }
0x104: {  	p1 =	sne.s32 s2, s7;
	v1 =	vld.msk @!p0 [tilespmem:s5+$0x0], $0x1;
	_ =	sdelay $0x4  }
0x105: {  	(v2sf) =	vpush @!p0 v1, $0x0;
	_ =	sdelay $0xe  }
.Ltmp12:
0x106: {  	s9 =	spop @!p0 (v2sf);
	(pc) =	sbr.rel @p1 .LBB2_15-.Ltmp12, $4  }
0x107: {  	p2 =	seq.s32 @!p0 s0, s9  }
0x108: {  	p2 =	por !p2, p0  }
0x109: {  	s6 =	simm.s32 @p2 $0xFFFFFFFF  }
0x10a: {  	s6 =	smov.u32 @p0 s8  }
.LBB2_16:
0x10b: {  	p0 =	sne.s32 s6, $0xFFFFFFFF  }
.Ltmp13:
0x10c: {  	_ = 	snop;
	(pc) =	sbr.rel @!p0 .LBB2_17-.Ltmp13, $1  }
0x10d: {  	_ =	sdelay $0x3  }
0x10e: {  	v0 =	vld.msk [tilespmem:s4+$0xE0], $0x1;
	v1 =	vmov s6  }
.Ltmp14:
0x10f: {  	_ = 	snop;
	(pc) =	sbr.rel .LBB2_19-.Ltmp14, $2  }
0x110: {  	_ =	sdelay $0x2  }
0x111: {  	[tilespmem:v1+s3+$0x0], v0 =	vst.idx.ret.add.f32.msk $0x1, v0  }
.LBB2_20:
0x112: {  	p0 =	slt.s32 s2, $0x1  }
.Ltmp15:
0x113: {  	_ = 	snop;
	(pc) =	sbr.rel @p0 .LBB2_24-.Ltmp15, $3  }
0x114: {  	_ =	sdelay $0x1  }
0x115: {  	s0 =	simm.s32 $0x6  }
0x116: {  	[sflag:s0] =	ssyncpa.u1 $0x1;
	s0 =	simm.s32 $0x0  }
0x117: {  	s3 =	simm.s32 $0xC0  }
0x118: {  	v0 =	vld.msk [tilespmem:s3+$0x0], $0x1;
	_ =	sdelay $0x4  }
0x119: {  	(v2sf) =	vpush v0, $0x0;
	_ =	sdelay $0xe  }
0x11a: {  	s2 =	sadd.s32 $0xFFFFFFFF, s2;
	s4 =	spop (v2sf)  }
0x11b: {  	p1 =	sne.s32 s2, $0x0;
	p0 =	sgt.u32 s4, $0x27FF  }
.Ltmp16:
0x11c: {  	s5 =	sshrl.u32 @!p0 s4, $0x3;
	(pc) =	sbr.rel @!p1 .LBB2_23-.Ltmp16, $4  }
0x11d: {  	s3 =	simm.s32 $0xE0;
	s4 =	sand.u32 @!p0 $0x7, s4;
	s5 =	sadd.s32 @!p0 s1, s5  }
0x11e: {  	[hbm4b:s5+s4] =	stream.linear.scatter @!p0 [tilespmem:s3], [sflag:$0x5], $0x1, $0x38;
	[tilespmem:$0x12120] =	vst v63  }
0x11f: {  	s5 =	simm.s32 $0x0  }
0x120: {  	s4 =	simm.s32 $0xC1;
	s5 =	simm.s32 @!p0 $0x4  }
.LBB2_22:
0x121: {  	v0 =	vld.msk [tilespmem:s4+$0x0], $0x1;
	s2 =	sadd.s32 $0xFFFFFFFF, s2;
	s0 =	sadd.s32 s0, s5  }
0x122: {  	p0 =	sne.s32 s2, $0x0;
	_ =	sdelay $0x3  }
0x123: {  	(v2sf) =	vpush v0, $0x0;
	_ =	sdelay $0xe  }
.Ltmp17:
0x124: {  	s6 =	spop (v2sf);
	(pc) =	sbr.rel @p0 .LBB2_22-.Ltmp17, $4  }
0x125: {  	s5 =	simm.s32 $0x0;
	p1 =	sgt.u32 s6, $0x27FF  }
0x126: {  	s3 =	sadd.s32 $0x1, s3;
	s5 =	simm.s32 @!p1 $0x4;
	s7 =	sshrl.u32 @!p1 s6, $0x3  }
0x127: {  	s4 =	sadd.s32 $0x1, s4;
	s6 =	sand.u32 @!p1 $0x7, s6;
	s7 =	sadd.s32 @!p1 s1, s7  }
0x128: {  	[hbm4b:s7+s6] =	stream.linear.scatter @!p1 [tilespmem:s3], [sflag:$0x5], $0x1, $0x38;
	[tilespmem:$0x12120] =	vst v63  }
.LBB2_23:
0x129: {  	s0 =	sadd.s32 s0, s5  }
0x12a: {  	s0 =	sshrl.u32 s0, $0x2  }
.LBB2_24:
0x12b: {  	s1 =	simm.s32 $0x5  }
0x12c: {  	_ =	swait.ge [sflag:s1], s0  }
0x12d: {  	s28 =	ssub.s32 $0x0, s0;
	[sflag:s1] =	ssyncset.done $0x0  }
0x12e: {  	[sflag:s1] =	ssyncadd.s32 s28  }
0x12f: {  	[sflag:s1] =	ssyncpa.u1 $0x1  }
0x130: {  	s29 =	simm.s32 $0x1;
	_ =	sfence  }
0x131: {  	s30 =	simm.s32 $0x2;
	[sflag:s29] =	ssyncpa.u1 $0x1  }
0x132: {  	[sflag:s30] =	ssyncpa.u1 $0x1  }
0x133: {  	_ =	strace $0x9000004A  }
0x134: {  	[bflag:$0x2] =	sbarrier.arrive $0xFFFF  }
0x135: {  	s31 =	rddreg [dreg:$0x1]  }
0x136: {  	s0 =	sadd.s32 $0x100000, s31  }
0x137: {  	[sflag:s0] =	ssyncadd.tile.s32 $0x1;
	_ =	shalt  }
.Lfunc_end2:
_tile_overlayer_lowered:
.L_overlay_start_2:
0x138: {  	(tag) =	ssettag $0x2  }
0x139: {  	s0 =	rddreg [dreg:$0x0];
	s2 =	stileid.u32  }
0x13a: {  	s1 =	rddreg [dreg:$0x1];
	p0 =	sne.s32 s2, $0x0  }
0x13b: {  	s3 =	rddreg [dreg:$0x2];
	[bflag:$0x3] =	sbarrier.arrive $0xFFFF;
	s2 =	simm.s32 @!p0 $0x1C01  }
0x13c: {  	[timem:s3], [sflag:s2] =	dma.local @!p0 [hbm:s0], s1  }
0x13d: {  	s0 =	simm.s32 @!p0 $0x1  }
0x13e: {  	_ =	swait.ge @!p0 [sflag:s0], s1  }
0x13f: {  	s1 =	ssub.s32 @!p0 $0x0, s1;
	[sflag:s0] =	ssyncset.done @!p0 $0x0  }
0x140: {  	[sflag:s0] =	ssyncadd.s32 @!p0 s1  }
0x141: {  	[bflag:$0x3] =	sbarrier.arrive $0xFFFF  }
0x142: {  	_ =	shalt  }

// kernel: scatter_offload_async_start.2
scs
__scs_entry_jumppad:
0x0: {  	(pc) =	sbr.rel $0x88, $3  }
0x1: {  	(tag) =	ssettag $0x0;
	lr =	simm.s32 $0x1  }
0x2: {  	[smem:$0x3F7F] =	sst lr;
	_ =	strace $0xD0000000  }
0x3: {  	_ = 	snop  }
0x4: {  	_ = 	snop  }
0x5: {  	_ = 	snop  }
0x6: {  	_ = 	snop  }
0x7: {  	_ = 	snop  }
__scs_overlays_trampoline_lowered:
0x8: {  	[smem:$0x3F8E] =	sst s0  }
0x9: {  	[smem:$0x3F8F] =	sst s1  }
0xa: {  	[smem:$0x3F90] =	sst s2  }
0xb: {  	[smem:$0x3F91] =	sst s3  }
0xc: {  	[smem:$0x3F92] =	sst s4  }
0xd: {  	[smem:$0x3F93] =	sst s5  }
0xe: {  	[smem:$0x3F94] =	sst s6  }
0xf: {  	[smem:$0x3F95] =	sst s7  }
0x10: {  	[smem:$0x3F96] =	sst s8  }
0x11: {  	[smem:$0x3F97] =	sst s9;
	s0 =	simm.s32 @!p0 $0x0  }
0x12: {  	s1 =	sld [smem:$0x3F7D];
	s0 =	simm.s32 @p0 $0x1  }
0x13: {  	[smem:$0x3F98] =	sst s0;
	s0 =	simm.s32 @!p1 $0x0  }
0x14: {  	s2 =	sld [smem:$0x3F7C];
	s0 =	simm.s32 @p1 $0x1  }
0x15: {  	[smem:$0x3F99] =	sst s0;
	s0 =	simm.s32 @!p2 $0x0  }
0x16: {  	s3 =	sld [smem:$0x3FDB];
	s0 =	simm.s32 @p2 $0x1  }
0x17: {  	s4 =	simm.s32 $0x1BF5;
	[smem:$0x3F9B] =	sst s0  }
0x18: {  	s0 =	sld [smem:$0x3F7E];
	_ =	swait.ge [sflag:s4], $0x0  }
0x19: {  	s7 =	sld [smem:$0x3F7F]  }
0x1a: {  	s8 =	sadd.s32 $0xFFFFE003, lr  }
0x1b: {  	s9 =	sadd.s32 $0xFFFFFEF7, lr;
	s5 =	simm.s32 $0xFFFFFFFF;
	p2 =	slt.u32 s8, $0xFFFFF086  }
0x1c: {  	p1 =	slt.u32 s9, $0xF7A;
	s5 =	simm.s32 @!p2 $0x0  }
0x1d: {  	s5 =	simm.s32 @p1 $0x1;
	p0 =	seq.s32 s7, s2  }
0x1e: {  	s7 =	smul.u32 @!p0 $0xF7A, s2;
	p2 =	seq.s32 @!p0 s5, $0x0  }
0x1f: {  	s9 =	smul.u32 $0xF7A, s1;
	s8 =	simm.s32 @!p0 $0x1BF5;
	p2 =	por !p2, p0  }
0x20: {  	[sflag:s8] =	ssyncset.s32 @!p0 $0xFFFFF086;
	s6 =	sadd.s32 @!p0 s3, s7;
	s7 =	simm.s32 @!p0 $0x108  }
0x21: {  	s3 =	sadd.s32 s3, s9;
	s6 =	sadd.s32 @!p0 $0x88, s6;
	s7 =	simm.s32 @p2 $0x1082  }
0x22: {  	[simem:s7], [sflag:s8] =	dma.local @!p0 [hbm:s6], $0xF7A  }
0x23: {  	s9 =	sor.u32 $0xD0000000, s2;
	s6 =	simm.s32 $0x108;
	_ =	swait.ge @!p0 [sflag:s8], $0x0  }
0x24: {  	s3 =	sadd.s32 $0x88, s3;
	s6 =	simm.s32 @!p1 $0x1082;
	[sflag:s4] =	ssyncset.s32 $0xFFFFF086  }
0x25: {  	[simem:s6], [sflag:s4] =	dma.local [hbm:s3], $0xF7A  }
0x26: {  	[smem:$0x3F7F] =	sst s1;
	(tag) =	ssettag s2;
	_ =	strace s9  }
0x27: {  	s1 =	sld [smem:$0x3F8F]  }
0x28: {  	s2 =	sld [smem:$0x3F90]  }
0x29: {  	s4 =	sld [smem:$0x3F92]  }
0x2a: {  	p0 =	seq.s32 s5, $0x0;
	s5 =	sld [smem:$0x3F93]  }
0x2b: {  	s6 =	sld [smem:$0x3F94]  }
0x2c: {  	s7 =	sld [smem:$0x3F95]  }
0x2d: {  	s3 =	simm.s32 $0x108;
	s8 =	sld [smem:$0x3F96]  }
0x2e: {  	s3 =	simm.s32 @!p0 $0x1082;
	s9 =	sld [smem:$0x3F97]  }
0x2f: {  	lr =	sadd.s32 s0, s3;
	s0 =	sld [smem:$0x3F8E]  }
0x30: {  	s3 =	sld [smem:$0x3F91]  }
0x31: {  	[smem:$0x3F9A] =	sst s10  }
0x32: {  	s10 =	sld [smem:$0x3F98];
	_ =	sdelay $0x3  }
0x33: {  	p0 =	seq.s32 s10, $0x1;
	s10 =	sld [smem:$0x3F9A];
	_ =	sdelay $0x3  }
0x34: {  	[smem:$0x3F9A] =	sst s10  }
0x35: {  	s10 =	sld [smem:$0x3F99];
	_ =	sdelay $0x3  }
0x36: {  	p1 =	seq.s32 s10, $0x1;
	s10 =	sld [smem:$0x3F9A];
	_ =	sdelay $0x3  }
0x37: {  	[smem:$0x3F9A] =	sst s10  }
0x38: {  	s10 =	sld [smem:$0x3F9B]  }
0x39: {  	_ = 	snop;
	(pc) =	sbr.ind lr, $3  }
0x3a: {  	_ = 	snop  }
0x3b: {  	_ = 	snop  }
0x3c: {  	p2 =	seq.s32 s10, $0x1;
	s10 =	sld [smem:$0x3F9A]  }
0x3d: {  	_ =	shalt  }
0x3e: {  	_ =	shalt  }
0x3f: {  	_ =	shalt  }
0x40: {  	_ =	shalt  }
0x41: {  	_ =	shalt  }
0x42: {  	_ =	shalt  }
0x43: {  	_ =	shalt  }
0x44: {  	_ =	shalt  }
0x45: {  	_ =	shalt  }
0x46: {  	_ =	shalt  }
0x47: {  	_ =	shalt  }
0x48: {  	_ =	shalt  }
0x49: {  	_ =	shalt  }
0x4a: {  	_ =	shalt  }
0x4b: {  	_ =	shalt  }
0x4c: {  	_ =	shalt  }
0x4d: {  	_ =	shalt  }
0x4e: {  	_ =	shalt  }
0x4f: {  	_ =	shalt  }
0x50: {  	_ =	shalt  }
0x51: {  	_ =	shalt  }
0x52: {  	_ =	shalt  }
0x53: {  	_ =	shalt  }
0x54: {  	_ =	shalt  }
0x55: {  	_ =	shalt  }
0x56: {  	_ =	shalt  }
0x57: {  	_ =	shalt  }
0x58: {  	_ =	shalt  }
0x59: {  	_ =	shalt  }
0x5a: {  	_ =	shalt  }
0x5b: {  	_ =	shalt  }
0x5c: {  	_ =	shalt  }
0x5d: {  	_ =	shalt  }
0x5e: {  	_ =	shalt  }
0x5f: {  	_ =	shalt  }
0x60: {  	_ =	shalt  }
0x61: {  	_ =	shalt  }
0x62: {  	_ =	shalt  }
0x63: {  	_ =	shalt  }
0x64: {  	_ =	shalt  }
0x65: {  	_ =	shalt  }
0x66: {  	_ =	shalt  }
0x67: {  	_ =	shalt  }
0x68: {  	_ =	shalt  }
0x69: {  	_ =	shalt  }
0x6a: {  	_ =	shalt  }
0x6b: {  	_ =	shalt  }
0x6c: {  	_ =	shalt  }
0x6d: {  	_ =	shalt  }
0x6e: {  	_ =	shalt  }
0x6f: {  	_ =	shalt  }
0x70: {  	_ =	shalt  }
0x71: {  	_ =	shalt  }
0x72: {  	_ =	shalt  }
0x73: {  	_ =	shalt  }
0x74: {  	_ =	shalt  }
0x75: {  	_ =	shalt  }
0x76: {  	_ =	shalt  }
0x77: {  	_ =	shalt  }
0x78: {  	_ =	shalt  }
0x79: {  	_ =	shalt  }
0x7a: {  	_ =	shalt  }
0x7b: {  	_ =	shalt  }
0x7c: {  	_ =	shalt  }
0x7d: {  	_ =	shalt  }
0x7e: {  	_ =	shalt  }
0x7f: {  	_ =	shalt  }
0x80: {  	_ =	shalt  }
0x81: {  	_ =	shalt  }
0x82: {  	_ =	shalt  }
0x83: {  	_ =	shalt  }
0x84: {  	_ =	shalt  }
0x85: {  	_ =	shalt  }
0x86: {  	_ =	shalt  }
0x87: {  	_ =	shalt  }
.Lfunc_end0:
.L_simem_size_0:
called_computation.2_lowered:
.L_overlay_start_0:
0x88: {  	s2 =	sld [smem:$0x3FD9]  }
0x89: {  	s3 =	sld [smem:$0x3FFE];
	_ =	sdelay $0x1  }
0x8a: {  	s1 =	srdreg.scid  }
0x8b: {  	s0 =	sand.u32 $0x1, s1  }
0x8c: {  	s15 =	sshll.u32 s0, $0xA;
	s2 =	sadd.s32 s3, s2  }
0x8d: {  	s2 =	sadd.s32 s2, s15  }
0x8e: {  	[smem:$0x3FA6] =	sst s2  }
0x8f: {  	_ = 	snop  }
0x90: {  	(tm) =	ssettm $0x1  }
0x91: {  	s16 =	sld [smem:$0x3FFB];
	_ =	sdelay $0x3  }
0x92: {  	_ =	strace s16  }
0x93: {  	s2 =	sld [smem:$0x3FFC];
	_ =	sdelay $0x3  }
0x94: {  	_ =	strace s2  }
0x95: {  	s2 =	sld [smem:$0x3FFD];
	_ =	sdelay $0x3  }
0x96: {  	_ =	strace s2  }
0x97: {  	_ =	strace $0x8FFFFFFF  }
0x98: {  	s17 =	sld [smem:$0x3FDB];
	_ =	sdelay $0x1  }
0x99: {  	s18 =	simm.s32 $_scs_section_size  }
0x9a: {  	s4 =	simm.s32 $_size__tile_overlayer_lowered;
	s5 =	simm.s32 $_tile_overlayer_lowered  }
0x9b: {  	s21 =	simm.s32 $0x1BFF;
	s20 =	sshll.u32 s5, $0x1;
	s2 =	sadd.s32 s18, s17  }
0x9c: {  	s6 =	simm.s32 $0x0;
	s19 =	sshll.u32 s4, $0x1;
	s4 =	sadd.s32 s20, s2  }
0x9d: {  	[timem:s6], [sflag:s21] =	dma.local [hbm:s4], s19  }
0x9e: {  	_ =	swait.ge [sflag:s21], s19  }
0x9f: {  	s3 =	ssub.s32 $0x0, s19;
	[sflag:s21] =	ssyncset.done $0x0  }
0xa0: {  	[sflag:s21] =	ssyncadd.s32 s3;
	_ =	sdelay $0x1  }
0xa1: {  	s22 =	simm.s32 $0x1B8B  }
0xa2: {  	_ =	swait.ge [sflag:s22], $0x1  }
0xa3: {  	[sflag:s22] =	ssyncset.done $0x0  }
0xa4: {  	s23 =	sld [smem:$0x3FFE];
	[sflag:s22] =	ssyncadd.s32 $0xFFFFFFFF  }
0xa5: {  	s25 =	simm.s32 $0x1B8E;
	s24 =	sld [smem:$0x0]  }
0xa6: {  	s26 =	simm.s32 $execute0_lowered;
	[smem:$0x3FD2] =	sst s25  }
0xa7: {  	s5 =	sshll.u32 s26, $0x1;
	_ =	strace $0x80000055;
	[dreg:$0x1] =	wrdreg $0xFFFFFFFF  }
0xa8: {  	s28 =	simm.s32 $_size_execute0_lowered;
	s2 =	sadd.s32 s2, s5;
	[dreg:$0x0] =	wrdreg $0x0  }
0xa9: {  	s5 =	sshll.u32 s28, $0x1;
	[dreg:$0x2] =	wrdreg s2  }
0xaa: {  	[dreg:$0x3] =	wrdreg s5  }
0xab: {  	[dreg:$0x4] =	wrdreg $0xC0  }
0xac: {  	_ =	task [dreg:s6], $0x5FFFF  }
0xad: {  	[dreg:$0x1] =	wrdreg $0xFFFFFFFF  }
0xae: {  	[dreg:$0x0] =	wrdreg $0x60  }
0xaf: {  	[dreg:$0x2] =	wrdreg s23  }
0xb0: {  	[dreg:$0x3] =	wrdreg s1  }
0xb1: {  	[dreg:$0x4] =	wrdreg s24  }
0xb2: {  	[dreg:$0x5] =	wrdreg $0x9  }
0xb3: {  	_ =	task.clear_ibuf [dreg:s6], $0x6FFFF;
	_ =	strace $0x90000055  }
0xb4: {  	s29 =	simm.s32 $0x9;
	_ =	strace $0x80000057  }
0xb5: {  	_ =	swait.ge [sflag:s29], $0x1  }
0xb6: {  	[sflag:s29] =	ssyncadd.s32 $0xFFFFFFFF  }
0xb7: {  	_ =	strace $0x90000057  }
0xb8: {  	_ =	sfence  }
0xb9: {  	s30 =	sld [smem:$0x0];
	_ =	sdelay $0x2  }
0xba: {  	s31 =	sshll.u32 s1, $0xD;
	s1 =	sshrl.u32 s1, $0x2  }
0xbb: {  	s3 =	sand.u32 $0x4000, s31;
	s1 =	sadd.s32 s1, s30  }
0xbc: {  	s0 =	sor.u32 s3, s0;
	s1 =	sshll.u32 s1, $0x11  }
0xbd: {  	s0 =	sor.u32 s1, s0  }
0xbe: {  	s0 =	sadd.s32 $0x8F2B, s0  }
0xbf: {  	[sflag:s0] =	ssyncadd.remote.s32 $0x1  }
0xc0: {  	_ =	sfence.sel $0xFFFF  }
0xc1: {  	[dreg:$0x0] =	wrdreg $0xFFFFFFFF;
	(pc) =	sbr.abs _section_cstart, $3  }
0xc2: {  	[dreg:$0x1] =	wrdreg $0xFFFFFFFF  }
0xc3: {  	_ =	task.clear_ibuf [dreg:s6], $0x2FFFF;
	_ =	strace $0x9FFFFFFF  }
0xc4: {  	(tm) =	ssettm $0x7FFFFFFF  }
0xc5: {  	_ =	shalt  }
tec
execute0_lowered:
.L_overlay_start_1:
0x0: {  	(tag) =	ssettag $0x1  }
0x1: {  	s2 =	rddreg [dreg:$0x0]  }
0x2: {  	s3 =	rddreg [dreg:$0x1];
	_ =	strace $0x80000056;
	s0 =	simm.s32 $0x1  }
0x3: {  	v0 =	vimm.s32 $0x0;
	[sflag:s0] =	ssyncpa.u1 $0x0;
	s0 =	simm.s32 $0x108  }
0x4: {  	[tilespmem:s0+$0x70] =	vst v0  }
0x5: {  	[tilespmem:s0+$0x60] =	vst v0  }
0x6: {  	[tilespmem:s0+$0x50] =	vst v0  }
0x7: {  	[tilespmem:s0+$0x40] =	vst v0  }
0x8: {  	s1 =	sadd.s32 $0x511E00, s2;
	[tilespmem:s0+$0x30] =	vst v0  }
0x9: {  	s15 =	sadd.s32 $0x561800, s2;
	s6 =	sadd.s32 $0x61800, s2;
	[tilespmem:s0+$0x20] =	vst v0  }
0xa: {  	s14 =	sadd.s32 $0x566800, s2;
	s5 =	sand.u32 $0x1, s3;
	s3 =	simm.s32 $0x40;
	[tilespmem:s0+$0x10] =	vst v0  }
.LBB2_1:
0xb: {  	s3 =	sadd.s32 $0x40, s3;
	[tilespmem:s0+$0x0] =	vst v0;
	s0 =	sadd.s32 $0x80, s0  }
0xc: {  	p0 =	slt.u32 s3, $0x3C40;
	[tilespmem:s0+$0x70] =	vst v0  }
0xd: {  	[tilespmem:s0+$0x60] =	vst v0  }
.Ltmp0:
0xe: {  	[tilespmem:s0+$0x50] =	vst v0;
	(pc) =	sbr.rel @p0 .LBB2_1-.Ltmp0, $4  }
0xf: {  	[tilespmem:s0+$0x40] =	vst v0  }
0x10: {  	[tilespmem:s0+$0x30] =	vst v0  }
0x11: {  	[tilespmem:s0+$0x20] =	vst v0  }
0x12: {  	[tilespmem:s0+$0x10] =	vst v0  }
0x13: {  	s9 =	stileid.u32  }
0x14: {  	s2 =	smul.u32 $0x15, s9  }
0x15: {  	s3 =	smin.u32 s9, $0x6  }
0x16: {  	s2 =	sadd.s32 s3, s2  }
0x17: {  	p0 =	slt.u32 s9, $0x6;
	s7 =	smul.u32 $0xF0, s2;
	s2 =	simm.s32 $0x14A0  }
0x18: {  	s2 =	simm.s32 @!p0 $0x13B0  }
0x19: {  	s2 =	sadd.s32 s2, s7  }
0x1a: {  	s8 =	smin.u32 s2, $0x14000  }
0x1b: {  	s2 =	ssub.s32 s8, s7  }
0x1c: {  	p0 =	sgt.s32 s2, $0x0  }
0x1d: {  	s29 =	simm.s32 $0x2;
	s10 =	simm.s32 $0x9;
	s2 =	simm.s32 @!p0 $0x0  }
0x1e: {  	s4 =	simm.s32 $0xA;
	s11 =	simm.s32 $0xB;
	s28 =	smulhi.u32 $0x88888889, s2  }
0x1f: {  	[dreg:$0x4] =	wrdreg s5;
	s31 =	smul.u32 $0x2800, s5;
	s12 =	simm.s32 $0x1  }
0x20: {  	s22 =	simm.s32 $0x0;
	s18 =	simm.s32 $0xC;
	s30 =	sshrl.u32 s28, $0x7  }
0x21: {  	s20 =	simm.s32 $0x0;
	s21 =	simm.s32 $0x0;
	s3 =	smul.u32 $0xF0, s30  }
.Ltmp1:
0x22: {  	[tilespmem:s0+$0x0] =	vst v0;
	v0 =	vimm.s32 $0xFFFFFFFF;
	[sflag:s29] =	ssyncpa.u1 $0x0;
	s16 =	sshll.u32 s9, $0x8;
	(pc) =	sbr.rel .LBB2_3-.Ltmp1, $4  }
0x23: {  	[tilespmem:$0xF208] =	vst v0;
	[sflag:s10] =	ssyncpa.u1 $0x0;
	p0 =	sne.s32 s2, s3;
	s2 =	simm.s32 $0x1  }
0x24: {  	s14 =	sadd.s32 s31, s14;
	[sflag:s4] =	ssyncpa.u1 $0x0;
	s2 =	simm.s32 @!p0 $0x0  }
0x25: {  	s15 =	sadd.s32 s31, s15;
	[sflag:s11] =	ssyncpa.u1 $0x0;
	s13 =	sadd.s32 s2, s30  }
0x26: {  	v0 =	vlaneseq.u32;
	s19 =	smov.u32 s7;
	p0 =	por $0x0, $0x0;
	s17 =	sadd.s32 $0x1, s13  }
.LBB2_18:
0x27: {  	s0 =	sshrl.u32 s31, $0x2  }
.LBB2_20:
0x28: {  	_ =	swait.ge [sflag:s18], s0  }
0x29: {  	s31 =	ssub.s32 $0x0, s0;
	v1 =	vmov s24;
	vm0 =	veq.s32 v0, $0x0;
	[sflag:s18] =	ssyncset.done $0x0  }
0x2a: {  	vm15 =	veq.s32 v0, $0x2;
	v1 =	vsel vm0, s30, v1;
	[sflag:s18] =	ssyncadd.s32 s31  }
0x2b: {  	v1 =	vsel vm15, s22, v1;
	[sflag:s18] =	ssyncpa.u1 $0x1  }
0x2c: {  	[tilespmem:$0xF208] =	vst v1  }
.LBB2_21:
0x2d: {  	s0 =	sadd.s32 $0xF0, s19  }
0x2e: {  	s2 =	smov.u32 s7;
	p1 =	slt.s32 s0, s8  }
0x2f: {  	s2 =	smov.u32 @p1 s0;
	p1 =	sne.s32 s21, s17  }
.Ltmp2:
0x30: {  	_ = 	snop;
	(pc) =	sbr.rel @!p1 .LBB2_22-.Ltmp2, $3  }
0x31: {  	_ =	sdelay $0x1  }
0x32: {  	s22 =	smov.u32 s20;
	s31 =	sadd.s32 $0x1, s21;
	s20 =	smov.u32 s19  }
0x33: {  	p0 =	por !p0, !p0;
	s21 =	smov.u32 s31;
	s19 =	smov.u32 s2  }
.LBB2_3:
0x34: {  	p1 =	sge.u32 s21, s13  }
0x35: {  	s0 =	smulhi.u32 @!p1 $0xAAAAAAAB, s21  }
0x36: {  	s2 =	smov.u32 s19;
	p2 =	sgt.s32 @!p1 s19, $0x13F10  }
0x37: {  	s3 =	sshra.s32 @!p1 s19, $0x1F;
	p2 =	por !p2, p1;
	s0 =	sshrl.u32 @!p1 s0, $0x1  }
0x38: {  	s3 =	sand.u32 @!p1 s3, s19;
	s2 =	simm.s32 @p2 $0x13F10;
	s0 =	smul.u32 @!p1 $0x3, s0  }
0x39: {  	s2 =	ssub.s32 @!p1 s2, s3  }
0x3a: {  	s2 =	sadd.s32 @!p1 $0xFFFEC0F0, s2;
	s0 =	ssub.s32 @!p1 s21, s0  }
0x3b: {  	s3 =	sshll.u32 @!p1 s2, $0x2;
	p2 =	sgt.s32 @!p1 s2, $0xEF;
	s0 =	smul.u32 @!p1 $0x3C0, s0  }
0x3c: {  	s4 =	sand.u32 @!p1 $0x7, s19;
	s2 =	ssub.s32 @!p1 $0x3C0, s3;
	p2 =	por !p2, p1  }
0x3d: {  	s3 =	sshrl.u32 @!p1 s19, $0x3;
	s2 =	sshrl.u32 @!p1 s2, $0x2;
	s0 =	sshrl.u32 @!p1 s0, $0x2  }
0x3e: {  	s3 =	sadd.s32 @!p1 s3, s14;
	s2 =	simm.s32 @!p2 $0x0;
	s0 =	sadd.s32 @!p1 $0x10248, s0  }
0x3f: {  	[tilespmem:s0], [sflag:$0xA] =	stream.linear.gather @!p1 [hbm4b:s3+s4], s2, $0x38;
	[tilespmem:$0x1F6F8] =	vst v63  }
0x40: {  	s0 =	sadd.s32 $0xFFFFFFFF, s21  }
0x41: {  	p1 =	sge.u32 s0, s13  }
0x42: {  	p2 =	sgt.s32 @!p1 s20, $0x13F10  }
0x43: {  	s2 =	smov.u32 s20;
	s3 =	sshra.s32 @!p1 s20, $0x1F;
	p2 =	por !p2, p1  }
0x44: {  	s3 =	sand.u32 @!p1 s3, s20;
	s2 =	simm.s32 @p2 $0x13F10  }
0x45: {  	s2 =	ssub.s32 @!p1 s2, s3  }
0x46: {  	s2 =	sadd.s32 @!p1 $0xFFFEC0F0, s2  }
0x47: {  	s4 =	sand.u32 @!p1 $0x1, s0;
	s3 =	sshll.u32 @!p1 s2, $0x2  }
0x48: {  	p2 =	sgt.s32 @!p1 s2, $0xEF;
	s2 =	ssub.s32 @!p1 $0x3C0, s3;
	s3 =	smulhi.u32 @!p1 $0xAAAAAAAB, s0  }
0x49: {  	s23 =	smul.u32 @!p1 $0x3C0, s4;
	p2 =	por !p2, p1;
	s2 =	sshrl.u32 @!p1 s2, $0x2  }
0x4a: {  	s5 =	simm.s32 @!p1 $0xA;
	s2 =	simm.s32 @!p2 $0x0;
	s3 =	sshrl.u32 @!p1 s3, $0x1  }
0x4b: {  	s23 =	sshrl.u32 @!p1 s23, $0x2;
	_ =	swait.ge @!p1 [sflag:s5], s2;
	s3 =	smul.u32 @!p1 $0x3, s3  }
0x4c: {  	s23 =	sadd.s32 @!p1 $0x10518, s23;
	s24 =	ssub.s32 @!p1 $0x0, s2;
	[sflag:s5] =	ssyncset.done @!p1 $0x0  }
0x4d: {  	[sflag:s5] =	ssyncadd.s32 @!p1 s24;
	s5 =	sshrl.u32 @!p1 s20, $0x3;
	s0 =	ssub.s32 @!p1 s0, s3  }
0x4e: {  	s24 =	sand.u32 @!p1 $0x7, s20;
	s5 =	sadd.s32 @!p1 s5, s15;
	s0 =	smul.u32 @!p1 $0x3C0, s0  }
0x4f: {  	[tilespmem:s23], [sflag:$0xB] =	stream.linear.gather @!p1 [hbm4b:s5+s24], s2, $0x38;
	[tilespmem:$0x1F6F8] =	vst v63  }
0x50: {  	s3 =	ssub.s32 @!p1 $0x14000, s20;
	s2 =	smul.u32 @!p1 $0x1E000, s4  }
0x51: {  	p2 =	slt.s32 @!p1 s3, $0xF0  }
0x52: {  	p2 =	por !p2, p1;
	s0 =	sshrl.u32 @!p1 s0, $0x2;
	s2 =	sshrl.u32 @!p1 s2, $0x2  }
0x53: {  	s3 =	simm.s32 @p2 $0xF0;
	s0 =	sadd.s32 @!p1 $0x10248, s0;
	s2 =	sor.u32 @!p1 $0x106F8, s2  }
0x54: {  	[tilespmem:s2], [sflag:$0x9] =	stream.indirect.gather @!p1 [hbm4b:s6+s3], $0x80, s0, s3, $0xb8;
	[tilespmem:$0x1F6F8] =	vst v63  }
0x55: {  	p1 =	slt.u32 s21, $0x2  }
.Ltmp3:
0x56: {  	_ = 	snop;
	(pc) =	sbr.rel @p1 .LBB2_21-.Ltmp3, $1  }
0x57: {  	_ =	sdelay $0x3  }
0x58: {  	p1 =	sgt.s32 s22, $0x13F10  }
0x59: {  	s0 =	smov.u32 s22;
	s2 =	sshra.s32 s22, $0x1F;
	s3 =	ssub.s32 $0x14000, s22  }
0x5a: {  	s0 =	simm.s32 @!p1 $0x13F10;
	s2 =	sand.u32 s2, s22;
	p1 =	slt.s32 s3, $0xF0  }
0x5b: {  	s0 =	ssub.s32 s0, s2;
	s3 =	simm.s32 @!p1 $0xF0  }
0x5c: {  	s0 =	sadd.s32 $0xFFFEC0F0, s0;
	s25 =	sshll.u32 s3, $0x7  }
0x5d: {  	s26 =	sshll.u32 s0, $0x2;
	s2 =	sand.u32 $0x3FFFFF80, s25  }
0x5e: {  	p1 =	sgt.s32 s0, $0xEF;
	s29 =	ssub.s32 $0x3C0, s26;
	_ =	swait.ge [sflag:s10], s2  }
0x5f: {  	s2 =	ssub.s32 $0x0, s2;
	[sflag:s10] =	ssyncset.done $0x0;
	s0 =	sshrl.u32 s29, $0x2  }
0x60: {  	[sflag:s10] =	ssyncadd.s32 s2;
	s0 =	simm.s32 @p1 $0x0  }
0x61: {  	_ =	swait.ge [sflag:s11], s0  }
0x62: {  	s0 =	ssub.s32 $0x0, s0;
	[sflag:s11] =	ssyncset.done $0x0  }
0x63: {  	[sflag:s11] =	ssyncadd.s32 s0  }
0x64: {  	v1 =	vld [tilespmem:$0xF208];
	_ =	sdelay $0x4  }
0x65: {  	(v2sf) =	vpush v1, $0x0  }
0x66: {  	(v2sf) =	vpush v1, $0x1  }
0x67: {  	(v2sf) =	vpush v1, $0x2;
	_ =	sdelay $0x3  }
0x68: {  	s0 =	sadd.s32 $0xF0, s22  }
0x69: {  	s2 =	ssub.s32 $0x28000, s22;
	p1 =	slt.s32 s8, s0  }
0x6a: {  	s0 =	smov.u32 @p1 s8;
	p1 =	sgt.s32 s2, $0x0  }
0x6b: {  	s26 =	ssub.s32 s0, s22;
	s2 =	simm.s32 @!p1 $0x0  }
0x6c: {  	p1 =	slt.s32 s2, s26  }
0x6d: {  	s26 =	smov.u32 @p1 s2  }
0x6e: {  	s25 =	simm.s32 $0x1;
	p1 =	slt.s32 s26, $0x1  }
.Ltmp4:
0x6f: {  	s25 =	simm.s32 @!p0 $0x0;
	(pc) =	sbr.rel @p1 .LBB2_8-.Ltmp4, $4  }
0x70: {  	s31 =	smul.u32 $0x3C0, s25  }
0x71: {  	s28 =	spop (v2sf)  }
0x72: {  	s0 =	sshrl.u32 s31, $0x2;
	s30 =	spop (v2sf)  }
0x73: {  	s23 =	sadd.s32 $0x10518, s0;
	s22 =	spop (v2sf)  }
0x74: {  	s0 =	smin.u32 s26, $0x10  }
0x75: {  	v1 =	vmov s0  }
0x76: {  	p2 =	sgt.s32 s26, $0x10;
	vm1 =	vgt.u32 v1, v0  }
.Ltmp5:
0x77: {  	_ = 	snop;
	(pc) =	sbr.rel @!p2 .LBB2_7-.Ltmp5, $2  }
0x78: {  	_ =	sdelay $0x2  }
0x79: {  	s4 =	simm.s32 $0x10;
	s24 =	sadd.s32 $0xFFFFFFF0, s26;
	s0 =	smov.u32 s23;
	vm0 =	vmmov vm1  }
.LBB2_6:
0x7a: {  	s2 =	smin.u32 s24, $0x10;
	s4 =	sadd.s32 $0x10, s4;
	v1 =	vld.msk [tilespmem:s0+$0x0 ss:$0x1], vm1  }
0x7b: {  	v2 =	vmov s2;
	p2 =	slt.s32 s4, s26  }
0x7c: {  	vm1 =	vgt.u32 v2, v0  }
.Ltmp6:
0x7d: {  	(pc) =	sbr.rel @p2 .LBB2_6-.Ltmp6, $3  }
0x7e: {  	_ =	sdelay $0x1  }
0x7f: {  	v1 =	vshll.u32 v1, $0x4  }
0x80: {  	s24 =	sadd.s32 $0xFFFFFFF0, s24;
	[tilespmem:s0+$0x0] =	vst.msk vm0, v1;
	s0 =	sadd.s32 $0x10, s0;
	vm0 =	vmmov vm1  }
.LBB2_7:
0x81: {  	_ =	sdelay $0x4  }
0x82: {  	v1 =	vld.msk [tilespmem:s0+$0x0 ss:$0x1], vm1;
	_ =	sdelay $0x4  }
0x83: {  	v1 =	vshll.u32 v1, $0x4  }
0x84: {  	[tilespmem:s0+$0x0] =	vst.msk vm0, v1  }
.LBB2_8:
0x85: {  	s0 =	sand.u32 $0x1, s21  }
0x86: {  	s0 =	smul.u32 $0xF0, s0  }
0x87: {  	p2 =	sne.s32 s30, $0xFFFFFFFF  }
0x88: {  	v1 =	vld.msk @!p2 [tilespmem:s0+$0x10518], $0x1;
	_ =	sdelay $0x4  }
0x89: {  	(v2sf) =	vpush @!p2 v1, $0x0;
	_ =	sdelay $0xc  }
.Ltmp7:
0x8a: {  	_ = 	snop;
	(pc) =	sbr.rel @p1 .LBB2_19-.Ltmp7, $4  }
0x8b: {  	_ = 	snop  }
0x8c: {  	s29 =	spop @!p2 (v2sf)  }
0x8d: {  	s22 =	simm.s32 @!p2 $0x0;
	s24 =	smov.u32 s29  }
0x8e: {  	[sflag:s18] =	ssyncpa.u1 $0x0;
	s29 =	smov.u32 @p2 s28;
	s24 =	smov.u32 @p2 s30  }
0x8f: {  	v1 =	vld.msk [tilespmem:s23+$0x0], $0x1;
	_ =	sdelay $0x4  }
0x90: {  	(v2sf) =	vpush v1, $0x0;
	_ =	sdelay $0xe  }
0x91: {  	s2 =	smul.u32 $0x1E000, s25;
	s0 =	spop (v2sf)  }
0x92: {  	s26 =	ssub.s32 $0x0, s26;
	p1 =	seq.s32 s29, s0  }
0x93: {  	s30 =	sadd.s32 $0x1, s26;
	s2 =	sshrl.u32 s2, $0x2;
	p2 =	sgt.s32 @!p1 s29, $0x0  }
0x94: {  	s25 =	sor.u32 $0x10738, s2;
	s2 =	smov.u32 s29;
	p2 =	por !p2, p1  }
0x95: {  	s2 =	simm.s32 @p2 $0x0;
	p2 =	seq.s32 s30, $0x0  }
.Ltmp8:
0x96: {  	_ = 	snop;
	(pc) =	sbr.rel @p2 .LBB2_11-.Ltmp8, $4  }
0x97: {  	_ = 	snop  }
0x98: {  	s28 =	simm.s32 $0x0;
	s31 =	sadd.s32 $0x1, s23;
	s2 =	smin.u32 @!p1 s2, $0x27FF0  }
0x99: {  	s4 =	simm.s32 @!p1 $0x1;
	s5 =	simm.s32 @!p1 $0x7988;
	s3 =	sand.u32 @!p1 $0x3FFF8, s2  }
0x9a: {  	s4 =	smov.u32 @p1 s28;
	s2 =	sand.u32 @!p1 $0x7, s2;
	s3 =	sadd.s32 @!p1 s1, s3  }
.LBB2_10:
0x9b: {  	s9 =	smov.u32 s4  }
0x9c: {  	[tilespmem:s5], [sflag:$0x2] =	stream.linear.gather @!p1 [hbm4b:s3+s2], $0x80, $0x38;
	[tilespmem:$0x1F6F8] =	vst v63  }
0x9d: {  	s30 =	sadd.s32 $0x1, s30;
	s2 =	smov.u32 s0;
	v1 =	vld.msk [tilespmem:s31+$0x0], $0x1  }
0x9e: {  	p2 =	seq.s32 s30, $0x0;
	_ =	sdelay $0x3  }
0x9f: {  	(v2sf) =	vpush v1, $0x0;
	_ =	sdelay $0xe  }
0xa0: {  	s0 =	spop (v2sf)  }
0xa1: {  	p1 =	seq.s32 s2, s0  }
0xa2: {  	p3 =	sgt.s32 @!p1 s2, $0x0;
	s3 =	sshll.u32 @!p1 s4, $0x9;
	s4 =	sadd.s32 @!p1 $0x1, s4  }
.Ltmp9:
0xa3: {  	p3 =	por !p3, p1;
	s3 =	sshra.s32 @!p1 s3, $0x2;
	(pc) =	sbr.rel @!p2 .LBB2_10-.Ltmp9, $4  }
0xa4: {  	s4 =	smov.u32 @p1 s9;
	s2 =	simm.s32 @p3 $0x0;
	s5 =	sadd.s32 @!p1 $0x7988, s3  }
0xa5: {  	s2 =	smin.u32 @!p1 s2, $0x27FF0  }
0xa6: {  	s3 =	sand.u32 @!p1 $0x3FFF8, s2;
	s2 =	sand.u32 @!p1 $0x7, s2  }
0xa7: {  	s31 =	sadd.s32 $0x1, s31;
	s3 =	sadd.s32 @!p1 s1, s3  }
.LBB2_11:
0xa8: {  	[tilespmem:s5], [sflag:$0x2] =	stream.linear.gather @!p1 [hbm4b:s3+s2], $0x80, $0x38;
	[tilespmem:$0x1F6F8] =	vst v63  }
.Ltmp10:
0xa9: {  	s0 =	sshll.u32 s4, $0x7;
	(pc) =	sbr.rel .LBB2_12-.Ltmp10, $4  }
0xaa: {  	s30 =	simm.s32 $0x2;
	s0 =	sand.u32 $0x3FFFFF80, s0  }
0xab: {  	_ =	swait.ge [sflag:s30], s0  }
0xac: {  	s0 =	ssub.s32 $0x0, s0;
	[sflag:s30] =	ssyncset.done $0x0  }
0xad: {  	s31 =	simm.s32 $0x0;
	[sflag:s30] =	ssyncadd.s32 s0  }
.LBB2_13:
0xae: {  	v1 =	vld [tilespmem:s25+$0xFFFFFFC0];
	_ =	sdelay $0x3  }
0xaf: {  	s0 =	sshra.s32 s0, $0x2  }
0xb0: {  	[tilespmem:s0+$0x108] =	vst.add.f32.msk $0xffff, v1  }
0xb1: {  	v1 =	vld [tilespmem:s25+$0xFFFFFFD0];
	_ =	sdelay $0x4  }
0xb2: {  	[tilespmem:s0+$0x118] =	vst.add.f32.msk $0xffff, v1  }
0xb3: {  	v1 =	vld [tilespmem:s25+$0xFFFFFFE0];
	_ =	sdelay $0x4  }
0xb4: {  	[tilespmem:s0+$0x128] =	vst.add.f32.msk $0xffff, v1  }
0xb5: {  	v1 =	vld [tilespmem:s25+$0xFFFFFFF0];
	_ =	sdelay $0x4  }
0xb6: {  	[tilespmem:s0+$0x138] =	vst.add.f32.msk $0xffff, v1  }
0xb7: {  	v1 =	vld [tilespmem:s25+$0x0];
	_ =	sdelay $0x4  }
0xb8: {  	[tilespmem:s0+$0x148] =	vst.add.f32.msk $0xffff, v1  }
0xb9: {  	v1 =	vld [tilespmem:s25+$0x10];
	_ =	sdelay $0x4  }
0xba: {  	[tilespmem:s0+$0x158] =	vst.add.f32.msk $0xffff, v1  }
0xbb: {  	v1 =	vld [tilespmem:s25+$0x20];
	_ =	sdelay $0x4  }
0xbc: {  	[tilespmem:s0+$0x168] =	vst.add.f32.msk $0xffff, v1  }
0xbd: {  	v1 =	vld [tilespmem:s25+$0x30];
	_ =	sdelay $0x4  }
0xbe: {  	[tilespmem:s0+$0x178] =	vst.add.f32.msk $0xffff, v1  }
.LBB2_17:
0xbf: {  	s26 =	sadd.s32 $0x1, s26  }
0xc0: {  	p1 =	seq.s32 s26, $0x0  }
.Ltmp11:
0xc1: {  	_ = 	snop;
	(pc) =	sbr.rel @p1 .LBB2_18-.Ltmp11, $2  }
0xc2: {  	_ =	sdelay $0x2  }
0xc3: {  	s23 =	sadd.s32 $0x1, s23;
	s25 =	sadd.s32 $0x80, s25;
	s29 =	smov.u32 s30  }
.LBB2_12:
0xc4: {  	v1 =	vld.msk [tilespmem:s23+$0x0], $0x1;
	_ =	sdelay $0x4  }
0xc5: {  	(v2sf) =	vpush v1, $0x0;
	_ =	sdelay $0xe  }
0xc6: {  	s30 =	spop (v2sf)  }
0xc7: {  	p1 =	sne.s32 s29, s30  }
.Ltmp12:
0xc8: {  	_ = 	snop;
	(pc) =	sbr.rel @!p1 .LBB2_13-.Ltmp12, $2  }
0xc9: {  	_ =	sdelay $0x2  }
0xca: {  	s0 =	sshll.u32 s22, $0x9  }
0xcb: {  	p1 =	seq.s32 s29, s24  }
.Ltmp13:
0xcc: {  	_ = 	snop;
	(pc) =	sbr.rel @!p1 .LBB2_15-.Ltmp13, $1  }
0xcd: {  	_ =	sdelay $0x3  }
0xce: {  	s0 =	sshra.s32 s0, $0x2  }
.Ltmp14:
0xcf: {  	s0 =	sadd.s32 $0x108, s0;
	(pc) =	sbr.rel .LBB2_16-.Ltmp14, $4  }
0xd0: {  	[spmem:s16] =	stream.linear.scatter [tilespmem:s0], [sflag:$0x1], $0x80, $0x38;
	[tilespmem:$0x1F6F8] =	vst v63  }
0xd1: {  	_ =	swait.ge [sflag:s12], $0x80  }
0xd2: {  	[sflag:s12] =	ssyncset.done $0x0  }
0xd3: {  	[sflag:s12] =	ssyncadd.s32 $0xFFFFFF80  }
.LBB2_15:
0xd4: {  	s2 =	sshll.u32 s28, $0x9  }
0xd5: {  	s2 =	sshra.s32 s2, $0x2  }
0xd6: {  	v1 =	vld [tilespmem:s2+$0x7988];
	_ =	sdelay $0x3  }
0xd7: {  	s0 =	sshra.s32 s0, $0x2  }
0xd8: {  	[tilespmem:s0+$0x108] =	vst.add.f32.msk $0xffff, v1  }
0xd9: {  	v1 =	vld [tilespmem:s2+$0x7998];
	_ =	sdelay $0x4  }
0xda: {  	[tilespmem:s0+$0x118] =	vst.add.f32.msk $0xffff, v1  }
0xdb: {  	v1 =	vld [tilespmem:s2+$0x79A8];
	_ =	sdelay $0x4  }
0xdc: {  	[tilespmem:s0+$0x128] =	vst.add.f32.msk $0xffff, v1  }
0xdd: {  	v1 =	vld [tilespmem:s2+$0x79B8];
	_ =	sdelay $0x4  }
0xde: {  	[tilespmem:s0+$0x138] =	vst.add.f32.msk $0xffff, v1  }
0xdf: {  	v1 =	vld [tilespmem:s2+$0x79C8];
	_ =	sdelay $0x4  }
0xe0: {  	[tilespmem:s0+$0x148] =	vst.add.f32.msk $0xffff, v1  }
0xe1: {  	v1 =	vld [tilespmem:s2+$0x79D8];
	_ =	sdelay $0x4  }
0xe2: {  	[tilespmem:s0+$0x158] =	vst.add.f32.msk $0xffff, v1  }
0xe3: {  	v1 =	vld [tilespmem:s2+$0x79E8];
	_ =	sdelay $0x4  }
0xe4: {  	[tilespmem:s0+$0x168] =	vst.add.f32.msk $0xffff, v1  }
0xe5: {  	v1 =	vld [tilespmem:s2+$0x79F8];
	_ =	sdelay $0x2  }
0xe6: {  	p1 =	sgt.u32 s29, $0x27FF0  }
0xe7: {  	s2 =	sand.u32 @!p1 $0x3FFF8, s29  }
0xe8: {  	s3 =	sadd.s32 $0x108, s0;
	[tilespmem:s0+$0x178] =	vst.add.f32.msk $0xffff, v1;
	s0 =	sadd.s32 @!p1 s1, s2;
	s2 =	sand.u32 @!p1 $0x7, s29  }
0xe9: {  	[hbm4b:s0+s2] =	stream.linear.scatter @!p1 [tilespmem:s3], [sflag:$0xC], $0x80, $0x38;
	[tilespmem:$0x1F6F8] =	vst v63  }
0xea: {  	s0 =	simm.s32 $0x0  }
0xeb: {  	s0 =	simm.s32 @!p1 $0x200  }
0xec: {  	s31 =	sadd.s32 s0, s31  }
.LBB2_16:
0xed: {  	s0 =	sadd.s32 $0x1, s22  }
0xee: {  	s2 =	smulhi.u32 $0x88888889, s0;
	_ =	sdelay $0x1  }
0xef: {  	v1 =	vld [tilespmem:s25+$0xFFFFFFC0];
	s2 =	sshrl.u32 s2, $0x7  }
0xf0: {  	s2 =	smul.u32 $0xF0, s2;
	_ =	sdelay $0x1  }
0xf1: {  	s22 =	ssub.s32 s0, s2  }
0xf2: {  	s0 =	sshll.u32 s22, $0x7  }
0xf3: {  	[tilespmem:s0+$0x108] =	vst v1  }
0xf4: {  	v1 =	vld [tilespmem:s25+$0xFFFFFFD0];
	_ =	sdelay $0x4  }
0xf5: {  	[tilespmem:s0+$0x118] =	vst v1  }
0xf6: {  	v1 =	vld [tilespmem:s25+$0xFFFFFFE0];
	_ =	sdelay $0x4  }
0xf7: {  	[tilespmem:s0+$0x128] =	vst v1  }
0xf8: {  	v1 =	vld [tilespmem:s25+$0xFFFFFFF0];
	_ =	sdelay $0x4  }
0xf9: {  	[tilespmem:s0+$0x138] =	vst v1  }
0xfa: {  	v1 =	vld [tilespmem:s25+$0x0];
	_ =	sdelay $0x4  }
0xfb: {  	[tilespmem:s0+$0x148] =	vst v1  }
0xfc: {  	v1 =	vld [tilespmem:s25+$0x10];
	_ =	sdelay $0x4  }
0xfd: {  	[tilespmem:s0+$0x158] =	vst v1  }
0xfe: {  	v1 =	vld [tilespmem:s25+$0x20];
	_ =	sdelay $0x4  }
0xff: {  	[tilespmem:s0+$0x168] =	vst v1  }
0x100: {  	v1 =	vld [tilespmem:s25+$0x30]  }
.Ltmp15:
0x101: {  	_ = 	snop;
	(pc) =	sbr.rel .LBB2_17-.Ltmp15, $2  }
0x102: {  	_ =	sdelay $0x2  }
0x103: {  	s28 =	sadd.s32 $0x1, s28;
	[tilespmem:s0+$0x178] =	vst v1  }
.LBB2_19:
.Ltmp16:
0x104: {  	(pc) =	sbr.rel .LBB2_20-.Ltmp16, $4  }
0x105: {  	_ = 	snop  }
0x106: {  	s0 =	simm.s32 $0x2  }
0x107: {  	_ =	swait.ge [sflag:s0], $0x0  }
0x108: {  	s30 =	smov.u32 s29;
	[sflag:s0] =	ssyncset.done $0x0;
	s0 =	simm.s32 $0x0  }
.LBB2_22:
0x109: {  	_ =	sfence.sel $0x180000  }
0x10a: {  	s0 =	simm.s32 $0x9;
	[bflag:$0x0] =	sbarrier.arrive $0xFFFF  }
0x10b: {  	s24 =	simm.s32 $0xA;
	[sflag:s0] =	ssyncpa.u1 $0x1  }
0x10c: {  	s25 =	simm.s32 $0xB;
	[sflag:s24] =	ssyncpa.u1 $0x1  }
0x10d: {  	s26 =	simm.s32 $0x2;
	[sflag:s25] =	ssyncpa.u1 $0x1  }
0x10e: {  	[sflag:s26] =	ssyncpa.u1 $0x1  }
0x10f: {  	v0 =	vld [tilespmem:$0xF208];
	_ =	sdelay $0x4  }
0x110: {  	(v2sf) =	vpush v0, $0x0  }
0x111: {  	(v2sf) =	vpush v0, $0x1;
	_ =	sdelay $0x1  }
0x112: {  	(v2sf) =	vpush v0, $0x2;
	_ =	sdelay $0xb  }
0x113: {  	s0 =	spop (v2sf)  }
0x114: {  	s2 =	spop (v2sf)  }
0x115: {  	s3 =	smov.u32 s0;
	p0 =	sne.s32 s0, s2  }
0x116: {  	s4 =	spop (v2sf);
	s3 =	simm.s32 @!p0 $0xFFFFFFFF  }
0x117: {  	v2 =	vimm.s32 $0x1;
	v3 =	vlaneseq.u32;
	p0 =	seq.s32 s4, $0xFFFFFFFF;
	v1 =	vmov s3  }
0x118: {  	s16 =	stileid.u32;
	v0 =	vperm.xlane v0, v2;
	p1 =	sne.s32 @!p0 s0, s2;
	v1 =	vperm.xlane v1, v3  }
0x119: {  	vm0 =	vcmask $0x3F04;
	s6 =	simm.s32 $0xF208;
	s0 =	simm.s32 @!p0 $0x1;
	p1 =	por !p1, p0  }
0x11a: {  	s3 =	sshll.u32 s16, $0x1;
	s2 =	sshll.u32 @!p0 s4, $0x9;
	s0 =	simm.s32 @p1 $0x0;
	v0 =	vsel vm0, v1, v0  }
0x11b: {  	s5 =	sor.u32 $0x1000, s3;
	s2 =	sshra.s32 @!p0 s2, $0x2;
	s0 =	sor.u32 @!p0 s0, s3;
	[tilespmem:$0xF208] =	vst v0  }
0x11c: {  	[spmem:s5] =	stream.linear.scatter [tilespmem:s6], [sflag:$0x1], $0x2, $0x38;
	[tilespmem:$0x1F6F8] =	vst v63  }
0x11d: {  	s2 =	sadd.s32 @!p0 $0x108, s2;
	s0 =	sshll.u32 @!p0 s0, $0x7  }
0x11e: {  	[spmem:s0] =	stream.linear.scatter @!p0 [tilespmem:s2], [sflag:$0x1], $0x80, $0x38;
	[tilespmem:$0x1F6F8] =	vst v63  }
0x11f: {  	s0 =	simm.s32 @!p0 $0x82  }
0x120: {  	s28 =	simm.s32 $0x1;
	s0 =	simm.s32 @p0 $0x2  }
0x121: {  	_ =	swait.ge [sflag:s28], s0  }
0x122: {  	s0 =	ssub.s32 $0x0, s0;
	[sflag:s28] =	ssyncset.done $0x0  }
0x123: {  	p0 =	sne.s32 s16, $0x0;
	[sflag:s28] =	ssyncadd.s32 s0  }
.Ltmp17:
0x124: {  	_ =	sfence.stream.spmem;
	(pc) =	sbr.rel @p0 .LBB2_39-.Ltmp17, $4  }
0x125: {  	s29 =	simm.s32 $0x3;
	[bflag:$0x0] =	sbarrier.arrive $0xFFFF  }
0x126: {  	s30 =	simm.s32 $0x4;
	[sflag:s29] =	ssyncpa.u1 $0x1  }
0x127: {  	s31 =	simm.s32 $0x3C;
	[sflag:s30] =	ssyncpa.u1 $0x1  }
0x128: {  	s15 =	rddreg [dreg:$0x4];
	[sflag:s31] =	ssyncpa.u1 $0x1  }
0x129: {  	_ =	sfence.stream.spmem;
	s0 =	simm.s32 $0x5  }
0x12a: {  	s2 =	simm.s32 $0x1000;
	s3 =	simm.s32 $0xF218;
	[sflag:s0] =	ssyncpa.u1 $0x0  }
0x12b: {  	[tilespmem:s3], [sflag:$0x5] =	stream.linear.gather [spmem:s2], $0x20, $0x38;
	[tilespmem:$0x1F6F8] =	vst v63  }
0x12c: {  	s26 =	simm.s32 $0x0;
	s28 =	simm.s32 $0xF238  }
0x12d: {  	[tilespmem:s28], [sflag:$0x5] =	stream.linear.gather [spmem:s26], $0x1000, $0x38;
	[tilespmem:$0x1F6F8] =	vst v63  }
0x12e: {  	_ =	swait.ge [sflag:s0], $0x1020  }
0x12f: {  	[sflag:s0] =	ssyncset.done $0x0  }
0x130: {  	s29 =	simm.s32 $0x0;
	[sflag:s0] =	ssyncadd.s32 $0xFFFFEFE0  }
0x131: {  	v0 =	vld.msk [tilespmem:s29+$0xF218], $0x1;
	_ =	sdelay $0x1  }
0x132: {  	s30 =	simm.s32 $0x1  }
0x133: {  	v1 =	vld.msk [tilespmem:s30+$0xF218], $0x1;
	_ =	sdelay $0x1  }
0x134: {  	(v2sf) =	vpush v0, $0x0;
	_ =	sdelay $0x2  }
0x135: {  	(v2sf) =	vpush v1, $0x0;
	_ =	sdelay $0x2  }
0x136: {  	s31 =	simm.s32 $0x2  }
0x137: {  	v0 =	vld.msk [tilespmem:s31+$0xF218], $0x1;
	_ =	sdelay $0x2  }
0x138: {  	s4 =	simm.s32 $0xFFFFFFFF;
	s5 =	simm.s32 $0xFFFFFFFF;
	s0 =	simm.s32 $0xC  }
.LBB2_24:
0x139: {  	s2 =	smov.u32 s5;
	s3 =	smov.u32 s4  }
0x13a: {  	s4 =	sshra.s32 s0, $0x2;
	p1 =	sne.s32 s0, $0x7C;
	s0 =	sadd.s32 $0x4, s0;
	(v2sf) =	vpush v0, $0x0  }
0x13b: {  	v0 =	vld.msk [tilespmem:s4+$0xF218], $0x1  }
.Ltmp18:
0x13c: {  	(pc) =	sbr.rel @p1 .LBB2_24-.Ltmp18, $4  }
0x13d: {  	s5 =	spop (v2sf)  }
0x13e: {  	p2 =	sne.s32 s3, $0xFFFFFFFF;
	s4 =	smov.u32 s5  }
0x13f: {  	p3 =	seq.s32 s5, $0xFFFFFFFF;
	s4 =	smov.u32 @p2 s3  }
0x140: {  	s5 =	smov.u32 @p3 s2;
	s4 =	smov.u32 @p3 s3  }
0x141: {  	(v2sf) =	vpush v0, $0x0;
	_ =	sdelay $0x8  }
0x142: {  	s0 =	spop (v2sf)  }
0x143: {  	p1 =	sne.s32 s4, $0xFFFFFFFF;
	s2 =	smov.u32 s0  }
0x144: {  	s9 =	simm.s32 $0x6;
	p2 =	seq.s32 s0, $0xFFFFFFFF;
	s2 =	smov.u32 @p1 s4  }
0x145: {  	s6 =	simm.s32 $0x0;
	s2 =	smov.u32 @p2 s4;
	s3 =	spop (v2sf)  }
0x146: {  	s0 =	smov.u32 @p2 s5;
	p1 =	sne.s32 s2, $0xFFFFFFFF;
	s4 =	smov.u32 s3  }
.Ltmp19:
0x147: {  	p2 =	seq.s32 s3, $0xFFFFFFFF;
	s4 =	smov.u32 @p1 s2;
	(pc) =	sbr.rel .LBB2_26-.Ltmp19, $4  }
0x148: {  	s10 =	simm.s32 $0xF188;
	s4 =	smov.u32 @p2 s2;
	s7 =	spop (v2sf)  }
0x149: {  	s11 =	simm.s32 $0x0;
	p1 =	sne.s32 s4, $0xFFFFFFFF;
	s8 =	smov.u32 s7  }
0x14a: {  	s3 =	smov.u32 @p2 s0;
	p2 =	seq.s32 s7, $0xFFFFFFFF;
	s8 =	smov.u32 @p1 s4  }
0x14b: {  	[sflag:s9] =	ssyncpa.u1 $0x0;
	s7 =	smov.u32 @p2 s3;
	s8 =	smov.u32 @p2 s4  }
.LBB2_32:
0x14c: {  	p1 =	sgt.u32 s12, $0x27FF0  }
0x14d: {  	p2 =	seq.s32 @!p1 s12, s8  }
0x14e: {  	p1 =	por p1, p2  }
0x14f: {  	p2 =	sne.s32 @!p1 s12, s7  }
0x150: {  	p1 =	por p1, !p2  }
0x151: {  	s0 =	sshll.u32 @p1 s11, $0x9  }
0x152: {  	s0 =	sand.u32 @!p1 $0x3FFF8, s12  }
0x153: {  	s2 =	sand.u32 @!p1 $0x7, s12;
	s0 =	sadd.s32 @!p1 s1, s0  }
0x154: {  	[tilespmem:s10], [sflag:$0x6] =	stream.linear.gather @!p1 [hbm4b:s0+s2], $0x80, $0x38;
	[tilespmem:$0x1F6F8] =	vst v63  }
0x155: {  	_ =	swait.ge @!p1 [sflag:s9], $0x80  }
0x156: {  	[sflag:s9] =	ssyncset.done @!p1 $0x0  }
0x157: {  	[sflag:s9] =	ssyncadd.s32 @!p1 $0xFFFFFF80  }
0x158: {  	v1 =	vld @!p1 [tilespmem:$0xF188];
	_ =	sdelay $0x2  }
0x159: {  	s0 =	sshll.u32 @!p1 s11, $0x9  }
0x15a: {  	s2 =	sshrl.u32 @!p1 s0, $0x2  }
0x15b: {  	[tilespmem:s2+$0xF238] =	vst.add.f32.msk @!p1 $0xffff, v1  }
0x15c: {  	v1 =	vld @!p1 [tilespmem:$0xF198];
	_ =	sdelay $0x4  }
0x15d: {  	[tilespmem:s2+$0xF248] =	vst.add.f32.msk @!p1 $0xffff, v1  }
0x15e: {  	v1 =	vld @!p1 [tilespmem:$0xF1A8];
	_ =	sdelay $0x4  }
0x15f: {  	[tilespmem:s2+$0xF258] =	vst.add.f32.msk @!p1 $0xffff, v1  }
0x160: {  	v1 =	vld @!p1 [tilespmem:$0xF1B8];
	_ =	sdelay $0x4  }
0x161: {  	[tilespmem:s2+$0xF268] =	vst.add.f32.msk @!p1 $0xffff, v1  }
0x162: {  	v1 =	vld @!p1 [tilespmem:$0xF1C8];
	_ =	sdelay $0x4  }
0x163: {  	[tilespmem:s2+$0xF278] =	vst.add.f32.msk @!p1 $0xffff, v1  }
0x164: {  	v1 =	vld @!p1 [tilespmem:$0xF1D8];
	_ =	sdelay $0x4  }
0x165: {  	[tilespmem:s2+$0xF288] =	vst.add.f32.msk @!p1 $0xffff, v1  }
0x166: {  	v1 =	vld @!p1 [tilespmem:$0xF1E8];
	_ =	sdelay $0x4  }
0x167: {  	[tilespmem:s2+$0xF298] =	vst.add.f32.msk @!p1 $0xffff, v1  }
0x168: {  	v1 =	vld @!p1 [tilespmem:$0xF1F8];
	_ =	sdelay $0x4  }
0x169: {  	[tilespmem:s2+$0xF2A8] =	vst.add.f32.msk @!p1 $0xffff, v1  }
0x16a: {  	s0 =	sshrl.u32 s0, $0x2;
	[tilespmem:s6+$0xF218] =	vst.msk $0x1, v0  }
0x16b: {  	v0 =	vld [tilespmem:s0+$0xF238];
	_ =	sdelay $0x2  }
0x16c: {  	s31 =	sshll.u32 s6, $0x9  }
0x16d: {  	s2 =	sshra.s32 s31, $0x2  }
0x16e: {  	[tilespmem:s2+$0xF238] =	vst v0  }
0x16f: {  	v0 =	vld [tilespmem:s0+$0xF248];
	_ =	sdelay $0x4  }
0x170: {  	[tilespmem:s2+$0xF248] =	vst v0  }
0x171: {  	v0 =	vld [tilespmem:s0+$0xF258];
	_ =	sdelay $0x4  }
0x172: {  	[tilespmem:s2+$0xF258] =	vst v0  }
0x173: {  	v0 =	vld [tilespmem:s0+$0xF268];
	_ =	sdelay $0x4  }
0x174: {  	[tilespmem:s2+$0xF268] =	vst v0  }
0x175: {  	v0 =	vld [tilespmem:s0+$0xF278];
	_ =	sdelay $0x4  }
0x176: {  	[tilespmem:s2+$0xF278] =	vst v0  }
0x177: {  	v0 =	vld [tilespmem:s0+$0xF288];
	_ =	sdelay $0x4  }
0x178: {  	[tilespmem:s2+$0xF288] =	vst v0  }
0x179: {  	v0 =	vld [tilespmem:s0+$0xF298];
	_ =	sdelay $0x4  }
0x17a: {  	[tilespmem:s2+$0xF298] =	vst v0  }
0x17b: {  	v0 =	vld [tilespmem:s0+$0xF2A8];
	_ =	sdelay $0x4  }
0x17c: {  	s6 =	sadd.s32 $0x1, s6;
	[tilespmem:s2+$0xF2A8] =	vst v0  }
.LBB2_33:
0x17d: {  	s11 =	sadd.s32 $0x1, s11  }
0x17e: {  	p1 =	sne.s32 s11, $0x20  }
.Ltmp20:
0x17f: {  	_ = 	snop;
	(pc) =	sbr.rel @!p1 .LBB2_34-.Ltmp20, $1  }
0x180: {  	_ =	sdelay $0x3  }
.LBB2_26:
0x181: {  	v0 =	vld.msk [tilespmem:s11+$0xF218], $0x1;
	_ =	sdelay $0x4  }
0x182: {  	(v2sf) =	vpush v0, $0x0;
	_ =	sdelay $0xe  }
0x183: {  	s12 =	spop (v2sf)  }
0x184: {  	p1 =	seq.s32 s12, $0xFFFFFFFF  }
.Ltmp21:
0x185: {  	_ = 	snop;
	(pc) =	sbr.rel @p1 .LBB2_33-.Ltmp21, $1  }
0x186: {  	_ =	sdelay $0x3  }
0x187: {  	p1 =	slt.s32 s6, $0x1  }
.Ltmp22:
0x188: {  	_ = 	snop;
	(pc) =	sbr.rel @p1 .LBB2_32-.Ltmp22, $1  }
0x189: {  	_ =	sdelay $0x3  }
0x18a: {  	s13 =	simm.s32 $0xF218;
	p1 =	por $0x0, $0x0  }
0x18b: {  	v1 =	vld.msk @!p1 [tilespmem:s13+$0x0], $0x1;
	_ =	sdelay $0x4  }
0x18c: {  	(v2sf) =	vpush @!p1 v1, $0x0;
	_ =	sdelay $0xd  }
0x18d: {  	p3 =	sne.s32 s6, $0x1  }
.Ltmp23:
0x18e: {  	s0 =	spop @!p1 (v2sf);
	(pc) =	sbr.rel @!p3 .LBB2_30-.Ltmp23, $4  }
0x18f: {  	p2 =	seq.s32 @!p1 s12, s0  }
0x190: {  	s14 =	simm.s32 $0x0;
	p2 =	por !p2, p1  }
0x191: {  	s2 =	simm.s32 $0xFFFFFFFF;
	s14 =	simm.s32 @p2 $0xFFFFFFFF  }
0x192: {  	s0 =	simm.s32 $0x1;
	s14 =	smov.u32 @p1 s2  }
.LBB2_29:
0x193: {  	s2 =	smov.u32 s14;
	p1 =	sne.s32 s14, $0xFFFFFFFF  }
0x194: {  	s13 =	sadd.s32 $0x1, s13;
	s14 =	smov.u32 s0;
	s0 =	sadd.s32 $0x1, s0  }
0x195: {  	p2 =	sne.s32 s6, s0;
	v1 =	vld.msk @!p1 [tilespmem:s13+$0x0], $0x1;
	_ =	sdelay $0x4  }
0x196: {  	(v2sf) =	vpush @!p1 v1, $0x0;
	_ =	sdelay $0xe  }
.Ltmp24:
0x197: {  	s3 =	spop @!p1 (v2sf);
	(pc) =	sbr.rel @p2 .LBB2_29-.Ltmp24, $4  }
0x198: {  	p3 =	seq.s32 @!p1 s12, s3  }
0x199: {  	p3 =	por !p3, p1  }
0x19a: {  	s14 =	simm.s32 @p3 $0xFFFFFFFF  }
0x19b: {  	s14 =	smov.u32 @p1 s2  }
.LBB2_30:
0x19c: {  	p1 =	seq.s32 s14, $0xFFFFFFFF  }
.Ltmp25:
0x19d: {  	_ = 	snop;
	(pc) =	sbr.rel @p1 .LBB2_32-.Ltmp25, $1  }
0x19e: {  	_ =	sdelay $0x3  }
0x19f: {  	s0 =	sshll.u32 s11, $0x7  }
0x1a0: {  	s0 =	sand.u32 $0x3FFFFF80, s0  }
0x1a1: {  	v0 =	vld [tilespmem:s0+$0xF238];
	_ =	sdelay $0x2  }
0x1a2: {  	s2 =	sshll.u32 s14, $0x9  }
0x1a3: {  	s2 =	sshra.s32 s2, $0x2  }
0x1a4: {  	[tilespmem:s2+$0xF238] =	vst.add.f32.msk $0xffff, v0  }
0x1a5: {  	v0 =	vld [tilespmem:s0+$0xF248];
	_ =	sdelay $0x4  }
0x1a6: {  	[tilespmem:s2+$0xF248] =	vst.add.f32.msk $0xffff, v0  }
0x1a7: {  	v0 =	vld [tilespmem:s0+$0xF258];
	_ =	sdelay $0x4  }
0x1a8: {  	[tilespmem:s2+$0xF258] =	vst.add.f32.msk $0xffff, v0  }
0x1a9: {  	v0 =	vld [tilespmem:s0+$0xF268];
	_ =	sdelay $0x4  }
0x1aa: {  	[tilespmem:s2+$0xF268] =	vst.add.f32.msk $0xffff, v0  }
0x1ab: {  	v0 =	vld [tilespmem:s0+$0xF278];
	_ =	sdelay $0x4  }
0x1ac: {  	[tilespmem:s2+$0xF278] =	vst.add.f32.msk $0xffff, v0  }
0x1ad: {  	v0 =	vld [tilespmem:s0+$0xF288];
	_ =	sdelay $0x4  }
0x1ae: {  	[tilespmem:s2+$0xF288] =	vst.add.f32.msk $0xffff, v0  }
0x1af: {  	v0 =	vld [tilespmem:s0+$0xF298];
	_ =	sdelay $0x4  }
0x1b0: {  	[tilespmem:s2+$0xF298] =	vst.add.f32.msk $0xffff, v0  }
0x1b1: {  	v0 =	vld [tilespmem:s0+$0xF2A8]  }
.Ltmp26:
0x1b2: {  	_ = 	snop;
	(pc) =	sbr.rel .LBB2_33-.Ltmp26, $2  }
0x1b3: {  	_ =	sdelay $0x2  }
0x1b4: {  	[tilespmem:s2+$0xF2A8] =	vst.add.f32.msk $0xffff, v0  }
.LBB2_34:
0x1b5: {  	s0 =	simm.s32 $0x6;
	p1 =	seq.s32 s6, $0x0  }
0x1b6: {  	[sflag:s0] =	ssyncpa.u1 $0x1;
	v0 =	vimm.s32 @p1 $0xFFFFFFFF  }
0x1b7: {  	s9 =	sadd.s32 $0xFFFFFFFF, s6;
	[tilespmem:$0x10238] =	vst @p1 v0  }
0x1b8: {  	v0 =	vld.msk @!p1 [tilespmem:s9+$0xF218], $0x1;
	_ =	sdelay $0x1  }
0x1b9: {  	v1 =	vld.msk @!p1 [tilespmem:$0xF218], $0x1;
	_ =	sdelay $0x2  }
0x1ba: {  	p2 =	seq.s32 @!p1 s9, $0x0;
	v0 =	vbroadcast @!p1 v0, $0x0  }
0x1bb: {  	vm0 =	vmmov @!p1 $0x1;
	p2 =	por !p2, p1  }
0x1bc: {  	v1 =	vnsel @!p1 vm0, $0xFFFFFFFF, v1;
	vm0 =	vcmask @!p1 $0x308;
	v0 =	vpsel !p2, $0xFFFFFFFF, v0  }
0x1bd: {  	p2 =	sne.s32 @!p1 s8, s7;
	v0 =	vsel @!p1 vm0, v1, v0  }
0x1be: {  	s0 =	simm.s32 @!p1 $0xF238;
	s2 =	simm.s32 @!p1 $0x0;
	p3 =	por !p2, p1;
	[tilespmem:$0x10238] =	vst @!p1 v0  }
0x1bf: {  	[spmem:s2] =	stream.linear.scatter @!p1 [tilespmem:s0], [sflag:$0x1], $0x80, $0x38;
	[tilespmem:$0x1F6F8] =	vst v63  }
0x1c0: {  	s0 =	sshll.u32 @!p3 s9, $0x9  }
0x1c1: {  	s0 =	sshra.s32 @!p3 s0, $0x2  }
0x1c2: {  	s2 =	simm.s32 @!p3 $0x80;
	s0 =	sadd.s32 @!p3 $0xF238, s0  }
0x1c3: {  	[spmem:s2] =	stream.linear.scatter @!p3 [tilespmem:s0], [sflag:$0x1], $0x80, $0x38;
	[tilespmem:$0x1F6F8] =	vst v63  }
0x1c4: {  	s0 =	simm.s32 @!p3 $0x1  }
0x1c5: {  	_ =	swait.ge @!p3 [sflag:s0], $0x100  }
0x1c6: {  	p1 =	por p2, p1;
	[sflag:s0] =	ssyncset.done @!p3 $0x0  }
0x1c7: {  	[sflag:s0] =	ssyncadd.s32 @!p3 $0xFFFFFF00;
	s0 =	simm.s32 @!p1 $0x1  }
0x1c8: {  	_ =	swait.ge @!p1 [sflag:s0], $0x80  }
0x1c9: {  	s29 =	simm.s32 $0x10238;
	[sflag:s0] =	ssyncset.done @!p1 $0x0  }
0x1ca: {  	s30 =	simm.s32 $0x1000;
	s31 =	simm.s32 $0x1;
	[sflag:s0] =	ssyncadd.s32 @!p1 $0xFFFFFF80  }
0x1cb: {  	[spmem:s30] =	stream.linear.scatter [tilespmem:s29], [sflag:$0x1], $0x10, $0x38;
	[tilespmem:$0x1F6F8] =	vst v63  }
0x1cc: {  	_ =	swait.ge [sflag:s31], $0x10  }
0x1cd: {  	[sflag:s31] =	ssyncset.done $0x0  }
0x1ce: {  	p1 =	seq.s32 s15, $0x0;
	s8 =	rddreg [dreg:$0x1];
	[sflag:s31] =	ssyncadd.s32 $0xFFFFFFF0  }
0x1cf: {  	s2 =	sshll.u32 @p1 s8, $0xE;
	s7 =	rddreg [dreg:$0x2]  }
0x1d0: {  	s0 =	sadd.s32 @p1 $0x15C3C, s2;
	s2 =	sshll.u32 @p1 s7, $0x11  }
0x1d1: {  	_ =	sfence.stream.spmem;
	s0 =	sor.u32 @p1 s2, s0  }
0x1d2: {  	[sflag:s0] =	ssyncadd.remote.s32 @p1 $0x1;
	s0 =	simm.s32 @p1 $0x4  }
0x1d3: {  	s3 =	simm.s32 @!p1 $0x3C;
	s2 =	sand.u32 $0xFFFFFFFE, s8;
	_ =	swait.ge @p1 [sflag:s0], $0x22  }
0x1d4: {  	s4 =	simm.s32 @!p1 $0x0;
	s2 =	sadd.s32 @!p1 $0x4, s2;
	[sflag:s0] =	ssyncset.done @p1 $0x0  }
0x1d5: {  	s5 =	simm.s32 @!p1 $0x100;
	[sflag:s0] =	ssyncadd.s32 @p1 $0xFFFFFFDE;
	s0 =	sshll.u32 @!p1 s2, $0x1A  }
0x1d6: {  	s2 =	sshll.u32 @!p1 s2, $0xD;
	s0 =	sor.u32 @!p1 s0, s7;
	_ =	swait.eq @!p1 [sflag:s3], $0x1  }
0x1d7: {  	s2 =	sor.u32 @!p1 $0x1C04, s2;
	s3 =	simm.s32 @!p1 $0x1C03;
	s0 =	sor.u32 @!p1 $0x80004000, s0  }
0x1d8: {  	[spmem:s5], [sflag:s2] =	dma.general @!p1 [spmem:s4], [sflag:s3], length:$0x20, [dreg:$0x0], stride_count:$0x0, ici_dest:s0, dma_misc:DstOpCode:WRITE  }
0x1d9: {  	p2 =	slt.s32 s9, $0x2;
	s4 =	simm.s32 @!p1 $0x200;
	s5 =	simm.s32 @!p1 $0x202  }
0x1da: {  	[spmem:s5], [sflag:s2] =	dma.general @!p1 [spmem:s4], [sflag:s3], length:$0x2, [dreg:$0x0], stride_count:$0x0, ici_dest:s0, dma_misc:DstOpCode:WRITE  }
.Ltmp27:
0x1db: {  	s0 =	simm.s32 @!p1 $0x3;
	(pc) =	sbr.rel @p2 .LBB2_38-.Ltmp27, $4  }
0x1dc: {  	s2 =	sshll.u32 @!p1 s8, $0xE;
	_ =	swait.ge @!p1 [sflag:s0], $0x22  }
0x1dd: {  	s3 =	sshll.u32 @!p1 s7, $0x11;
	s2 =	sadd.s32 @!p1 $0x11C3C, s2;
	[sflag:s0] =	ssyncset.done @!p1 $0x0  }
0x1de: {  	[sflag:s0] =	ssyncadd.s32 @!p1 $0xFFFFFFDE;
	s0 =	sor.u32 @!p1 s3, s2  }
0x1df: {  	[sflag:s0] =	ssyncadd.remote.s32 @!p1 $0xFFFFFFFF;
	s0 =	simm.s32 $0x0  }
0x1e0: {  	s0 =	simm.s32 $0xF219  }
0x1e1: {  	v0 =	vld.msk [tilespmem:s0+$0x0], $0x1;
	_ =	sdelay $0x4  }
0x1e2: {  	(v2sf) =	vpush v0, $0x0;
	_ =	sdelay $0xb  }
0x1e3: {  	s31 =	sadd.s32 $0xFFFFFFFE, s6  }
0x1e4: {  	s0 =	sadd.s32 $0xFFFFFFFF, s31  }
0x1e5: {  	p2 =	sne.s32 s0, $0x0  }
.Ltmp28:
0x1e6: {  	s2 =	spop (v2sf);
	(pc) =	sbr.rel @!p2 .LBB2_37-.Ltmp28, $4  }
0x1e7: {  	s4 =	simm.s32 $0xF2B8;
	s7 =	simm.s32 $0x0;
	p1 =	sgt.u32 s2, $0x27FF0  }
0x1e8: {  	s5 =	simm.s32 $0x0;
	s6 =	simm.s32 $0xF21A;
	s3 =	sand.u32 @!p1 $0x3FFF8, s2  }
0x1e9: {  	s2 =	sand.u32 @!p1 $0x7, s2;
	s7 =	simm.s32 @!p1 $0x200;
	s3 =	sadd.s32 @!p1 s1, s3  }
0x1ea: {  	[hbm4b:s3+s2] =	stream.linear.scatter @!p1 [tilespmem:s4], [sflag:$0x5], $0x80, $0x38;
	[tilespmem:$0x1F6F8] =	vst v63  }
.LBB2_36:
0x1eb: {  	v0 =	vld.msk [tilespmem:s6+$0x0], $0x1;
	s0 =	sadd.s32 $0xFFFFFFFF, s0;
	s5 =	sadd.s32 s5, s7  }
0x1ec: {  	p1 =	sne.s32 s0, $0x0;
	_ =	sdelay $0x3  }
0x1ed: {  	(v2sf) =	vpush v0, $0x0;
	_ =	sdelay $0xe  }
.Ltmp29:
0x1ee: {  	s2 =	spop (v2sf);
	(pc) =	sbr.rel @p1 .LBB2_36-.Ltmp29, $4  }
0x1ef: {  	s7 =	simm.s32 $0x0;
	p2 =	sgt.u32 s2, $0x27FF0  }
0x1f0: {  	s4 =	sadd.s32 $0x80, s4;
	s7 =	simm.s32 @!p2 $0x200;
	s3 =	sand.u32 @!p2 $0x3FFF8, s2  }
0x1f1: {  	s6 =	sadd.s32 $0x1, s6;
	s2 =	sand.u32 @!p2 $0x7, s2;
	s3 =	sadd.s32 @!p2 s1, s3  }
0x1f2: {  	[hbm4b:s3+s2] =	stream.linear.scatter @!p2 [tilespmem:s4], [sflag:$0x5], $0x80, $0x38;
	[tilespmem:$0x1F6F8] =	vst v63  }
.LBB2_37:
0x1f3: {  	s0 =	sadd.s32 s5, s7  }
0x1f4: {  	s0 =	sshrl.u32 s0, $0x2  }
.LBB2_38:
0x1f5: {  	s2 =	simm.s32 $0x5  }
0x1f6: {  	_ =	swait.ge [sflag:s2], s0  }
0x1f7: {  	s31 =	ssub.s32 $0x0, s0;
	[sflag:s2] =	ssyncset.done $0x0  }
0x1f8: {  	[sflag:s2] =	ssyncadd.s32 s31  }
0x1f9: {  	[sflag:s2] =	ssyncpa.u1 $0x1  }
.LBB2_39:
0x1fa: {  	s0 =	sor.u32 s15, s16  }
0x1fb: {  	p1 =	sne.s32 s0, $0x0  }
.Ltmp30:
0x1fc: {  	_ = 	snop;
	(pc) =	sbr.rel @p1 .LBB2_54-.Ltmp30, $3  }
0x1fd: {  	_ =	sdelay $0x1  }
0x1fe: {  	[bflag:$0x0] =	sbarrier.arrive $0xFFFF  }
0x1ff: {  	_ =	sfence  }
0x200: {  	s0 =	simm.s32 $0x7  }
0x201: {  	s2 =	simm.s32 $0x1000;
	s3 =	simm.s32 $0xF218;
	[sflag:s0] =	ssyncpa.u1 $0x0  }
0x202: {  	[tilespmem:s3], [sflag:$0x7] =	stream.linear.gather [spmem:s2], $0x20, $0x38;
	[tilespmem:$0x1F6F8] =	vst v63  }
0x203: {  	s30 =	simm.s32 $0xF238;
	s2 =	simm.s32 $0x0  }
0x204: {  	[tilespmem:s30], [sflag:$0x7] =	stream.linear.gather [spmem:s2], $0x1000, $0x38;
	[tilespmem:$0x1F6F8] =	vst v63  }
.Ltmp31:
0x205: {  	_ = 	snop;
	(pc) =	sbr.rel .LBB2_41-.Ltmp31, $4  }
0x206: {  	_ =	swait.ge [sflag:s0], $0x1020  }
0x207: {  	[sflag:s0] =	ssyncset.done $0x0  }
0x208: {  	s31 =	simm.s32 $0x8;
	[sflag:s0] =	ssyncadd.s32 $0xFFFFEFE0  }
0x209: {  	s3 =	simm.s32 $0x0;
	[sflag:s31] =	ssyncpa.u1 $0x0  }
.LBB2_47:
0x20a: {  	p1 =	slt.u32 s4, $0x27FF1  }
0x20b: {  	s0 =	sand.u32 @p1 $0x3FFF8, s4  }
0x20c: {  	s4 =	sand.u32 @p1 $0x7, s4;
	s5 =	simm.s32 @p1 $0xF188;
	s0 =	sadd.s32 @p1 s1, s0  }
0x20d: {  	[tilespmem:s5], [sflag:$0x8] =	stream.linear.gather @p1 [hbm4b:s0+s4], $0x80, $0x38;
	[tilespmem:$0x1F6F8] =	vst v63  }
0x20e: {  	s0 =	simm.s32 @p1 $0x8  }
0x20f: {  	_ =	swait.ge @p1 [sflag:s0], $0x80  }
0x210: {  	[sflag:s0] =	ssyncset.done @p1 $0x0  }
0x211: {  	[sflag:s0] =	ssyncadd.s32 @p1 $0xFFFFFF80  }
0x212: {  	v1 =	vld @p1 [tilespmem:$0xF188];
	_ =	sdelay $0x2  }
0x213: {  	s0 =	sshll.u32 @p1 s3, $0x9  }
0x214: {  	s4 =	sshrl.u32 @p1 s0, $0x2  }
0x215: {  	[tilespmem:s4+$0xF238] =	vst.add.f32.msk @p1 $0xffff, v1  }
0x216: {  	v1 =	vld @p1 [tilespmem:$0xF198];
	_ =	sdelay $0x4  }
0x217: {  	[tilespmem:s4+$0xF248] =	vst.add.f32.msk @p1 $0xffff, v1  }
0x218: {  	v1 =	vld @p1 [tilespmem:$0xF1A8];
	_ =	sdelay $0x4  }
0x219: {  	[tilespmem:s4+$0xF258] =	vst.add.f32.msk @p1 $0xffff, v1  }
0x21a: {  	v1 =	vld @p1 [tilespmem:$0xF1B8];
	_ =	sdelay $0x4  }
0x21b: {  	[tilespmem:s4+$0xF268] =	vst.add.f32.msk @p1 $0xffff, v1  }
0x21c: {  	v1 =	vld @p1 [tilespmem:$0xF1C8];
	_ =	sdelay $0x4  }
0x21d: {  	[tilespmem:s4+$0xF278] =	vst.add.f32.msk @p1 $0xffff, v1  }
0x21e: {  	v1 =	vld @p1 [tilespmem:$0xF1D8];
	_ =	sdelay $0x4  }
0x21f: {  	[tilespmem:s4+$0xF288] =	vst.add.f32.msk @p1 $0xffff, v1  }
0x220: {  	v1 =	vld @p1 [tilespmem:$0xF1E8];
	_ =	sdelay $0x4  }
0x221: {  	[tilespmem:s4+$0xF298] =	vst.add.f32.msk @p1 $0xffff, v1  }
0x222: {  	v1 =	vld @p1 [tilespmem:$0xF1F8];
	_ =	sdelay $0x3  }
0x223: {  	s5 =	sshll.u32 @!p1 s3, $0x9  }
0x224: {  	s5 =	smov.u32 @p1 s0;
	[tilespmem:s4+$0xF2A8] =	vst.add.f32.msk @p1 $0xffff, v1  }
0x225: {  	s0 =	sshrl.u32 s5, $0x2;
	[tilespmem:s2+$0xF218] =	vst.msk $0x1, v0  }
0x226: {  	v0 =	vld [tilespmem:s0+$0xF238];
	_ =	sdelay $0x2  }
0x227: {  	s31 =	sshll.u32 s2, $0x9  }
0x228: {  	s4 =	sshra.s32 s31, $0x2  }
0x229: {  	[tilespmem:s4+$0xF238] =	vst v0  }
0x22a: {  	v0 =	vld [tilespmem:s0+$0xF248];
	_ =	sdelay $0x4  }
0x22b: {  	[tilespmem:s4+$0xF248] =	vst v0  }
0x22c: {  	v0 =	vld [tilespmem:s0+$0xF258];
	_ =	sdelay $0x4  }
0x22d: {  	[tilespmem:s4+$0xF258] =	vst v0  }
0x22e: {  	v0 =	vld [tilespmem:s0+$0xF268];
	_ =	sdelay $0x4  }
0x22f: {  	[tilespmem:s4+$0xF268] =	vst v0  }
0x230: {  	v0 =	vld [tilespmem:s0+$0xF278];
	_ =	sdelay $0x4  }
0x231: {  	[tilespmem:s4+$0xF278] =	vst v0  }
0x232: {  	v0 =	vld [tilespmem:s0+$0xF288];
	_ =	sdelay $0x4  }
0x233: {  	[tilespmem:s4+$0xF288] =	vst v0  }
0x234: {  	v0 =	vld [tilespmem:s0+$0xF298];
	_ =	sdelay $0x4  }
0x235: {  	[tilespmem:s4+$0xF298] =	vst v0  }
0x236: {  	v0 =	vld [tilespmem:s0+$0xF2A8];
	_ =	sdelay $0x4  }
0x237: {  	s2 =	sadd.s32 $0x1, s2;
	[tilespmem:s4+$0xF2A8] =	vst v0  }
.LBB2_48:
0x238: {  	s3 =	sadd.s32 $0x1, s3  }
0x239: {  	p1 =	sne.s32 s3, $0x20  }
.Ltmp32:
0x23a: {  	_ = 	snop;
	(pc) =	sbr.rel @!p1 .LBB2_49-.Ltmp32, $1  }
0x23b: {  	_ =	sdelay $0x3  }
.LBB2_41:
0x23c: {  	v0 =	vld.msk [tilespmem:s3+$0xF218], $0x1;
	_ =	sdelay $0x4  }
0x23d: {  	(v2sf) =	vpush v0, $0x0;
	_ =	sdelay $0xe  }
0x23e: {  	s4 =	spop (v2sf)  }
0x23f: {  	p1 =	seq.s32 s4, $0xFFFFFFFF  }
.Ltmp33:
0x240: {  	_ = 	snop;
	(pc) =	sbr.rel @p1 .LBB2_48-.Ltmp33, $1  }
0x241: {  	_ =	sdelay $0x3  }
0x242: {  	p1 =	slt.s32 s2, $0x1  }
.Ltmp34:
0x243: {  	_ = 	snop;
	(pc) =	sbr.rel @p1 .LBB2_47-.Ltmp34, $1  }
0x244: {  	_ =	sdelay $0x3  }
0x245: {  	s5 =	simm.s32 $0xF218;
	p1 =	por $0x0, $0x0  }
0x246: {  	v1 =	vld.msk @!p1 [tilespmem:s5+$0x0], $0x1;
	_ =	sdelay $0x4  }
0x247: {  	(v2sf) =	vpush @!p1 v1, $0x0;
	_ =	sdelay $0xd  }
0x248: {  	p3 =	sne.s32 s2, $0x1  }
.Ltmp35:
0x249: {  	s0 =	spop @!p1 (v2sf);
	(pc) =	sbr.rel @!p3 .LBB2_45-.Ltmp35, $4  }
0x24a: {  	p2 =	seq.s32 @!p1 s4, s0  }
0x24b: {  	s6 =	simm.s32 $0x0;
	p2 =	por !p2, p1  }
0x24c: {  	s7 =	simm.s32 $0xFFFFFFFF;
	s6 =	simm.s32 @p2 $0xFFFFFFFF  }
0x24d: {  	s0 =	simm.s32 $0x1;
	s6 =	smov.u32 @p1 s7  }
.LBB2_44:
0x24e: {  	s7 =	smov.u32 s6;
	p1 =	sne.s32 s6, $0xFFFFFFFF  }
0x24f: {  	s5 =	sadd.s32 $0x1, s5;
	s6 =	smov.u32 s0;
	s0 =	sadd.s32 $0x1, s0  }
0x250: {  	p2 =	sne.s32 s2, s0;
	v1 =	vld.msk @!p1 [tilespmem:s5+$0x0], $0x1;
	_ =	sdelay $0x4  }
0x251: {  	(v2sf) =	vpush @!p1 v1, $0x0;
	_ =	sdelay $0xe  }
.Ltmp36:
0x252: {  	s8 =	spop @!p1 (v2sf);
	(pc) =	sbr.rel @p2 .LBB2_44-.Ltmp36, $4  }
0x253: {  	p3 =	seq.s32 @!p1 s4, s8  }
0x254: {  	p3 =	por !p3, p1  }
0x255: {  	s6 =	simm.s32 @p3 $0xFFFFFFFF  }
0x256: {  	s6 =	smov.u32 @p1 s7  }
.LBB2_45:
0x257: {  	p1 =	seq.s32 s6, $0xFFFFFFFF  }
.Ltmp37:
0x258: {  	_ = 	snop;
	(pc) =	sbr.rel @p1 .LBB2_47-.Ltmp37, $1  }
0x259: {  	_ =	sdelay $0x3  }
0x25a: {  	s0 =	sshll.u32 s3, $0x7  }
0x25b: {  	s0 =	sand.u32 $0x3FFFFF80, s0  }
0x25c: {  	v0 =	vld [tilespmem:s0+$0xF238];
	_ =	sdelay $0x2  }
0x25d: {  	s4 =	sshll.u32 s6, $0x9  }
0x25e: {  	s4 =	sshra.s32 s4, $0x2  }
0x25f: {  	[tilespmem:s4+$0xF238] =	vst.add.f32.msk $0xffff, v0  }
0x260: {  	v0 =	vld [tilespmem:s0+$0xF248];
	_ =	sdelay $0x4  }
0x261: {  	[tilespmem:s4+$0xF248] =	vst.add.f32.msk $0xffff, v0  }
0x262: {  	v0 =	vld [tilespmem:s0+$0xF258];
	_ =	sdelay $0x4  }
0x263: {  	[tilespmem:s4+$0xF258] =	vst.add.f32.msk $0xffff, v0  }
0x264: {  	v0 =	vld [tilespmem:s0+$0xF268];
	_ =	sdelay $0x4  }
0x265: {  	[tilespmem:s4+$0xF268] =	vst.add.f32.msk $0xffff, v0  }
0x266: {  	v0 =	vld [tilespmem:s0+$0xF278];
	_ =	sdelay $0x4  }
0x267: {  	[tilespmem:s4+$0xF278] =	vst.add.f32.msk $0xffff, v0  }
0x268: {  	v0 =	vld [tilespmem:s0+$0xF288];
	_ =	sdelay $0x4  }
0x269: {  	[tilespmem:s4+$0xF288] =	vst.add.f32.msk $0xffff, v0  }
0x26a: {  	v0 =	vld [tilespmem:s0+$0xF298];
	_ =	sdelay $0x4  }
0x26b: {  	[tilespmem:s4+$0xF298] =	vst.add.f32.msk $0xffff, v0  }
0x26c: {  	v0 =	vld [tilespmem:s0+$0xF2A8]  }
.Ltmp38:
0x26d: {  	_ = 	snop;
	(pc) =	sbr.rel .LBB2_48-.Ltmp38, $2  }
0x26e: {  	_ =	sdelay $0x2  }
0x26f: {  	[tilespmem:s4+$0xF2A8] =	vst.add.f32.msk $0xffff, v0  }
.LBB2_49:
0x270: {  	p1 =	slt.s32 s2, $0x1  }
.Ltmp39:
0x271: {  	_ = 	snop;
	(pc) =	sbr.rel @p1 .LBB2_53-.Ltmp39, $3  }
0x272: {  	_ =	sdelay $0x1  }
0x273: {  	s0 =	simm.s32 $0x8  }
0x274: {  	s3 =	simm.s32 $0x0;
	[sflag:s0] =	ssyncpa.u1 $0x1  }
0x275: {  	s0 =	simm.s32 $0xF218  }
0x276: {  	v0 =	vld.msk [tilespmem:s0+$0x0], $0x1;
	_ =	sdelay $0x4  }
0x277: {  	(v2sf) =	vpush v0, $0x0;
	_ =	sdelay $0xe  }
0x278: {  	s0 =	sadd.s32 $0xFFFFFFFF, s2;
	s5 =	spop (v2sf)  }
0x279: {  	p2 =	sne.s32 s0, $0x0;
	p1 =	sgt.u32 s5, $0x27FF0  }
.Ltmp40:
0x27a: {  	s6 =	sand.u32 @!p1 $0x3FFF8, s5;
	(pc) =	sbr.rel @!p2 .LBB2_52-.Ltmp40, $4  }
0x27b: {  	s4 =	simm.s32 $0xF238;
	s5 =	sand.u32 @!p1 $0x7, s5;
	s2 =	sadd.s32 @!p1 s1, s6  }
0x27c: {  	[hbm4b:s2+s5] =	stream.linear.scatter @!p1 [tilespmem:s4], [sflag:$0x7], $0x80, $0x38;
	[tilespmem:$0x1F6F8] =	vst v63  }
0x27d: {  	s5 =	simm.s32 $0x0  }
0x27e: {  	s2 =	simm.s32 $0xF219;
	s5 =	simm.s32 @!p1 $0x200  }
.LBB2_51:
0x27f: {  	v0 =	vld.msk [tilespmem:s2+$0x0], $0x1;
	s0 =	sadd.s32 $0xFFFFFFFF, s0;
	s3 =	sadd.s32 s3, s5  }
0x280: {  	p1 =	sne.s32 s0, $0x0;
	_ =	sdelay $0x3  }
0x281: {  	(v2sf) =	vpush v0, $0x0;
	_ =	sdelay $0xe  }
.Ltmp41:
0x282: {  	s6 =	spop (v2sf);
	(pc) =	sbr.rel @p1 .LBB2_51-.Ltmp41, $4  }
0x283: {  	s5 =	simm.s32 $0x0;
	p2 =	sgt.u32 s6, $0x27FF0  }
0x284: {  	s4 =	sadd.s32 $0x80, s4;
	s5 =	simm.s32 @!p2 $0x200;
	s7 =	sand.u32 @!p2 $0x3FFF8, s6  }
0x285: {  	s2 =	sadd.s32 $0x1, s2;
	s6 =	sand.u32 @!p2 $0x7, s6;
	s7 =	sadd.s32 @!p2 s1, s7  }
0x286: {  	[hbm4b:s7+s6] =	stream.linear.scatter @!p2 [tilespmem:s4], [sflag:$0x7], $0x80, $0x38;
	[tilespmem:$0x1F6F8] =	vst v63  }
.LBB2_52:
0x287: {  	s0 =	sadd.s32 s3, s5  }
0x288: {  	s3 =	sshrl.u32 s0, $0x2  }
.LBB2_53:
0x289: {  	s0 =	simm.s32 $0x7  }
0x28a: {  	_ =	swait.ge [sflag:s0], s3  }
0x28b: {  	s1 =	ssub.s32 $0x0, s3;
	[sflag:s0] =	ssyncset.done $0x0  }
0x28c: {  	[sflag:s0] =	ssyncadd.s32 s1  }
0x28d: {  	[sflag:s0] =	ssyncpa.u1 $0x1  }
.LBB2_54:
0x28e: {  	_ =	sfence;
	s0 =	simm.s32 $0x1  }
0x28f: {  	[sflag:s0] =	ssyncpa.u1 $0x1  }
0x290: {  	_ =	strace $0x90000056  }
0x291: {  	[bflag:$0x2] =	sbarrier.arrive $0xFFFF  }
0x292: {  	s0 =	rddreg [dreg:$0x3]  }
0x293: {  	s0 =	sadd.s32 @!p0 $0x100000, s0  }
0x294: {  	[sflag:s0] =	ssyncadd.tile.s32 @!p0 $0x1;
	_ =	shalt  }
.Lfunc_end2:
_tile_overlayer_lowered:
.L_overlay_start_2:
0x295: {  	(tag) =	ssettag $0x2  }
0x296: {  	s0 =	rddreg [dreg:$0x0];
	s2 =	stileid.u32  }
0x297: {  	s1 =	rddreg [dreg:$0x1];
	p0 =	sne.s32 s2, $0x0  }
0x298: {  	s3 =	rddreg [dreg:$0x2];
	[bflag:$0x3] =	sbarrier.arrive $0xFFFF;
	s2 =	simm.s32 @!p0 $0x1C01  }
0x299: {  	[timem:s3], [sflag:s2] =	dma.local @!p0 [hbm:s0], s1  }
0x29a: {  	s0 =	simm.s32 @!p0 $0x1  }
0x29b: {  	_ =	swait.ge @!p0 [sflag:s0], s1  }
0x29c: {  	s1 =	ssub.s32 @!p0 $0x0, s1;
	[sflag:s0] =	ssyncset.done @!p0 $0x0  }
0x29d: {  	[sflag:s0] =	ssyncadd.s32 @!p0 s1  }
0x29e: {  	[bflag:$0x3] =	sbarrier.arrive $0xFFFF  }
0x29f: {  	_ =	shalt  }

// kernel: scatter_offload_async_start.3
scs
__scs_entry_jumppad:
0x0: {  	(pc) =	sbr.rel $0x88, $3  }
0x1: {  	(tag) =	ssettag $0x0;
	lr =	simm.s32 $0x1  }
0x2: {  	[smem:$0x3F7F] =	sst lr;
	_ =	strace $0xD0000000  }
0x3: {  	_ = 	snop  }
0x4: {  	_ = 	snop  }
0x5: {  	_ = 	snop  }
0x6: {  	_ = 	snop  }
0x7: {  	_ = 	snop  }
__scs_overlays_trampoline_lowered:
0x8: {  	[smem:$0x3F8E] =	sst s0  }
0x9: {  	[smem:$0x3F8F] =	sst s1  }
0xa: {  	[smem:$0x3F90] =	sst s2  }
0xb: {  	[smem:$0x3F91] =	sst s3  }
0xc: {  	[smem:$0x3F92] =	sst s4  }
0xd: {  	[smem:$0x3F93] =	sst s5  }
0xe: {  	[smem:$0x3F94] =	sst s6  }
0xf: {  	[smem:$0x3F95] =	sst s7  }
0x10: {  	[smem:$0x3F96] =	sst s8  }
0x11: {  	[smem:$0x3F97] =	sst s9;
	s0 =	simm.s32 @!p0 $0x0  }
0x12: {  	s1 =	sld [smem:$0x3F7D];
	s0 =	simm.s32 @p0 $0x1  }
0x13: {  	[smem:$0x3F98] =	sst s0;
	s0 =	simm.s32 @!p1 $0x0  }
0x14: {  	s2 =	sld [smem:$0x3F7C];
	s0 =	simm.s32 @p1 $0x1  }
0x15: {  	[smem:$0x3F99] =	sst s0;
	s0 =	simm.s32 @!p2 $0x0  }
0x16: {  	s3 =	sld [smem:$0x3FDB];
	s0 =	simm.s32 @p2 $0x1  }
0x17: {  	s4 =	simm.s32 $0x1BF5;
	[smem:$0x3F9B] =	sst s0  }
0x18: {  	s0 =	sld [smem:$0x3F7E];
	_ =	swait.ge [sflag:s4], $0x0  }
0x19: {  	s7 =	sld [smem:$0x3F7F]  }
0x1a: {  	s8 =	sadd.s32 $0xFFFFE003, lr  }
0x1b: {  	s9 =	sadd.s32 $0xFFFFFEF7, lr;
	s5 =	simm.s32 $0xFFFFFFFF;
	p2 =	slt.u32 s8, $0xFFFFF086  }
0x1c: {  	p1 =	slt.u32 s9, $0xF7A;
	s5 =	simm.s32 @!p2 $0x0  }
0x1d: {  	s5 =	simm.s32 @p1 $0x1;
	p0 =	seq.s32 s7, s2  }
0x1e: {  	s7 =	smul.u32 @!p0 $0xF7A, s2;
	p2 =	seq.s32 @!p0 s5, $0x0  }
0x1f: {  	s9 =	smul.u32 $0xF7A, s1;
	s8 =	simm.s32 @!p0 $0x1BF5;
	p2 =	por !p2, p0  }
0x20: {  	[sflag:s8] =	ssyncset.s32 @!p0 $0xFFFFF086;
	s6 =	sadd.s32 @!p0 s3, s7;
	s7 =	simm.s32 @!p0 $0x108  }
0x21: {  	s3 =	sadd.s32 s3, s9;
	s6 =	sadd.s32 @!p0 $0x88, s6;
	s7 =	simm.s32 @p2 $0x1082  }
0x22: {  	[simem:s7], [sflag:s8] =	dma.local @!p0 [hbm:s6], $0xF7A  }
0x23: {  	s9 =	sor.u32 $0xD0000000, s2;
	s6 =	simm.s32 $0x108;
	_ =	swait.ge @!p0 [sflag:s8], $0x0  }
0x24: {  	s3 =	sadd.s32 $0x88, s3;
	s6 =	simm.s32 @!p1 $0x1082;
	[sflag:s4] =	ssyncset.s32 $0xFFFFF086  }
0x25: {  	[simem:s6], [sflag:s4] =	dma.local [hbm:s3], $0xF7A  }
0x26: {  	[smem:$0x3F7F] =	sst s1;
	(tag) =	ssettag s2;
	_ =	strace s9  }
0x27: {  	s1 =	sld [smem:$0x3F8F]  }
0x28: {  	s2 =	sld [smem:$0x3F90]  }
0x29: {  	s4 =	sld [smem:$0x3F92]  }
0x2a: {  	p0 =	seq.s32 s5, $0x0;
	s5 =	sld [smem:$0x3F93]  }
0x2b: {  	s6 =	sld [smem:$0x3F94]  }
0x2c: {  	s7 =	sld [smem:$0x3F95]  }
0x2d: {  	s3 =	simm.s32 $0x108;
	s8 =	sld [smem:$0x3F96]  }
0x2e: {  	s3 =	simm.s32 @!p0 $0x1082;
	s9 =	sld [smem:$0x3F97]  }
0x2f: {  	lr =	sadd.s32 s0, s3;
	s0 =	sld [smem:$0x3F8E]  }
0x30: {  	s3 =	sld [smem:$0x3F91]  }
0x31: {  	[smem:$0x3F9A] =	sst s10  }
0x32: {  	s10 =	sld [smem:$0x3F98];
	_ =	sdelay $0x3  }
0x33: {  	p0 =	seq.s32 s10, $0x1;
	s10 =	sld [smem:$0x3F9A];
	_ =	sdelay $0x3  }
0x34: {  	[smem:$0x3F9A] =	sst s10  }
0x35: {  	s10 =	sld [smem:$0x3F99];
	_ =	sdelay $0x3  }
0x36: {  	p1 =	seq.s32 s10, $0x1;
	s10 =	sld [smem:$0x3F9A];
	_ =	sdelay $0x3  }
0x37: {  	[smem:$0x3F9A] =	sst s10  }
0x38: {  	s10 =	sld [smem:$0x3F9B]  }
0x39: {  	_ = 	snop;
	(pc) =	sbr.ind lr, $3  }
0x3a: {  	_ = 	snop  }
0x3b: {  	_ = 	snop  }
0x3c: {  	p2 =	seq.s32 s10, $0x1;
	s10 =	sld [smem:$0x3F9A]  }
0x3d: {  	_ =	shalt  }
0x3e: {  	_ =	shalt  }
0x3f: {  	_ =	shalt  }
0x40: {  	_ =	shalt  }
0x41: {  	_ =	shalt  }
0x42: {  	_ =	shalt  }
0x43: {  	_ =	shalt  }
0x44: {  	_ =	shalt  }
0x45: {  	_ =	shalt  }
0x46: {  	_ =	shalt  }
0x47: {  	_ =	shalt  }
0x48: {  	_ =	shalt  }
0x49: {  	_ =	shalt  }
0x4a: {  	_ =	shalt  }
0x4b: {  	_ =	shalt  }
0x4c: {  	_ =	shalt  }
0x4d: {  	_ =	shalt  }
0x4e: {  	_ =	shalt  }
0x4f: {  	_ =	shalt  }
0x50: {  	_ =	shalt  }
0x51: {  	_ =	shalt  }
0x52: {  	_ =	shalt  }
0x53: {  	_ =	shalt  }
0x54: {  	_ =	shalt  }
0x55: {  	_ =	shalt  }
0x56: {  	_ =	shalt  }
0x57: {  	_ =	shalt  }
0x58: {  	_ =	shalt  }
0x59: {  	_ =	shalt  }
0x5a: {  	_ =	shalt  }
0x5b: {  	_ =	shalt  }
0x5c: {  	_ =	shalt  }
0x5d: {  	_ =	shalt  }
0x5e: {  	_ =	shalt  }
0x5f: {  	_ =	shalt  }
0x60: {  	_ =	shalt  }
0x61: {  	_ =	shalt  }
0x62: {  	_ =	shalt  }
0x63: {  	_ =	shalt  }
0x64: {  	_ =	shalt  }
0x65: {  	_ =	shalt  }
0x66: {  	_ =	shalt  }
0x67: {  	_ =	shalt  }
0x68: {  	_ =	shalt  }
0x69: {  	_ =	shalt  }
0x6a: {  	_ =	shalt  }
0x6b: {  	_ =	shalt  }
0x6c: {  	_ =	shalt  }
0x6d: {  	_ =	shalt  }
0x6e: {  	_ =	shalt  }
0x6f: {  	_ =	shalt  }
0x70: {  	_ =	shalt  }
0x71: {  	_ =	shalt  }
0x72: {  	_ =	shalt  }
0x73: {  	_ =	shalt  }
0x74: {  	_ =	shalt  }
0x75: {  	_ =	shalt  }
0x76: {  	_ =	shalt  }
0x77: {  	_ =	shalt  }
0x78: {  	_ =	shalt  }
0x79: {  	_ =	shalt  }
0x7a: {  	_ =	shalt  }
0x7b: {  	_ =	shalt  }
0x7c: {  	_ =	shalt  }
0x7d: {  	_ =	shalt  }
0x7e: {  	_ =	shalt  }
0x7f: {  	_ =	shalt  }
0x80: {  	_ =	shalt  }
0x81: {  	_ =	shalt  }
0x82: {  	_ =	shalt  }
0x83: {  	_ =	shalt  }
0x84: {  	_ =	shalt  }
0x85: {  	_ =	shalt  }
0x86: {  	_ =	shalt  }
0x87: {  	_ =	shalt  }
.Lfunc_end0:
.L_simem_size_0:
called_computation.3_lowered:
.L_overlay_start_0:
0x88: {  	s2 =	sld [smem:$0x3FD9]  }
0x89: {  	s3 =	sld [smem:$0x3FFE];
	_ =	sdelay $0x1  }
0x8a: {  	s1 =	srdreg.scid  }
0x8b: {  	s0 =	sand.u32 $0x1, s1  }
0x8c: {  	s15 =	sshll.u32 s0, $0xA;
	s2 =	sadd.s32 s3, s2  }
0x8d: {  	s2 =	sadd.s32 s2, s15  }
0x8e: {  	[smem:$0x3FA6] =	sst s2  }
0x8f: {  	_ = 	snop  }
0x90: {  	(tm) =	ssettm $0x1  }
0x91: {  	s16 =	sld [smem:$0x3FFB];
	_ =	sdelay $0x3  }
0x92: {  	_ =	strace s16  }
0x93: {  	s2 =	sld [smem:$0x3FFC];
	_ =	sdelay $0x3  }
0x94: {  	_ =	strace s2  }
0x95: {  	s2 =	sld [smem:$0x3FFD];
	_ =	sdelay $0x3  }
0x96: {  	_ =	strace s2  }
0x97: {  	_ =	strace $0x8FFFFFFF  }
0x98: {  	s17 =	sld [smem:$0x3FDB];
	_ =	sdelay $0x1  }
0x99: {  	s18 =	simm.s32 $_scs_section_size  }
0x9a: {  	s4 =	simm.s32 $_size__tile_overlayer_lowered;
	s5 =	simm.s32 $_tile_overlayer_lowered  }
0x9b: {  	s21 =	simm.s32 $0x1BFF;
	s20 =	sshll.u32 s5, $0x1;
	s2 =	sadd.s32 s18, s17  }
0x9c: {  	s6 =	simm.s32 $0x0;
	s19 =	sshll.u32 s4, $0x1;
	s4 =	sadd.s32 s20, s2  }
0x9d: {  	[timem:s6], [sflag:s21] =	dma.local [hbm:s4], s19  }
0x9e: {  	_ =	swait.ge [sflag:s21], s19  }
0x9f: {  	s3 =	ssub.s32 $0x0, s19;
	[sflag:s21] =	ssyncset.done $0x0  }
0xa0: {  	[sflag:s21] =	ssyncadd.s32 s3;
	_ =	sdelay $0x1  }
0xa1: {  	s22 =	simm.s32 $0x1B8B  }
0xa2: {  	_ =	swait.ge [sflag:s22], $0x1  }
0xa3: {  	[sflag:s22] =	ssyncset.done $0x0  }
0xa4: {  	s23 =	sld [smem:$0x3FFE];
	[sflag:s22] =	ssyncadd.s32 $0xFFFFFFFF  }
0xa5: {  	s25 =	simm.s32 $0x1B8E;
	s24 =	sld [smem:$0x0]  }
0xa6: {  	s26 =	simm.s32 $execute0_lowered;
	[smem:$0x3FD2] =	sst s25  }
0xa7: {  	s5 =	sshll.u32 s26, $0x1;
	_ =	strace $0x8000005B;
	[dreg:$0x1] =	wrdreg $0xFFFFFFFF  }
0xa8: {  	s28 =	simm.s32 $_size_execute0_lowered;
	s2 =	sadd.s32 s2, s5;
	[dreg:$0x0] =	wrdreg $0x0  }
0xa9: {  	s5 =	sshll.u32 s28, $0x1;
	[dreg:$0x2] =	wrdreg s2  }
0xaa: {  	[dreg:$0x3] =	wrdreg s5  }
0xab: {  	[dreg:$0x4] =	wrdreg $0xC0  }
0xac: {  	_ =	task [dreg:s6], $0x5FFFF  }
0xad: {  	[dreg:$0x1] =	wrdreg $0xFFFFFFFF  }
0xae: {  	[dreg:$0x0] =	wrdreg $0x60  }
0xaf: {  	[dreg:$0x2] =	wrdreg s23  }
0xb0: {  	[dreg:$0x3] =	wrdreg s1  }
0xb1: {  	[dreg:$0x4] =	wrdreg s24  }
0xb2: {  	[dreg:$0x5] =	wrdreg $0x9  }
0xb3: {  	_ =	task.clear_ibuf [dreg:s6], $0x6FFFF;
	_ =	strace $0x9000005B  }
0xb4: {  	s29 =	simm.s32 $0x9;
	_ =	strace $0x8000005D  }
0xb5: {  	_ =	swait.ge [sflag:s29], $0x1  }
0xb6: {  	[sflag:s29] =	ssyncadd.s32 $0xFFFFFFFF  }
0xb7: {  	_ =	strace $0x9000005D  }
0xb8: {  	_ =	sfence  }
0xb9: {  	s30 =	sld [smem:$0x0];
	_ =	sdelay $0x2  }
0xba: {  	s31 =	sshll.u32 s1, $0xD;
	s1 =	sshrl.u32 s1, $0x2  }
0xbb: {  	s3 =	sand.u32 $0x4000, s31;
	s1 =	sadd.s32 s1, s30  }
0xbc: {  	s0 =	sor.u32 s3, s0;
	s1 =	sshll.u32 s1, $0x11  }
0xbd: {  	s0 =	sor.u32 s1, s0  }
0xbe: {  	s0 =	sadd.s32 $0x8F2B, s0  }
0xbf: {  	[sflag:s0] =	ssyncadd.remote.s32 $0x1  }
0xc0: {  	_ =	sfence.sel $0xFFFF  }
0xc1: {  	[dreg:$0x0] =	wrdreg $0xFFFFFFFF;
	(pc) =	sbr.abs _section_cstart, $3  }
0xc2: {  	[dreg:$0x1] =	wrdreg $0xFFFFFFFF  }
0xc3: {  	_ =	task.clear_ibuf [dreg:s6], $0x2FFFF;
	_ =	strace $0x9FFFFFFF  }
0xc4: {  	(tm) =	ssettm $0x7FFFFFFF  }
0xc5: {  	_ =	shalt  }
tec
execute0_lowered:
.L_overlay_start_1:
0x0: {  	(tag) =	ssettag $0x1  }
0x1: {  	s2 =	rddreg [dreg:$0x0]  }
0x2: {  	s3 =	rddreg [dreg:$0x1];
	_ =	strace $0x8000005C;
	s0 =	simm.s32 $0x1  }
0x3: {  	s5 =	simm.s32 $0x208;
	v0 =	vimm.s32 $0x0;
	[sflag:s0] =	ssyncpa.u1 $0x0  }
0x4: {  	[tilespmem:s5+$0x70] =	vst v0  }
0x5: {  	[tilespmem:s5+$0x60] =	vst v0  }
0x6: {  	[tilespmem:s5+$0x50] =	vst v0  }
0x7: {  	[tilespmem:s5+$0x40] =	vst v0  }
0x8: {  	s1 =	sadd.s32 $0x56B800, s2;
	[tilespmem:s5+$0x30] =	vst v0  }
0x9: {  	s0 =	sadd.s32 $0x561800, s2;
	s6 =	sadd.s32 $0x61800, s2;
	[tilespmem:s5+$0x20] =	vst v0  }
0xa: {  	s4 =	sadd.s32 $0x566800, s2;
	s10 =	sand.u32 $0x1, s3;
	s2 =	simm.s32 $0x40;
	[tilespmem:s5+$0x10] =	vst v0  }
.LBB2_1:
0xb: {  	s2 =	sadd.s32 $0x40, s2;
	[tilespmem:s5+$0x0] =	vst v0;
	s5 =	sadd.s32 $0x80, s5  }
0xc: {  	p0 =	slt.u32 s2, $0x3880;
	[tilespmem:s5+$0x70] =	vst v0  }
0xd: {  	[tilespmem:s5+$0x60] =	vst v0  }
.Ltmp0:
0xe: {  	[tilespmem:s5+$0x50] =	vst v0;
	(pc) =	sbr.rel @p0 .LBB2_1-.Ltmp0, $4  }
0xf: {  	[tilespmem:s5+$0x40] =	vst v0  }
0x10: {  	[tilespmem:s5+$0x30] =	vst v0  }
0x11: {  	[tilespmem:s5+$0x20] =	vst v0  }
0x12: {  	[tilespmem:s5+$0x10] =	vst v0  }
0x13: {  	s11 =	stileid.u32  }
0x14: {  	s2 =	smul.u32 $0x2D, s11  }
0x15: {  	s3 =	smin.u32 s11, $0xC  }
0x16: {  	s2 =	sadd.s32 s3, s2  }
0x17: {  	p0 =	slt.u32 s11, $0xC;
	s20 =	smul.u32 $0x70, s2;
	s2 =	simm.s32 $0x1420  }
0x18: {  	s2 =	simm.s32 @!p0 $0x13B0  }
0x19: {  	s2 =	sadd.s32 s2, s20  }
0x1a: {  	s8 =	smin.u32 s2, $0x14000  }
0x1b: {  	s26 =	simm.s32 $0x2;
	s2 =	ssub.s32 s8, s20  }
0x1c: {  	s9 =	simm.s32 $0x9;
	s29 =	simm.s32 $0xA;
	p0 =	sgt.s32 s2, $0x0  }
0x1d: {  	s30 =	simm.s32 $0xB;
	s31 =	smul.u32 $0x2800, s10;
	s2 =	simm.s32 @!p0 $0x0  }
0x1e: {  	[dreg:$0x4] =	wrdreg s10;
	s12 =	simm.s32 $0x1;
	s25 =	smulhi.u32 $0x92492493, s2  }
0x1f: {  	s24 =	simm.s32 $0x0;
	p1 =	por $0x0, $0x0;
	s18 =	simm.s32 $0x80  }
0x20: {  	s19 =	simm.s32 $0x400;
	s17 =	simm.s32 $0xC;
	s3 =	sshrl.u32 s25, $0x6  }
0x21: {  	s21 =	simm.s32 $0x0;
	s23 =	simm.s32 $0x0;
	s28 =	smul.u32 $0x70, s3  }
.Ltmp1:
0x22: {  	[tilespmem:s5+$0x0] =	vst v0;
	v0 =	vimm.s32 $0xFFFFFFFF;
	[sflag:s26] =	ssyncpa.u1 $0x0;
	s16 =	sshll.u32 s11, $0x9;
	(pc) =	sbr.rel .LBB2_3-.Ltmp1, $4  }
0x23: {  	[tilespmem:$0xE408] =	vst v0;
	[sflag:s9] =	ssyncpa.u1 $0x0;
	p0 =	sne.s32 s2, s28;
	s2 =	simm.s32 $0x1  }
0x24: {  	s14 =	sadd.s32 s31, s4;
	[sflag:s29] =	ssyncpa.u1 $0x0;
	s2 =	simm.s32 @!p0 $0x0  }
0x25: {  	s15 =	sadd.s32 s31, s0;
	[sflag:s30] =	ssyncpa.u1 $0x0;
	s13 =	sadd.s32 s2, s3  }
0x26: {  	v0 =	vlaneseq.u32;
	s22 =	smov.u32 s20;
	p0 =	por $0x1, $0x1;
	s11 =	sadd.s32 $0x1, s13  }
.LBB2_24:
0x27: {  	s2 =	sshrl.u32 s4, $0x2  }
.LBB2_26:
0x28: {  	_ =	swait.ge [sflag:s17], s2  }
0x29: {  	s31 =	ssub.s32 $0x0, s2;
	v1 =	vmov s26;
	vm0 =	veq.s32 v0, $0x0;
	[sflag:s17] =	ssyncset.done $0x0  }
0x2a: {  	vm15 =	veq.s32 v0, $0x2;
	v1 =	vsel vm0, s0, v1;
	[sflag:s17] =	ssyncadd.s32 s31  }
0x2b: {  	v1 =	vsel vm15, s24, v1;
	[sflag:s17] =	ssyncpa.u1 $0x1  }
0x2c: {  	[tilespmem:$0xE408] =	vst v1  }
.LBB2_27:
0x2d: {  	s0 =	sadd.s32 $0x70, s22  }
0x2e: {  	s2 =	smov.u32 s20;
	p2 =	slt.s32 s0, s8  }
0x2f: {  	s2 =	smov.u32 @p2 s0;
	p2 =	sne.s32 s23, s11  }
.Ltmp2:
0x30: {  	_ = 	snop;
	(pc) =	sbr.rel @!p2 .LBB2_28-.Ltmp2, $4  }
0x31: {  	_ = 	snop  }
0x32: {  	s24 =	smov.u32 s21  }
0x33: {  	s31 =	sadd.s32 $0x1, s23;
	s21 =	smov.u32 s22;
	p0 =	por !p0, !p0  }
0x34: {  	p1 =	por !p1, !p1;
	s23 =	smov.u32 s31;
	s22 =	smov.u32 s2  }
.LBB2_3:
0x35: {  	p2 =	sge.u32 s23, s13  }
0x36: {  	s0 =	smulhi.u32 @!p2 $0xAAAAAAAB, s23  }
0x37: {  	s2 =	smov.u32 s22;
	p3 =	sgt.s32 @!p2 s22, $0x13F90  }
0x38: {  	s3 =	sshra.s32 @!p2 s22, $0x1F;
	p3 =	por !p3, p2;
	s0 =	sshrl.u32 @!p2 s0, $0x1  }
0x39: {  	s3 =	sand.u32 @!p2 s3, s22;
	s2 =	simm.s32 @p3 $0x13F90;
	s0 =	smul.u32 @!p2 $0x3, s0  }
0x3a: {  	s2 =	ssub.s32 @!p2 s2, s3  }
0x3b: {  	s2 =	sadd.s32 @!p2 $0xFFFEC070, s2;
	s0 =	ssub.s32 @!p2 s23, s0  }
0x3c: {  	s3 =	sshll.u32 @!p2 s2, $0x2;
	p3 =	sgt.s32 @!p2 s2, $0x6F;
	s0 =	smul.u32 @!p2 $0x1C0, s0  }
0x3d: {  	s4 =	sand.u32 @!p2 $0x7, s22;
	s2 =	ssub.s32 @!p2 $0x1C0, s3;
	p3 =	por !p3, p2  }
0x3e: {  	s3 =	sshrl.u32 @!p2 s22, $0x3;
	s2 =	sshrl.u32 @!p2 s2, $0x2;
	s0 =	sshrl.u32 @!p2 s0, $0x2  }
0x3f: {  	s3 =	sadd.s32 @!p2 s3, s14;
	s2 =	simm.s32 @!p3 $0x0;
	s0 =	sadd.s32 @!p2 $0x10448, s0  }
0x40: {  	[tilespmem:s0], [sflag:$0xA] =	stream.linear.gather @!p2 [hbm4b:s3+s4], s2, $0x38;
	[tilespmem:$0x1E678] =	vst v63  }
0x41: {  	s2 =	sadd.s32 $0xFFFFFFFF, s23  }
0x42: {  	p2 =	sge.u32 s2, s13  }
0x43: {  	p3 =	sgt.s32 @!p2 s21, $0x13F90  }
0x44: {  	s0 =	smov.u32 s21;
	s3 =	sshra.s32 @!p2 s21, $0x1F;
	p3 =	por !p3, p2  }
0x45: {  	s3 =	sand.u32 @!p2 s3, s21;
	s0 =	simm.s32 @p3 $0x13F90  }
0x46: {  	s0 =	ssub.s32 @!p2 s0, s3  }
0x47: {  	s0 =	sadd.s32 @!p2 $0xFFFEC070, s0  }
0x48: {  	s3 =	sshll.u32 @!p2 s0, $0x2  }
0x49: {  	p3 =	sgt.s32 @!p2 s0, $0x6F;
	s0 =	ssub.s32 @!p2 $0x1C0, s3  }
0x4a: {  	p3 =	por !p3, p2;
	s0 =	sshrl.u32 @!p2 s0, $0x2  }
0x4b: {  	s4 =	simm.s32 @!p2 $0xA;
	s3 =	sand.u32 @!p2 $0x1, s2;
	s0 =	simm.s32 @!p3 $0x0  }
0x4c: {  	s3 =	smul.u32 @!p2 $0x1C0, s3;
	_ =	swait.ge @!p2 [sflag:s4], s0  }
0x4d: {  	s5 =	ssub.s32 @!p2 $0x0, s0;
	[sflag:s4] =	ssyncset.done @!p2 $0x0  }
0x4e: {  	s3 =	sshrl.u32 @!p2 s3, $0x2;
	[sflag:s4] =	ssyncadd.s32 @!p2 s5;
	s4 =	sshrl.u32 @!p2 s21, $0x3  }
0x4f: {  	s3 =	sadd.s32 @!p2 $0x10598, s3;
	s5 =	sand.u32 @!p2 $0x7, s21;
	s4 =	sadd.s32 @!p2 s4, s15  }
0x50: {  	[tilespmem:s3], [sflag:$0xB] =	stream.linear.gather @!p2 [hbm4b:s4+s5], s0, $0x38;
	[tilespmem:$0x1E678] =	vst v63  }
0x51: {  	s0 =	ssub.s32 @!p2 $0x14000, s21  }
0x52: {  	p3 =	slt.s32 @!p2 s0, $0x1  }
0x53: {  	p3 =	por p2, p3  }
.Ltmp3:
0x54: {  	_ = 	snop;
	(pc) =	sbr.rel @p3 .LBB2_9-.Ltmp3, $1  }
0x55: {  	_ =	sdelay $0x3  }
0x56: {  	s3 =	smulhi.u32 $0xAAAAAAAB, s2;
	_ =	sdelay $0x1  }
0x57: {  	s3 =	sshrl.u32 s3, $0x1  }
0x58: {  	s3 =	smul.u32 $0x3, s3;
	_ =	sdelay $0x1  }
0x59: {  	s30 =	ssub.s32 s2, s3  }
0x5a: {  	s4 =	simm.s32 $0x1;
	s2 =	smul.u32 $0x1C0, s30  }
.Ltmp4:
0x5b: {  	s4 =	simm.s32 @!p0 $0x0;
	(pc) =	sbr.rel .LBB2_6-.Ltmp4, $4  }
0x5c: {  	s31 =	smul.u32 $0x1C000, s4  }
0x5d: {  	p3 =	slt.s32 @!p2 s0, $0x70;
	s2 =	sshrl.u32 s2, $0x2  }
0x5e: {  	p2 =	por !p3, p2;
	s3 =	sshrl.u32 s31, $0x2;
	s5 =	sadd.s32 $0x10448, s2  }
0x5f: {  	s0 =	simm.s32 @p2 $0x70;
	s4 =	sor.u32 $0x10678, s3;
	s2 =	simm.s32 $0x0;
	v1 =	vmov s5  }
.LBB2_5:
0x60: {  	p2 =	sge.s32 s2, s0  }
.Ltmp5:
0x61: {  	_ = 	snop;
	(pc) =	sbr.rel @p2 .LBB2_9-.Ltmp5, $2  }
0x62: {  	_ =	sdelay $0x2  }
0x63: {  	s4 =	sadd.s32 $0x1000, s4  }
.LBB2_6:
0x64: {  	p2 =	sle.s32 s0, s2  }
.Ltmp6:
0x65: {  	_ = 	snop;
	(pc) =	sbr.rel @p2 .LBB2_5-.Ltmp6, $2  }
0x66: {  	_ =	sdelay $0x2  }
0x67: {  	s5 =	smov.u32 s2;
	s2 =	sadd.s32 $0x10, s2  }
0x68: {  	s3 =	ssub.s32 s0, s5  }
0x69: {  	p2 =	slt.s32 s3, $0x10  }
0x6a: {  	s3 =	simm.s32 @!p2 $0x10  }
0x6b: {  	v2 =	vmov s3  }
0x6c: {  	vm0 =	vgt.s32 v2, v0;
	_ =	sdelay $0x5  }
0x6d: {  	v2 =	vld.idx.msk [tilespmem:v1+s5+$0x0 ss:$0x1], vm0;
	_ =	sdelay $0x2  }
0x6e: {  	p2 =	slt.s32 s2, s0;
	s3 =	smov.u32 s0  }
0x6f: {  	s9 =	smov.u32 s4;
	s25 =	simm.s32 $0x0;
	s3 =	smov.u32 @p2 s2  }
.LBB2_8:
0x70: {  	(v2sf) =	vpush v2, s25;
	_ =	sdelay $0xe  }
0x71: {  	s25 =	sadd.s32 $0x1, s25;
	s10 =	spop (v2sf)  }
0x72: {  	s31 =	sadd.s32 s25, s5;
	s26 =	sshll.u32 s10, $0x8;
	s10 =	sshll.u32 s10, $0x7  }
0x73: {  	p2 =	slt.s32 s31, s3;
	s26 =	sand.u32 $0xFFFFF800, s26;
	s10 =	sand.u32 $0x380, s10  }
.Ltmp7:
0x74: {  	s10 =	sor.u32 s10, s26;
	(pc) =	sbr.rel @p2 .LBB2_8-.Ltmp7, $4  }
0x75: {  	s10 =	sshrl.u32 s10, $0x3  }
0x76: {  	s10 =	sadd.s32 s6, s10  }
0x77: {  	[tilespmem:s9], [sflag:$0x9] =	stream.strided.gather [hbm4b:s10+s18], $0x100, s19, s18, $0x38;
	[tilespmem:$0x1E678] =	vst v63  }
0x78: {  	s9 =	sadd.s32 $0x100, s9  }
.Ltmp8:
0x79: {  	_ = 	snop;
	(pc) =	sbr.rel .LBB2_5-.Ltmp8, $1  }
0x7a: {  	_ =	sdelay $0x3  }
.LBB2_9:
0x7b: {  	p2 =	slt.u32 s23, $0x2  }
.Ltmp9:
0x7c: {  	_ = 	snop;
	(pc) =	sbr.rel @p2 .LBB2_27-.Ltmp9, $1  }
0x7d: {  	_ =	sdelay $0x3  }
0x7e: {  	p2 =	sgt.s32 s24, $0x13F90  }
0x7f: {  	s0 =	smov.u32 s24;
	s2 =	sshra.s32 s24, $0x1F;
	s3 =	ssub.s32 $0x14000, s24  }
0x80: {  	s0 =	simm.s32 @!p2 $0x13F90;
	s2 =	sand.u32 s2, s24;
	p2 =	slt.s32 s3, $0x70  }
0x81: {  	s0 =	ssub.s32 s0, s2;
	s3 =	simm.s32 @!p2 $0x70  }
0x82: {  	s0 =	sadd.s32 $0xFFFEC070, s0;
	s9 =	sshll.u32 s3, $0x8  }
0x83: {  	s26 =	simm.s32 $0x9;
	s10 =	sshll.u32 s0, $0x2;
	s2 =	sand.u32 $0x3FFFFF00, s9  }
0x84: {  	p2 =	sgt.s32 s0, $0x6F;
	s25 =	ssub.s32 $0x1C0, s10;
	_ =	swait.ge [sflag:s26], s2  }
0x85: {  	s2 =	ssub.s32 $0x0, s2;
	[sflag:s26] =	ssyncset.done $0x0;
	s0 =	sshrl.u32 s25, $0x2  }
0x86: {  	s29 =	simm.s32 $0xB;
	[sflag:s26] =	ssyncadd.s32 s2;
	s0 =	simm.s32 @p2 $0x0  }
0x87: {  	_ =	swait.ge [sflag:s29], s0  }
0x88: {  	s0 =	ssub.s32 $0x0, s0;
	[sflag:s29] =	ssyncset.done $0x0  }
0x89: {  	[sflag:s29] =	ssyncadd.s32 s0  }
0x8a: {  	v1 =	vld [tilespmem:$0xE408];
	_ =	sdelay $0x4  }
0x8b: {  	(v2sf) =	vpush v1, $0x0  }
0x8c: {  	(v2sf) =	vpush v1, $0x1  }
0x8d: {  	(v2sf) =	vpush v1, $0x2;
	_ =	sdelay $0x3  }
0x8e: {  	s0 =	sadd.s32 $0x70, s24  }
0x8f: {  	s2 =	ssub.s32 $0x28000, s24;
	p2 =	slt.s32 s8, s0  }
0x90: {  	s0 =	smov.u32 @p2 s8;
	p2 =	sgt.s32 s2, $0x0  }
0x91: {  	s0 =	ssub.s32 s0, s24;
	s2 =	simm.s32 @!p2 $0x0  }
0x92: {  	p2 =	slt.s32 s2, s0  }
0x93: {  	s0 =	smov.u32 @p2 s2  }
0x94: {  	s4 =	simm.s32 $0x1;
	p2 =	slt.s32 s0, $0x1  }
.Ltmp10:
0x95: {  	s4 =	simm.s32 @!p1 $0x0;
	(pc) =	sbr.rel @p2 .LBB2_14-.Ltmp10, $4  }
0x96: {  	s30 =	smul.u32 $0x1C0, s4  }
0x97: {  	s5 =	spop (v2sf)  }
0x98: {  	s31 =	sshrl.u32 s30, $0x2;
	s28 =	spop (v2sf)  }
0x99: {  	s25 =	sadd.s32 $0x10598, s31;
	s24 =	spop (v2sf)  }
0x9a: {  	s2 =	smin.u32 s0, $0x10  }
0x9b: {  	v1 =	vmov s2  }
0x9c: {  	vm1 =	vgt.u32 v1, v0  }
0x9d: {  	p3 =	sgt.s32 s0, $0x10  }
.Ltmp11:
0x9e: {  	_ = 	snop;
	(pc) =	sbr.rel @!p3 .LBB2_13-.Ltmp11, $2  }
0x9f: {  	_ =	sdelay $0x2  }
0xa0: {  	s26 =	simm.s32 $0x10;
	s29 =	sadd.s32 $0xFFFFFFF0, s0;
	s2 =	smov.u32 s25;
	vm0 =	vmmov vm1;
	v1 =	vld.msk [tilespmem:s25+$0x0 ss:$0x1], vm1  }
.LBB2_12:
0xa1: {  	s3 =	smin.u32 s29, $0x10;
	s26 =	sadd.s32 $0x10, s26  }
0xa2: {  	v2 =	vmov s3;
	p3 =	slt.s32 s26, s0  }
0xa3: {  	vm1 =	vgt.u32 v2, v0;
	_ =	sdelay $0x1  }
0xa4: {  	v2 =	vshll.u32 v1, $0x5;
	v1 =	vshll.u32 v1, $0x4  }
.Ltmp12:
0xa5: {  	v2 =	vand.u32 $0xFFFFFF00, v2;
	v1 =	vand.u32 $0x70, v1;
	(pc) =	sbr.rel @p3 .LBB2_12-.Ltmp12, $4  }
0xa6: {  	v1 =	vor.u32 v1, v2  }
0xa7: {  	[tilespmem:s2+$0x0] =	vst.msk vm0, v1;
	s2 =	sadd.s32 $0x10, s2;
	vm0 =	vmmov vm1  }
0xa8: {  	v1 =	vld.msk [tilespmem:s2+$0x0 ss:$0x1], vm1  }
0xa9: {  	s29 =	sadd.s32 $0xFFFFFFF0, s29  }
.LBB2_13:
0xaa: {  	_ =	sdelay $0x3  }
0xab: {  	v2 =	vshll.u32 v1, $0x5;
	v1 =	vshll.u32 v1, $0x4  }
0xac: {  	v2 =	vand.u32 $0xFFFFFF00, v2;
	v1 =	vand.u32 $0x70, v1  }
0xad: {  	v1 =	vor.u32 v1, v2  }
0xae: {  	[tilespmem:s2+$0x0] =	vst.msk vm0, v1  }
.LBB2_14:
0xaf: {  	s2 =	sand.u32 $0x1, s23  }
0xb0: {  	s2 =	smul.u32 $0x70, s2  }
0xb1: {  	p3 =	sne.s32 s28, $0xFFFFFFFF  }
0xb2: {  	v1 =	vld.msk @!p3 [tilespmem:s2+$0x10598], $0x1;
	_ =	sdelay $0x4  }
0xb3: {  	(v2sf) =	vpush @!p3 v1, $0x0;
	_ =	sdelay $0xc  }
.Ltmp13:
0xb4: {  	_ = 	snop;
	(pc) =	sbr.rel @p2 .LBB2_25-.Ltmp13, $4  }
0xb5: {  	_ = 	snop  }
0xb6: {  	s31 =	spop @!p3 (v2sf)  }
0xb7: {  	s24 =	simm.s32 @!p3 $0x0;
	s26 =	smov.u32 s31  }
0xb8: {  	[sflag:s17] =	ssyncpa.u1 $0x0;
	s31 =	smov.u32 @p3 s5;
	s26 =	smov.u32 @p3 s28  }
0xb9: {  	v1 =	vld.msk [tilespmem:s25+$0x0], $0x1;
	_ =	sdelay $0x4  }
0xba: {  	(v2sf) =	vpush v1, $0x0;
	_ =	sdelay $0xe  }
0xbb: {  	s7 =	smov.u32 s11;
	s5 =	spop (v2sf)  }
0xbc: {  	s17 =	smov.u32 s15;
	s2 =	smul.u32 $0x1C000, s4;
	p2 =	seq.s32 s31, s5  }
0xbd: {  	s3 =	smov.u32 s31;
	s29 =	ssub.s32 $0x0, s0;
	p3 =	sgt.s32 @!p2 s31, $0x0  }
0xbe: {  	s30 =	simm.s32 $0x0;
	s2 =	sshrl.u32 s2, $0x2;
	p3 =	por !p3, p2  }
0xbf: {  	s0 =	sadd.s32 $0x1, s29;
	s28 =	sor.u32 $0x106F8, s2;
	s3 =	simm.s32 @p3 $0x0  }
0xc0: {  	s2 =	simm.s32 @!p2 $0x1;
	p3 =	seq.s32 s0, $0x0;
	s3 =	smin.u32 @!p2 s3, $0x4FF70  }
.Ltmp14:
0xc1: {  	s4 =	simm.s32 @!p2 $0x7308;
	s9 =	sand.u32 @!p2 $0x7FFF8, s3;
	(pc) =	sbr.rel @p3 .LBB2_17-.Ltmp14, $4  }
0xc2: {  	s10 =	sadd.s32 @!p2 $0x80, s3;
	s11 =	sadd.s32 @!p2 s1, s9;
	s9 =	sand.u32 @!p2 $0x7, s3  }
0xc3: {  	[tilespmem:s4], [sflag:$0x2] =	stream.linear.gather @!p2 [hbm4b:s11+s9], $0x80, $0x38;
	[tilespmem:$0x1E678] =	vst v63  }
0xc4: {  	s15 =	smov.u32 s14;
	s2 =	smov.u32 @p2 s30;
	s4 =	sand.u32 @!p2 $0xFFFF8, s10  }
0xc5: {  	s3 =	simm.s32 @!p2 $0x7388;
	s10 =	sadd.s32 @!p2 s1, s4;
	s4 =	sadd.s32 $0x1, s25  }
.LBB2_16:
0xc6: {  	s11 =	smov.u32 s2  }
0xc7: {  	[tilespmem:s3], [sflag:$0x2] =	stream.linear.gather @!p2 [hbm4b:s10+s9], $0x80, $0x38;
	[tilespmem:$0x1E678] =	vst v63  }
0xc8: {  	s0 =	sadd.s32 $0x1, s0;
	s9 =	smov.u32 s5;
	v1 =	vld.msk [tilespmem:s4+$0x0], $0x1  }
0xc9: {  	p3 =	seq.s32 s0, $0x0;
	_ =	sdelay $0x3  }
0xca: {  	(v2sf) =	vpush v1, $0x0;
	_ =	sdelay $0xe  }
0xcb: {  	s5 =	spop (v2sf)  }
0xcc: {  	p2 =	seq.s32 s9, s5  }
0xcd: {  	p4 =	sgt.s32 @!p2 s9, $0x0;
	s3 =	sshll.u32 @!p2 s2, $0xA;
	s2 =	sadd.s32 @!p2 $0x1, s2  }
0xce: {  	p4 =	por !p4, p2;
	s3 =	sshra.s32 @!p2 s3, $0x2;
	s2 =	smov.u32 @p2 s11  }
0xcf: {  	s9 =	simm.s32 @p4 $0x0;
	s10 =	sadd.s32 @!p2 $0x7308, s3;
	s3 =	sadd.s32 @!p2 $0x7388, s3  }
.Ltmp15:
0xd0: {  	s9 =	smin.u32 @!p2 s9, $0x4FF70;
	(pc) =	sbr.rel @!p3 .LBB2_16-.Ltmp15, $4  }
0xd1: {  	s11 =	sand.u32 @!p2 $0x7FFF8, s9;
	s14 =	sadd.s32 @!p2 $0x80, s9  }
0xd2: {  	s9 =	sand.u32 @!p2 $0x7, s9;
	s11 =	sadd.s32 @!p2 s1, s11;
	s14 =	sand.u32 @!p2 $0xFFFF8, s14  }
0xd3: {  	[tilespmem:s10], [sflag:$0x2] =	stream.linear.gather @!p2 [hbm4b:s11+s9], $0x80, $0x38;
	[tilespmem:$0x1E678] =	vst v63  }
0xd4: {  	s4 =	sadd.s32 $0x1, s4;
	s10 =	sadd.s32 @!p2 s1, s14  }
.LBB2_17:
0xd5: {  	[tilespmem:s3], [sflag:$0x2] =	stream.linear.gather @!p2 [hbm4b:s10+s9], $0x80, $0x38;
	[tilespmem:$0x1E678] =	vst v63  }
0xd6: {  	s0 =	sshll.u32 s2, $0x8  }
.Ltmp16:
0xd7: {  	s14 =	simm.s32 $0x2;
	s0 =	sand.u32 $0x3FFFFF00, s0;
	(pc) =	sbr.rel .LBB2_18-.Ltmp16, $4  }
0xd8: {  	_ =	swait.ge [sflag:s14], s0  }
0xd9: {  	s0 =	ssub.s32 $0x0, s0;
	[sflag:s14] =	ssyncset.done $0x0  }
0xda: {  	s4 =	simm.s32 $0x0;
	s11 =	smov.u32 s7;
	[sflag:s14] =	ssyncadd.s32 s0  }
0xdb: {  	s14 =	smov.u32 s15;
	s15 =	smov.u32 s17;
	s17 =	simm.s32 $0xC  }
.LBB2_19:
0xdc: {  	v1 =	vld [tilespmem:s28+$0xFFFFFF80];
	_ =	sdelay $0x4  }
0xdd: {  	[tilespmem:s5+$0x208] =	vst.add.f32.msk $0xffff, v1  }
0xde: {  	v1 =	vld [tilespmem:s28+$0xFFFFFF90];
	_ =	sdelay $0x4  }
0xdf: {  	[tilespmem:s5+$0x218] =	vst.add.f32.msk $0xffff, v1  }
0xe0: {  	v1 =	vld [tilespmem:s28+$0xFFFFFFA0];
	_ =	sdelay $0x4  }
0xe1: {  	[tilespmem:s5+$0x228] =	vst.add.f32.msk $0xffff, v1  }
0xe2: {  	v1 =	vld [tilespmem:s28+$0xFFFFFFB0];
	_ =	sdelay $0x4  }
0xe3: {  	[tilespmem:s5+$0x238] =	vst.add.f32.msk $0xffff, v1  }
0xe4: {  	v1 =	vld [tilespmem:s28+$0xFFFFFFC0];
	_ =	sdelay $0x4  }
0xe5: {  	[tilespmem:s5+$0x248] =	vst.add.f32.msk $0xffff, v1  }
0xe6: {  	v1 =	vld [tilespmem:s28+$0xFFFFFFD0];
	_ =	sdelay $0x4  }
0xe7: {  	[tilespmem:s5+$0x258] =	vst.add.f32.msk $0xffff, v1  }
0xe8: {  	v1 =	vld [tilespmem:s28+$0xFFFFFFE0];
	_ =	sdelay $0x4  }
0xe9: {  	[tilespmem:s5+$0x268] =	vst.add.f32.msk $0xffff, v1  }
0xea: {  	v1 =	vld [tilespmem:s28+$0xFFFFFFF0];
	_ =	sdelay $0x4  }
0xeb: {  	[tilespmem:s5+$0x278] =	vst.add.f32.msk $0xffff, v1  }
0xec: {  	v1 =	vld [tilespmem:s28+$0x0];
	_ =	sdelay $0x4  }
0xed: {  	[tilespmem:s5+$0x288] =	vst.add.f32.msk $0xffff, v1  }
0xee: {  	v1 =	vld [tilespmem:s28+$0x10];
	_ =	sdelay $0x4  }
0xef: {  	[tilespmem:s5+$0x298] =	vst.add.f32.msk $0xffff, v1  }
0xf0: {  	v1 =	vld [tilespmem:s28+$0x20];
	_ =	sdelay $0x4  }
0xf1: {  	[tilespmem:s5+$0x2A8] =	vst.add.f32.msk $0xffff, v1  }
0xf2: {  	v1 =	vld [tilespmem:s28+$0x30];
	_ =	sdelay $0x4  }
0xf3: {  	[tilespmem:s5+$0x2B8] =	vst.add.f32.msk $0xffff, v1  }
0xf4: {  	v1 =	vld [tilespmem:s28+$0x40];
	_ =	sdelay $0x4  }
0xf5: {  	[tilespmem:s5+$0x2C8] =	vst.add.f32.msk $0xffff, v1  }
0xf6: {  	v1 =	vld [tilespmem:s28+$0x50];
	_ =	sdelay $0x4  }
0xf7: {  	[tilespmem:s5+$0x2D8] =	vst.add.f32.msk $0xffff, v1  }
0xf8: {  	v1 =	vld [tilespmem:s28+$0x60];
	_ =	sdelay $0x4  }
0xf9: {  	[tilespmem:s5+$0x2E8] =	vst.add.f32.msk $0xffff, v1  }
0xfa: {  	v1 =	vld [tilespmem:s28+$0x70];
	_ =	sdelay $0x4  }
0xfb: {  	[tilespmem:s5+$0x2F8] =	vst.add.f32.msk $0xffff, v1  }
.LBB2_23:
0xfc: {  	s29 =	sadd.s32 $0x1, s29  }
0xfd: {  	p2 =	seq.s32 s29, $0x0  }
.Ltmp17:
0xfe: {  	_ = 	snop;
	(pc) =	sbr.rel @p2 .LBB2_24-.Ltmp17, $2  }
0xff: {  	_ =	sdelay $0x2  }
0x100: {  	s25 =	sadd.s32 $0x1, s25;
	s28 =	sadd.s32 $0x100, s28;
	s31 =	smov.u32 s0  }
.LBB2_18:
0x101: {  	v1 =	vld.msk [tilespmem:s25+$0x0], $0x1;
	_ =	sdelay $0x4  }
0x102: {  	(v2sf) =	vpush v1, $0x0;
	_ =	sdelay $0xe  }
0x103: {  	s0 =	spop (v2sf)  }
0x104: {  	p2 =	sne.s32 s31, s0  }
.Ltmp18:
0x105: {  	_ = 	snop;
	(pc) =	sbr.rel @!p2 .LBB2_19-.Ltmp18, $3  }
0x106: {  	_ =	sdelay $0x1  }
0x107: {  	s2 =	sshll.u32 s24, $0xA  }
0x108: {  	s5 =	sshra.s32 s2, $0x2  }
0x109: {  	p2 =	seq.s32 s31, s26  }
.Ltmp19:
0x10a: {  	_ = 	snop;
	(pc) =	sbr.rel @!p2 .LBB2_21-.Ltmp19, $1  }
0x10b: {  	_ =	sdelay $0x3  }
.Ltmp20:
0x10c: {  	s2 =	sadd.s32 $0x208, s5;
	(pc) =	sbr.rel .LBB2_22-.Ltmp20, $4  }
0x10d: {  	[spmem:s16] =	stream.linear.scatter [tilespmem:s2], [sflag:$0x1], $0x100, $0x38;
	[tilespmem:$0x1E678] =	vst v63  }
0x10e: {  	_ =	swait.ge [sflag:s12], $0x100  }
0x10f: {  	[sflag:s12] =	ssyncset.done $0x0  }
0x110: {  	[sflag:s12] =	ssyncadd.s32 $0xFFFFFF00  }
.LBB2_21:
0x111: {  	s2 =	sshll.u32 s30, $0xA  }
0x112: {  	s2 =	sshra.s32 s2, $0x2  }
0x113: {  	v1 =	vld [tilespmem:s2+$0x7308];
	_ =	sdelay $0x4  }
0x114: {  	[tilespmem:s5+$0x208] =	vst.add.f32.msk $0xffff, v1  }
0x115: {  	v1 =	vld [tilespmem:s2+$0x7318];
	_ =	sdelay $0x4  }
0x116: {  	[tilespmem:s5+$0x218] =	vst.add.f32.msk $0xffff, v1  }
0x117: {  	v1 =	vld [tilespmem:s2+$0x7328];
	_ =	sdelay $0x4  }
0x118: {  	[tilespmem:s5+$0x228] =	vst.add.f32.msk $0xffff, v1  }
0x119: {  	v1 =	vld [tilespmem:s2+$0x7338];
	_ =	sdelay $0x4  }
0x11a: {  	[tilespmem:s5+$0x238] =	vst.add.f32.msk $0xffff, v1  }
0x11b: {  	v1 =	vld [tilespmem:s2+$0x7348];
	_ =	sdelay $0x4  }
0x11c: {  	[tilespmem:s5+$0x248] =	vst.add.f32.msk $0xffff, v1  }
0x11d: {  	v1 =	vld [tilespmem:s2+$0x7358];
	_ =	sdelay $0x4  }
0x11e: {  	[tilespmem:s5+$0x258] =	vst.add.f32.msk $0xffff, v1  }
0x11f: {  	v1 =	vld [tilespmem:s2+$0x7368];
	_ =	sdelay $0x4  }
0x120: {  	[tilespmem:s5+$0x268] =	vst.add.f32.msk $0xffff, v1  }
0x121: {  	v1 =	vld [tilespmem:s2+$0x7378];
	_ =	sdelay $0x4  }
0x122: {  	[tilespmem:s5+$0x278] =	vst.add.f32.msk $0xffff, v1  }
0x123: {  	v1 =	vld [tilespmem:s2+$0x7388];
	_ =	sdelay $0x4  }
0x124: {  	[tilespmem:s5+$0x288] =	vst.add.f32.msk $0xffff, v1  }
0x125: {  	v1 =	vld [tilespmem:s2+$0x7398];
	_ =	sdelay $0x4  }
0x126: {  	[tilespmem:s5+$0x298] =	vst.add.f32.msk $0xffff, v1  }
0x127: {  	v1 =	vld [tilespmem:s2+$0x73A8];
	_ =	sdelay $0x4  }
0x128: {  	[tilespmem:s5+$0x2A8] =	vst.add.f32.msk $0xffff, v1  }
0x129: {  	v1 =	vld [tilespmem:s2+$0x73B8];
	_ =	sdelay $0x4  }
0x12a: {  	[tilespmem:s5+$0x2B8] =	vst.add.f32.msk $0xffff, v1  }
0x12b: {  	v1 =	vld [tilespmem:s2+$0x73C8];
	_ =	sdelay $0x4  }
0x12c: {  	[tilespmem:s5+$0x2C8] =	vst.add.f32.msk $0xffff, v1  }
0x12d: {  	v1 =	vld [tilespmem:s2+$0x73D8];
	_ =	sdelay $0x4  }
0x12e: {  	[tilespmem:s5+$0x2D8] =	vst.add.f32.msk $0xffff, v1  }
0x12f: {  	v1 =	vld [tilespmem:s2+$0x73E8];
	_ =	sdelay $0x4  }
0x130: {  	[tilespmem:s5+$0x2E8] =	vst.add.f32.msk $0xffff, v1  }
0x131: {  	v1 =	vld [tilespmem:s2+$0x73F8];
	_ =	sdelay $0x2  }
0x132: {  	p2 =	sgt.u32 s31, $0x4FF70  }
0x133: {  	s2 =	sand.u32 @!p2 $0x7FFF8, s31  }
0x134: {  	s3 =	sadd.s32 $0x208, s5;
	s9 =	sand.u32 @!p2 $0x7, s31;
	s2 =	sadd.s32 @!p2 s1, s2;
	[tilespmem:s5+$0x2F8] =	vst.add.f32.msk $0xffff, v1  }
0x135: {  	[hbm4b:s2+s9] =	stream.linear.scatter @!p2 [tilespmem:s3], [sflag:$0xC], $0x80, $0x38;
	[tilespmem:$0x1E678] =	vst v63  }
0x136: {  	s2 =	sadd.s32 @!p2 $0x80, s31  }
0x137: {  	s2 =	sand.u32 @!p2 $0xFFFF8, s2  }
0x138: {  	s3 =	sadd.s32 $0x288, s5;
	s2 =	sadd.s32 @!p2 s1, s2  }
0x139: {  	[hbm4b:s2+s9] =	stream.linear.scatter @!p2 [tilespmem:s3], [sflag:$0xC], $0x80, $0x38;
	[tilespmem:$0x1E678] =	vst v63  }
0x13a: {  	s2 =	simm.s32 $0x0  }
0x13b: {  	s2 =	simm.s32 @!p2 $0x400  }
0x13c: {  	s4 =	sadd.s32 s2, s4  }
.LBB2_22:
0x13d: {  	s2 =	sadd.s32 $0x1, s24  }
0x13e: {  	s3 =	sshrl.u32 s2, $0x4  }
0x13f: {  	s3 =	smulhi.u32 $0x24924925, s3  }
0x140: {  	v1 =	vld [tilespmem:s28+$0xFFFFFF80]  }
0x141: {  	s3 =	smul.u32 $0x70, s3;
	_ =	sdelay $0x1  }
0x142: {  	s24 =	ssub.s32 s2, s3  }
0x143: {  	s2 =	sshll.u32 s24, $0x8  }
0x144: {  	[tilespmem:s2+$0x208] =	vst v1  }
0x145: {  	v1 =	vld [tilespmem:s28+$0xFFFFFF90];
	_ =	sdelay $0x4  }
0x146: {  	[tilespmem:s2+$0x218] =	vst v1  }
0x147: {  	v1 =	vld [tilespmem:s28+$0xFFFFFFA0];
	_ =	sdelay $0x4  }
0x148: {  	[tilespmem:s2+$0x228] =	vst v1  }
0x149: {  	v1 =	vld [tilespmem:s28+$0xFFFFFFB0];
	_ =	sdelay $0x4  }
0x14a: {  	[tilespmem:s2+$0x238] =	vst v1  }
0x14b: {  	v1 =	vld [tilespmem:s28+$0xFFFFFFC0];
	_ =	sdelay $0x4  }
0x14c: {  	[tilespmem:s2+$0x248] =	vst v1  }
0x14d: {  	v1 =	vld [tilespmem:s28+$0xFFFFFFD0];
	_ =	sdelay $0x4  }
0x14e: {  	[tilespmem:s2+$0x258] =	vst v1  }
0x14f: {  	v1 =	vld [tilespmem:s28+$0xFFFFFFE0];
	_ =	sdelay $0x4  }
0x150: {  	[tilespmem:s2+$0x268] =	vst v1  }
0x151: {  	v1 =	vld [tilespmem:s28+$0xFFFFFFF0];
	_ =	sdelay $0x4  }
0x152: {  	[tilespmem:s2+$0x278] =	vst v1  }
0x153: {  	v1 =	vld [tilespmem:s28+$0x0];
	_ =	sdelay $0x4  }
0x154: {  	[tilespmem:s2+$0x288] =	vst v1  }
0x155: {  	v1 =	vld [tilespmem:s28+$0x10];
	_ =	sdelay $0x4  }
0x156: {  	[tilespmem:s2+$0x298] =	vst v1  }
0x157: {  	v1 =	vld [tilespmem:s28+$0x20];
	_ =	sdelay $0x4  }
0x158: {  	[tilespmem:s2+$0x2A8] =	vst v1  }
0x159: {  	v1 =	vld [tilespmem:s28+$0x30];
	_ =	sdelay $0x4  }
0x15a: {  	[tilespmem:s2+$0x2B8] =	vst v1  }
0x15b: {  	v1 =	vld [tilespmem:s28+$0x40];
	_ =	sdelay $0x4  }
0x15c: {  	[tilespmem:s2+$0x2C8] =	vst v1  }
0x15d: {  	v1 =	vld [tilespmem:s28+$0x50];
	_ =	sdelay $0x4  }
0x15e: {  	[tilespmem:s2+$0x2D8] =	vst v1  }
0x15f: {  	v1 =	vld [tilespmem:s28+$0x60];
	_ =	sdelay $0x4  }
0x160: {  	[tilespmem:s2+$0x2E8] =	vst v1  }
0x161: {  	v1 =	vld [tilespmem:s28+$0x70]  }
.Ltmp21:
0x162: {  	_ = 	snop;
	(pc) =	sbr.rel .LBB2_23-.Ltmp21, $2  }
0x163: {  	_ =	sdelay $0x2  }
0x164: {  	s30 =	sadd.s32 $0x1, s30;
	[tilespmem:s2+$0x2F8] =	vst v1  }
.LBB2_25:
.Ltmp22:
0x165: {  	(pc) =	sbr.rel .LBB2_26-.Ltmp22, $4  }
0x166: {  	_ = 	snop  }
0x167: {  	s0 =	simm.s32 $0x2  }
0x168: {  	_ =	swait.ge [sflag:s0], $0x0  }
0x169: {  	s2 =	simm.s32 $0x0;
	[sflag:s0] =	ssyncset.done $0x0;
	s0 =	smov.u32 s31  }
.LBB2_28:
0x16a: {  	_ =	sfence.sel $0x180000  }
0x16b: {  	s0 =	simm.s32 $0x9;
	[bflag:$0x0] =	sbarrier.arrive $0xFFFF  }
0x16c: {  	s24 =	simm.s32 $0xA;
	[sflag:s0] =	ssyncpa.u1 $0x1  }
0x16d: {  	s25 =	simm.s32 $0xB;
	[sflag:s24] =	ssyncpa.u1 $0x1  }
0x16e: {  	s26 =	simm.s32 $0x2;
	[sflag:s25] =	ssyncpa.u1 $0x1  }
0x16f: {  	[sflag:s26] =	ssyncpa.u1 $0x1  }
0x170: {  	v0 =	vld [tilespmem:$0xE408];
	_ =	sdelay $0x4  }
0x171: {  	(v2sf) =	vpush v0, $0x0  }
0x172: {  	(v2sf) =	vpush v0, $0x1;
	_ =	sdelay $0x1  }
0x173: {  	(v2sf) =	vpush v0, $0x2;
	_ =	sdelay $0xb  }
0x174: {  	s0 =	spop (v2sf)  }
0x175: {  	s2 =	spop (v2sf)  }
0x176: {  	s3 =	smov.u32 s0;
	p0 =	sne.s32 s0, s2  }
0x177: {  	s4 =	spop (v2sf);
	s3 =	simm.s32 @!p0 $0xFFFFFFFF  }
0x178: {  	v2 =	vimm.s32 $0x1;
	v3 =	vlaneseq.u32;
	p0 =	seq.s32 s4, $0xFFFFFFFF;
	v1 =	vmov s3  }
0x179: {  	s15 =	stileid.u32;
	v0 =	vperm.xlane v0, v2;
	p1 =	sne.s32 @!p0 s0, s2;
	v1 =	vperm.xlane v1, v3  }
0x17a: {  	vm0 =	vcmask $0x3F04;
	s6 =	simm.s32 $0xE408;
	s0 =	simm.s32 @!p0 $0x1;
	p1 =	por !p1, p0  }
0x17b: {  	s3 =	sshll.u32 s15, $0x1;
	s2 =	sshll.u32 @!p0 s4, $0xA;
	s0 =	simm.s32 @p1 $0x0;
	v0 =	vsel vm0, v1, v0  }
0x17c: {  	s5 =	sor.u32 $0x2000, s3;
	s2 =	sshra.s32 @!p0 s2, $0x2;
	s0 =	sor.u32 @!p0 s0, s3;
	[tilespmem:$0xE408] =	vst v0  }
0x17d: {  	[spmem:s5] =	stream.linear.scatter [tilespmem:s6], [sflag:$0x1], $0x2, $0x38;
	[tilespmem:$0x1E678] =	vst v63  }
0x17e: {  	s2 =	sadd.s32 @!p0 $0x208, s2;
	s0 =	sshll.u32 @!p0 s0, $0x8  }
0x17f: {  	[spmem:s0] =	stream.linear.scatter @!p0 [tilespmem:s2], [sflag:$0x1], $0x100, $0x38;
	[tilespmem:$0x1E678] =	vst v63  }
0x180: {  	s0 =	simm.s32 @!p0 $0x102  }
0x181: {  	s28 =	simm.s32 $0x1;
	s0 =	simm.s32 @p0 $0x2  }
0x182: {  	_ =	swait.ge [sflag:s28], s0  }
0x183: {  	s0 =	ssub.s32 $0x0, s0;
	[sflag:s28] =	ssyncset.done $0x0  }
0x184: {  	p0 =	sne.s32 s15, $0x0;
	[sflag:s28] =	ssyncadd.s32 s0  }
.Ltmp23:
0x185: {  	_ =	sfence.stream.spmem;
	(pc) =	sbr.rel @p0 .LBB2_45-.Ltmp23, $4  }
0x186: {  	s29 =	simm.s32 $0x3;
	[bflag:$0x0] =	sbarrier.arrive $0xFFFF  }
0x187: {  	s30 =	simm.s32 $0x4;
	[sflag:s29] =	ssyncpa.u1 $0x1  }
0x188: {  	s31 =	simm.s32 $0x3C;
	[sflag:s30] =	ssyncpa.u1 $0x1  }
0x189: {  	s14 =	rddreg [dreg:$0x4];
	[sflag:s31] =	ssyncpa.u1 $0x1  }
0x18a: {  	_ =	sfence.stream.spmem;
	s0 =	simm.s32 $0x5  }
0x18b: {  	s2 =	simm.s32 $0x2000;
	s3 =	simm.s32 $0xE418;
	[sflag:s0] =	ssyncpa.u1 $0x0  }
0x18c: {  	[tilespmem:s3], [sflag:$0x5] =	stream.linear.gather [spmem:s2], $0x20, $0x38;
	[tilespmem:$0x1E678] =	vst v63  }
0x18d: {  	s26 =	simm.s32 $0x0;
	s28 =	simm.s32 $0xE438  }
0x18e: {  	[tilespmem:s28], [sflag:$0x5] =	stream.linear.gather [spmem:s26], $0x2000, $0x38;
	[tilespmem:$0x1E678] =	vst v63  }
0x18f: {  	_ =	swait.ge [sflag:s0], $0x2020  }
0x190: {  	[sflag:s0] =	ssyncset.done $0x0  }
0x191: {  	s29 =	simm.s32 $0x0;
	[sflag:s0] =	ssyncadd.s32 $0xFFFFDFE0  }
0x192: {  	v0 =	vld.msk [tilespmem:s29+$0xE418], $0x1;
	_ =	sdelay $0x1  }
0x193: {  	s30 =	simm.s32 $0x1  }
0x194: {  	v1 =	vld.msk [tilespmem:s30+$0xE418], $0x1;
	_ =	sdelay $0x1  }
0x195: {  	(v2sf) =	vpush v0, $0x0;
	_ =	sdelay $0x2  }
0x196: {  	(v2sf) =	vpush v1, $0x0;
	_ =	sdelay $0x2  }
0x197: {  	s31 =	simm.s32 $0x2  }
0x198: {  	v0 =	vld.msk [tilespmem:s31+$0xE418], $0x1;
	_ =	sdelay $0x2  }
0x199: {  	s2 =	simm.s32 $0xFFFFFFFF;
	s3 =	simm.s32 $0xFFFFFFFF;
	s0 =	simm.s32 $0xC  }
.LBB2_30:
0x19a: {  	s4 =	smov.u32 s3;
	s5 =	smov.u32 s2  }
0x19b: {  	s2 =	sshra.s32 s0, $0x2;
	p1 =	sne.s32 s0, $0x7C;
	s0 =	sadd.s32 $0x4, s0;
	(v2sf) =	vpush v0, $0x0  }
0x19c: {  	v0 =	vld.msk [tilespmem:s2+$0xE418], $0x1  }
.Ltmp24:
0x19d: {  	(pc) =	sbr.rel @p1 .LBB2_30-.Ltmp24, $4  }
0x19e: {  	s3 =	spop (v2sf)  }
0x19f: {  	p2 =	sne.s32 s5, $0xFFFFFFFF;
	s2 =	smov.u32 s3  }
0x1a0: {  	p3 =	seq.s32 s3, $0xFFFFFFFF;
	s2 =	smov.u32 @p2 s5  }
0x1a1: {  	s3 =	smov.u32 @p3 s4;
	s2 =	smov.u32 @p3 s5  }
0x1a2: {  	(v2sf) =	vpush v0, $0x0;
	_ =	sdelay $0x8  }
0x1a3: {  	s0 =	spop (v2sf)  }
0x1a4: {  	p1 =	sne.s32 s2, $0xFFFFFFFF;
	s9 =	simm.s32 $0x6;
	s4 =	smov.u32 s0  }
0x1a5: {  	s6 =	simm.s32 $0x0;
	p2 =	seq.s32 s0, $0xFFFFFFFF;
	s4 =	smov.u32 @p1 s2  }
0x1a6: {  	s10 =	simm.s32 $0xE308;
	s4 =	smov.u32 @p2 s2;
	s2 =	spop (v2sf)  }
0x1a7: {  	s0 =	smov.u32 @p2 s3;
	p1 =	sne.s32 s4, $0xFFFFFFFF;
	s5 =	smov.u32 s2  }
.Ltmp25:
0x1a8: {  	p2 =	seq.s32 s2, $0xFFFFFFFF;
	s5 =	smov.u32 @p1 s4;
	(pc) =	sbr.rel .LBB2_32-.Ltmp25, $4  }
0x1a9: {  	s11 =	simm.s32 $0xE388;
	s5 =	smov.u32 @p2 s4;
	s7 =	spop (v2sf)  }
0x1aa: {  	s12 =	simm.s32 $0x0;
	p1 =	sne.s32 s5, $0xFFFFFFFF;
	s8 =	smov.u32 s7  }
0x1ab: {  	s2 =	smov.u32 @p2 s0;
	p2 =	seq.s32 s7, $0xFFFFFFFF;
	s8 =	smov.u32 @p1 s5  }
0x1ac: {  	[sflag:s9] =	ssyncpa.u1 $0x0;
	s7 =	smov.u32 @p2 s2;
	s8 =	smov.u32 @p2 s5  }
.LBB2_38:
0x1ad: {  	p1 =	sgt.u32 s0, $0x4FF70  }
0x1ae: {  	p2 =	seq.s32 @!p1 s0, s8  }
0x1af: {  	p1 =	por p1, p2  }
0x1b0: {  	p2 =	sne.s32 @!p1 s0, s7  }
0x1b1: {  	p1 =	por p1, !p2  }
0x1b2: {  	s0 =	sshll.u32 @p1 s12, $0xA  }
0x1b3: {  	s2 =	sand.u32 @!p1 $0x7FFF8, s0;
	s3 =	sand.u32 @!p1 $0x7, s0;
	s0 =	sadd.s32 @!p1 $0x80, s0  }
0x1b4: {  	s2 =	sadd.s32 @!p1 s1, s2;
	s0 =	sand.u32 @!p1 $0xFFFF8, s0  }
0x1b5: {  	[tilespmem:s10], [sflag:$0x6] =	stream.linear.gather @!p1 [hbm4b:s2+s3], $0x80, $0x38;
	[tilespmem:$0x1E678] =	vst v63  }
0x1b6: {  	s0 =	sadd.s32 @!p1 s1, s0  }
0x1b7: {  	[tilespmem:s11], [sflag:$0x6] =	stream.linear.gather @!p1 [hbm4b:s0+s3], $0x80, $0x38;
	[tilespmem:$0x1E678] =	vst v63  }
0x1b8: {  	_ =	swait.ge @!p1 [sflag:s9], $0x100  }
0x1b9: {  	[sflag:s9] =	ssyncset.done @!p1 $0x0  }
0x1ba: {  	[sflag:s9] =	ssyncadd.s32 @!p1 $0xFFFFFF00  }
0x1bb: {  	v1 =	vld @!p1 [tilespmem:$0xE308];
	_ =	sdelay $0x2  }
0x1bc: {  	s0 =	sshll.u32 @!p1 s12, $0xA  }
0x1bd: {  	s2 =	sshrl.u32 @!p1 s0, $0x2  }
0x1be: {  	[tilespmem:s2+$0xE438] =	vst.add.f32.msk @!p1 $0xffff, v1  }
0x1bf: {  	v1 =	vld @!p1 [tilespmem:$0xE318];
	_ =	sdelay $0x4  }
0x1c0: {  	[tilespmem:s2+$0xE448] =	vst.add.f32.msk @!p1 $0xffff, v1  }
0x1c1: {  	v1 =	vld @!p1 [tilespmem:$0xE328];
	_ =	sdelay $0x4  }
0x1c2: {  	[tilespmem:s2+$0xE458] =	vst.add.f32.msk @!p1 $0xffff, v1  }
0x1c3: {  	v1 =	vld @!p1 [tilespmem:$0xE338];
	_ =	sdelay $0x4  }
0x1c4: {  	[tilespmem:s2+$0xE468] =	vst.add.f32.msk @!p1 $0xffff, v1  }
0x1c5: {  	v1 =	vld @!p1 [tilespmem:$0xE348];
	_ =	sdelay $0x4  }
0x1c6: {  	[tilespmem:s2+$0xE478] =	vst.add.f32.msk @!p1 $0xffff, v1  }
0x1c7: {  	v1 =	vld @!p1 [tilespmem:$0xE358];
	_ =	sdelay $0x4  }
0x1c8: {  	[tilespmem:s2+$0xE488] =	vst.add.f32.msk @!p1 $0xffff, v1  }
0x1c9: {  	v1 =	vld @!p1 [tilespmem:$0xE368];
	_ =	sdelay $0x4  }
0x1ca: {  	[tilespmem:s2+$0xE498] =	vst.add.f32.msk @!p1 $0xffff, v1  }
0x1cb: {  	v1 =	vld @!p1 [tilespmem:$0xE378];
	_ =	sdelay $0x4  }
0x1cc: {  	[tilespmem:s2+$0xE4A8] =	vst.add.f32.msk @!p1 $0xffff, v1  }
0x1cd: {  	v1 =	vld @!p1 [tilespmem:$0xE388];
	_ =	sdelay $0x4  }
0x1ce: {  	[tilespmem:s2+$0xE4B8] =	vst.add.f32.msk @!p1 $0xffff, v1  }
0x1cf: {  	v1 =	vld @!p1 [tilespmem:$0xE398];
	_ =	sdelay $0x4  }
0x1d0: {  	[tilespmem:s2+$0xE4C8] =	vst.add.f32.msk @!p1 $0xffff, v1  }
0x1d1: {  	v1 =	vld @!p1 [tilespmem:$0xE3A8];
	_ =	sdelay $0x4  }
0x1d2: {  	[tilespmem:s2+$0xE4D8] =	vst.add.f32.msk @!p1 $0xffff, v1  }
0x1d3: {  	v1 =	vld @!p1 [tilespmem:$0xE3B8];
	_ =	sdelay $0x4  }
0x1d4: {  	[tilespmem:s2+$0xE4E8] =	vst.add.f32.msk @!p1 $0xffff, v1  }
0x1d5: {  	v1 =	vld @!p1 [tilespmem:$0xE3C8];
	_ =	sdelay $0x4  }
0x1d6: {  	[tilespmem:s2+$0xE4F8] =	vst.add.f32.msk @!p1 $0xffff, v1  }
0x1d7: {  	v1 =	vld @!p1 [tilespmem:$0xE3D8];
	_ =	sdelay $0x4  }
0x1d8: {  	[tilespmem:s2+$0xE508] =	vst.add.f32.msk @!p1 $0xffff, v1  }
0x1d9: {  	v1 =	vld @!p1 [tilespmem:$0xE3E8];
	_ =	sdelay $0x4  }
0x1da: {  	[tilespmem:s2+$0xE518] =	vst.add.f32.msk @!p1 $0xffff, v1  }
0x1db: {  	v1 =	vld @!p1 [tilespmem:$0xE3F8];
	_ =	sdelay $0x4  }
0x1dc: {  	[tilespmem:s2+$0xE528] =	vst.add.f32.msk @!p1 $0xffff, v1  }
0x1dd: {  	s0 =	sshrl.u32 s0, $0x2;
	[tilespmem:s6+$0xE418] =	vst.msk $0x1, v0  }
0x1de: {  	v0 =	vld [tilespmem:s0+$0xE438];
	_ =	sdelay $0x2  }
0x1df: {  	s31 =	sshll.u32 s6, $0xA  }
0x1e0: {  	s2 =	sshra.s32 s31, $0x2  }
0x1e1: {  	[tilespmem:s2+$0xE438] =	vst v0  }
0x1e2: {  	v0 =	vld [tilespmem:s0+$0xE448];
	_ =	sdelay $0x4  }
0x1e3: {  	[tilespmem:s2+$0xE448] =	vst v0  }
0x1e4: {  	v0 =	vld [tilespmem:s0+$0xE458];
	_ =	sdelay $0x4  }
0x1e5: {  	[tilespmem:s2+$0xE458] =	vst v0  }
0x1e6: {  	v0 =	vld [tilespmem:s0+$0xE468];
	_ =	sdelay $0x4  }
0x1e7: {  	[tilespmem:s2+$0xE468] =	vst v0  }
0x1e8: {  	v0 =	vld [tilespmem:s0+$0xE478];
	_ =	sdelay $0x4  }
0x1e9: {  	[tilespmem:s2+$0xE478] =	vst v0  }
0x1ea: {  	v0 =	vld [tilespmem:s0+$0xE488];
	_ =	sdelay $0x4  }
0x1eb: {  	[tilespmem:s2+$0xE488] =	vst v0  }
0x1ec: {  	v0 =	vld [tilespmem:s0+$0xE498];
	_ =	sdelay $0x4  }
0x1ed: {  	[tilespmem:s2+$0xE498] =	vst v0  }
0x1ee: {  	v0 =	vld [tilespmem:s0+$0xE4A8];
	_ =	sdelay $0x4  }
0x1ef: {  	[tilespmem:s2+$0xE4A8] =	vst v0  }
0x1f0: {  	v0 =	vld [tilespmem:s0+$0xE4B8];
	_ =	sdelay $0x4  }
0x1f1: {  	[tilespmem:s2+$0xE4B8] =	vst v0  }
0x1f2: {  	v0 =	vld [tilespmem:s0+$0xE4C8];
	_ =	sdelay $0x4  }
0x1f3: {  	[tilespmem:s2+$0xE4C8] =	vst v0  }
0x1f4: {  	v0 =	vld [tilespmem:s0+$0xE4D8];
	_ =	sdelay $0x4  }
0x1f5: {  	[tilespmem:s2+$0xE4D8] =	vst v0  }
0x1f6: {  	v0 =	vld [tilespmem:s0+$0xE4E8];
	_ =	sdelay $0x4  }
0x1f7: {  	[tilespmem:s2+$0xE4E8] =	vst v0  }
0x1f8: {  	v0 =	vld [tilespmem:s0+$0xE4F8];
	_ =	sdelay $0x4  }
0x1f9: {  	[tilespmem:s2+$0xE4F8] =	vst v0  }
0x1fa: {  	v0 =	vld [tilespmem:s0+$0xE508];
	_ =	sdelay $0x4  }
0x1fb: {  	[tilespmem:s2+$0xE508] =	vst v0  }
0x1fc: {  	v0 =	vld [tilespmem:s0+$0xE518];
	_ =	sdelay $0x4  }
0x1fd: {  	[tilespmem:s2+$0xE518] =	vst v0  }
0x1fe: {  	v0 =	vld [tilespmem:s0+$0xE528];
	_ =	sdelay $0x4  }
0x1ff: {  	s6 =	sadd.s32 $0x1, s6;
	[tilespmem:s2+$0xE528] =	vst v0  }
.LBB2_39:
0x200: {  	s12 =	sadd.s32 $0x1, s12  }
0x201: {  	p1 =	sne.s32 s12, $0x20  }
.Ltmp26:
0x202: {  	_ = 	snop;
	(pc) =	sbr.rel @!p1 .LBB2_40-.Ltmp26, $1  }
0x203: {  	_ =	sdelay $0x3  }
.LBB2_32:
0x204: {  	v0 =	vld.msk [tilespmem:s12+$0xE418], $0x1;
	_ =	sdelay $0x4  }
0x205: {  	(v2sf) =	vpush v0, $0x0;
	_ =	sdelay $0xe  }
0x206: {  	s0 =	spop (v2sf)  }
0x207: {  	p1 =	seq.s32 s0, $0xFFFFFFFF  }
.Ltmp27:
0x208: {  	_ = 	snop;
	(pc) =	sbr.rel @p1 .LBB2_39-.Ltmp27, $1  }
0x209: {  	_ =	sdelay $0x3  }
0x20a: {  	p1 =	slt.s32 s6, $0x1  }
.Ltmp28:
0x20b: {  	_ = 	snop;
	(pc) =	sbr.rel @p1 .LBB2_38-.Ltmp28, $1  }
0x20c: {  	_ =	sdelay $0x3  }
0x20d: {  	s4 =	simm.s32 $0xE418;
	p1 =	por $0x0, $0x0  }
0x20e: {  	v1 =	vld.msk @!p1 [tilespmem:s4+$0x0], $0x1;
	_ =	sdelay $0x4  }
0x20f: {  	(v2sf) =	vpush @!p1 v1, $0x0;
	_ =	sdelay $0xd  }
0x210: {  	p3 =	sne.s32 s6, $0x1  }
.Ltmp29:
0x211: {  	s2 =	spop @!p1 (v2sf);
	(pc) =	sbr.rel @!p3 .LBB2_36-.Ltmp29, $4  }
0x212: {  	p2 =	seq.s32 @!p1 s0, s2  }
0x213: {  	s5 =	simm.s32 $0x0;
	p2 =	por !p2, p1  }
0x214: {  	s2 =	simm.s32 $0xFFFFFFFF;
	s5 =	simm.s32 @p2 $0xFFFFFFFF  }
0x215: {  	s13 =	simm.s32 $0x1;
	s5 =	smov.u32 @p1 s2  }
.LBB2_35:
0x216: {  	s2 =	smov.u32 s5;
	p1 =	sne.s32 s5, $0xFFFFFFFF  }
0x217: {  	s4 =	sadd.s32 $0x1, s4;
	s5 =	smov.u32 s13;
	s13 =	sadd.s32 $0x1, s13  }
0x218: {  	p2 =	sne.s32 s6, s13;
	v1 =	vld.msk @!p1 [tilespmem:s4+$0x0], $0x1;
	_ =	sdelay $0x4  }
0x219: {  	(v2sf) =	vpush @!p1 v1, $0x0;
	_ =	sdelay $0xe  }
.Ltmp30:
0x21a: {  	s3 =	spop @!p1 (v2sf);
	(pc) =	sbr.rel @p2 .LBB2_35-.Ltmp30, $4  }
0x21b: {  	p3 =	seq.s32 @!p1 s0, s3  }
0x21c: {  	p3 =	por !p3, p1  }
0x21d: {  	s5 =	simm.s32 @p3 $0xFFFFFFFF  }
0x21e: {  	s5 =	smov.u32 @p1 s2  }
.LBB2_36:
0x21f: {  	p1 =	seq.s32 s5, $0xFFFFFFFF  }
.Ltmp31:
0x220: {  	_ = 	snop;
	(pc) =	sbr.rel @p1 .LBB2_38-.Ltmp31, $1  }
0x221: {  	_ =	sdelay $0x3  }
0x222: {  	s0 =	sshll.u32 s12, $0x8  }
0x223: {  	s0 =	sand.u32 $0x3FFFFF00, s0  }
0x224: {  	v0 =	vld [tilespmem:s0+$0xE438];
	_ =	sdelay $0x2  }
0x225: {  	s2 =	sshll.u32 s5, $0xA  }
0x226: {  	s2 =	sshra.s32 s2, $0x2  }
0x227: {  	[tilespmem:s2+$0xE438] =	vst.add.f32.msk $0xffff, v0  }
0x228: {  	v0 =	vld [tilespmem:s0+$0xE448];
	_ =	sdelay $0x4  }
0x229: {  	[tilespmem:s2+$0xE448] =	vst.add.f32.msk $0xffff, v0  }
0x22a: {  	v0 =	vld [tilespmem:s0+$0xE458];
	_ =	sdelay $0x4  }
0x22b: {  	[tilespmem:s2+$0xE458] =	vst.add.f32.msk $0xffff, v0  }
0x22c: {  	v0 =	vld [tilespmem:s0+$0xE468];
	_ =	sdelay $0x4  }
0x22d: {  	[tilespmem:s2+$0xE468] =	vst.add.f32.msk $0xffff, v0  }
0x22e: {  	v0 =	vld [tilespmem:s0+$0xE478];
	_ =	sdelay $0x4  }
0x22f: {  	[tilespmem:s2+$0xE478] =	vst.add.f32.msk $0xffff, v0  }
0x230: {  	v0 =	vld [tilespmem:s0+$0xE488];
	_ =	sdelay $0x4  }
0x231: {  	[tilespmem:s2+$0xE488] =	vst.add.f32.msk $0xffff, v0  }
0x232: {  	v0 =	vld [tilespmem:s0+$0xE498];
	_ =	sdelay $0x4  }
0x233: {  	[tilespmem:s2+$0xE498] =	vst.add.f32.msk $0xffff, v0  }
0x234: {  	v0 =	vld [tilespmem:s0+$0xE4A8];
	_ =	sdelay $0x4  }
0x235: {  	[tilespmem:s2+$0xE4A8] =	vst.add.f32.msk $0xffff, v0  }
0x236: {  	v0 =	vld [tilespmem:s0+$0xE4B8];
	_ =	sdelay $0x4  }
0x237: {  	[tilespmem:s2+$0xE4B8] =	vst.add.f32.msk $0xffff, v0  }
0x238: {  	v0 =	vld [tilespmem:s0+$0xE4C8];
	_ =	sdelay $0x4  }
0x239: {  	[tilespmem:s2+$0xE4C8] =	vst.add.f32.msk $0xffff, v0  }
0x23a: {  	v0 =	vld [tilespmem:s0+$0xE4D8];
	_ =	sdelay $0x4  }
0x23b: {  	[tilespmem:s2+$0xE4D8] =	vst.add.f32.msk $0xffff, v0  }
0x23c: {  	v0 =	vld [tilespmem:s0+$0xE4E8];
	_ =	sdelay $0x4  }
0x23d: {  	[tilespmem:s2+$0xE4E8] =	vst.add.f32.msk $0xffff, v0  }
0x23e: {  	v0 =	vld [tilespmem:s0+$0xE4F8];
	_ =	sdelay $0x4  }
0x23f: {  	[tilespmem:s2+$0xE4F8] =	vst.add.f32.msk $0xffff, v0  }
0x240: {  	v0 =	vld [tilespmem:s0+$0xE508];
	_ =	sdelay $0x4  }
0x241: {  	[tilespmem:s2+$0xE508] =	vst.add.f32.msk $0xffff, v0  }
0x242: {  	v0 =	vld [tilespmem:s0+$0xE518];
	_ =	sdelay $0x4  }
0x243: {  	[tilespmem:s2+$0xE518] =	vst.add.f32.msk $0xffff, v0  }
0x244: {  	v0 =	vld [tilespmem:s0+$0xE528]  }
.Ltmp32:
0x245: {  	_ = 	snop;
	(pc) =	sbr.rel .LBB2_39-.Ltmp32, $2  }
0x246: {  	_ =	sdelay $0x2  }
0x247: {  	[tilespmem:s2+$0xE528] =	vst.add.f32.msk $0xffff, v0  }
.LBB2_40:
0x248: {  	s0 =	simm.s32 $0x6;
	p1 =	seq.s32 s6, $0x0  }
0x249: {  	[sflag:s0] =	ssyncpa.u1 $0x1;
	v0 =	vimm.s32 @p1 $0xFFFFFFFF  }
0x24a: {  	s0 =	sadd.s32 $0xFFFFFFFF, s6;
	[tilespmem:$0x10438] =	vst @p1 v0  }
0x24b: {  	v0 =	vld.msk @!p1 [tilespmem:s0+$0xE418], $0x1;
	_ =	sdelay $0x1  }
0x24c: {  	v1 =	vld.msk @!p1 [tilespmem:$0xE418], $0x1;
	_ =	sdelay $0x2  }
0x24d: {  	p2 =	seq.s32 @!p1 s0, $0x0;
	v0 =	vbroadcast @!p1 v0, $0x0  }
0x24e: {  	vm0 =	vmmov @!p1 $0x1;
	p2 =	por !p2, p1  }
0x24f: {  	v1 =	vnsel @!p1 vm0, $0xFFFFFFFF, v1;
	vm0 =	vcmask @!p1 $0x308;
	v0 =	vpsel !p2, $0xFFFFFFFF, v0  }
0x250: {  	p2 =	sne.s32 @!p1 s8, s7;
	v0 =	vsel @!p1 vm0, v1, v0  }
0x251: {  	s2 =	simm.s32 @!p1 $0xE438;
	s3 =	simm.s32 @!p1 $0x0;
	p3 =	por !p2, p1;
	[tilespmem:$0x10438] =	vst @!p1 v0  }
0x252: {  	[spmem:s3] =	stream.linear.scatter @!p1 [tilespmem:s2], [sflag:$0x1], $0x100, $0x38;
	[tilespmem:$0x1E678] =	vst v63  }
0x253: {  	s2 =	sshll.u32 @!p3 s0, $0xA  }
0x254: {  	s2 =	sshra.s32 @!p3 s2, $0x2  }
0x255: {  	s3 =	simm.s32 @!p3 $0x100;
	s2 =	sadd.s32 @!p3 $0xE438, s2  }
0x256: {  	[spmem:s3] =	stream.linear.scatter @!p3 [tilespmem:s2], [sflag:$0x1], $0x100, $0x38;
	[tilespmem:$0x1E678] =	vst v63  }
0x257: {  	s2 =	simm.s32 @!p3 $0x1  }
0x258: {  	_ =	swait.ge @!p3 [sflag:s2], $0x200  }
0x259: {  	p1 =	por p2, p1;
	[sflag:s2] =	ssyncset.done @!p3 $0x0  }
0x25a: {  	[sflag:s2] =	ssyncadd.s32 @!p3 $0xFFFFFE00;
	s2 =	simm.s32 @!p1 $0x1  }
0x25b: {  	_ =	swait.ge @!p1 [sflag:s2], $0x100  }
0x25c: {  	s29 =	simm.s32 $0x10438;
	[sflag:s2] =	ssyncset.done @!p1 $0x0  }
0x25d: {  	s30 =	simm.s32 $0x2000;
	s31 =	simm.s32 $0x1;
	[sflag:s2] =	ssyncadd.s32 @!p1 $0xFFFFFF00  }
0x25e: {  	[spmem:s30] =	stream.linear.scatter [tilespmem:s29], [sflag:$0x1], $0x10, $0x38;
	[tilespmem:$0x1E678] =	vst v63  }
0x25f: {  	_ =	swait.ge [sflag:s31], $0x10  }
0x260: {  	[sflag:s31] =	ssyncset.done $0x0  }
0x261: {  	p1 =	seq.s32 s14, $0x0;
	s9 =	rddreg [dreg:$0x1];
	[sflag:s31] =	ssyncadd.s32 $0xFFFFFFF0  }
0x262: {  	s3 =	sshll.u32 @p1 s9, $0xE;
	s8 =	rddreg [dreg:$0x2]  }
0x263: {  	s2 =	sadd.s32 @p1 $0x15C3C, s3;
	s3 =	sshll.u32 @p1 s8, $0x11  }
0x264: {  	_ =	sfence.stream.spmem;
	s2 =	sor.u32 @p1 s3, s2  }
0x265: {  	[sflag:s2] =	ssyncadd.remote.s32 @p1 $0x1;
	s2 =	simm.s32 @p1 $0x4  }
0x266: {  	s4 =	simm.s32 @!p1 $0x3C;
	s3 =	sand.u32 $0xFFFFFFFE, s9;
	_ =	swait.ge @p1 [sflag:s2], $0x42  }
0x267: {  	s5 =	simm.s32 @!p1 $0x0;
	s3 =	sadd.s32 @!p1 $0x4, s3;
	[sflag:s2] =	ssyncset.done @p1 $0x0  }
0x268: {  	s7 =	simm.s32 @!p1 $0x200;
	[sflag:s2] =	ssyncadd.s32 @p1 $0xFFFFFFBE;
	s2 =	sshll.u32 @!p1 s3, $0x1A  }
0x269: {  	s3 =	sshll.u32 @!p1 s3, $0xD;
	s2 =	sor.u32 @!p1 s2, s8;
	_ =	swait.eq @!p1 [sflag:s4], $0x1  }
0x26a: {  	s3 =	sor.u32 @!p1 $0x1C04, s3;
	s4 =	simm.s32 @!p1 $0x1C03;
	s2 =	sor.u32 @!p1 $0x80004000, s2  }
0x26b: {  	[spmem:s7], [sflag:s3] =	dma.general @!p1 [spmem:s5], [sflag:s4], length:$0x40, [dreg:$0x0], stride_count:$0x0, ici_dest:s2, dma_misc:DstOpCode:WRITE  }
0x26c: {  	p2 =	slt.s32 s0, $0x2;
	s5 =	simm.s32 @!p1 $0x400;
	s7 =	simm.s32 @!p1 $0x402  }
0x26d: {  	[spmem:s7], [sflag:s3] =	dma.general @!p1 [spmem:s5], [sflag:s4], length:$0x2, [dreg:$0x0], stride_count:$0x0, ici_dest:s2, dma_misc:DstOpCode:WRITE  }
.Ltmp33:
0x26e: {  	s2 =	simm.s32 @!p1 $0x3;
	(pc) =	sbr.rel @p2 .LBB2_44-.Ltmp33, $4  }
0x26f: {  	s3 =	sshll.u32 @!p1 s9, $0xE;
	_ =	swait.ge @!p1 [sflag:s2], $0x42  }
0x270: {  	s4 =	sshll.u32 @!p1 s8, $0x11;
	s3 =	sadd.s32 @!p1 $0x11C3C, s3;
	[sflag:s2] =	ssyncset.done @!p1 $0x0  }
0x271: {  	[sflag:s2] =	ssyncadd.s32 @!p1 $0xFFFFFFBE;
	s2 =	sor.u32 @!p1 s4, s3  }
0x272: {  	s0 =	simm.s32 $0x0;
	[sflag:s2] =	ssyncadd.remote.s32 @!p1 $0xFFFFFFFF  }
0x273: {  	s0 =	simm.s32 $0xE419  }
0x274: {  	v0 =	vld.msk [tilespmem:s0+$0x0], $0x1;
	_ =	sdelay $0x4  }
0x275: {  	(v2sf) =	vpush v0, $0x0;
	_ =	sdelay $0xd  }
0x276: {  	s31 =	sadd.s32 $0xFFFFFFFE, s6  }
0x277: {  	s6 =	simm.s32 $0x0;
	s0 =	sadd.s32 $0xFFFFFFFF, s31;
	s2 =	spop (v2sf)  }
0x278: {  	s3 =	simm.s32 $0xE538;
	p1 =	sne.s32 s0, $0x0;
	p2 =	sgt.u32 s2, $0x4FF70  }
.Ltmp34:
0x279: {  	s4 =	simm.s32 $0xE638;
	s5 =	sand.u32 @!p2 $0x7FFF8, s2;
	(pc) =	sbr.rel @!p1 .LBB2_43-.Ltmp34, $4  }
0x27a: {  	s7 =	sadd.s32 @!p2 $0x80, s2;
	s2 =	sand.u32 @!p2 $0x7, s2;
	s6 =	simm.s32 @!p2 $0x400  }
0x27b: {  	s5 =	sadd.s32 @!p2 s1, s5;
	s7 =	sand.u32 @!p2 $0xFFFF8, s7;
	s6 =	sadd.s32 $0x0, s6  }
0x27c: {  	[hbm4b:s5+s2] =	stream.linear.scatter @!p2 [tilespmem:s3], [sflag:$0x5], $0x80, $0x38;
	[tilespmem:$0x1E678] =	vst v63  }
0x27d: {  	s5 =	simm.s32 $0xE41A;
	s3 =	simm.s32 @!p2 $0xE5B8;
	s7 =	sadd.s32 @!p2 s1, s7  }
.LBB2_42:
0x27e: {  	[hbm4b:s7+s2] =	stream.linear.scatter @!p2 [tilespmem:s3], [sflag:$0x5], $0x80, $0x38;
	[tilespmem:$0x1E678] =	vst v63  }
0x27f: {  	s0 =	sadd.s32 $0xFFFFFFFF, s0;
	s3 =	smov.u32 s4;
	v0 =	vld.msk [tilespmem:s5+$0x0], $0x1  }
0x280: {  	p1 =	sne.s32 s0, $0x0;
	_ =	sdelay $0x3  }
0x281: {  	(v2sf) =	vpush v0, $0x0;
	_ =	sdelay $0xe  }
0x282: {  	s4 =	sadd.s32 $0x100, s4;
	s8 =	simm.s32 $0x0;
	s2 =	spop (v2sf)  }
.Ltmp35:
0x283: {  	s5 =	sadd.s32 $0x1, s5;
	p2 =	sgt.u32 s2, $0x4FF70;
	(pc) =	sbr.rel @p1 .LBB2_42-.Ltmp35, $4  }
0x284: {  	s8 =	simm.s32 @!p2 $0x400;
	s7 =	sand.u32 @!p2 $0x7FFF8, s2;
	s9 =	sadd.s32 @!p2 $0x80, s2  }
0x285: {  	s2 =	sand.u32 @!p2 $0x7, s2;
	s7 =	sadd.s32 @!p2 s1, s7;
	s9 =	sand.u32 @!p2 $0xFFFF8, s9  }
0x286: {  	[hbm4b:s7+s2] =	stream.linear.scatter @!p2 [tilespmem:s3], [sflag:$0x5], $0x80, $0x38;
	[tilespmem:$0x1E678] =	vst v63  }
0x287: {  	s6 =	sadd.s32 s6, s8;
	s3 =	sadd.s32 @!p2 $0x80, s3;
	s7 =	sadd.s32 @!p2 s1, s9  }
.LBB2_43:
0x288: {  	[hbm4b:s7+s2] =	stream.linear.scatter @!p2 [tilespmem:s3], [sflag:$0x5], $0x80, $0x38;
	[tilespmem:$0x1E678] =	vst v63  }
0x289: {  	s0 =	sshrl.u32 s6, $0x2  }
.LBB2_44:
0x28a: {  	s2 =	simm.s32 $0x5  }
0x28b: {  	_ =	swait.ge [sflag:s2], s0  }
0x28c: {  	s31 =	ssub.s32 $0x0, s0;
	[sflag:s2] =	ssyncset.done $0x0  }
0x28d: {  	[sflag:s2] =	ssyncadd.s32 s31  }
0x28e: {  	[sflag:s2] =	ssyncpa.u1 $0x1  }
.LBB2_45:
0x28f: {  	s0 =	sor.u32 s14, s15  }
0x290: {  	p1 =	sne.s32 s0, $0x0  }
.Ltmp36:
0x291: {  	_ = 	snop;
	(pc) =	sbr.rel @p1 .LBB2_60-.Ltmp36, $3  }
0x292: {  	_ =	sdelay $0x1  }
0x293: {  	[bflag:$0x0] =	sbarrier.arrive $0xFFFF  }
0x294: {  	_ =	sfence  }
0x295: {  	s0 =	simm.s32 $0x7  }
0x296: {  	s2 =	simm.s32 $0x2000;
	s3 =	simm.s32 $0xE418;
	[sflag:s0] =	ssyncpa.u1 $0x0  }
0x297: {  	[tilespmem:s3], [sflag:$0x7] =	stream.linear.gather [spmem:s2], $0x20, $0x38;
	[tilespmem:$0x1E678] =	vst v63  }
0x298: {  	s30 =	simm.s32 $0xE438;
	s2 =	simm.s32 $0x0  }
0x299: {  	[tilespmem:s30], [sflag:$0x7] =	stream.linear.gather [spmem:s2], $0x2000, $0x38;
	[tilespmem:$0x1E678] =	vst v63  }
.Ltmp37:
0x29a: {  	_ = 	snop;
	(pc) =	sbr.rel .LBB2_47-.Ltmp37, $4  }
0x29b: {  	_ =	swait.ge [sflag:s0], $0x2020  }
0x29c: {  	[sflag:s0] =	ssyncset.done $0x0  }
0x29d: {  	s31 =	simm.s32 $0x8;
	[sflag:s0] =	ssyncadd.s32 $0xFFFFDFE0  }
0x29e: {  	s3 =	simm.s32 $0x0;
	[sflag:s31] =	ssyncpa.u1 $0x0  }
.LBB2_53:
0x29f: {  	p1 =	slt.u32 s0, $0x4FF71  }
0x2a0: {  	s4 =	sand.u32 @p1 $0x7FFF8, s0;
	s5 =	sand.u32 @p1 $0x7, s0;
	s0 =	sadd.s32 @p1 $0x80, s0  }
0x2a1: {  	s6 =	simm.s32 @p1 $0xE308;
	s4 =	sadd.s32 @p1 s1, s4;
	s0 =	sand.u32 @p1 $0xFFFF8, s0  }
0x2a2: {  	[tilespmem:s6], [sflag:$0x8] =	stream.linear.gather @p1 [hbm4b:s4+s5], $0x80, $0x38;
	[tilespmem:$0x1E678] =	vst v63  }
0x2a3: {  	s0 =	sadd.s32 @p1 s1, s0;
	s4 =	simm.s32 @p1 $0xE388  }
0x2a4: {  	[tilespmem:s4], [sflag:$0x8] =	stream.linear.gather @p1 [hbm4b:s0+s5], $0x80, $0x38;
	[tilespmem:$0x1E678] =	vst v63  }
0x2a5: {  	s0 =	simm.s32 @p1 $0x8  }
0x2a6: {  	_ =	swait.ge @p1 [sflag:s0], $0x100  }
0x2a7: {  	[sflag:s0] =	ssyncset.done @p1 $0x0  }
0x2a8: {  	[sflag:s0] =	ssyncadd.s32 @p1 $0xFFFFFF00  }
0x2a9: {  	v1 =	vld @p1 [tilespmem:$0xE308];
	_ =	sdelay $0x2  }
0x2aa: {  	s0 =	sshll.u32 @p1 s3, $0xA  }
0x2ab: {  	s4 =	sshrl.u32 @p1 s0, $0x2  }
0x2ac: {  	[tilespmem:s4+$0xE438] =	vst.add.f32.msk @p1 $0xffff, v1  }
0x2ad: {  	v1 =	vld @p1 [tilespmem:$0xE318];
	_ =	sdelay $0x4  }
0x2ae: {  	[tilespmem:s4+$0xE448] =	vst.add.f32.msk @p1 $0xffff, v1  }
0x2af: {  	v1 =	vld @p1 [tilespmem:$0xE328];
	_ =	sdelay $0x4  }
0x2b0: {  	[tilespmem:s4+$0xE458] =	vst.add.f32.msk @p1 $0xffff, v1  }
0x2b1: {  	v1 =	vld @p1 [tilespmem:$0xE338];
	_ =	sdelay $0x4  }
0x2b2: {  	[tilespmem:s4+$0xE468] =	vst.add.f32.msk @p1 $0xffff, v1  }
0x2b3: {  	v1 =	vld @p1 [tilespmem:$0xE348];
	_ =	sdelay $0x4  }
0x2b4: {  	[tilespmem:s4+$0xE478] =	vst.add.f32.msk @p1 $0xffff, v1  }
0x2b5: {  	v1 =	vld @p1 [tilespmem:$0xE358];
	_ =	sdelay $0x4  }
0x2b6: {  	[tilespmem:s4+$0xE488] =	vst.add.f32.msk @p1 $0xffff, v1  }
0x2b7: {  	v1 =	vld @p1 [tilespmem:$0xE368];
	_ =	sdelay $0x4  }
0x2b8: {  	[tilespmem:s4+$0xE498] =	vst.add.f32.msk @p1 $0xffff, v1  }
0x2b9: {  	v1 =	vld @p1 [tilespmem:$0xE378];
	_ =	sdelay $0x4  }
0x2ba: {  	[tilespmem:s4+$0xE4A8] =	vst.add.f32.msk @p1 $0xffff, v1  }
0x2bb: {  	v1 =	vld @p1 [tilespmem:$0xE388];
	_ =	sdelay $0x4  }
0x2bc: {  	[tilespmem:s4+$0xE4B8] =	vst.add.f32.msk @p1 $0xffff, v1  }
0x2bd: {  	v1 =	vld @p1 [tilespmem:$0xE398];
	_ =	sdelay $0x4  }
0x2be: {  	[tilespmem:s4+$0xE4C8] =	vst.add.f32.msk @p1 $0xffff, v1  }
0x2bf: {  	v1 =	vld @p1 [tilespmem:$0xE3A8];
	_ =	sdelay $0x4  }
0x2c0: {  	[tilespmem:s4+$0xE4D8] =	vst.add.f32.msk @p1 $0xffff, v1  }
0x2c1: {  	v1 =	vld @p1 [tilespmem:$0xE3B8];
	_ =	sdelay $0x4  }
0x2c2: {  	[tilespmem:s4+$0xE4E8] =	vst.add.f32.msk @p1 $0xffff, v1  }
0x2c3: {  	v1 =	vld @p1 [tilespmem:$0xE3C8];
	_ =	sdelay $0x4  }
0x2c4: {  	[tilespmem:s4+$0xE4F8] =	vst.add.f32.msk @p1 $0xffff, v1  }
0x2c5: {  	v1 =	vld @p1 [tilespmem:$0xE3D8];
	_ =	sdelay $0x4  }
0x2c6: {  	[tilespmem:s4+$0xE508] =	vst.add.f32.msk @p1 $0xffff, v1  }
0x2c7: {  	v1 =	vld @p1 [tilespmem:$0xE3E8];
	_ =	sdelay $0x4  }
0x2c8: {  	[tilespmem:s4+$0xE518] =	vst.add.f32.msk @p1 $0xffff, v1  }
0x2c9: {  	v1 =	vld @p1 [tilespmem:$0xE3F8];
	_ =	sdelay $0x3  }
0x2ca: {  	s5 =	sshll.u32 @!p1 s3, $0xA  }
0x2cb: {  	s5 =	smov.u32 @p1 s0;
	[tilespmem:s4+$0xE528] =	vst.add.f32.msk @p1 $0xffff, v1  }
0x2cc: {  	s0 =	sshrl.u32 s5, $0x2;
	[tilespmem:s2+$0xE418] =	vst.msk $0x1, v0  }
0x2cd: {  	v0 =	vld [tilespmem:s0+$0xE438];
	_ =	sdelay $0x2  }
0x2ce: {  	s31 =	sshll.u32 s2, $0xA  }
0x2cf: {  	s4 =	sshra.s32 s31, $0x2  }
0x2d0: {  	[tilespmem:s4+$0xE438] =	vst v0  }
0x2d1: {  	v0 =	vld [tilespmem:s0+$0xE448];
	_ =	sdelay $0x4  }
0x2d2: {  	[tilespmem:s4+$0xE448] =	vst v0  }
0x2d3: {  	v0 =	vld [tilespmem:s0+$0xE458];
	_ =	sdelay $0x4  }
0x2d4: {  	[tilespmem:s4+$0xE458] =	vst v0  }
0x2d5: {  	v0 =	vld [tilespmem:s0+$0xE468];
	_ =	sdelay $0x4  }
0x2d6: {  	[tilespmem:s4+$0xE468] =	vst v0  }
0x2d7: {  	v0 =	vld [tilespmem:s0+$0xE478];
	_ =	sdelay $0x4  }
0x2d8: {  	[tilespmem:s4+$0xE478] =	vst v0  }
0x2d9: {  	v0 =	vld [tilespmem:s0+$0xE488];
	_ =	sdelay $0x4  }
0x2da: {  	[tilespmem:s4+$0xE488] =	vst v0  }
0x2db: {  	v0 =	vld [tilespmem:s0+$0xE498];
	_ =	sdelay $0x4  }
0x2dc: {  	[tilespmem:s4+$0xE498] =	vst v0  }
0x2dd: {  	v0 =	vld [tilespmem:s0+$0xE4A8];
	_ =	sdelay $0x4  }
0x2de: {  	[tilespmem:s4+$0xE4A8] =	vst v0  }
0x2df: {  	v0 =	vld [tilespmem:s0+$0xE4B8];
	_ =	sdelay $0x4  }
0x2e0: {  	[tilespmem:s4+$0xE4B8] =	vst v0  }
0x2e1: {  	v0 =	vld [tilespmem:s0+$0xE4C8];
	_ =	sdelay $0x4  }
0x2e2: {  	[tilespmem:s4+$0xE4C8] =	vst v0  }
0x2e3: {  	v0 =	vld [tilespmem:s0+$0xE4D8];
	_ =	sdelay $0x4  }
0x2e4: {  	[tilespmem:s4+$0xE4D8] =	vst v0  }
0x2e5: {  	v0 =	vld [tilespmem:s0+$0xE4E8];
	_ =	sdelay $0x4  }
0x2e6: {  	[tilespmem:s4+$0xE4E8] =	vst v0  }
0x2e7: {  	v0 =	vld [tilespmem:s0+$0xE4F8];
	_ =	sdelay $0x4  }
0x2e8: {  	[tilespmem:s4+$0xE4F8] =	vst v0  }
0x2e9: {  	v0 =	vld [tilespmem:s0+$0xE508];
	_ =	sdelay $0x4  }
0x2ea: {  	[tilespmem:s4+$0xE508] =	vst v0  }
0x2eb: {  	v0 =	vld [tilespmem:s0+$0xE518];
	_ =	sdelay $0x4  }
0x2ec: {  	[tilespmem:s4+$0xE518] =	vst v0  }
0x2ed: {  	v0 =	vld [tilespmem:s0+$0xE528];
	_ =	sdelay $0x4  }
0x2ee: {  	s2 =	sadd.s32 $0x1, s2;
	[tilespmem:s4+$0xE528] =	vst v0  }
.LBB2_54:
0x2ef: {  	s3 =	sadd.s32 $0x1, s3  }
0x2f0: {  	p1 =	sne.s32 s3, $0x20  }
.Ltmp38:
0x2f1: {  	_ = 	snop;
	(pc) =	sbr.rel @!p1 .LBB2_55-.Ltmp38, $1  }
0x2f2: {  	_ =	sdelay $0x3  }
.LBB2_47:
0x2f3: {  	v0 =	vld.msk [tilespmem:s3+$0xE418], $0x1;
	_ =	sdelay $0x4  }
0x2f4: {  	(v2sf) =	vpush v0, $0x0;
	_ =	sdelay $0xe  }
0x2f5: {  	s0 =	spop (v2sf)  }
0x2f6: {  	p1 =	seq.s32 s0, $0xFFFFFFFF  }
.Ltmp39:
0x2f7: {  	_ = 	snop;
	(pc) =	sbr.rel @p1 .LBB2_54-.Ltmp39, $1  }
0x2f8: {  	_ =	sdelay $0x3  }
0x2f9: {  	p1 =	slt.s32 s2, $0x1  }
.Ltmp40:
0x2fa: {  	_ = 	snop;
	(pc) =	sbr.rel @p1 .LBB2_53-.Ltmp40, $1  }
0x2fb: {  	_ =	sdelay $0x3  }
0x2fc: {  	s4 =	simm.s32 $0xE418;
	p1 =	por $0x0, $0x0  }
0x2fd: {  	v1 =	vld.msk @!p1 [tilespmem:s4+$0x0], $0x1;
	_ =	sdelay $0x4  }
0x2fe: {  	(v2sf) =	vpush @!p1 v1, $0x0;
	_ =	sdelay $0xd  }
0x2ff: {  	p3 =	sne.s32 s2, $0x1  }
.Ltmp41:
0x300: {  	s5 =	spop @!p1 (v2sf);
	(pc) =	sbr.rel @!p3 .LBB2_51-.Ltmp41, $4  }
0x301: {  	p2 =	seq.s32 @!p1 s0, s5  }
0x302: {  	s5 =	simm.s32 $0x0;
	p2 =	por !p2, p1  }
0x303: {  	s7 =	simm.s32 $0xFFFFFFFF;
	s5 =	simm.s32 @p2 $0xFFFFFFFF  }
0x304: {  	s6 =	simm.s32 $0x1;
	s5 =	smov.u32 @p1 s7  }
.LBB2_50:
0x305: {  	s7 =	smov.u32 s5;
	p1 =	sne.s32 s5, $0xFFFFFFFF  }
0x306: {  	s4 =	sadd.s32 $0x1, s4;
	s5 =	smov.u32 s6;
	s6 =	sadd.s32 $0x1, s6  }
0x307: {  	p2 =	sne.s32 s2, s6;
	v1 =	vld.msk @!p1 [tilespmem:s4+$0x0], $0x1;
	_ =	sdelay $0x4  }
0x308: {  	(v2sf) =	vpush @!p1 v1, $0x0;
	_ =	sdelay $0xe  }
.Ltmp42:
0x309: {  	s8 =	spop @!p1 (v2sf);
	(pc) =	sbr.rel @p2 .LBB2_50-.Ltmp42, $4  }
0x30a: {  	p3 =	seq.s32 @!p1 s0, s8  }
0x30b: {  	p3 =	por !p3, p1  }
0x30c: {  	s5 =	simm.s32 @p3 $0xFFFFFFFF  }
0x30d: {  	s5 =	smov.u32 @p1 s7  }
.LBB2_51:
0x30e: {  	p1 =	seq.s32 s5, $0xFFFFFFFF  }
.Ltmp43:
0x30f: {  	_ = 	snop;
	(pc) =	sbr.rel @p1 .LBB2_53-.Ltmp43, $1  }
0x310: {  	_ =	sdelay $0x3  }
0x311: {  	s0 =	sshll.u32 s3, $0x8  }
0x312: {  	s0 =	sand.u32 $0x3FFFFF00, s0  }
0x313: {  	v0 =	vld [tilespmem:s0+$0xE438];
	_ =	sdelay $0x2  }
0x314: {  	s4 =	sshll.u32 s5, $0xA  }
0x315: {  	s4 =	sshra.s32 s4, $0x2  }
0x316: {  	[tilespmem:s4+$0xE438] =	vst.add.f32.msk $0xffff, v0  }
0x317: {  	v0 =	vld [tilespmem:s0+$0xE448];
	_ =	sdelay $0x4  }
0x318: {  	[tilespmem:s4+$0xE448] =	vst.add.f32.msk $0xffff, v0  }
0x319: {  	v0 =	vld [tilespmem:s0+$0xE458];
	_ =	sdelay $0x4  }
0x31a: {  	[tilespmem:s4+$0xE458] =	vst.add.f32.msk $0xffff, v0  }
0x31b: {  	v0 =	vld [tilespmem:s0+$0xE468];
	_ =	sdelay $0x4  }
0x31c: {  	[tilespmem:s4+$0xE468] =	vst.add.f32.msk $0xffff, v0  }
0x31d: {  	v0 =	vld [tilespmem:s0+$0xE478];
	_ =	sdelay $0x4  }
0x31e: {  	[tilespmem:s4+$0xE478] =	vst.add.f32.msk $0xffff, v0  }
0x31f: {  	v0 =	vld [tilespmem:s0+$0xE488];
	_ =	sdelay $0x4  }
0x320: {  	[tilespmem:s4+$0xE488] =	vst.add.f32.msk $0xffff, v0  }
0x321: {  	v0 =	vld [tilespmem:s0+$0xE498];
	_ =	sdelay $0x4  }
0x322: {  	[tilespmem:s4+$0xE498] =	vst.add.f32.msk $0xffff, v0  }
0x323: {  	v0 =	vld [tilespmem:s0+$0xE4A8];
	_ =	sdelay $0x4  }
0x324: {  	[tilespmem:s4+$0xE4A8] =	vst.add.f32.msk $0xffff, v0  }
0x325: {  	v0 =	vld [tilespmem:s0+$0xE4B8];
	_ =	sdelay $0x4  }
0x326: {  	[tilespmem:s4+$0xE4B8] =	vst.add.f32.msk $0xffff, v0  }
0x327: {  	v0 =	vld [tilespmem:s0+$0xE4C8];
	_ =	sdelay $0x4  }
0x328: {  	[tilespmem:s4+$0xE4C8] =	vst.add.f32.msk $0xffff, v0  }
0x329: {  	v0 =	vld [tilespmem:s0+$0xE4D8];
	_ =	sdelay $0x4  }
0x32a: {  	[tilespmem:s4+$0xE4D8] =	vst.add.f32.msk $0xffff, v0  }
0x32b: {  	v0 =	vld [tilespmem:s0+$0xE4E8];
	_ =	sdelay $0x4  }
0x32c: {  	[tilespmem:s4+$0xE4E8] =	vst.add.f32.msk $0xffff, v0  }
0x32d: {  	v0 =	vld [tilespmem:s0+$0xE4F8];
	_ =	sdelay $0x4  }
0x32e: {  	[tilespmem:s4+$0xE4F8] =	vst.add.f32.msk $0xffff, v0  }
0x32f: {  	v0 =	vld [tilespmem:s0+$0xE508];
	_ =	sdelay $0x4  }
0x330: {  	[tilespmem:s4+$0xE508] =	vst.add.f32.msk $0xffff, v0  }
0x331: {  	v0 =	vld [tilespmem:s0+$0xE518];
	_ =	sdelay $0x4  }
0x332: {  	[tilespmem:s4+$0xE518] =	vst.add.f32.msk $0xffff, v0  }
0x333: {  	v0 =	vld [tilespmem:s0+$0xE528]  }
.Ltmp44:
0x334: {  	_ = 	snop;
	(pc) =	sbr.rel .LBB2_54-.Ltmp44, $2  }
0x335: {  	_ =	sdelay $0x2  }
0x336: {  	[tilespmem:s4+$0xE528] =	vst.add.f32.msk $0xffff, v0  }
.LBB2_55:
0x337: {  	p1 =	slt.s32 s2, $0x1  }
.Ltmp45:
0x338: {  	_ = 	snop;
	(pc) =	sbr.rel @p1 .LBB2_59-.Ltmp45, $3  }
0x339: {  	_ =	sdelay $0x1  }
0x33a: {  	s0 =	simm.s32 $0x8  }
0x33b: {  	s4 =	simm.s32 $0x0;
	[sflag:s0] =	ssyncpa.u1 $0x1  }
0x33c: {  	s0 =	simm.s32 $0xE418  }
0x33d: {  	v0 =	vld.msk [tilespmem:s0+$0x0], $0x1;
	_ =	sdelay $0x4  }
0x33e: {  	(v2sf) =	vpush v0, $0x0;
	_ =	sdelay $0xe  }
0x33f: {  	s0 =	sadd.s32 $0xFFFFFFFF, s2;
	s3 =	spop (v2sf)  }
0x340: {  	s6 =	simm.s32 $0xE438;
	p1 =	sne.s32 s0, $0x0;
	p2 =	sgt.u32 s3, $0x4FF70  }
.Ltmp46:
0x341: {  	s2 =	simm.s32 $0xE538;
	s5 =	sand.u32 @!p2 $0x7FFF8, s3;
	(pc) =	sbr.rel @!p1 .LBB2_58-.Ltmp46, $4  }
0x342: {  	s7 =	sadd.s32 @!p2 $0x80, s3;
	s4 =	simm.s32 @!p2 $0x400;
	s8 =	sadd.s32 @!p2 s1, s5  }
0x343: {  	s5 =	sand.u32 @!p2 $0x7, s3;
	s3 =	simm.s32 $0xE419;
	s7 =	sand.u32 @!p2 $0xFFFF8, s7  }
0x344: {  	[hbm4b:s8+s5] =	stream.linear.scatter @!p2 [tilespmem:s6], [sflag:$0x7], $0x80, $0x38;
	[tilespmem:$0x1E678] =	vst v63  }
0x345: {  	s4 =	sadd.s32 $0x0, s4;
	s6 =	simm.s32 @!p2 $0xE4B8;
	s7 =	sadd.s32 @!p2 s1, s7  }
.LBB2_57:
0x346: {  	[hbm4b:s7+s5] =	stream.linear.scatter @!p2 [tilespmem:s6], [sflag:$0x7], $0x80, $0x38;
	[tilespmem:$0x1E678] =	vst v63  }
0x347: {  	s0 =	sadd.s32 $0xFFFFFFFF, s0;
	s6 =	smov.u32 s2;
	v0 =	vld.msk [tilespmem:s3+$0x0], $0x1  }
0x348: {  	p1 =	sne.s32 s0, $0x0;
	_ =	sdelay $0x3  }
0x349: {  	(v2sf) =	vpush v0, $0x0;
	_ =	sdelay $0xe  }
0x34a: {  	s2 =	sadd.s32 $0x100, s2;
	s8 =	simm.s32 $0x0;
	s5 =	spop (v2sf)  }
.Ltmp47:
0x34b: {  	s3 =	sadd.s32 $0x1, s3;
	p2 =	sgt.u32 s5, $0x4FF70;
	(pc) =	sbr.rel @p1 .LBB2_57-.Ltmp47, $4  }
0x34c: {  	s8 =	simm.s32 @!p2 $0x400;
	s7 =	sand.u32 @!p2 $0x7FFF8, s5;
	s9 =	sadd.s32 @!p2 $0x80, s5  }
0x34d: {  	s5 =	sand.u32 @!p2 $0x7, s5;
	s7 =	sadd.s32 @!p2 s1, s7;
	s9 =	sand.u32 @!p2 $0xFFFF8, s9  }
0x34e: {  	[hbm4b:s7+s5] =	stream.linear.scatter @!p2 [tilespmem:s6], [sflag:$0x7], $0x80, $0x38;
	[tilespmem:$0x1E678] =	vst v63  }
0x34f: {  	s4 =	sadd.s32 s4, s8;
	s6 =	sadd.s32 @!p2 $0x80, s6;
	s7 =	sadd.s32 @!p2 s1, s9  }
.LBB2_58:
0x350: {  	[hbm4b:s7+s5] =	stream.linear.scatter @!p2 [tilespmem:s6], [sflag:$0x7], $0x80, $0x38;
	[tilespmem:$0x1E678] =	vst v63  }
0x351: {  	s4 =	sshrl.u32 s4, $0x2  }
.LBB2_59:
0x352: {  	s0 =	simm.s32 $0x7  }
0x353: {  	_ =	swait.ge [sflag:s0], s4  }
0x354: {  	s1 =	ssub.s32 $0x0, s4;
	[sflag:s0] =	ssyncset.done $0x0  }
0x355: {  	[sflag:s0] =	ssyncadd.s32 s1  }
0x356: {  	[sflag:s0] =	ssyncpa.u1 $0x1  }
.LBB2_60:
0x357: {  	_ =	sfence;
	s0 =	simm.s32 $0x1  }
0x358: {  	[sflag:s0] =	ssyncpa.u1 $0x1  }
0x359: {  	_ =	strace $0x9000005C  }
0x35a: {  	[bflag:$0x2] =	sbarrier.arrive $0xFFFF  }
0x35b: {  	s0 =	rddreg [dreg:$0x3]  }
0x35c: {  	s0 =	sadd.s32 @!p0 $0x100000, s0  }
0x35d: {  	[sflag:s0] =	ssyncadd.tile.s32 @!p0 $0x1;
	_ =	shalt  }
.Lfunc_end2:
_tile_overlayer_lowered:
.L_overlay_start_2:
0x35e: {  	(tag) =	ssettag $0x2  }
0x35f: {  	s0 =	rddreg [dreg:$0x0];
	s2 =	stileid.u32  }
0x360: {  	s1 =	rddreg [dreg:$0x1];
	p0 =	sne.s32 s2, $0x0  }
0x361: {  	s3 =	rddreg [dreg:$0x2];
	[bflag:$0x3] =	sbarrier.arrive $0xFFFF;
	s2 =	simm.s32 @!p0 $0x1C01  }
0x362: {  	[timem:s3], [sflag:s2] =	dma.local @!p0 [hbm:s0], s1  }
0x363: {  	s0 =	simm.s32 @!p0 $0x1  }
0x364: {  	_ =	swait.ge @!p0 [sflag:s0], s1  }
0x365: {  	s1 =	ssub.s32 @!p0 $0x0, s1;
	[sflag:s0] =	ssyncset.done @!p0 $0x0  }
0x366: {  	[sflag:s0] =	ssyncadd.s32 @!p0 s1  }
0x367: {  	[bflag:$0x3] =	sbarrier.arrive $0xFFFF  }
0x368: {  	_ =	shalt  }

// kernel: scatter_offload_async_start
scs
__scs_entry_jumppad:
0x0: {  	(pc) =	sbr.rel $0x88, $3  }
0x1: {  	(tag) =	ssettag $0x0;
	lr =	simm.s32 $0x1  }
0x2: {  	[smem:$0x3F7F] =	sst lr;
	_ =	strace $0xD0000000  }
0x3: {  	_ = 	snop  }
0x4: {  	_ = 	snop  }
0x5: {  	_ = 	snop  }
0x6: {  	_ = 	snop  }
0x7: {  	_ = 	snop  }
__scs_overlays_trampoline_lowered:
0x8: {  	[smem:$0x3F8E] =	sst s0  }
0x9: {  	[smem:$0x3F8F] =	sst s1  }
0xa: {  	[smem:$0x3F90] =	sst s2  }
0xb: {  	[smem:$0x3F91] =	sst s3  }
0xc: {  	[smem:$0x3F92] =	sst s4  }
0xd: {  	[smem:$0x3F93] =	sst s5  }
0xe: {  	[smem:$0x3F94] =	sst s6  }
0xf: {  	[smem:$0x3F95] =	sst s7  }
0x10: {  	[smem:$0x3F96] =	sst s8  }
0x11: {  	[smem:$0x3F97] =	sst s9;
	s0 =	simm.s32 @!p0 $0x0  }
0x12: {  	s1 =	sld [smem:$0x3F7D];
	s0 =	simm.s32 @p0 $0x1  }
0x13: {  	[smem:$0x3F98] =	sst s0;
	s0 =	simm.s32 @!p1 $0x0  }
0x14: {  	s2 =	sld [smem:$0x3F7C];
	s0 =	simm.s32 @p1 $0x1  }
0x15: {  	[smem:$0x3F99] =	sst s0;
	s0 =	simm.s32 @!p2 $0x0  }
0x16: {  	s3 =	sld [smem:$0x3FDB];
	s0 =	simm.s32 @p2 $0x1  }
0x17: {  	s4 =	simm.s32 $0x1BF5;
	[smem:$0x3F9B] =	sst s0  }
0x18: {  	s0 =	sld [smem:$0x3F7E];
	_ =	swait.ge [sflag:s4], $0x0  }
0x19: {  	s7 =	sld [smem:$0x3F7F]  }
0x1a: {  	s8 =	sadd.s32 $0xFFFFE003, lr  }
0x1b: {  	s9 =	sadd.s32 $0xFFFFFEF7, lr;
	s5 =	simm.s32 $0xFFFFFFFF;
	p2 =	slt.u32 s8, $0xFFFFF086  }
0x1c: {  	p1 =	slt.u32 s9, $0xF7A;
	s5 =	simm.s32 @!p2 $0x0  }
0x1d: {  	s5 =	simm.s32 @p1 $0x1;
	p0 =	seq.s32 s7, s2  }
0x1e: {  	s7 =	smul.u32 @!p0 $0xF7A, s2;
	p2 =	seq.s32 @!p0 s5, $0x0  }
0x1f: {  	s9 =	smul.u32 $0xF7A, s1;
	s8 =	simm.s32 @!p0 $0x1BF5;
	p2 =	por !p2, p0  }
0x20: {  	[sflag:s8] =	ssyncset.s32 @!p0 $0xFFFFF086;
	s6 =	sadd.s32 @!p0 s3, s7;
	s7 =	simm.s32 @!p0 $0x108  }
0x21: {  	s3 =	sadd.s32 s3, s9;
	s6 =	sadd.s32 @!p0 $0x88, s6;
	s7 =	simm.s32 @p2 $0x1082  }
0x22: {  	[simem:s7], [sflag:s8] =	dma.local @!p0 [hbm:s6], $0xF7A  }
0x23: {  	s9 =	sor.u32 $0xD0000000, s2;
	s6 =	simm.s32 $0x108;
	_ =	swait.ge @!p0 [sflag:s8], $0x0  }
0x24: {  	s3 =	sadd.s32 $0x88, s3;
	s6 =	simm.s32 @!p1 $0x1082;
	[sflag:s4] =	ssyncset.s32 $0xFFFFF086  }
0x25: {  	[simem:s6], [sflag:s4] =	dma.local [hbm:s3], $0xF7A  }
0x26: {  	[smem:$0x3F7F] =	sst s1;
	(tag) =	ssettag s2;
	_ =	strace s9  }
0x27: {  	s1 =	sld [smem:$0x3F8F]  }
0x28: {  	s2 =	sld [smem:$0x3F90]  }
0x29: {  	s4 =	sld [smem:$0x3F92]  }
0x2a: {  	p0 =	seq.s32 s5, $0x0;
	s5 =	sld [smem:$0x3F93]  }
0x2b: {  	s6 =	sld [smem:$0x3F94]  }
0x2c: {  	s7 =	sld [smem:$0x3F95]  }
0x2d: {  	s3 =	simm.s32 $0x108;
	s8 =	sld [smem:$0x3F96]  }
0x2e: {  	s3 =	simm.s32 @!p0 $0x1082;
	s9 =	sld [smem:$0x3F97]  }
0x2f: {  	lr =	sadd.s32 s0, s3;
	s0 =	sld [smem:$0x3F8E]  }
0x30: {  	s3 =	sld [smem:$0x3F91]  }
0x31: {  	[smem:$0x3F9A] =	sst s10  }
0x32: {  	s10 =	sld [smem:$0x3F98];
	_ =	sdelay $0x3  }
0x33: {  	p0 =	seq.s32 s10, $0x1;
	s10 =	sld [smem:$0x3F9A];
	_ =	sdelay $0x3  }
0x34: {  	[smem:$0x3F9A] =	sst s10  }
0x35: {  	s10 =	sld [smem:$0x3F99];
	_ =	sdelay $0x3  }
0x36: {  	p1 =	seq.s32 s10, $0x1;
	s10 =	sld [smem:$0x3F9A];
	_ =	sdelay $0x3  }
0x37: {  	[smem:$0x3F9A] =	sst s10  }
0x38: {  	s10 =	sld [smem:$0x3F9B]  }
0x39: {  	_ = 	snop;
	(pc) =	sbr.ind lr, $3  }
0x3a: {  	_ = 	snop  }
0x3b: {  	_ = 	snop  }
0x3c: {  	p2 =	seq.s32 s10, $0x1;
	s10 =	sld [smem:$0x3F9A]  }
0x3d: {  	_ =	shalt  }
0x3e: {  	_ =	shalt  }
0x3f: {  	_ =	shalt  }
0x40: {  	_ =	shalt  }
0x41: {  	_ =	shalt  }
0x42: {  	_ =	shalt  }
0x43: {  	_ =	shalt  }
0x44: {  	_ =	shalt  }
0x45: {  	_ =	shalt  }
0x46: {  	_ =	shalt  }
0x47: {  	_ =	shalt  }
0x48: {  	_ =	shalt  }
0x49: {  	_ =	shalt  }
0x4a: {  	_ =	shalt  }
0x4b: {  	_ =	shalt  }
0x4c: {  	_ =	shalt  }
0x4d: {  	_ =	shalt  }
0x4e: {  	_ =	shalt  }
0x4f: {  	_ =	shalt  }
0x50: {  	_ =	shalt  }
0x51: {  	_ =	shalt  }
0x52: {  	_ =	shalt  }
0x53: {  	_ =	shalt  }
0x54: {  	_ =	shalt  }
0x55: {  	_ =	shalt  }
0x56: {  	_ =	shalt  }
0x57: {  	_ =	shalt  }
0x58: {  	_ =	shalt  }
0x59: {  	_ =	shalt  }
0x5a: {  	_ =	shalt  }
0x5b: {  	_ =	shalt  }
0x5c: {  	_ =	shalt  }
0x5d: {  	_ =	shalt  }
0x5e: {  	_ =	shalt  }
0x5f: {  	_ =	shalt  }
0x60: {  	_ =	shalt  }
0x61: {  	_ =	shalt  }
0x62: {  	_ =	shalt  }
0x63: {  	_ =	shalt  }
0x64: {  	_ =	shalt  }
0x65: {  	_ =	shalt  }
0x66: {  	_ =	shalt  }
0x67: {  	_ =	shalt  }
0x68: {  	_ =	shalt  }
0x69: {  	_ =	shalt  }
0x6a: {  	_ =	shalt  }
0x6b: {  	_ =	shalt  }
0x6c: {  	_ =	shalt  }
0x6d: {  	_ =	shalt  }
0x6e: {  	_ =	shalt  }
0x6f: {  	_ =	shalt  }
0x70: {  	_ =	shalt  }
0x71: {  	_ =	shalt  }
0x72: {  	_ =	shalt  }
0x73: {  	_ =	shalt  }
0x74: {  	_ =	shalt  }
0x75: {  	_ =	shalt  }
0x76: {  	_ =	shalt  }
0x77: {  	_ =	shalt  }
0x78: {  	_ =	shalt  }
0x79: {  	_ =	shalt  }
0x7a: {  	_ =	shalt  }
0x7b: {  	_ =	shalt  }
0x7c: {  	_ =	shalt  }
0x7d: {  	_ =	shalt  }
0x7e: {  	_ =	shalt  }
0x7f: {  	_ =	shalt  }
0x80: {  	_ =	shalt  }
0x81: {  	_ =	shalt  }
0x82: {  	_ =	shalt  }
0x83: {  	_ =	shalt  }
0x84: {  	_ =	shalt  }
0x85: {  	_ =	shalt  }
0x86: {  	_ =	shalt  }
0x87: {  	_ =	shalt  }
.Lfunc_end0:
.L_simem_size_0:
called_computation_lowered:
.L_overlay_start_0:
0x88: {  	s2 =	sld [smem:$0x3FD9]  }
0x89: {  	s3 =	sld [smem:$0x3FFE];
	_ =	sdelay $0x1  }
0x8a: {  	s1 =	srdreg.scid  }
0x8b: {  	s0 =	sand.u32 $0x1, s1  }
0x8c: {  	s12 =	sshll.u32 s0, $0xA;
	s2 =	sadd.s32 s3, s2  }
0x8d: {  	s2 =	sadd.s32 s2, s12  }
0x8e: {  	[smem:$0x3FA6] =	sst s2  }
0x8f: {  	_ = 	snop  }
0x90: {  	(tm) =	ssettm $0x1  }
0x91: {  	s13 =	sld [smem:$0x3FFB];
	_ =	sdelay $0x3  }
0x92: {  	_ =	strace s13  }
0x93: {  	s2 =	sld [smem:$0x3FFC];
	_ =	sdelay $0x3  }
0x94: {  	_ =	strace s2  }
0x95: {  	s2 =	sld [smem:$0x3FFD];
	_ =	sdelay $0x3  }
0x96: {  	_ =	strace s2  }
0x97: {  	_ =	strace $0x8FFFFFFF  }
0x98: {  	s14 =	sld [smem:$0x3FDB];
	_ =	sdelay $0x1  }
0x99: {  	s15 =	simm.s32 $_scs_section_size  }
0x9a: {  	s4 =	simm.s32 $_size__tile_overlayer_lowered;
	s5 =	simm.s32 $_tile_overlayer_lowered  }
0x9b: {  	s19 =	simm.s32 $0x1BFF;
	s17 =	sshll.u32 s5, $0x1;
	s6 =	sadd.s32 s15, s14  }
0x9c: {  	s20 =	simm.s32 $0x0;
	s16 =	sshll.u32 s4, $0x1;
	s18 =	sadd.s32 s17, s6  }
0x9d: {  	[timem:s20], [sflag:s19] =	dma.local [hbm:s18], s16  }
0x9e: {  	_ =	swait.ge [sflag:s19], s16  }
0x9f: {  	s3 =	ssub.s32 $0x0, s16;
	[sflag:s19] =	ssyncset.done $0x0  }
0xa0: {  	[sflag:s19] =	ssyncadd.s32 s3;
	_ =	sdelay $0x1  }
0xa1: {  	s21 =	simm.s32 $0x1B8B  }
0xa2: {  	_ =	swait.ge [sflag:s21], $0x1  }
0xa3: {  	[sflag:s21] =	ssyncset.done $0x0  }
0xa4: {  	[sflag:s21] =	ssyncadd.s32 $0xFFFFFFFF  }
0xa5: {  	s3 =	sld [smem:$0x0]  }
0xa6: {  	s4 =	sand.u32 $0xFFFFFFFE, s1  }
0xa7: {  	p0 =	sne.s32 s1, s4  }
0xa8: {  	s4 =	sshll.u32 @p0 s4, $0xE  }
0xa9: {  	s5 =	sadd.s32 @p0 $0x11B8D, s4;
	s7 =	sshll.u32 @p0 s3, $0x11  }
0xaa: {  	s5 =	sor.u32 @p0 s7, s5  }
0xab: {  	[sflag:s5] =	ssyncadd.remote.s32 @p0 $0x1;
	_ =	sdelay $0x1  }
0xac: {  	s5 =	simm.s32 @p0 $0x1B8D  }
0xad: {  	_ =	swait.eq @p0 [sflag:s5], $0x1  }
0xae: {  	[sflag:s5] =	ssyncadd.s32 @p0 $0xFFFFFFFF  }
0xaf: {  	s7 =	sshll.u32 @!p0 s1, $0xE  }
0xb0: {  	s7 =	sor.u32 @!p0 $0x4000, s7;
	s5 =	simm.s32 @!p0 $0x1B8D  }
0xb1: {  	s9 =	sshll.u32 @!p0 s3, $0x11;
	s8 =	sadd.s32 @!p0 $0x11B8D, s7;
	_ =	swait.eq @!p0 [sflag:s5], $0x1  }
0xb2: {  	[sflag:s5] =	ssyncadd.s32 @!p0 $0xFFFFFFFF;
	s5 =	sor.u32 @!p0 s9, s8  }
0xb3: {  	s23 =	simm.s32 $0x1B8E;
	s22 =	sld [smem:$0x3FFE];
	[sflag:s5] =	ssyncadd.remote.s32 @!p0 $0x1  }
0xb4: {  	s24 =	simm.s32 $execute0_lowered;
	[smem:$0x3FD2] =	sst s23  }
0xb5: {  	s8 =	sshll.u32 s24, $0x1;
	_ =	strace $0x8000004C;
	[dreg:$0x1] =	wrdreg $0xFFFFFFFF  }
0xb6: {  	s25 =	simm.s32 $_size_execute0_lowered;
	s8 =	sadd.s32 s6, s8;
	[dreg:$0x0] =	wrdreg $0x0  }
0xb7: {  	s9 =	sshll.u32 s25, $0x1;
	[dreg:$0x2] =	wrdreg s8  }
0xb8: {  	[dreg:$0x3] =	wrdreg s9  }
0xb9: {  	[dreg:$0x4] =	wrdreg $0xC0  }
0xba: {  	s26 =	simm.s32 $execute1_lowered;
	_ =	task [dreg:s20], $0x5FFFF  }
0xbb: {  	s8 =	sshll.u32 s26, $0x1;
	[dreg:$0x1] =	wrdreg $0xFFFFFFFF  }
0xbc: {  	s6 =	sadd.s32 s6, s8;
	[dreg:$0x0] =	wrdreg $0x60  }
0xbd: {  	[dreg:$0x2] =	wrdreg s6  }
0xbe: {  	[dreg:$0x3] =	wrdreg s22  }
0xbf: {  	[dreg:$0x4] =	wrdreg $0x9  }
0xc0: {  	_ =	task.clear_ibuf [dreg:s20], $0x5FFFF;
	_ =	strace $0x9000004C  }
0xc1: {  	s28 =	simm.s32 $0x9;
	_ =	strace $0x8000004E  }
0xc2: {  	_ =	swait.ge [sflag:s28], $0x1  }
0xc3: {  	[sflag:s28] =	ssyncadd.s32 $0xFFFFFFFF  }
0xc4: {  	_ =	strace $0x9000004E  }
0xc5: {  	s6 =	sld [smem:$0x0];
	_ =	sdelay $0x3  }
0xc6: {  	s4 =	sadd.s32 @p0 $0x11BF3, s4;
	s8 =	sshll.u32 @p0 s6, $0x11  }
0xc7: {  	s4 =	sor.u32 @p0 s8, s4  }
0xc8: {  	[sflag:s4] =	ssyncadd.remote.s32 @p0 $0x1;
	_ =	sdelay $0x1  }
0xc9: {  	s4 =	simm.s32 @p0 $0x1BF3  }
0xca: {  	_ =	swait.eq @p0 [sflag:s4], $0x1  }
0xcb: {  	[sflag:s4] =	ssyncadd.s32 @p0 $0xFFFFFFFF;
	_ =	sdelay $0x1  }
0xcc: {  	s4 =	simm.s32 @!p0 $0x1BF3  }
0xcd: {  	s7 =	sadd.s32 @!p0 $0x11BF3, s7;
	s6 =	sshll.u32 @!p0 s6, $0x11;
	_ =	swait.eq @!p0 [sflag:s4], $0x1  }
0xce: {  	[sflag:s4] =	ssyncadd.s32 @!p0 $0xFFFFFFFF;
	s4 =	sor.u32 @!p0 s6, s7  }
0xcf: {  	[sflag:s4] =	ssyncadd.remote.s32 @!p0 $0x1  }
0xd0: {  	_ =	strace $0x8000004F;
	[dreg:$0x1] =	wrdreg $0xFFFFFFFF  }
0xd1: {  	[dreg:$0x0] =	wrdreg $0x2030  }
0xd2: {  	[dreg:$0x2] =	wrdreg s22  }
0xd3: {  	[dreg:$0x3] =	wrdreg s1  }
0xd4: {  	[dreg:$0x4] =	wrdreg s3  }
0xd5: {  	[dreg:$0x5] =	wrdreg $0xA  }
0xd6: {  	_ =	task.clear_ibuf [dreg:s20], $0x6FFFF;
	_ =	strace $0x9000004F  }
0xd7: {  	s29 =	simm.s32 $0xA;
	_ =	strace $0x80000051  }
0xd8: {  	_ =	swait.ge [sflag:s29], $0x1  }
0xd9: {  	[sflag:s29] =	ssyncadd.s32 $0xFFFFFFFF  }
0xda: {  	_ =	strace $0x90000051  }
0xdb: {  	_ =	sfence  }
0xdc: {  	s30 =	sld [smem:$0x0];
	_ =	sdelay $0x2  }
0xdd: {  	s31 =	sshll.u32 s1, $0xD;
	s1 =	sshrl.u32 s1, $0x2  }
0xde: {  	s4 =	sand.u32 $0x4000, s31;
	s1 =	sadd.s32 s1, s30  }
0xdf: {  	s0 =	sor.u32 s4, s0;
	s1 =	sshll.u32 s1, $0x11  }
0xe0: {  	s0 =	sor.u32 s1, s0  }
0xe1: {  	s0 =	sadd.s32 $0x8F2B, s0  }
0xe2: {  	[sflag:s0] =	ssyncadd.remote.s32 $0x1  }
0xe3: {  	_ =	sfence.sel $0xFFFF  }
0xe4: {  	[dreg:$0x0] =	wrdreg $0xFFFFFFFF;
	(pc) =	sbr.abs _section_cstart, $3  }
0xe5: {  	[dreg:$0x1] =	wrdreg $0xFFFFFFFF  }
0xe6: {  	_ =	task.clear_ibuf [dreg:s20], $0x2FFFF;
	_ =	strace $0x9FFFFFFF  }
0xe7: {  	(tm) =	ssettm $0x7FFFFFFF  }
tec
execute0_lowered:
.L_overlay_start_1:
0x0: {  	(tag) =	ssettag $0x1  }
0x1: {  	s2 =	rddreg [dreg:$0x0]  }
0x2: {  	s4 =	rddreg [dreg:$0x1]  }
0x3: {  	s0 =	rddreg [dreg:$0x2];
	s3 =	stileid.u32;
	[bflag:$0x3] =	sbarrier.arrive $0xFFFF  }
0x4: {  	s1 =	simm.s32 $_size_execute1_lowered;
	s29 =	srdreg.scid;
	p0 =	sne.s32 s3, $0x0  }
0x5: {  	s1 =	sshll.u32 s1, $0x1;
	s5 =	simm.s32 @!p0 $0x1C3F;
	s6 =	simm.s32 @!p0 $0x4060  }
0x6: {  	[timem:s6], [sflag:s5] =	dma.local @!p0 [hbm:s2], s1  }
0x7: {  	s2 =	sshll.u32 s29, $0x7  }
0x8: {  	s7 =	simm.s32 $0x1;
	s3 =	sshll.u32 s3, $0x8;
	s2 =	sand.u32 $0x80, s2  }
0x9: {  	s8 =	simm.s32 $0x2;
	s9 =	simm.s32 $0x0;
	s2 =	sor.u32 s3, s2  }
0xa: {  	s12 =	simm.s32 $0x0;
	s11 =	simm.s32 $0x0;
	s30 =	ssub.s32 $0x2800, s2  }
.Ltmp0:
0xb: {  	s5 =	simm.s32 $0x1;
	s31 =	sand.u32 $0xF80, s30;
	(pc) =	sbr.rel .LBB2_1-.Ltmp0, $4  }
0xc: {  	_ =	strace $0x8000004D;
	s3 =	sadd.s32 $0x511E00, s4;
	p1 =	sne.s32 s31, $0x0  }
0xd: {  	[sflag:s5] =	ssyncpa.u1 $0x0;
	s6 =	sshrl.u32 s30, $0xC;
	s7 =	simm.s32 @!p1 $0x0  }
0xe: {  	s4 =	sadd.s32 $0x11800, s4;
	[sflag:s8] =	ssyncpa.u1 $0x0;
	s6 =	sadd.s32 s7, s6  }
0xf: {  	s8 =	simm.s32 $0x0;
	s10 =	smov.u32 s2;
	s7 =	sadd.s32 $0x1, s6  }
.LBB2_4:
0x10: {  	_ =	sdelay $0x3  }
0x11: {  	[tilespmem:v0+s14+$0xFFFFFFA0 ss:$0x1] =	vst.idx.msk $0xffff, v6  }
0x12: {  	v56 =	vld.idx.msk [tilespmem:v1+s15+$0x30 ss:$0x1], $0xffff;
	[tilespmem:v0+s14+$0xFFFFFFB0 ss:$0x1] =	vst.idx.msk $0xffff, v4  }
0x13: {  	v57 =	vld.idx.msk [tilespmem:v1+s15+$0xFFFFFFC0 ss:$0x1], $0xffff;
	[tilespmem:v0+s14+$0xFFFFFFC0 ss:$0x1] =	vst.idx.msk $0xffff, v2  }
0x14: {  	v58 =	vld.idx.msk [tilespmem:v1+s15+$0xFFFFFFD0 ss:$0x1], $0xffff;
	[tilespmem:v0+s14+$0xFFFFFFD0 ss:$0x1] =	vst.idx.msk $0xffff, v3  }
0x15: {  	v59 =	vld.idx.msk [tilespmem:v1+s15+$0xFFFFFFE0 ss:$0x1], $0xffff;
	[tilespmem:v0+s14+$0xFFFFFFE0 ss:$0x1] =	vst.idx.msk $0xffff, v5  }
0x16: {  	v60 =	vld.idx.msk [tilespmem:v1+s15+$0xFFFFFFF0 ss:$0x1], $0xffff;
	[tilespmem:v0+s14+$0xFFFFFFF0 ss:$0x1] =	vst.idx.msk $0xffff, v7;
	s12 =	sand.u32 $0x1FFFFFF, s12  }
0x17: {  	v61 =	vld.idx.msk [tilespmem:v1+s15+$0x0 ss:$0x1], $0xffff;
	s31 =	smulhi.u32 $0xCCCCCD, s12;
	[tilespmem:v0+s15+$0x0 ss:$0x1] =	vst.idx.msk $0xffff, v56  }
0x18: {  	v62 =	vld.idx.msk [tilespmem:v1+s15+$0x10 ss:$0x1], $0xffff;
	[tilespmem:v0+s15+$0xFFFFFF90 ss:$0x1] =	vst.idx.msk $0xffff, v57  }
0x19: {  	v63 =	vld.idx.msk [tilespmem:v1+s15+$0x20 ss:$0x1], $0xffff;
	s14 =	sshrl.u32 s31, $0x5;
	[tilespmem:v0+s15+$0xFFFFFFA0 ss:$0x1] =	vst.idx.msk $0xffff, v58  }
0x1a: {  	s14 =	smul.u32 $0x2800, s14;
	[tilespmem:v0+s15+$0xFFFFFFB0 ss:$0x1] =	vst.idx.msk $0xffff, v59  }
0x1b: {  	[tilespmem:v0+s15+$0xFFFFFFC0 ss:$0x1] =	vst.idx.msk $0xffff, v60  }
0x1c: {  	[tilespmem:v0+s15+$0xFFFFFFD0 ss:$0x1] =	vst.idx.msk $0xffff, v61;
	s12 =	ssub.s32 s12, s14  }
0x1d: {  	[tilespmem:v0+s15+$0xFFFFFFE0 ss:$0x1] =	vst.idx.msk $0xffff, v62;
	s12 =	sshll.u32 s12, $0x4  }
0x1e: {  	[tilespmem:v0+s15+$0xFFFFFFF0 ss:$0x1] =	vst.idx.msk $0xffff, v63;
	s12 =	sadd.s32 s4, s12  }
0x1f: {  	[hbm4b:s12+s8] =	stream.linear.scatter [tilespmem:s13], [sflag:$0x2], $0x4000, $0x38;
	[tilespmem:$0x10000] =	vst v63  }
.LBB2_5:
0x20: {  	s14 =	sadd.s32 $0x1000, s10  }
0x21: {  	p2 =	sgt.s32 s14, $0x27FF  }
0x22: {  	s14 =	smov.u32 @p2 s2;
	p2 =	sne.s32 s11, s7  }
.Ltmp1:
0x23: {  	p1 =	slt.u32 s11, $0x2;
	(pc) =	sbr.rel @!p2 .LBB2_6-.Ltmp1, $4  }
0x24: {  	s13 =	simm.s32 @!p1 $0x2  }
0x25: {  	s15 =	sadd.s32 $0x1, s11;
	_ =	swait.ge @!p1 [sflag:s13], $0x4000  }
0x26: {  	s12 =	smov.u32 s10;
	s9 =	sadd.s32 $0x4000, s9;
	[sflag:s13] =	ssyncset.done @!p1 $0x0  }
0x27: {  	s11 =	smov.u32 s15;
	s10 =	smov.u32 s14;
	[sflag:s13] =	ssyncadd.s32 @!p1 $0xFFFFC000  }
.LBB2_1:
0x28: {  	p1 =	sge.u32 s11, s6  }
0x29: {  	s13 =	sand.u32 @!p1 $0x1FFFFFF, s10  }
0x2a: {  	s14 =	smulhi.u32 @!p1 $0xCCCCCD, s13;
	_ =	sdelay $0x1  }
0x2b: {  	s14 =	sshrl.u32 @!p1 s14, $0x5  }
0x2c: {  	s14 =	smul.u32 @!p1 $0x2800, s14;
	_ =	sdelay $0x1  }
0x2d: {  	s15 =	sxor.u32 @!p1 $0xFFFFFFFF, s11;
	s13 =	ssub.s32 @!p1 s13, s14  }
0x2e: {  	s31 =	sadd.s32 $0xFFFFFFFF, s11;
	s14 =	sshll.u32 @!p1 s15, $0xE;
	s13 =	sshll.u32 @!p1 s13, $0x4  }
0x2f: {  	s15 =	simm.s32 @!p1 $0x0;
	s14 =	sand.u32 @!p1 $0x4000, s14;
	s13 =	sadd.s32 @!p1 s3, s13  }
0x30: {  	[tilespmem:s14], [sflag:$0x1] =	stream.linear.gather @!p1 [hbm4b:s13+s15], $0x4000, $0x38;
	[tilespmem:$0x10000] =	vst v63  }
0x31: {  	p1 =	sge.u32 s31, s6  }
.Ltmp2:
0x32: {  	_ = 	snop;
	(pc) =	sbr.rel @p1 .LBB2_5-.Ltmp2, $1  }
0x33: {  	_ =	sdelay $0x3  }
0x34: {  	s13 =	sand.u32 $0x4000, s9  }
0x35: {  	s14 =	sor.u32 $0x40, s13  }
0x36: {  	v1 =	vmov s14;
	_ =	sdelay $0x1  }
0x37: {  	_ =	swait.ge [sflag:s5], $0x4000  }
0x38: {  	[sflag:s5] =	ssyncset.done $0x0  }
0x39: {  	[sflag:s5] =	ssyncadd.s32 $0xFFFFC000;
	s14 =	simm.s32 $0x0  }
0x3a: {  	s13 =	sor.u32 $0x8070, s13;
	v7 =	vld.idx.msk [tilespmem:v1+s14+$0x30 ss:$0x1], $0xffff  }
0x3b: {  	v0 =	vmov s13;
	v8 =	vld.idx.msk [tilespmem:v1+s14+$0xFFFFFFC0 ss:$0x1], $0xffff  }
0x3c: {  	v6 =	vld.idx.msk [tilespmem:v1+s14+$0xFFFFFFD0 ss:$0x1], $0xffff  }
0x3d: {  	v4 =	vld.idx.msk [tilespmem:v1+s14+$0xFFFFFFE0 ss:$0x1], $0xffff  }
0x3e: {  	v2 =	vld.idx.msk [tilespmem:v1+s14+$0xFFFFFFF0 ss:$0x1], $0xffff  }
0x3f: {  	s31 =	sshll.u32 s11, $0xE;
	v3 =	vld.idx.msk [tilespmem:v1+s14+$0x0 ss:$0x1], $0xffff  }
0x40: {  	s13 =	sand.u32 $0x4000, s31;
	v5 =	vld.idx.msk [tilespmem:v1+s14+$0x10 ss:$0x1], $0xffff;
	[tilespmem:v0+s14+$0x0 ss:$0x1] =	vst.idx.msk $0xffff, v7  }
0x41: {  	s15 =	simm.s32 $0x80;
	s16 =	simm.s32 $0x400;
	s13 =	sor.u32 $0x8000, s13;
	[tilespmem:v0+s14+$0xFFFFFF90 ss:$0x1] =	vst.idx.msk $0xffff, v8;
	v7 =	vld.idx.msk [tilespmem:v1+s14+$0x20 ss:$0x1], $0xffff  }
.LBB2_3:
0x42: {  	p1 =	sne.s32 s16, $0xFE00;
	v8 =	vld.idx.msk [tilespmem:v1+s15+$0x30 ss:$0x1], $0xffff;
	[tilespmem:v0+s14+$0xFFFFFFA0 ss:$0x1] =	vst.idx.msk $0xffff, v6  }
0x43: {  	v9 =	vld.idx.msk [tilespmem:v1+s15+$0xFFFFFFC0 ss:$0x1], $0xffff;
	[tilespmem:v0+s14+$0xFFFFFFB0 ss:$0x1] =	vst.idx.msk $0xffff, v4  }
0x44: {  	v6 =	vld.idx.msk [tilespmem:v1+s15+$0xFFFFFFD0 ss:$0x1], $0xffff;
	[tilespmem:v0+s14+$0xFFFFFFC0 ss:$0x1] =	vst.idx.msk $0xffff, v2  }
.Ltmp3:
0x45: {  	v4 =	vld.idx.msk [tilespmem:v1+s15+$0xFFFFFFE0 ss:$0x1], $0xffff;
	[tilespmem:v0+s14+$0xFFFFFFD0 ss:$0x1] =	vst.idx.msk $0xffff, v3;
	(pc) =	sbr.rel @p1 .LBB2_3-.Ltmp3, $4  }
0x46: {  	v2 =	vld.idx.msk [tilespmem:v1+s15+$0xFFFFFFF0 ss:$0x1], $0xffff;
	[tilespmem:v0+s14+$0xFFFFFFE0 ss:$0x1] =	vst.idx.msk $0xffff, v5  }
0x47: {  	v3 =	vld.idx.msk [tilespmem:v1+s15+$0x0 ss:$0x1], $0xffff;
	[tilespmem:v0+s14+$0xFFFFFFF0 ss:$0x1] =	vst.idx.msk $0xffff, v7;
	s14 =	smov.u32 s15  }
0x48: {  	v5 =	vld.idx.msk [tilespmem:v1+s14+$0x10 ss:$0x1], $0xffff;
	[tilespmem:v0+s14+$0x0 ss:$0x1] =	vst.idx.msk $0xffff, v8  }
0x49: {  	s15 =	sshra.s32 s16, $0x2;
	s16 =	sadd.s32 $0x200, s16;
	[tilespmem:v0+s14+$0xFFFFFF90 ss:$0x1] =	vst.idx.msk $0xffff, v9;
	v7 =	vld.idx.msk [tilespmem:v1+s14+$0x20 ss:$0x1], $0xffff  }
.Ltmp4:
0x4a: {  	_ = 	snop;
	(pc) =	sbr.rel .LBB2_4-.Ltmp4, $1  }
0x4b: {  	_ =	sdelay $0x3  }
.LBB2_6:
0x4c: {  	_ =	sfence.sel $0x180000  }
0x4d: {  	s2 =	simm.s32 $0x1;
	[bflag:$0x0] =	sbarrier.arrive $0xFFFF  }
0x4e: {  	s31 =	simm.s32 $0x2;
	[sflag:s2] =	ssyncpa.u1 $0x1  }
0x4f: {  	[sflag:s31] =	ssyncpa.u1 $0x1  }
0x50: {  	_ =	strace $0x9000004D  }
0x51: {  	s0 =	sadd.s32 @!p0 $0x100000, s0;
	[bflag:$0x2] =	sbarrier.arrive $0xFFFF  }
0x52: {  	[sflag:s0] =	ssyncadd.tile.s32 @!p0 $0x1;
	s0 =	simm.s32 @!p0 $0x3F  }
0x53: {  	_ =	swait.ge @!p0 [sflag:s0], s1  }
0x54: {  	s1 =	ssub.s32 @!p0 $0x0, s1;
	[sflag:s0] =	ssyncset.done @!p0 $0x0  }
0x55: {  	[sflag:s0] =	ssyncadd.s32 @!p0 s1  }
0x56: {  	[bflag:$0x3] =	sbarrier.arrive $0xFFFF  }
0x57: {  	_ =	shalt  }
.Lfunc_end2:
execute1_lowered:
.L_overlay_start_2:
0x58: {  	(tag) =	ssettag $0x2  }
0x59: {  	s2 =	rddreg [dreg:$0x0]  }
0x5a: {  	s3 =	rddreg [dreg:$0x1];
	_ =	strace $0x80000050;
	s0 =	simm.s32 $0x1  }
0x5b: {  	v0 =	vimm.s32 $0x0;
	[sflag:s0] =	ssyncpa.u1 $0x0;
	s0 =	simm.s32 $0x108  }
0x5c: {  	[tilespmem:s0+$0x70] =	vst v0  }
0x5d: {  	[tilespmem:s0+$0x60] =	vst v0  }
0x5e: {  	[tilespmem:s0+$0x50] =	vst v0  }
0x5f: {  	[tilespmem:s0+$0x40] =	vst v0  }
0x60: {  	s1 =	sadd.s32 $0x11800, s2;
	[tilespmem:s0+$0x30] =	vst v0  }
0x61: {  	s15 =	sadd.s32 $0x561800, s2;
	s6 =	sadd.s32 $0x291800, s2;
	[tilespmem:s0+$0x20] =	vst v0  }
0x62: {  	s14 =	sadd.s32 $0x566800, s2;
	s5 =	sand.u32 $0x1, s3;
	s3 =	simm.s32 $0x40;
	[tilespmem:s0+$0x10] =	vst v0  }
.LBB3_1:
0x63: {  	s3 =	sadd.s32 $0x40, s3;
	[tilespmem:s0+$0x0] =	vst v0;
	s0 =	sadd.s32 $0x80, s0  }
0x64: {  	p0 =	slt.u32 s3, $0x3C40;
	[tilespmem:s0+$0x70] =	vst v0  }
0x65: {  	[tilespmem:s0+$0x60] =	vst v0  }
.Ltmp5:
0x66: {  	[tilespmem:s0+$0x50] =	vst v0;
	(pc) =	sbr.rel @p0 .LBB3_1-.Ltmp5, $4  }
0x67: {  	[tilespmem:s0+$0x40] =	vst v0  }
0x68: {  	[tilespmem:s0+$0x30] =	vst v0  }
0x69: {  	[tilespmem:s0+$0x20] =	vst v0  }
0x6a: {  	[tilespmem:s0+$0x10] =	vst v0  }
0x6b: {  	s9 =	stileid.u32  }
0x6c: {  	s2 =	smul.u32 $0x15, s9  }
0x6d: {  	s3 =	smin.u32 s9, $0x6  }
0x6e: {  	s2 =	sadd.s32 s3, s2  }
0x6f: {  	p0 =	slt.u32 s9, $0x6;
	s7 =	smul.u32 $0xF0, s2;
	s2 =	simm.s32 $0x14A0  }
0x70: {  	s2 =	simm.s32 @!p0 $0x13B0  }
0x71: {  	s2 =	sadd.s32 s2, s7  }
0x72: {  	s8 =	smin.u32 s2, $0x14000  }
0x73: {  	s2 =	ssub.s32 s8, s7  }
0x74: {  	p0 =	sgt.s32 s2, $0x0  }
0x75: {  	s29 =	simm.s32 $0x2;
	s10 =	simm.s32 $0x9;
	s2 =	simm.s32 @!p0 $0x0  }
0x76: {  	s4 =	simm.s32 $0xA;
	s11 =	simm.s32 $0xB;
	s28 =	smulhi.u32 $0x88888889, s2  }
0x77: {  	[dreg:$0x4] =	wrdreg s5;
	s31 =	smul.u32 $0x2800, s5;
	s12 =	simm.s32 $0x1  }
0x78: {  	s22 =	simm.s32 $0x0;
	s18 =	simm.s32 $0xC;
	s30 =	sshrl.u32 s28, $0x7  }
0x79: {  	s20 =	simm.s32 $0x0;
	s21 =	simm.s32 $0x0;
	s3 =	smul.u32 $0xF0, s30  }
.Ltmp6:
0x7a: {  	[tilespmem:s0+$0x0] =	vst v0;
	v0 =	vimm.s32 $0xFFFFFFFF;
	[sflag:s29] =	ssyncpa.u1 $0x0;
	s16 =	sshll.u32 s9, $0x8;
	(pc) =	sbr.rel .LBB3_3-.Ltmp6, $4  }
0x7b: {  	[tilespmem:$0xF208] =	vst v0;
	[sflag:s10] =	ssyncpa.u1 $0x0;
	p0 =	sne.s32 s2, s3;
	s2 =	simm.s32 $0x1  }
0x7c: {  	s14 =	sadd.s32 s31, s14;
	[sflag:s4] =	ssyncpa.u1 $0x0;
	s2 =	simm.s32 @!p0 $0x0  }
0x7d: {  	s15 =	sadd.s32 s31, s15;
	[sflag:s11] =	ssyncpa.u1 $0x0;
	s13 =	sadd.s32 s2, s30  }
0x7e: {  	v0 =	vlaneseq.u32;
	s19 =	smov.u32 s7;
	p0 =	por $0x0, $0x0;
	s17 =	sadd.s32 $0x1, s13  }
.LBB3_18:
0x7f: {  	s0 =	sshrl.u32 s31, $0x2  }
.LBB3_20:
0x80: {  	_ =	swait.ge [sflag:s18], s0  }
0x81: {  	s31 =	ssub.s32 $0x0, s0;
	v1 =	vmov s24;
	vm0 =	veq.s32 v0, $0x0;
	[sflag:s18] =	ssyncset.done $0x0  }
0x82: {  	vm15 =	veq.s32 v0, $0x2;
	v1 =	vsel vm0, s30, v1;
	[sflag:s18] =	ssyncadd.s32 s31  }
0x83: {  	v1 =	vsel vm15, s22, v1;
	[sflag:s18] =	ssyncpa.u1 $0x1  }
0x84: {  	[tilespmem:$0xF208] =	vst v1  }
.LBB3_21:
0x85: {  	s0 =	sadd.s32 $0xF0, s19  }
0x86: {  	s2 =	smov.u32 s7;
	p1 =	slt.s32 s0, s8  }
0x87: {  	s2 =	smov.u32 @p1 s0;
	p1 =	sne.s32 s21, s17  }
.Ltmp7:
0x88: {  	_ = 	snop;
	(pc) =	sbr.rel @!p1 .LBB3_22-.Ltmp7, $3  }
0x89: {  	_ =	sdelay $0x1  }
0x8a: {  	s22 =	smov.u32 s20;
	s31 =	sadd.s32 $0x1, s21;
	s20 =	smov.u32 s19  }
0x8b: {  	p0 =	por !p0, !p0;
	s21 =	smov.u32 s31;
	s19 =	smov.u32 s2  }
.LBB3_3:
0x8c: {  	p1 =	sge.u32 s21, s13  }
0x8d: {  	s0 =	smulhi.u32 @!p1 $0xAAAAAAAB, s21  }
0x8e: {  	s2 =	smov.u32 s19;
	p2 =	sgt.s32 @!p1 s19, $0x13F10  }
0x8f: {  	s3 =	sshra.s32 @!p1 s19, $0x1F;
	p2 =	por !p2, p1;
	s0 =	sshrl.u32 @!p1 s0, $0x1  }
0x90: {  	s3 =	sand.u32 @!p1 s3, s19;
	s2 =	simm.s32 @p2 $0x13F10;
	s0 =	smul.u32 @!p1 $0x3, s0  }
0x91: {  	s2 =	ssub.s32 @!p1 s2, s3  }
0x92: {  	s2 =	sadd.s32 @!p1 $0xFFFEC0F0, s2;
	s0 =	ssub.s32 @!p1 s21, s0  }
0x93: {  	s3 =	sshll.u32 @!p1 s2, $0x2;
	p2 =	sgt.s32 @!p1 s2, $0xEF;
	s0 =	smul.u32 @!p1 $0x3C0, s0  }
0x94: {  	s4 =	sand.u32 @!p1 $0x7, s19;
	s2 =	ssub.s32 @!p1 $0x3C0, s3;
	p2 =	por !p2, p1  }
0x95: {  	s3 =	sshrl.u32 @!p1 s19, $0x3;
	s2 =	sshrl.u32 @!p1 s2, $0x2;
	s0 =	sshrl.u32 @!p1 s0, $0x2  }
0x96: {  	s3 =	sadd.s32 @!p1 s3, s14;
	s2 =	simm.s32 @!p2 $0x0;
	s0 =	sadd.s32 @!p1 $0x10248, s0  }
0x97: {  	[tilespmem:s0], [sflag:$0xA] =	stream.linear.gather @!p1 [hbm4b:s3+s4], s2, $0x38;
	[tilespmem:$0x1F6F8] =	vst v63  }
0x98: {  	s0 =	sadd.s32 $0xFFFFFFFF, s21  }
0x99: {  	p1 =	sge.u32 s0, s13  }
0x9a: {  	p2 =	sgt.s32 @!p1 s20, $0x13F10  }
0x9b: {  	s2 =	smov.u32 s20;
	s3 =	sshra.s32 @!p1 s20, $0x1F;
	p2 =	por !p2, p1  }
0x9c: {  	s3 =	sand.u32 @!p1 s3, s20;
	s2 =	simm.s32 @p2 $0x13F10  }
0x9d: {  	s2 =	ssub.s32 @!p1 s2, s3  }
0x9e: {  	s2 =	sadd.s32 @!p1 $0xFFFEC0F0, s2  }
0x9f: {  	s4 =	sand.u32 @!p1 $0x1, s0;
	s3 =	sshll.u32 @!p1 s2, $0x2  }
0xa0: {  	p2 =	sgt.s32 @!p1 s2, $0xEF;
	s2 =	ssub.s32 @!p1 $0x3C0, s3;
	s3 =	smulhi.u32 @!p1 $0xAAAAAAAB, s0  }
0xa1: {  	s23 =	smul.u32 @!p1 $0x3C0, s4;
	p2 =	por !p2, p1;
	s2 =	sshrl.u32 @!p1 s2, $0x2  }
0xa2: {  	s5 =	simm.s32 @!p1 $0xA;
	s2 =	simm.s32 @!p2 $0x0;
	s3 =	sshrl.u32 @!p1 s3, $0x1  }
0xa3: {  	s23 =	sshrl.u32 @!p1 s23, $0x2;
	_ =	swait.ge @!p1 [sflag:s5], s2;
	s3 =	smul.u32 @!p1 $0x3, s3  }
0xa4: {  	s23 =	sadd.s32 @!p1 $0x10518, s23;
	s24 =	ssub.s32 @!p1 $0x0, s2;
	[sflag:s5] =	ssyncset.done @!p1 $0x0  }
0xa5: {  	[sflag:s5] =	ssyncadd.s32 @!p1 s24;
	s5 =	sshrl.u32 @!p1 s20, $0x3;
	s0 =	ssub.s32 @!p1 s0, s3  }
0xa6: {  	s24 =	sand.u32 @!p1 $0x7, s20;
	s5 =	sadd.s32 @!p1 s5, s15;
	s0 =	smul.u32 @!p1 $0x3C0, s0  }
0xa7: {  	[tilespmem:s23], [sflag:$0xB] =	stream.linear.gather @!p1 [hbm4b:s5+s24], s2, $0x38;
	[tilespmem:$0x1F6F8] =	vst v63  }
0xa8: {  	s3 =	ssub.s32 @!p1 $0x14000, s20;
	s2 =	smul.u32 @!p1 $0x1E000, s4  }
0xa9: {  	p2 =	slt.s32 @!p1 s3, $0xF0  }
0xaa: {  	p2 =	por !p2, p1;
	s0 =	sshrl.u32 @!p1 s0, $0x2;
	s2 =	sshrl.u32 @!p1 s2, $0x2  }
0xab: {  	s3 =	simm.s32 @p2 $0xF0;
	s0 =	sadd.s32 @!p1 $0x10248, s0;
	s2 =	sor.u32 @!p1 $0x106F8, s2  }
0xac: {  	[tilespmem:s2], [sflag:$0x9] =	stream.indirect.gather @!p1 [hbm4b:s6+s3], $0x80, s0, s3, $0xb8;
	[tilespmem:$0x1F6F8] =	vst v63  }
0xad: {  	p1 =	slt.u32 s21, $0x2  }
.Ltmp8:
0xae: {  	_ = 	snop;
	(pc) =	sbr.rel @p1 .LBB3_21-.Ltmp8, $1  }
0xaf: {  	_ =	sdelay $0x3  }
0xb0: {  	p1 =	sgt.s32 s22, $0x13F10  }
0xb1: {  	s0 =	smov.u32 s22;
	s2 =	sshra.s32 s22, $0x1F;
	s3 =	ssub.s32 $0x14000, s22  }
0xb2: {  	s0 =	simm.s32 @!p1 $0x13F10;
	s2 =	sand.u32 s2, s22;
	p1 =	slt.s32 s3, $0xF0  }
0xb3: {  	s0 =	ssub.s32 s0, s2;
	s3 =	simm.s32 @!p1 $0xF0  }
0xb4: {  	s0 =	sadd.s32 $0xFFFEC0F0, s0;
	s25 =	sshll.u32 s3, $0x7  }
0xb5: {  	s26 =	sshll.u32 s0, $0x2;
	s2 =	sand.u32 $0x3FFFFF80, s25  }
0xb6: {  	p1 =	sgt.s32 s0, $0xEF;
	s29 =	ssub.s32 $0x3C0, s26;
	_ =	swait.ge [sflag:s10], s2  }
0xb7: {  	s2 =	ssub.s32 $0x0, s2;
	[sflag:s10] =	ssyncset.done $0x0;
	s0 =	sshrl.u32 s29, $0x2  }
0xb8: {  	[sflag:s10] =	ssyncadd.s32 s2;
	s0 =	simm.s32 @p1 $0x0  }
0xb9: {  	_ =	swait.ge [sflag:s11], s0  }
0xba: {  	s0 =	ssub.s32 $0x0, s0;
	[sflag:s11] =	ssyncset.done $0x0  }
0xbb: {  	[sflag:s11] =	ssyncadd.s32 s0  }
0xbc: {  	v1 =	vld [tilespmem:$0xF208];
	_ =	sdelay $0x4  }
0xbd: {  	(v2sf) =	vpush v1, $0x0  }
0xbe: {  	(v2sf) =	vpush v1, $0x1  }
0xbf: {  	(v2sf) =	vpush v1, $0x2;
	_ =	sdelay $0x3  }
0xc0: {  	s0 =	sadd.s32 $0xF0, s22  }
0xc1: {  	s2 =	ssub.s32 $0x28000, s22;
	p1 =	slt.s32 s8, s0  }
0xc2: {  	s0 =	smov.u32 @p1 s8;
	p1 =	sgt.s32 s2, $0x0  }
0xc3: {  	s26 =	ssub.s32 s0, s22;
	s2 =	simm.s32 @!p1 $0x0  }
0xc4: {  	p1 =	slt.s32 s2, s26  }
0xc5: {  	s26 =	smov.u32 @p1 s2  }
0xc6: {  	s25 =	simm.s32 $0x1;
	p1 =	slt.s32 s26, $0x1  }
.Ltmp9:
0xc7: {  	s25 =	simm.s32 @!p0 $0x0;
	(pc) =	sbr.rel @p1 .LBB3_8-.Ltmp9, $4  }
0xc8: {  	s31 =	smul.u32 $0x3C0, s25  }
0xc9: {  	s28 =	spop (v2sf)  }
0xca: {  	s0 =	sshrl.u32 s31, $0x2;
	s30 =	spop (v2sf)  }
0xcb: {  	s23 =	sadd.s32 $0x10518, s0;
	s22 =	spop (v2sf)  }
0xcc: {  	s0 =	smin.u32 s26, $0x10  }
0xcd: {  	v1 =	vmov s0  }
0xce: {  	p2 =	sgt.s32 s26, $0x10;
	vm1 =	vgt.u32 v1, v0  }
.Ltmp10:
0xcf: {  	_ = 	snop;
	(pc) =	sbr.rel @!p2 .LBB3_7-.Ltmp10, $2  }
0xd0: {  	_ =	sdelay $0x2  }
0xd1: {  	s4 =	simm.s32 $0x10;
	s24 =	sadd.s32 $0xFFFFFFF0, s26;
	s0 =	smov.u32 s23;
	vm0 =	vmmov vm1  }
.LBB3_6:
0xd2: {  	s2 =	smin.u32 s24, $0x10;
	s4 =	sadd.s32 $0x10, s4;
	v1 =	vld.msk [tilespmem:s0+$0x0 ss:$0x1], vm1  }
0xd3: {  	v2 =	vmov s2;
	p2 =	slt.s32 s4, s26  }
0xd4: {  	vm1 =	vgt.u32 v2, v0  }
.Ltmp11:
0xd5: {  	(pc) =	sbr.rel @p2 .LBB3_6-.Ltmp11, $3  }
0xd6: {  	_ =	sdelay $0x1  }
0xd7: {  	v1 =	vshll.u32 v1, $0x4  }
0xd8: {  	s24 =	sadd.s32 $0xFFFFFFF0, s24;
	[tilespmem:s0+$0x0] =	vst.msk vm0, v1;
	s0 =	sadd.s32 $0x10, s0;
	vm0 =	vmmov vm1  }
.LBB3_7:
0xd9: {  	_ =	sdelay $0x4  }
0xda: {  	v1 =	vld.msk [tilespmem:s0+$0x0 ss:$0x1], vm1;
	_ =	sdelay $0x4  }
0xdb: {  	v1 =	vshll.u32 v1, $0x4  }
0xdc: {  	[tilespmem:s0+$0x0] =	vst.msk vm0, v1  }
.LBB3_8:
0xdd: {  	s0 =	sand.u32 $0x1, s21  }
0xde: {  	s0 =	smul.u32 $0xF0, s0  }
0xdf: {  	p2 =	sne.s32 s30, $0xFFFFFFFF  }
0xe0: {  	v1 =	vld.msk @!p2 [tilespmem:s0+$0x10518], $0x1;
	_ =	sdelay $0x4  }
0xe1: {  	(v2sf) =	vpush @!p2 v1, $0x0;
	_ =	sdelay $0xc  }
.Ltmp12:
0xe2: {  	_ = 	snop;
	(pc) =	sbr.rel @p1 .LBB3_19-.Ltmp12, $4  }
0xe3: {  	_ = 	snop  }
0xe4: {  	s29 =	spop @!p2 (v2sf)  }
0xe5: {  	s22 =	simm.s32 @!p2 $0x0;
	s24 =	smov.u32 s29  }
0xe6: {  	[sflag:s18] =	ssyncpa.u1 $0x0;
	s29 =	smov.u32 @p2 s28;
	s24 =	smov.u32 @p2 s30  }
0xe7: {  	v1 =	vld.msk [tilespmem:s23+$0x0], $0x1;
	_ =	sdelay $0x4  }
0xe8: {  	(v2sf) =	vpush v1, $0x0;
	_ =	sdelay $0xe  }
0xe9: {  	s2 =	smul.u32 $0x1E000, s25;
	s0 =	spop (v2sf)  }
0xea: {  	s26 =	ssub.s32 $0x0, s26;
	p1 =	seq.s32 s29, s0  }
0xeb: {  	s30 =	sadd.s32 $0x1, s26;
	s2 =	sshrl.u32 s2, $0x2;
	p2 =	sgt.s32 @!p1 s29, $0x0  }
0xec: {  	s25 =	sor.u32 $0x10738, s2;
	s2 =	smov.u32 s29;
	p2 =	por !p2, p1  }
0xed: {  	s2 =	simm.s32 @p2 $0x0;
	p2 =	seq.s32 s30, $0x0  }
.Ltmp13:
0xee: {  	_ = 	snop;
	(pc) =	sbr.rel @p2 .LBB3_11-.Ltmp13, $4  }
0xef: {  	_ = 	snop  }
0xf0: {  	s28 =	simm.s32 $0x0;
	s31 =	sadd.s32 $0x1, s23;
	s2 =	smin.u32 @!p1 s2, $0x27FF0  }
0xf1: {  	s4 =	simm.s32 @!p1 $0x1;
	s5 =	simm.s32 @!p1 $0x7988;
	s3 =	sand.u32 @!p1 $0x3FFF8, s2  }
0xf2: {  	s4 =	smov.u32 @p1 s28;
	s2 =	sand.u32 @!p1 $0x7, s2;
	s3 =	sadd.s32 @!p1 s1, s3  }
.LBB3_10:
0xf3: {  	s9 =	smov.u32 s4  }
0xf4: {  	[tilespmem:s5], [sflag:$0x2] =	stream.linear.gather @!p1 [hbm4b:s3+s2], $0x80, $0x38;
	[tilespmem:$0x1F6F8] =	vst v63  }
0xf5: {  	s30 =	sadd.s32 $0x1, s30;
	s2 =	smov.u32 s0;
	v1 =	vld.msk [tilespmem:s31+$0x0], $0x1  }
0xf6: {  	p2 =	seq.s32 s30, $0x0;
	_ =	sdelay $0x3  }
0xf7: {  	(v2sf) =	vpush v1, $0x0;
	_ =	sdelay $0xe  }
0xf8: {  	s0 =	spop (v2sf)  }
0xf9: {  	p1 =	seq.s32 s2, s0  }
0xfa: {  	p3 =	sgt.s32 @!p1 s2, $0x0;
	s3 =	sshll.u32 @!p1 s4, $0x9;
	s4 =	sadd.s32 @!p1 $0x1, s4  }
.Ltmp14:
0xfb: {  	p3 =	por !p3, p1;
	s3 =	sshra.s32 @!p1 s3, $0x2;
	(pc) =	sbr.rel @!p2 .LBB3_10-.Ltmp14, $4  }
0xfc: {  	s4 =	smov.u32 @p1 s9;
	s2 =	simm.s32 @p3 $0x0;
	s5 =	sadd.s32 @!p1 $0x7988, s3  }
0xfd: {  	s2 =	smin.u32 @!p1 s2, $0x27FF0  }
0xfe: {  	s3 =	sand.u32 @!p1 $0x3FFF8, s2;
	s2 =	sand.u32 @!p1 $0x7, s2  }
0xff: {  	s31 =	sadd.s32 $0x1, s31;
	s3 =	sadd.s32 @!p1 s1, s3  }
.LBB3_11:
0x100: {  	[tilespmem:s5], [sflag:$0x2] =	stream.linear.gather @!p1 [hbm4b:s3+s2], $0x80, $0x38;
	[tilespmem:$0x1F6F8] =	vst v63  }
.Ltmp15:
0x101: {  	s0 =	sshll.u32 s4, $0x7;
	(pc) =	sbr.rel .LBB3_12-.Ltmp15, $4  }
0x102: {  	s30 =	simm.s32 $0x2;
	s0 =	sand.u32 $0x3FFFFF80, s0  }
0x103: {  	_ =	swait.ge [sflag:s30], s0  }
0x104: {  	s0 =	ssub.s32 $0x0, s0;
	[sflag:s30] =	ssyncset.done $0x0  }
0x105: {  	s31 =	simm.s32 $0x0;
	[sflag:s30] =	ssyncadd.s32 s0  }
.LBB3_13:
0x106: {  	v1 =	vld [tilespmem:s25+$0xFFFFFFC0];
	_ =	sdelay $0x3  }
0x107: {  	s0 =	sshra.s32 s0, $0x2  }
0x108: {  	[tilespmem:s0+$0x108] =	vst.add.f32.msk $0xffff, v1  }
0x109: {  	v1 =	vld [tilespmem:s25+$0xFFFFFFD0];
	_ =	sdelay $0x4  }
0x10a: {  	[tilespmem:s0+$0x118] =	vst.add.f32.msk $0xffff, v1  }
0x10b: {  	v1 =	vld [tilespmem:s25+$0xFFFFFFE0];
	_ =	sdelay $0x4  }
0x10c: {  	[tilespmem:s0+$0x128] =	vst.add.f32.msk $0xffff, v1  }
0x10d: {  	v1 =	vld [tilespmem:s25+$0xFFFFFFF0];
	_ =	sdelay $0x4  }
0x10e: {  	[tilespmem:s0+$0x138] =	vst.add.f32.msk $0xffff, v1  }
0x10f: {  	v1 =	vld [tilespmem:s25+$0x0];
	_ =	sdelay $0x4  }
0x110: {  	[tilespmem:s0+$0x148] =	vst.add.f32.msk $0xffff, v1  }
0x111: {  	v1 =	vld [tilespmem:s25+$0x10];
	_ =	sdelay $0x4  }
0x112: {  	[tilespmem:s0+$0x158] =	vst.add.f32.msk $0xffff, v1  }
0x113: {  	v1 =	vld [tilespmem:s25+$0x20];
	_ =	sdelay $0x4  }
0x114: {  	[tilespmem:s0+$0x168] =	vst.add.f32.msk $0xffff, v1  }
0x115: {  	v1 =	vld [tilespmem:s25+$0x30];
	_ =	sdelay $0x4  }
0x116: {  	[tilespmem:s0+$0x178] =	vst.add.f32.msk $0xffff, v1  }
.LBB3_17:
0x117: {  	s26 =	sadd.s32 $0x1, s26  }
0x118: {  	p1 =	seq.s32 s26, $0x0  }
.Ltmp16:
0x119: {  	_ = 	snop;
	(pc) =	sbr.rel @p1 .LBB3_18-.Ltmp16, $2  }
0x11a: {  	_ =	sdelay $0x2  }
0x11b: {  	s23 =	sadd.s32 $0x1, s23;
	s25 =	sadd.s32 $0x80, s25;
	s29 =	smov.u32 s30  }
.LBB3_12:
0x11c: {  	v1 =	vld.msk [tilespmem:s23+$0x0], $0x1;
	_ =	sdelay $0x4  }
0x11d: {  	(v2sf) =	vpush v1, $0x0;
	_ =	sdelay $0xe  }
0x11e: {  	s30 =	spop (v2sf)  }
0x11f: {  	p1 =	sne.s32 s29, s30  }
.Ltmp17:
0x120: {  	_ = 	snop;
	(pc) =	sbr.rel @!p1 .LBB3_13-.Ltmp17, $2  }
0x121: {  	_ =	sdelay $0x2  }
0x122: {  	s0 =	sshll.u32 s22, $0x9  }
0x123: {  	p1 =	seq.s32 s29, s24  }
.Ltmp18:
0x124: {  	_ = 	snop;
	(pc) =	sbr.rel @!p1 .LBB3_15-.Ltmp18, $1  }
0x125: {  	_ =	sdelay $0x3  }
0x126: {  	s0 =	sshra.s32 s0, $0x2  }
.Ltmp19:
0x127: {  	s0 =	sadd.s32 $0x108, s0;
	(pc) =	sbr.rel .LBB3_16-.Ltmp19, $4  }
0x128: {  	[spmem:s16] =	stream.linear.scatter [tilespmem:s0], [sflag:$0x1], $0x80, $0x38;
	[tilespmem:$0x1F6F8] =	vst v63  }
0x129: {  	_ =	swait.ge [sflag:s12], $0x80  }
0x12a: {  	[sflag:s12] =	ssyncset.done $0x0  }
0x12b: {  	[sflag:s12] =	ssyncadd.s32 $0xFFFFFF80  }
.LBB3_15:
0x12c: {  	s2 =	sshll.u32 s28, $0x9  }
0x12d: {  	s2 =	sshra.s32 s2, $0x2  }
0x12e: {  	v1 =	vld [tilespmem:s2+$0x7988];
	_ =	sdelay $0x3  }
0x12f: {  	s0 =	sshra.s32 s0, $0x2  }
0x130: {  	[tilespmem:s0+$0x108] =	vst.add.f32.msk $0xffff, v1  }
0x131: {  	v1 =	vld [tilespmem:s2+$0x7998];
	_ =	sdelay $0x4  }
0x132: {  	[tilespmem:s0+$0x118] =	vst.add.f32.msk $0xffff, v1  }
0x133: {  	v1 =	vld [tilespmem:s2+$0x79A8];
	_ =	sdelay $0x4  }
0x134: {  	[tilespmem:s0+$0x128] =	vst.add.f32.msk $0xffff, v1  }
0x135: {  	v1 =	vld [tilespmem:s2+$0x79B8];
	_ =	sdelay $0x4  }
0x136: {  	[tilespmem:s0+$0x138] =	vst.add.f32.msk $0xffff, v1  }
0x137: {  	v1 =	vld [tilespmem:s2+$0x79C8];
	_ =	sdelay $0x4  }
0x138: {  	[tilespmem:s0+$0x148] =	vst.add.f32.msk $0xffff, v1  }
0x139: {  	v1 =	vld [tilespmem:s2+$0x79D8];
	_ =	sdelay $0x4  }
0x13a: {  	[tilespmem:s0+$0x158] =	vst.add.f32.msk $0xffff, v1  }
0x13b: {  	v1 =	vld [tilespmem:s2+$0x79E8];
	_ =	sdelay $0x4  }
0x13c: {  	[tilespmem:s0+$0x168] =	vst.add.f32.msk $0xffff, v1  }
0x13d: {  	v1 =	vld [tilespmem:s2+$0x79F8];
	_ =	sdelay $0x2  }
0x13e: {  	p1 =	sgt.u32 s29, $0x27FF0  }
0x13f: {  	s2 =	sand.u32 @!p1 $0x3FFF8, s29  }
0x140: {  	s3 =	sadd.s32 $0x108, s0;
	[tilespmem:s0+$0x178] =	vst.add.f32.msk $0xffff, v1;
	s0 =	sadd.s32 @!p1 s1, s2;
	s2 =	sand.u32 @!p1 $0x7, s29  }
0x141: {  	[hbm4b:s0+s2] =	stream.linear.scatter @!p1 [tilespmem:s3], [sflag:$0xC], $0x80, $0x38;
	[tilespmem:$0x1F6F8] =	vst v63  }
0x142: {  	s0 =	simm.s32 $0x0  }
0x143: {  	s0 =	simm.s32 @!p1 $0x200  }
0x144: {  	s31 =	sadd.s32 s0, s31  }
.LBB3_16:
0x145: {  	s0 =	sadd.s32 $0x1, s22  }
0x146: {  	s2 =	smulhi.u32 $0x88888889, s0;
	_ =	sdelay $0x1  }
0x147: {  	v1 =	vld [tilespmem:s25+$0xFFFFFFC0];
	s2 =	sshrl.u32 s2, $0x7  }
0x148: {  	s2 =	smul.u32 $0xF0, s2;
	_ =	sdelay $0x1  }
0x149: {  	s22 =	ssub.s32 s0, s2  }
0x14a: {  	s0 =	sshll.u32 s22, $0x7  }
0x14b: {  	[tilespmem:s0+$0x108] =	vst v1  }
0x14c: {  	v1 =	vld [tilespmem:s25+$0xFFFFFFD0];
	_ =	sdelay $0x4  }
0x14d: {  	[tilespmem:s0+$0x118] =	vst v1  }
0x14e: {  	v1 =	vld [tilespmem:s25+$0xFFFFFFE0];
	_ =	sdelay $0x4  }
0x14f: {  	[tilespmem:s0+$0x128] =	vst v1  }
0x150: {  	v1 =	vld [tilespmem:s25+$0xFFFFFFF0];
	_ =	sdelay $0x4  }
0x151: {  	[tilespmem:s0+$0x138] =	vst v1  }
0x152: {  	v1 =	vld [tilespmem:s25+$0x0];
	_ =	sdelay $0x4  }
0x153: {  	[tilespmem:s0+$0x148] =	vst v1  }
0x154: {  	v1 =	vld [tilespmem:s25+$0x10];
	_ =	sdelay $0x4  }
0x155: {  	[tilespmem:s0+$0x158] =	vst v1  }
0x156: {  	v1 =	vld [tilespmem:s25+$0x20];
	_ =	sdelay $0x4  }
0x157: {  	[tilespmem:s0+$0x168] =	vst v1  }
0x158: {  	v1 =	vld [tilespmem:s25+$0x30]  }
.Ltmp20:
0x159: {  	_ = 	snop;
	(pc) =	sbr.rel .LBB3_17-.Ltmp20, $2  }
0x15a: {  	_ =	sdelay $0x2  }
0x15b: {  	s28 =	sadd.s32 $0x1, s28;
	[tilespmem:s0+$0x178] =	vst v1  }
.LBB3_19:
.Ltmp21:
0x15c: {  	(pc) =	sbr.rel .LBB3_20-.Ltmp21, $4  }
0x15d: {  	_ = 	snop  }
0x15e: {  	s0 =	simm.s32 $0x2  }
0x15f: {  	_ =	swait.ge [sflag:s0], $0x0  }
0x160: {  	s30 =	smov.u32 s29;
	[sflag:s0] =	ssyncset.done $0x0;
	s0 =	simm.s32 $0x0  }
.LBB3_22:
0x161: {  	_ =	sfence.sel $0x180000  }
0x162: {  	s0 =	simm.s32 $0x9;
	[bflag:$0x0] =	sbarrier.arrive $0xFFFF  }
0x163: {  	s24 =	simm.s32 $0xA;
	[sflag:s0] =	ssyncpa.u1 $0x1  }
0x164: {  	s25 =	simm.s32 $0xB;
	[sflag:s24] =	ssyncpa.u1 $0x1  }
0x165: {  	s26 =	simm.s32 $0x2;
	[sflag:s25] =	ssyncpa.u1 $0x1  }
0x166: {  	[sflag:s26] =	ssyncpa.u1 $0x1  }
0x167: {  	v0 =	vld [tilespmem:$0xF208];
	_ =	sdelay $0x4  }
0x168: {  	(v2sf) =	vpush v0, $0x0  }
0x169: {  	(v2sf) =	vpush v0, $0x1;
	_ =	sdelay $0x1  }
0x16a: {  	(v2sf) =	vpush v0, $0x2;
	_ =	sdelay $0xb  }
0x16b: {  	s0 =	spop (v2sf)  }
0x16c: {  	s2 =	spop (v2sf)  }
0x16d: {  	s3 =	smov.u32 s0;
	p0 =	sne.s32 s0, s2  }
0x16e: {  	s4 =	spop (v2sf);
	s3 =	simm.s32 @!p0 $0xFFFFFFFF  }
0x16f: {  	v2 =	vimm.s32 $0x1;
	v3 =	vlaneseq.u32;
	p0 =	seq.s32 s4, $0xFFFFFFFF;
	v1 =	vmov s3  }
0x170: {  	s16 =	stileid.u32;
	v0 =	vperm.xlane v0, v2;
	p1 =	sne.s32 @!p0 s0, s2;
	v1 =	vperm.xlane v1, v3  }
0x171: {  	vm0 =	vcmask $0x3F04;
	s6 =	simm.s32 $0xF208;
	s0 =	simm.s32 @!p0 $0x1;
	p1 =	por !p1, p0  }
0x172: {  	s3 =	sshll.u32 s16, $0x1;
	s2 =	sshll.u32 @!p0 s4, $0x9;
	s0 =	simm.s32 @p1 $0x0;
	v0 =	vsel vm0, v1, v0  }
0x173: {  	s5 =	sor.u32 $0x1000, s3;
	s2 =	sshra.s32 @!p0 s2, $0x2;
	s0 =	sor.u32 @!p0 s0, s3;
	[tilespmem:$0xF208] =	vst v0  }
0x174: {  	[spmem:s5] =	stream.linear.scatter [tilespmem:s6], [sflag:$0x1], $0x2, $0x38;
	[tilespmem:$0x1F6F8] =	vst v63  }
0x175: {  	s2 =	sadd.s32 @!p0 $0x108, s2;
	s0 =	sshll.u32 @!p0 s0, $0x7  }
0x176: {  	[spmem:s0] =	stream.linear.scatter @!p0 [tilespmem:s2], [sflag:$0x1], $0x80, $0x38;
	[tilespmem:$0x1F6F8] =	vst v63  }
0x177: {  	s0 =	simm.s32 @!p0 $0x82  }
0x178: {  	s28 =	simm.s32 $0x1;
	s0 =	simm.s32 @p0 $0x2  }
0x179: {  	_ =	swait.ge [sflag:s28], s0  }
0x17a: {  	s0 =	ssub.s32 $0x0, s0;
	[sflag:s28] =	ssyncset.done $0x0  }
0x17b: {  	p0 =	sne.s32 s16, $0x0;
	[sflag:s28] =	ssyncadd.s32 s0  }
.Ltmp22:
0x17c: {  	_ =	sfence.stream.spmem;
	(pc) =	sbr.rel @p0 .LBB3_39-.Ltmp22, $4  }
0x17d: {  	s29 =	simm.s32 $0x3;
	[bflag:$0x0] =	sbarrier.arrive $0xFFFF  }
0x17e: {  	s30 =	simm.s32 $0x4;
	[sflag:s29] =	ssyncpa.u1 $0x1  }
0x17f: {  	s31 =	simm.s32 $0x3C;
	[sflag:s30] =	ssyncpa.u1 $0x1  }
0x180: {  	s15 =	rddreg [dreg:$0x4];
	[sflag:s31] =	ssyncpa.u1 $0x1  }
0x181: {  	_ =	sfence.stream.spmem;
	s0 =	simm.s32 $0x5  }
0x182: {  	s2 =	simm.s32 $0x1000;
	s3 =	simm.s32 $0xF218;
	[sflag:s0] =	ssyncpa.u1 $0x0  }
0x183: {  	[tilespmem:s3], [sflag:$0x5] =	stream.linear.gather [spmem:s2], $0x20, $0x38;
	[tilespmem:$0x1F6F8] =	vst v63  }
0x184: {  	s26 =	simm.s32 $0x0;
	s28 =	simm.s32 $0xF238  }
0x185: {  	[tilespmem:s28], [sflag:$0x5] =	stream.linear.gather [spmem:s26], $0x1000, $0x38;
	[tilespmem:$0x1F6F8] =	vst v63  }
0x186: {  	_ =	swait.ge [sflag:s0], $0x1020  }
0x187: {  	[sflag:s0] =	ssyncset.done $0x0  }
0x188: {  	s29 =	simm.s32 $0x0;
	[sflag:s0] =	ssyncadd.s32 $0xFFFFEFE0  }
0x189: {  	v0 =	vld.msk [tilespmem:s29+$0xF218], $0x1;
	_ =	sdelay $0x1  }
0x18a: {  	s30 =	simm.s32 $0x1  }
0x18b: {  	v1 =	vld.msk [tilespmem:s30+$0xF218], $0x1;
	_ =	sdelay $0x1  }
0x18c: {  	(v2sf) =	vpush v0, $0x0;
	_ =	sdelay $0x2  }
0x18d: {  	(v2sf) =	vpush v1, $0x0;
	_ =	sdelay $0x2  }
0x18e: {  	s31 =	simm.s32 $0x2  }
0x18f: {  	v0 =	vld.msk [tilespmem:s31+$0xF218], $0x1;
	_ =	sdelay $0x2  }
0x190: {  	s4 =	simm.s32 $0xFFFFFFFF;
	s5 =	simm.s32 $0xFFFFFFFF;
	s0 =	simm.s32 $0xC  }
.LBB3_24:
0x191: {  	s2 =	smov.u32 s5;
	s3 =	smov.u32 s4  }
0x192: {  	s4 =	sshra.s32 s0, $0x2;
	p1 =	sne.s32 s0, $0x7C;
	s0 =	sadd.s32 $0x4, s0;
	(v2sf) =	vpush v0, $0x0  }
0x193: {  	v0 =	vld.msk [tilespmem:s4+$0xF218], $0x1  }
.Ltmp23:
0x194: {  	(pc) =	sbr.rel @p1 .LBB3_24-.Ltmp23, $4  }
0x195: {  	s5 =	spop (v2sf)  }
0x196: {  	p2 =	sne.s32 s3, $0xFFFFFFFF;
	s4 =	smov.u32 s5  }
0x197: {  	p3 =	seq.s32 s5, $0xFFFFFFFF;
	s4 =	smov.u32 @p2 s3  }
0x198: {  	s5 =	smov.u32 @p3 s2;
	s4 =	smov.u32 @p3 s3  }
0x199: {  	(v2sf) =	vpush v0, $0x0;
	_ =	sdelay $0x8  }
0x19a: {  	s0 =	spop (v2sf)  }
0x19b: {  	p1 =	sne.s32 s4, $0xFFFFFFFF;
	s2 =	smov.u32 s0  }
0x19c: {  	s9 =	simm.s32 $0x6;
	p2 =	seq.s32 s0, $0xFFFFFFFF;
	s2 =	smov.u32 @p1 s4  }
0x19d: {  	s6 =	simm.s32 $0x0;
	s2 =	smov.u32 @p2 s4;
	s3 =	spop (v2sf)  }
0x19e: {  	s0 =	smov.u32 @p2 s5;
	p1 =	sne.s32 s2, $0xFFFFFFFF;
	s4 =	smov.u32 s3  }
.Ltmp24:
0x19f: {  	p2 =	seq.s32 s3, $0xFFFFFFFF;
	s4 =	smov.u32 @p1 s2;
	(pc) =	sbr.rel .LBB3_26-.Ltmp24, $4  }
0x1a0: {  	s10 =	simm.s32 $0xF188;
	s4 =	smov.u32 @p2 s2;
	s7 =	spop (v2sf)  }
0x1a1: {  	s11 =	simm.s32 $0x0;
	p1 =	sne.s32 s4, $0xFFFFFFFF;
	s8 =	smov.u32 s7  }
0x1a2: {  	s3 =	smov.u32 @p2 s0;
	p2 =	seq.s32 s7, $0xFFFFFFFF;
	s8 =	smov.u32 @p1 s4  }
0x1a3: {  	[sflag:s9] =	ssyncpa.u1 $0x0;
	s7 =	smov.u32 @p2 s3;
	s8 =	smov.u32 @p2 s4  }
.LBB3_32:
0x1a4: {  	p1 =	sgt.u32 s12, $0x27FF0  }
0x1a5: {  	p2 =	seq.s32 @!p1 s12, s8  }
0x1a6: {  	p1 =	por p1, p2  }
0x1a7: {  	p2 =	sne.s32 @!p1 s12, s7  }
0x1a8: {  	p1 =	por p1, !p2  }
0x1a9: {  	s0 =	sshll.u32 @p1 s11, $0x9  }
0x1aa: {  	s0 =	sand.u32 @!p1 $0x3FFF8, s12  }
0x1ab: {  	s2 =	sand.u32 @!p1 $0x7, s12;
	s0 =	sadd.s32 @!p1 s1, s0  }
0x1ac: {  	[tilespmem:s10], [sflag:$0x6] =	stream.linear.gather @!p1 [hbm4b:s0+s2], $0x80, $0x38;
	[tilespmem:$0x1F6F8] =	vst v63  }
0x1ad: {  	_ =	swait.ge @!p1 [sflag:s9], $0x80  }
0x1ae: {  	[sflag:s9] =	ssyncset.done @!p1 $0x0  }
0x1af: {  	[sflag:s9] =	ssyncadd.s32 @!p1 $0xFFFFFF80  }
0x1b0: {  	v1 =	vld @!p1 [tilespmem:$0xF188];
	_ =	sdelay $0x2  }
0x1b1: {  	s0 =	sshll.u32 @!p1 s11, $0x9  }
0x1b2: {  	s2 =	sshrl.u32 @!p1 s0, $0x2  }
0x1b3: {  	[tilespmem:s2+$0xF238] =	vst.add.f32.msk @!p1 $0xffff, v1  }
0x1b4: {  	v1 =	vld @!p1 [tilespmem:$0xF198];
	_ =	sdelay $0x4  }
0x1b5: {  	[tilespmem:s2+$0xF248] =	vst.add.f32.msk @!p1 $0xffff, v1  }
0x1b6: {  	v1 =	vld @!p1 [tilespmem:$0xF1A8];
	_ =	sdelay $0x4  }
0x1b7: {  	[tilespmem:s2+$0xF258] =	vst.add.f32.msk @!p1 $0xffff, v1  }
0x1b8: {  	v1 =	vld @!p1 [tilespmem:$0xF1B8];
	_ =	sdelay $0x4  }
0x1b9: {  	[tilespmem:s2+$0xF268] =	vst.add.f32.msk @!p1 $0xffff, v1  }
0x1ba: {  	v1 =	vld @!p1 [tilespmem:$0xF1C8];
	_ =	sdelay $0x4  }
0x1bb: {  	[tilespmem:s2+$0xF278] =	vst.add.f32.msk @!p1 $0xffff, v1  }
0x1bc: {  	v1 =	vld @!p1 [tilespmem:$0xF1D8];
	_ =	sdelay $0x4  }
0x1bd: {  	[tilespmem:s2+$0xF288] =	vst.add.f32.msk @!p1 $0xffff, v1  }
0x1be: {  	v1 =	vld @!p1 [tilespmem:$0xF1E8];
	_ =	sdelay $0x4  }
0x1bf: {  	[tilespmem:s2+$0xF298] =	vst.add.f32.msk @!p1 $0xffff, v1  }
0x1c0: {  	v1 =	vld @!p1 [tilespmem:$0xF1F8];
	_ =	sdelay $0x4  }
0x1c1: {  	[tilespmem:s2+$0xF2A8] =	vst.add.f32.msk @!p1 $0xffff, v1  }
0x1c2: {  	s0 =	sshrl.u32 s0, $0x2;
	[tilespmem:s6+$0xF218] =	vst.msk $0x1, v0  }
0x1c3: {  	v0 =	vld [tilespmem:s0+$0xF238];
	_ =	sdelay $0x2  }
0x1c4: {  	s31 =	sshll.u32 s6, $0x9  }
0x1c5: {  	s2 =	sshra.s32 s31, $0x2  }
0x1c6: {  	[tilespmem:s2+$0xF238] =	vst v0  }
0x1c7: {  	v0 =	vld [tilespmem:s0+$0xF248];
	_ =	sdelay $0x4  }
0x1c8: {  	[tilespmem:s2+$0xF248] =	vst v0  }
0x1c9: {  	v0 =	vld [tilespmem:s0+$0xF258];
	_ =	sdelay $0x4  }
0x1ca: {  	[tilespmem:s2+$0xF258] =	vst v0  }
0x1cb: {  	v0 =	vld [tilespmem:s0+$0xF268];
	_ =	sdelay $0x4  }
0x1cc: {  	[tilespmem:s2+$0xF268] =	vst v0  }
0x1cd: {  	v0 =	vld [tilespmem:s0+$0xF278];
	_ =	sdelay $0x4  }
0x1ce: {  	[tilespmem:s2+$0xF278] =	vst v0  }
0x1cf: {  	v0 =	vld [tilespmem:s0+$0xF288];
	_ =	sdelay $0x4  }
0x1d0: {  	[tilespmem:s2+$0xF288] =	vst v0  }
0x1d1: {  	v0 =	vld [tilespmem:s0+$0xF298];
	_ =	sdelay $0x4  }
0x1d2: {  	[tilespmem:s2+$0xF298] =	vst v0  }
0x1d3: {  	v0 =	vld [tilespmem:s0+$0xF2A8];
	_ =	sdelay $0x4  }
0x1d4: {  	s6 =	sadd.s32 $0x1, s6;
	[tilespmem:s2+$0xF2A8] =	vst v0  }
.LBB3_33:
0x1d5: {  	s11 =	sadd.s32 $0x1, s11  }
0x1d6: {  	p1 =	sne.s32 s11, $0x20  }
.Ltmp25:
0x1d7: {  	_ = 	snop;
	(pc) =	sbr.rel @!p1 .LBB3_34-.Ltmp25, $1  }
0x1d8: {  	_ =	sdelay $0x3  }
.LBB3_26:
0x1d9: {  	v0 =	vld.msk [tilespmem:s11+$0xF218], $0x1;
	_ =	sdelay $0x4  }
0x1da: {  	(v2sf) =	vpush v0, $0x0;
	_ =	sdelay $0xe  }
0x1db: {  	s12 =	spop (v2sf)  }
0x1dc: {  	p1 =	seq.s32 s12, $0xFFFFFFFF  }
.Ltmp26:
0x1dd: {  	_ = 	snop;
	(pc) =	sbr.rel @p1 .LBB3_33-.Ltmp26, $1  }
0x1de: {  	_ =	sdelay $0x3  }
0x1df: {  	p1 =	slt.s32 s6, $0x1  }
.Ltmp27:
0x1e0: {  	_ = 	snop;
	(pc) =	sbr.rel @p1 .LBB3_32-.Ltmp27, $1  }
0x1e1: {  	_ =	sdelay $0x3  }
0x1e2: {  	s13 =	simm.s32 $0xF218;
	p1 =	por $0x0, $0x0  }
0x1e3: {  	v1 =	vld.msk @!p1 [tilespmem:s13+$0x0], $0x1;
	_ =	sdelay $0x4  }
0x1e4: {  	(v2sf) =	vpush @!p1 v1, $0x0;
	_ =	sdelay $0xd  }
0x1e5: {  	p3 =	sne.s32 s6, $0x1  }
.Ltmp28:
0x1e6: {  	s0 =	spop @!p1 (v2sf);
	(pc) =	sbr.rel @!p3 .LBB3_30-.Ltmp28, $4  }
0x1e7: {  	p2 =	seq.s32 @!p1 s12, s0  }
0x1e8: {  	s14 =	simm.s32 $0x0;
	p2 =	por !p2, p1  }
0x1e9: {  	s2 =	simm.s32 $0xFFFFFFFF;
	s14 =	simm.s32 @p2 $0xFFFFFFFF  }
0x1ea: {  	s0 =	simm.s32 $0x1;
	s14 =	smov.u32 @p1 s2  }
.LBB3_29:
0x1eb: {  	s2 =	smov.u32 s14;
	p1 =	sne.s32 s14, $0xFFFFFFFF  }
0x1ec: {  	s13 =	sadd.s32 $0x1, s13;
	s14 =	smov.u32 s0;
	s0 =	sadd.s32 $0x1, s0  }
0x1ed: {  	p2 =	sne.s32 s6, s0;
	v1 =	vld.msk @!p1 [tilespmem:s13+$0x0], $0x1;
	_ =	sdelay $0x4  }
0x1ee: {  	(v2sf) =	vpush @!p1 v1, $0x0;
	_ =	sdelay $0xe  }
.Ltmp29:
0x1ef: {  	s3 =	spop @!p1 (v2sf);
	(pc) =	sbr.rel @p2 .LBB3_29-.Ltmp29, $4  }
0x1f0: {  	p3 =	seq.s32 @!p1 s12, s3  }
0x1f1: {  	p3 =	por !p3, p1  }
0x1f2: {  	s14 =	simm.s32 @p3 $0xFFFFFFFF  }
0x1f3: {  	s14 =	smov.u32 @p1 s2  }
.LBB3_30:
0x1f4: {  	p1 =	seq.s32 s14, $0xFFFFFFFF  }
.Ltmp30:
0x1f5: {  	_ = 	snop;
	(pc) =	sbr.rel @p1 .LBB3_32-.Ltmp30, $1  }
0x1f6: {  	_ =	sdelay $0x3  }
0x1f7: {  	s0 =	sshll.u32 s11, $0x7  }
0x1f8: {  	s0 =	sand.u32 $0x3FFFFF80, s0  }
0x1f9: {  	v0 =	vld [tilespmem:s0+$0xF238];
	_ =	sdelay $0x2  }
0x1fa: {  	s2 =	sshll.u32 s14, $0x9  }
0x1fb: {  	s2 =	sshra.s32 s2, $0x2  }
0x1fc: {  	[tilespmem:s2+$0xF238] =	vst.add.f32.msk $0xffff, v0  }
0x1fd: {  	v0 =	vld [tilespmem:s0+$0xF248];
	_ =	sdelay $0x4  }
0x1fe: {  	[tilespmem:s2+$0xF248] =	vst.add.f32.msk $0xffff, v0  }
0x1ff: {  	v0 =	vld [tilespmem:s0+$0xF258];
	_ =	sdelay $0x4  }
0x200: {  	[tilespmem:s2+$0xF258] =	vst.add.f32.msk $0xffff, v0  }
0x201: {  	v0 =	vld [tilespmem:s0+$0xF268];
	_ =	sdelay $0x4  }
0x202: {  	[tilespmem:s2+$0xF268] =	vst.add.f32.msk $0xffff, v0  }
0x203: {  	v0 =	vld [tilespmem:s0+$0xF278];
	_ =	sdelay $0x4  }
0x204: {  	[tilespmem:s2+$0xF278] =	vst.add.f32.msk $0xffff, v0  }
0x205: {  	v0 =	vld [tilespmem:s0+$0xF288];
	_ =	sdelay $0x4  }
0x206: {  	[tilespmem:s2+$0xF288] =	vst.add.f32.msk $0xffff, v0  }
0x207: {  	v0 =	vld [tilespmem:s0+$0xF298];
	_ =	sdelay $0x4  }
0x208: {  	[tilespmem:s2+$0xF298] =	vst.add.f32.msk $0xffff, v0  }
0x209: {  	v0 =	vld [tilespmem:s0+$0xF2A8]  }
.Ltmp31:
0x20a: {  	_ = 	snop;
	(pc) =	sbr.rel .LBB3_33-.Ltmp31, $2  }
0x20b: {  	_ =	sdelay $0x2  }
0x20c: {  	[tilespmem:s2+$0xF2A8] =	vst.add.f32.msk $0xffff, v0  }
.LBB3_34:
0x20d: {  	s0 =	simm.s32 $0x6;
	p1 =	seq.s32 s6, $0x0  }
0x20e: {  	[sflag:s0] =	ssyncpa.u1 $0x1;
	v0 =	vimm.s32 @p1 $0xFFFFFFFF  }
0x20f: {  	s9 =	sadd.s32 $0xFFFFFFFF, s6;
	[tilespmem:$0x10238] =	vst @p1 v0  }
0x210: {  	v0 =	vld.msk @!p1 [tilespmem:s9+$0xF218], $0x1;
	_ =	sdelay $0x1  }
0x211: {  	v1 =	vld.msk @!p1 [tilespmem:$0xF218], $0x1;
	_ =	sdelay $0x2  }
0x212: {  	p2 =	seq.s32 @!p1 s9, $0x0;
	v0 =	vbroadcast @!p1 v0, $0x0  }
0x213: {  	vm0 =	vmmov @!p1 $0x1;
	p2 =	por !p2, p1  }
0x214: {  	v1 =	vnsel @!p1 vm0, $0xFFFFFFFF, v1;
	vm0 =	vcmask @!p1 $0x308;
	v0 =	vpsel !p2, $0xFFFFFFFF, v0  }
0x215: {  	p2 =	sne.s32 @!p1 s8, s7;
	v0 =	vsel @!p1 vm0, v1, v0  }
0x216: {  	s0 =	simm.s32 @!p1 $0xF238;
	s2 =	simm.s32 @!p1 $0x0;
	p3 =	por !p2, p1;
	[tilespmem:$0x10238] =	vst @!p1 v0  }
0x217: {  	[spmem:s2] =	stream.linear.scatter @!p1 [tilespmem:s0], [sflag:$0x1], $0x80, $0x38;
	[tilespmem:$0x1F6F8] =	vst v63  }
0x218: {  	s0 =	sshll.u32 @!p3 s9, $0x9  }
0x219: {  	s0 =	sshra.s32 @!p3 s0, $0x2  }
0x21a: {  	s2 =	simm.s32 @!p3 $0x80;
	s0 =	sadd.s32 @!p3 $0xF238, s0  }
0x21b: {  	[spmem:s2] =	stream.linear.scatter @!p3 [tilespmem:s0], [sflag:$0x1], $0x80, $0x38;
	[tilespmem:$0x1F6F8] =	vst v63  }
0x21c: {  	s0 =	simm.s32 @!p3 $0x1  }
0x21d: {  	_ =	swait.ge @!p3 [sflag:s0], $0x100  }
0x21e: {  	p1 =	por p2, p1;
	[sflag:s0] =	ssyncset.done @!p3 $0x0  }
0x21f: {  	[sflag:s0] =	ssyncadd.s32 @!p3 $0xFFFFFF00;
	s0 =	simm.s32 @!p1 $0x1  }
0x220: {  	_ =	swait.ge @!p1 [sflag:s0], $0x80  }
0x221: {  	s29 =	simm.s32 $0x10238;
	[sflag:s0] =	ssyncset.done @!p1 $0x0  }
0x222: {  	s30 =	simm.s32 $0x1000;
	s31 =	simm.s32 $0x1;
	[sflag:s0] =	ssyncadd.s32 @!p1 $0xFFFFFF80  }
0x223: {  	[spmem:s30] =	stream.linear.scatter [tilespmem:s29], [sflag:$0x1], $0x10, $0x38;
	[tilespmem:$0x1F6F8] =	vst v63  }
0x224: {  	_ =	swait.ge [sflag:s31], $0x10  }
0x225: {  	[sflag:s31] =	ssyncset.done $0x0  }
0x226: {  	p1 =	seq.s32 s15, $0x0;
	s8 =	rddreg [dreg:$0x1];
	[sflag:s31] =	ssyncadd.s32 $0xFFFFFFF0  }
0x227: {  	s2 =	sshll.u32 @p1 s8, $0xE;
	s7 =	rddreg [dreg:$0x2]  }
0x228: {  	s0 =	sadd.s32 @p1 $0x15C3C, s2;
	s2 =	sshll.u32 @p1 s7, $0x11  }
0x229: {  	_ =	sfence.stream.spmem;
	s0 =	sor.u32 @p1 s2, s0  }
0x22a: {  	[sflag:s0] =	ssyncadd.remote.s32 @p1 $0x1;
	s0 =	simm.s32 @p1 $0x4  }
0x22b: {  	s3 =	simm.s32 @!p1 $0x3C;
	s2 =	sand.u32 $0xFFFFFFFE, s8;
	_ =	swait.ge @p1 [sflag:s0], $0x22  }
0x22c: {  	s4 =	simm.s32 @!p1 $0x0;
	s2 =	sadd.s32 @!p1 $0x4, s2;
	[sflag:s0] =	ssyncset.done @p1 $0x0  }
0x22d: {  	s5 =	simm.s32 @!p1 $0x100;
	[sflag:s0] =	ssyncadd.s32 @p1 $0xFFFFFFDE;
	s0 =	sshll.u32 @!p1 s2, $0x1A  }
0x22e: {  	s2 =	sshll.u32 @!p1 s2, $0xD;
	s0 =	sor.u32 @!p1 s0, s7;
	_ =	swait.eq @!p1 [sflag:s3], $0x1  }
0x22f: {  	s2 =	sor.u32 @!p1 $0x1C04, s2;
	s3 =	simm.s32 @!p1 $0x1C03;
	s0 =	sor.u32 @!p1 $0x80004000, s0  }
0x230: {  	[spmem:s5], [sflag:s2] =	dma.general @!p1 [spmem:s4], [sflag:s3], length:$0x20, [dreg:$0x0], stride_count:$0x0, ici_dest:s0, dma_misc:DstOpCode:WRITE  }
0x231: {  	p2 =	slt.s32 s9, $0x2;
	s4 =	simm.s32 @!p1 $0x200;
	s5 =	simm.s32 @!p1 $0x202  }
0x232: {  	[spmem:s5], [sflag:s2] =	dma.general @!p1 [spmem:s4], [sflag:s3], length:$0x2, [dreg:$0x0], stride_count:$0x0, ici_dest:s0, dma_misc:DstOpCode:WRITE  }
.Ltmp32:
0x233: {  	s0 =	simm.s32 @!p1 $0x3;
	(pc) =	sbr.rel @p2 .LBB3_38-.Ltmp32, $4  }
0x234: {  	s2 =	sshll.u32 @!p1 s8, $0xE;
	_ =	swait.ge @!p1 [sflag:s0], $0x22  }
0x235: {  	s3 =	sshll.u32 @!p1 s7, $0x11;
	s2 =	sadd.s32 @!p1 $0x11C3C, s2;
	[sflag:s0] =	ssyncset.done @!p1 $0x0  }
0x236: {  	[sflag:s0] =	ssyncadd.s32 @!p1 $0xFFFFFFDE;
	s0 =	sor.u32 @!p1 s3, s2  }
0x237: {  	[sflag:s0] =	ssyncadd.remote.s32 @!p1 $0xFFFFFFFF;
	s0 =	simm.s32 $0x0  }
0x238: {  	s0 =	simm.s32 $0xF219  }
0x239: {  	v0 =	vld.msk [tilespmem:s0+$0x0], $0x1;
	_ =	sdelay $0x4  }
0x23a: {  	(v2sf) =	vpush v0, $0x0;
	_ =	sdelay $0xb  }
0x23b: {  	s31 =	sadd.s32 $0xFFFFFFFE, s6  }
0x23c: {  	s0 =	sadd.s32 $0xFFFFFFFF, s31  }
0x23d: {  	p2 =	sne.s32 s0, $0x0  }
.Ltmp33:
0x23e: {  	s2 =	spop (v2sf);
	(pc) =	sbr.rel @!p2 .LBB3_37-.Ltmp33, $4  }
0x23f: {  	s4 =	simm.s32 $0xF2B8;
	s7 =	simm.s32 $0x0;
	p1 =	sgt.u32 s2, $0x27FF0  }
0x240: {  	s5 =	simm.s32 $0x0;
	s6 =	simm.s32 $0xF21A;
	s3 =	sand.u32 @!p1 $0x3FFF8, s2  }
0x241: {  	s2 =	sand.u32 @!p1 $0x7, s2;
	s7 =	simm.s32 @!p1 $0x200;
	s3 =	sadd.s32 @!p1 s1, s3  }
0x242: {  	[hbm4b:s3+s2] =	stream.linear.scatter @!p1 [tilespmem:s4], [sflag:$0x5], $0x80, $0x38;
	[tilespmem:$0x1F6F8] =	vst v63  }
.LBB3_36:
0x243: {  	v0 =	vld.msk [tilespmem:s6+$0x0], $0x1;
	s0 =	sadd.s32 $0xFFFFFFFF, s0;
	s5 =	sadd.s32 s5, s7  }
0x244: {  	p1 =	sne.s32 s0, $0x0;
	_ =	sdelay $0x3  }
0x245: {  	(v2sf) =	vpush v0, $0x0;
	_ =	sdelay $0xe  }
.Ltmp34:
0x246: {  	s2 =	spop (v2sf);
	(pc) =	sbr.rel @p1 .LBB3_36-.Ltmp34, $4  }
0x247: {  	s7 =	simm.s32 $0x0;
	p2 =	sgt.u32 s2, $0x27FF0  }
0x248: {  	s4 =	sadd.s32 $0x80, s4;
	s7 =	simm.s32 @!p2 $0x200;
	s3 =	sand.u32 @!p2 $0x3FFF8, s2  }
0x249: {  	s6 =	sadd.s32 $0x1, s6;
	s2 =	sand.u32 @!p2 $0x7, s2;
	s3 =	sadd.s32 @!p2 s1, s3  }
0x24a: {  	[hbm4b:s3+s2] =	stream.linear.scatter @!p2 [tilespmem:s4], [sflag:$0x5], $0x80, $0x38;
	[tilespmem:$0x1F6F8] =	vst v63  }
.LBB3_37:
0x24b: {  	s0 =	sadd.s32 s5, s7  }
0x24c: {  	s0 =	sshrl.u32 s0, $0x2  }
.LBB3_38:
0x24d: {  	s2 =	simm.s32 $0x5  }
0x24e: {  	_ =	swait.ge [sflag:s2], s0  }
0x24f: {  	s31 =	ssub.s32 $0x0, s0;
	[sflag:s2] =	ssyncset.done $0x0  }
0x250: {  	[sflag:s2] =	ssyncadd.s32 s31  }
0x251: {  	[sflag:s2] =	ssyncpa.u1 $0x1  }
.LBB3_39:
0x252: {  	s0 =	sor.u32 s15, s16  }
0x253: {  	p1 =	sne.s32 s0, $0x0  }
.Ltmp35:
0x254: {  	_ = 	snop;
	(pc) =	sbr.rel @p1 .LBB3_54-.Ltmp35, $3  }
0x255: {  	_ =	sdelay $0x1  }
0x256: {  	[bflag:$0x0] =	sbarrier.arrive $0xFFFF  }
0x257: {  	_ =	sfence  }
0x258: {  	s0 =	simm.s32 $0x7  }
0x259: {  	s2 =	simm.s32 $0x1000;
	s3 =	simm.s32 $0xF218;
	[sflag:s0] =	ssyncpa.u1 $0x0  }
0x25a: {  	[tilespmem:s3], [sflag:$0x7] =	stream.linear.gather [spmem:s2], $0x20, $0x38;
	[tilespmem:$0x1F6F8] =	vst v63  }
0x25b: {  	s30 =	simm.s32 $0xF238;
	s2 =	simm.s32 $0x0  }
0x25c: {  	[tilespmem:s30], [sflag:$0x7] =	stream.linear.gather [spmem:s2], $0x1000, $0x38;
	[tilespmem:$0x1F6F8] =	vst v63  }
.Ltmp36:
0x25d: {  	_ = 	snop;
	(pc) =	sbr.rel .LBB3_41-.Ltmp36, $4  }
0x25e: {  	_ =	swait.ge [sflag:s0], $0x1020  }
0x25f: {  	[sflag:s0] =	ssyncset.done $0x0  }
0x260: {  	s31 =	simm.s32 $0x8;
	[sflag:s0] =	ssyncadd.s32 $0xFFFFEFE0  }
0x261: {  	s3 =	simm.s32 $0x0;
	[sflag:s31] =	ssyncpa.u1 $0x0  }
.LBB3_47:
0x262: {  	p1 =	slt.u32 s4, $0x27FF1  }
0x263: {  	s0 =	sand.u32 @p1 $0x3FFF8, s4  }
0x264: {  	s4 =	sand.u32 @p1 $0x7, s4;
	s5 =	simm.s32 @p1 $0xF188;
	s0 =	sadd.s32 @p1 s1, s0  }
0x265: {  	[tilespmem:s5], [sflag:$0x8] =	stream.linear.gather @p1 [hbm4b:s0+s4], $0x80, $0x38;
	[tilespmem:$0x1F6F8] =	vst v63  }
0x266: {  	s0 =	simm.s32 @p1 $0x8  }
0x267: {  	_ =	swait.ge @p1 [sflag:s0], $0x80  }
0x268: {  	[sflag:s0] =	ssyncset.done @p1 $0x0  }
0x269: {  	[sflag:s0] =	ssyncadd.s32 @p1 $0xFFFFFF80  }
0x26a: {  	v1 =	vld @p1 [tilespmem:$0xF188];
	_ =	sdelay $0x2  }
0x26b: {  	s0 =	sshll.u32 @p1 s3, $0x9  }
0x26c: {  	s4 =	sshrl.u32 @p1 s0, $0x2  }
0x26d: {  	[tilespmem:s4+$0xF238] =	vst.add.f32.msk @p1 $0xffff, v1  }
0x26e: {  	v1 =	vld @p1 [tilespmem:$0xF198];
	_ =	sdelay $0x4  }
0x26f: {  	[tilespmem:s4+$0xF248] =	vst.add.f32.msk @p1 $0xffff, v1  }
0x270: {  	v1 =	vld @p1 [tilespmem:$0xF1A8];
	_ =	sdelay $0x4  }
0x271: {  	[tilespmem:s4+$0xF258] =	vst.add.f32.msk @p1 $0xffff, v1  }
0x272: {  	v1 =	vld @p1 [tilespmem:$0xF1B8];
	_ =	sdelay $0x4  }
0x273: {  	[tilespmem:s4+$0xF268] =	vst.add.f32.msk @p1 $0xffff, v1  }
0x274: {  	v1 =	vld @p1 [tilespmem:$0xF1C8];
	_ =	sdelay $0x4  }
0x275: {  	[tilespmem:s4+$0xF278] =	vst.add.f32.msk @p1 $0xffff, v1  }
0x276: {  	v1 =	vld @p1 [tilespmem:$0xF1D8];
	_ =	sdelay $0x4  }
0x277: {  	[tilespmem:s4+$0xF288] =	vst.add.f32.msk @p1 $0xffff, v1  }
0x278: {  	v1 =	vld @p1 [tilespmem:$0xF1E8];
	_ =	sdelay $0x4  }
0x279: {  	[tilespmem:s4+$0xF298] =	vst.add.f32.msk @p1 $0xffff, v1  }
0x27a: {  	v1 =	vld @p1 [tilespmem:$0xF1F8];
	_ =	sdelay $0x3  }
0x27b: {  	s5 =	sshll.u32 @!p1 s3, $0x9  }
0x27c: {  	s5 =	smov.u32 @p1 s0;
	[tilespmem:s4+$0xF2A8] =	vst.add.f32.msk @p1 $0xffff, v1  }
0x27d: {  	s0 =	sshrl.u32 s5, $0x2;
	[tilespmem:s2+$0xF218] =	vst.msk $0x1, v0  }
0x27e: {  	v0 =	vld [tilespmem:s0+$0xF238];
	_ =	sdelay $0x2  }
0x27f: {  	s31 =	sshll.u32 s2, $0x9  }
0x280: {  	s4 =	sshra.s32 s31, $0x2  }
0x281: {  	[tilespmem:s4+$0xF238] =	vst v0  }
0x282: {  	v0 =	vld [tilespmem:s0+$0xF248];
	_ =	sdelay $0x4  }
0x283: {  	[tilespmem:s4+$0xF248] =	vst v0  }
0x284: {  	v0 =	vld [tilespmem:s0+$0xF258];
	_ =	sdelay $0x4  }
0x285: {  	[tilespmem:s4+$0xF258] =	vst v0  }
0x286: {  	v0 =	vld [tilespmem:s0+$0xF268];
	_ =	sdelay $0x4  }
0x287: {  	[tilespmem:s4+$0xF268] =	vst v0  }
0x288: {  	v0 =	vld [tilespmem:s0+$0xF278];
	_ =	sdelay $0x4  }
0x289: {  	[tilespmem:s4+$0xF278] =	vst v0  }
0x28a: {  	v0 =	vld [tilespmem:s0+$0xF288];
	_ =	sdelay $0x4  }
0x28b: {  	[tilespmem:s4+$0xF288] =	vst v0  }
0x28c: {  	v0 =	vld [tilespmem:s0+$0xF298];
	_ =	sdelay $0x4  }
0x28d: {  	[tilespmem:s4+$0xF298] =	vst v0  }
0x28e: {  	v0 =	vld [tilespmem:s0+$0xF2A8];
	_ =	sdelay $0x4  }
0x28f: {  	s2 =	sadd.s32 $0x1, s2;
	[tilespmem:s4+$0xF2A8] =	vst v0  }
.LBB3_48:
0x290: {  	s3 =	sadd.s32 $0x1, s3  }
0x291: {  	p1 =	sne.s32 s3, $0x20  }
.Ltmp37:
0x292: {  	_ = 	snop;
	(pc) =	sbr.rel @!p1 .LBB3_49-.Ltmp37, $1  }
0x293: {  	_ =	sdelay $0x3  }
.LBB3_41:
0x294: {  	v0 =	vld.msk [tilespmem:s3+$0xF218], $0x1;
	_ =	sdelay $0x4  }
0x295: {  	(v2sf) =	vpush v0, $0x0;
	_ =	sdelay $0xe  }
0x296: {  	s4 =	spop (v2sf)  }
0x297: {  	p1 =	seq.s32 s4, $0xFFFFFFFF  }
.Ltmp38:
0x298: {  	_ = 	snop;
	(pc) =	sbr.rel @p1 .LBB3_48-.Ltmp38, $1  }
0x299: {  	_ =	sdelay $0x3  }
0x29a: {  	p1 =	slt.s32 s2, $0x1  }
.Ltmp39:
0x29b: {  	_ = 	snop;
	(pc) =	sbr.rel @p1 .LBB3_47-.Ltmp39, $1  }
0x29c: {  	_ =	sdelay $0x3  }
0x29d: {  	s5 =	simm.s32 $0xF218;
	p1 =	por $0x0, $0x0  }
0x29e: {  	v1 =	vld.msk @!p1 [tilespmem:s5+$0x0], $0x1;
	_ =	sdelay $0x4  }
0x29f: {  	(v2sf) =	vpush @!p1 v1, $0x0;
	_ =	sdelay $0xd  }
0x2a0: {  	p3 =	sne.s32 s2, $0x1  }
.Ltmp40:
0x2a1: {  	s0 =	spop @!p1 (v2sf);
	(pc) =	sbr.rel @!p3 .LBB3_45-.Ltmp40, $4  }
0x2a2: {  	p2 =	seq.s32 @!p1 s4, s0  }
0x2a3: {  	s6 =	simm.s32 $0x0;
	p2 =	por !p2, p1  }
0x2a4: {  	s7 =	simm.s32 $0xFFFFFFFF;
	s6 =	simm.s32 @p2 $0xFFFFFFFF  }
0x2a5: {  	s0 =	simm.s32 $0x1;
	s6 =	smov.u32 @p1 s7  }
.LBB3_44:
0x2a6: {  	s7 =	smov.u32 s6;
	p1 =	sne.s32 s6, $0xFFFFFFFF  }
0x2a7: {  	s5 =	sadd.s32 $0x1, s5;
	s6 =	smov.u32 s0;
	s0 =	sadd.s32 $0x1, s0  }
0x2a8: {  	p2 =	sne.s32 s2, s0;
	v1 =	vld.msk @!p1 [tilespmem:s5+$0x0], $0x1;
	_ =	sdelay $0x4  }
0x2a9: {  	(v2sf) =	vpush @!p1 v1, $0x0;
	_ =	sdelay $0xe  }
.Ltmp41:
0x2aa: {  	s8 =	spop @!p1 (v2sf);
	(pc) =	sbr.rel @p2 .LBB3_44-.Ltmp41, $4  }
0x2ab: {  	p3 =	seq.s32 @!p1 s4, s8  }
0x2ac: {  	p3 =	por !p3, p1  }
0x2ad: {  	s6 =	simm.s32 @p3 $0xFFFFFFFF  }
0x2ae: {  	s6 =	smov.u32 @p1 s7  }
.LBB3_45:
0x2af: {  	p1 =	seq.s32 s6, $0xFFFFFFFF  }
.Ltmp42:
0x2b0: {  	_ = 	snop;
	(pc) =	sbr.rel @p1 .LBB3_47-.Ltmp42, $1  }
0x2b1: {  	_ =	sdelay $0x3  }
0x2b2: {  	s0 =	sshll.u32 s3, $0x7  }
0x2b3: {  	s0 =	sand.u32 $0x3FFFFF80, s0  }
0x2b4: {  	v0 =	vld [tilespmem:s0+$0xF238];
	_ =	sdelay $0x2  }
0x2b5: {  	s4 =	sshll.u32 s6, $0x9  }
0x2b6: {  	s4 =	sshra.s32 s4, $0x2  }
0x2b7: {  	[tilespmem:s4+$0xF238] =	vst.add.f32.msk $0xffff, v0  }
0x2b8: {  	v0 =	vld [tilespmem:s0+$0xF248];
	_ =	sdelay $0x4  }
0x2b9: {  	[tilespmem:s4+$0xF248] =	vst.add.f32.msk $0xffff, v0  }
0x2ba: {  	v0 =	vld [tilespmem:s0+$0xF258];
	_ =	sdelay $0x4  }
0x2bb: {  	[tilespmem:s4+$0xF258] =	vst.add.f32.msk $0xffff, v0  }
0x2bc: {  	v0 =	vld [tilespmem:s0+$0xF268];
	_ =	sdelay $0x4  }
0x2bd: {  	[tilespmem:s4+$0xF268] =	vst.add.f32.msk $0xffff, v0  }
0x2be: {  	v0 =	vld [tilespmem:s0+$0xF278];
	_ =	sdelay $0x4  }
0x2bf: {  	[tilespmem:s4+$0xF278] =	vst.add.f32.msk $0xffff, v0  }
0x2c0: {  	v0 =	vld [tilespmem:s0+$0xF288];
	_ =	sdelay $0x4  }
0x2c1: {  	[tilespmem:s4+$0xF288] =	vst.add.f32.msk $0xffff, v0  }
0x2c2: {  	v0 =	vld [tilespmem:s0+$0xF298];
	_ =	sdelay $0x4  }
0x2c3: {  	[tilespmem:s4+$0xF298] =	vst.add.f32.msk $0xffff, v0  }
0x2c4: {  	v0 =	vld [tilespmem:s0+$0xF2A8]  }
.Ltmp43:
0x2c5: {  	_ = 	snop;
	(pc) =	sbr.rel .LBB3_48-.Ltmp43, $2  }
0x2c6: {  	_ =	sdelay $0x2  }
0x2c7: {  	[tilespmem:s4+$0xF2A8] =	vst.add.f32.msk $0xffff, v0  }
.LBB3_49:
0x2c8: {  	p1 =	slt.s32 s2, $0x1  }
.Ltmp44:
0x2c9: {  	_ = 	snop;
	(pc) =	sbr.rel @p1 .LBB3_53-.Ltmp44, $3  }
0x2ca: {  	_ =	sdelay $0x1  }
0x2cb: {  	s0 =	simm.s32 $0x8  }
0x2cc: {  	s3 =	simm.s32 $0x0;
	[sflag:s0] =	ssyncpa.u1 $0x1  }
0x2cd: {  	s0 =	simm.s32 $0xF218  }
0x2ce: {  	v0 =	vld.msk [tilespmem:s0+$0x0], $0x1;
	_ =	sdelay $0x4  }
0x2cf: {  	(v2sf) =	vpush v0, $0x0;
	_ =	sdelay $0xe  }
0x2d0: {  	s0 =	sadd.s32 $0xFFFFFFFF, s2;
	s5 =	spop (v2sf)  }
0x2d1: {  	p2 =	sne.s32 s0, $0x0;
	p1 =	sgt.u32 s5, $0x27FF0  }
.Ltmp45:
0x2d2: {  	s6 =	sand.u32 @!p1 $0x3FFF8, s5;
	(pc) =	sbr.rel @!p2 .LBB3_52-.Ltmp45, $4  }
0x2d3: {  	s4 =	simm.s32 $0xF238;
	s5 =	sand.u32 @!p1 $0x7, s5;
	s2 =	sadd.s32 @!p1 s1, s6  }
0x2d4: {  	[hbm4b:s2+s5] =	stream.linear.scatter @!p1 [tilespmem:s4], [sflag:$0x7], $0x80, $0x38;
	[tilespmem:$0x1F6F8] =	vst v63  }
0x2d5: {  	s5 =	simm.s32 $0x0  }
0x2d6: {  	s2 =	simm.s32 $0xF219;
	s5 =	simm.s32 @!p1 $0x200  }
.LBB3_51:
0x2d7: {  	v0 =	vld.msk [tilespmem:s2+$0x0], $0x1;
	s0 =	sadd.s32 $0xFFFFFFFF, s0;
	s3 =	sadd.s32 s3, s5  }
0x2d8: {  	p1 =	sne.s32 s0, $0x0;
	_ =	sdelay $0x3  }
0x2d9: {  	(v2sf) =	vpush v0, $0x0;
	_ =	sdelay $0xe  }
.Ltmp46:
0x2da: {  	s6 =	spop (v2sf);
	(pc) =	sbr.rel @p1 .LBB3_51-.Ltmp46, $4  }
0x2db: {  	s5 =	simm.s32 $0x0;
	p2 =	sgt.u32 s6, $0x27FF0  }
0x2dc: {  	s4 =	sadd.s32 $0x80, s4;
	s5 =	simm.s32 @!p2 $0x200;
	s7 =	sand.u32 @!p2 $0x3FFF8, s6  }
0x2dd: {  	s2 =	sadd.s32 $0x1, s2;
	s6 =	sand.u32 @!p2 $0x7, s6;
	s7 =	sadd.s32 @!p2 s1, s7  }
0x2de: {  	[hbm4b:s7+s6] =	stream.linear.scatter @!p2 [tilespmem:s4], [sflag:$0x7], $0x80, $0x38;
	[tilespmem:$0x1F6F8] =	vst v63  }
.LBB3_52:
0x2df: {  	s0 =	sadd.s32 s3, s5  }
0x2e0: {  	s3 =	sshrl.u32 s0, $0x2  }
.LBB3_53:
0x2e1: {  	s0 =	simm.s32 $0x7  }
0x2e2: {  	_ =	swait.ge [sflag:s0], s3  }
0x2e3: {  	s1 =	ssub.s32 $0x0, s3;
	[sflag:s0] =	ssyncset.done $0x0  }
0x2e4: {  	[sflag:s0] =	ssyncadd.s32 s1  }
0x2e5: {  	[sflag:s0] =	ssyncpa.u1 $0x1  }
.LBB3_54:
0x2e6: {  	_ =	sfence;
	s0 =	simm.s32 $0x1  }
0x2e7: {  	[sflag:s0] =	ssyncpa.u1 $0x1  }
0x2e8: {  	_ =	strace $0x90000050  }
0x2e9: {  	[bflag:$0x2] =	sbarrier.arrive $0xFFFF  }
0x2ea: {  	s0 =	rddreg [dreg:$0x3]  }
0x2eb: {  	s0 =	sadd.s32 @!p0 $0x100000, s0  }
0x2ec: {  	[sflag:s0] =	ssyncadd.tile.s32 @!p0 $0x1;
	_ =	shalt  }
.Lfunc_end3:
_tile_overlayer_lowered:
.L_overlay_start_3:
0x2ed: {  	(tag) =	ssettag $0x3  }
0x2ee: {  	s0 =	rddreg [dreg:$0x0];
	s2 =	stileid.u32  }
0x2ef: {  	s1 =	rddreg [dreg:$0x1];
	p0 =	sne.s32 s2, $0x0  }
0x2f0: {  	s3 =	rddreg [dreg:$0x2];
	[bflag:$0x3] =	sbarrier.arrive $0xFFFF;
	s2 =	simm.s32 @!p0 $0x1C01  }
0x2f1: {  	[timem:s3], [sflag:s2] =	dma.local @!p0 [hbm:s0], s1  }
0x2f2: {  	s0 =	simm.s32 @!p0 $0x1  }
0x2f3: {  	_ =	swait.ge @!p0 [sflag:s0], s1  }
0x2f4: {  	s1 =	ssub.s32 @!p0 $0x0, s1;
	[sflag:s0] =	ssyncset.done @!p0 $0x0  }
0x2f5: {  	[sflag:s0] =	ssyncadd.s32 @!p0 s1  }
0x2f6: {  	[bflag:$0x3] =	sbarrier.arrive $0xFFFF  }
0x2f7: {  	_ =	shalt  }

</sc_bundles>
